<compile_context>
chip_gen: v7x
topology: tpu7x:2x2x1
jax: 0.10.2.dev20260603
libtpu: 0.0.44.dev20260713+nightly
codegen_flags: <defaults>
</compile_context>

<pallas_src>
import functools

import jax
import jax.numpy as jnp
from jax import lax
from jax.experimental import pallas as pl
from jax.experimental.pallas import tpu as pltpu
from jax.experimental.pallas import tpu_sc as plsc

N = 10000
E = 320000
F = 128
H = 128
G = 64
C = 2

NPAD = 10240
DUMMY = NPAD - 1
EPAD = 327680
NCHUNKS = EPAD // 128
NTILES = 32
CPT = NCHUNKS // NTILES
RPT = NPAD // 16
GRP = 2
IB = 16


def _sc_mesh():
    return plsc.VectorSubcoreMesh(
        core_axis_name="c", subcore_axis_name="s", num_cores=2, num_subcores=16
    )


def _make_degree(width):

    @functools.partial(
        pl.kernel,
        out_type=jax.ShapeDtypeStruct((2, NPAD, width), jnp.float32),
        mesh=_sc_mesh(),
        scratch_types=[
            pltpu.VMEM((CPT, 128), jnp.int32),
            pltpu.VMEM((128, width), jnp.float32),
            pltpu.VMEM_SHARED((NPAD, width), jnp.float32),
            pltpu.SemaphoreType.DMA,
            pltpu.SemaphoreType.DMA,
            pltpu.SemaphoreType.DMA,
            pltpu.SemaphoreType.DMA,
        ],
    )
    def degree(dsts, ones_hbm, zeros, out, dst_v, ones_v, accum, d0, d1, d2, d3):
        c = lax.axis_index("c")
        s = lax.axis_index("s")
        wid = s * 2 + c
        sems = (d0, d1, d2, d3)
        pltpu.sync_copy(dsts.at[pl.ds(wid * CPT, CPT)], dst_v)
        pltpu.sync_copy(ones_hbm, ones_v)
        pltpu.sync_copy(zeros, accum.at[pl.ds(s * RPT, RPT)])
        plsc.subcore_barrier()

        def scat(j, b):
            return pltpu.async_copy(ones_v, accum.at[dst_v.at[j]], sems[b], add=True)

        def swait(b):
            pltpu.make_async_copy(ones_v, accum.at[dst_v.at[0]], sems[b]).wait()

        for b in range(4):
            scat(b, b)

        def step(jo, carry):
            for b in range(4):
                swait(b)
                scat(jo * 4 + b, b)
            return carry

        lax.fori_loop(1, CPT // 4, step, 0)
        for b in range(4):
            swait(b)
        plsc.subcore_barrier()
        pltpu.sync_copy(
            accum.at[pl.ds(s * RPT, RPT)], out.at[c, pl.ds(s * RPT, RPT)]
        )

    return degree


SUB = 32
NSUB = EPAD // SUB
SPT = NSUB // NTILES
IB2 = 64
GRP2 = 8


def _make_prop(width):
    mesh = _sc_mesh()

    @functools.partial(
        pl.kernel,
        out_type=jax.ShapeDtypeStruct((2, NPAD, width), jnp.float32),
        mesh=mesh,
        scratch_types=[
            pltpu.VMEM((IB2, SUB), jnp.int32),
            pltpu.VMEM((IB2, SUB), jnp.int32),
            *[pltpu.VMEM((SUB, width), jnp.float32) for _ in range(GRP2)],
            pltpu.VMEM_SHARED((NPAD, width), jnp.float32),
            *[pltpu.SemaphoreType.DMA for _ in range(2 * GRP2)],
        ],
    )
    def prop(table, srcs, dsts, zeros, out, src_v, dst_v, *rest):
        bufs = rest[:GRP2]
        accum = rest[GRP2]
        gsems = rest[GRP2 + 1:2 * GRP2 + 1]
        ssems = rest[2 * GRP2 + 1:]
        c = lax.axis_index("c")
        s = lax.axis_index("s")
        wid = s * 2 + c
        pltpu.sync_copy(zeros, accum.at[pl.ds(s * RPT, RPT)])
        plsc.subcore_barrier()

        def gath(j, b):
            return pltpu.async_copy(table.at[src_v.at[j]], bufs[b], gsems[b])

        def gwait(b):
            pltpu.make_async_copy(table.at[src_v.at[0]], bufs[b], gsems[b]).wait()

        def scat(j, b):
            return pltpu.async_copy(bufs[b], accum.at[dst_v.at[j]], ssems[b], add=True)

        def swait(b):
            pltpu.make_async_copy(bufs[b], accum.at[dst_v.at[0]], ssems[b]).wait()

        def block(ib, carry):
            base = wid * SPT + ib * IB2
            pltpu.sync_copy(srcs.at[pl.ds(base, IB2)], src_v)
            pltpu.sync_copy(dsts.at[pl.ds(base, IB2)], dst_v)

            for b in range(GRP2):
                gath(b, b)

            def outer(jo, carry2):
                for b in range(GRP2):
                    gwait(b)
                    scat(jo * GRP2 + b, b)
                for b in range(GRP2):
                    swait(b)
                    gath((jo + 1) * GRP2 + b, b)
                return carry2

            lax.fori_loop(0, IB2 // GRP2 - 1, outer, 0)
            last = IB2 - GRP2
            for b in range(GRP2):
                gwait(b)
                scat(last + b, b)
            for b in range(GRP2):
                swait(b)
            return carry

        lax.fori_loop(0, SPT // IB2, block, 0)
        plsc.subcore_barrier()
        pltpu.sync_copy(
            accum.at[pl.ds(s * RPT, RPT)], out.at[c, pl.ds(s * RPT, RPT)]
        )

    return prop


NCH2 = 2688
CPT2 = NCH2 // 16
NBODY = CPT2 // 3
DSTBLK = 24
IDXPAD = 16
EPAD2 = NCH2 * 128
HALF = NPAD // 2
HROW = HALF + 128
LDUMMY = HROW - 1
RPT2 = HROW // 16


def _make_prop_split():

    @functools.partial(
        pl.kernel,
        out_type=jax.ShapeDtypeStruct((2, HROW, 128), jnp.float32),
        mesh=_sc_mesh(),
        scratch_types=[
            pltpu.VMEM((CPT2 + 8, 128), jnp.int32),
            pltpu.VMEM((DSTBLK, 128), jnp.int32),
            pltpu.VMEM((128, 128), jnp.float32),
            pltpu.VMEM((128, 128), jnp.float32),
            pltpu.VMEM((128, 128), jnp.float32),
            pltpu.VMEM_SHARED((HROW, 128), jnp.float32),
            pltpu.SemaphoreType.DMA,
            pltpu.SemaphoreType.DMA,
            pltpu.SemaphoreType.DMA,
            pltpu.SemaphoreType.DMA,
            pltpu.SemaphoreType.DMA,
            pltpu.SemaphoreType.DMA,
        ],
    )
    def prop(table, srcs, dsts2, zeros, out,
             src_all, dst_v, b0, b1, b2, accum,
             g0, g1, g2, s0, s1, s2):
        c = lax.axis_index("c")
        s = lax.axis_index("s")
        base_g = s * CPT2
        bufs = (b0, b1, b2)
        gsem = (g0, g1, g2)
        ssem = (s0, s1, s2)

        pltpu.sync_copy(srcs.at[pl.ds(base_g, CPT2 + 8)], src_all)
        pltpu.sync_copy(zeros, accum.at[pl.ds(s * RPT2, RPT2)])
        plsc.subcore_barrier()

        def gath(st, row):
            return pltpu.async_copy(table.at[src_all.at[row]], bufs[st], gsem[st])

        def gath_wait(st):
            pltpu.make_async_copy(table.at[src_all.at[0]], bufs[st], gsem[st]).wait()

        def scat(st, drow):
            return pltpu.async_copy(
                bufs[st], accum.at[dst_v.at[drow]], ssem[st], add=True
            )

        def scat_wait(st):
            pltpu.make_async_copy(bufs[st], accum.at[dst_v.at[0]], ssem[st]).wait()

        pltpu.sync_copy(dsts2.at[pl.ds(c * NCH2 + base_g, DSTBLK)], dst_v)
        pltpu.sync_copy(zeros.at[pl.ds(0, 128)], b2)
        scat(2, 0)
        gath(0, 0)
        gath(1, 1)

        def body(i, carry):
            bl = i * 3
            dr = lax.rem(i, 8) * 3
            scat_wait(2)

            @pl.when(lax.rem(i, 8) == 0)
            def _stage_dst():
                pltpu.sync_copy(
                    dsts2.at[pl.ds(c * NCH2 + base_g + (i // 8) * DSTBLK, DSTBLK)],
                    dst_v,
                )

            gath_wait(0)
            scat(0, dr + 0)
            gath(2, bl + 2)
            gath_wait(1)
            scat(1, dr + 1)
            scat_wait(0)
            gath(0, bl + 3)
            gath_wait(2)
            scat(2, dr + 2)
            scat_wait(1)
            gath(1, bl + 4)
            return carry

        lax.fori_loop(0, NBODY, body, 0)

        scat_wait(2)
        gath_wait(0)
        gath_wait(1)
        plsc.subcore_barrier()
        pltpu.sync_copy(
            accum.at[pl.ds(s * RPT2, RPT2)], out.at[c, pl.ds(s * RPT2, RPT2)]
        )

    return prop


_degree128 = _make_degree(128)
_prop128 = _make_prop(128)


def _prep_body(degp0, degp1, x_ref, norm_ref, hn_ref):
    deg = degp0[:, 0:1] + degp1[:, 0:1] + 1.0
    norm = lax.rsqrt(deg)
    norm_ref[...] = norm
    hn_ref[...] = x_ref[...] * norm


def _prep(degp0, degp1, x_p):
    return pl.pallas_call(
        _prep_body,
        out_shape=(
            jax.ShapeDtypeStruct((NPAD, 1), jnp.float32),
            jax.ShapeDtypeStruct((NPAD, H), jnp.float32),
        ),
    )(degp0, degp1, x_p)


def _layer_body(p0, p1, hn, norm, W, b, out):
    agg = (p0[...] + p1[...] + hn[...]) * norm[...]
    h = jnp.maximum(
        jnp.dot(agg, W[...], preferred_element_type=jnp.float32) + b[...], 0.0
    )
    out[...] = h * norm[...]


def _layer(p0, p1, hn, norm, W, b):
    return pl.pallas_call(
        _layer_body,
        out_shape=jax.ShapeDtypeStruct((NPAD, H), jnp.float32),
    )(p0, p1, hn, norm, W, b)


NSCAN = 14


def _final_body(
    p0, p1, hn, norm, W, b, batch_ref, same_ref, end_ref, Wm1, Wm2, bm,
    out, h_scr, pa, pb,
):
    agg = (p0[...] + p1[...] + hn[...]) * norm[...]
    h_scr[...] = jnp.maximum(
        jnp.dot(agg, W[...], preferred_element_type=jnp.float32) + b[...], 0.0
    )

    bufs = (pa, pb)
    src = h_scr
    for k in range(NSCAN):
        dst = bufs[k % 2]
        d = 1 << k
        L = NPAD - d
        dst[pl.ds(0, d), :] = src[pl.ds(0, d), :]
        shifted = src[pl.ds(0, L), :]
        cur = src[pl.ds(d, L), :]
        same = same_ref[pl.ds(d, L), k:k + 1]
        dst[pl.ds(d, L), :] = jnp.maximum(
            cur, jnp.where(same > 0.0, shifted, -1e30)
        )
        src = dst
    pref = src

    ones = jnp.ones((128, 128), jnp.float32)

    def chunk(ci, carry):
        ms, mx, cnt = carry
        hc = h_scr[pl.ds(ci * 128, 128), :]
        pc = pref[pl.ds(ci * 128, 128), :]
        bc = batch_ref[0:1, pl.ds(ci * 128, 128)]
        ec = end_ref[0:1, pl.ds(ci * 128, 128)]
        ids = lax.broadcasted_iota(jnp.int32, (G, 128), 0)
        eqf = (ids == bc).astype(jnp.float32)
        ms = ms + jnp.dot(eqf, hc, preferred_element_type=jnp.float32)
        cnt = cnt + jnp.dot(eqf, ones, preferred_element_type=jnp.float32)
        mx = mx + jnp.dot(eqf * ec, pc, preferred_element_type=jnp.float32)
        return ms, mx, cnt

    init = (
        jnp.zeros((G, H), jnp.float32),
        jnp.zeros((G, H), jnp.float32),
        jnp.zeros((G, H), jnp.float32),
    )
    ms, mx, cnt = lax.fori_loop(0, NPAD // 128, chunk, init)
    meanp = ms / jnp.maximum(cnt, 1.0)
    logits = (
        jnp.dot(meanp, Wm1[...], preferred_element_type=jnp.float32)
        + jnp.dot(mx, Wm2[...], preferred_element_type=jnp.float32)
        + bm[...]
    )
    out[...] = jax.nn.sigmoid(logits)


def _final(p0, p1, hn, norm, W, b, batch_p, same_m, end_m, Wm1, Wm2, bm):
    return pl.pallas_call(
        _final_body,
        out_shape=jax.ShapeDtypeStruct((G, C), jnp.float32),
        scratch_shapes=[
            pltpu.VMEM((NPAD, H), jnp.float32),
            pltpu.VMEM((NPAD, H), jnp.float32),
            pltpu.VMEM((NPAD, H), jnp.float32),
        ],
    )(p0, p1, hn, norm, W, b, batch_p, same_m, end_m, Wm1, Wm2, bm)


def kernel(x, edge_index, batch, W0, b0, W1, b1, W2, b2, Wm, bm):
    src = edge_index[0]
    dst = edge_index[1]
    pad_e = EPAD - E
    dst_p = jnp.concatenate(
        [dst, jnp.full((pad_e,), DUMMY, jnp.int32)]
    ).reshape(NCHUNKS, 128)
    src_p = jnp.concatenate(
        [src, jnp.zeros((pad_e,), jnp.int32)]
    ).reshape(NCHUNKS, 128)
    x_p = jnp.pad(x, ((0, NPAD - N), (0, 0)))
    batch_pad = jnp.pad(batch, (0, NPAD - N), constant_values=2**30)
    batch_p = batch_pad.reshape(1, NPAD)
    same_cols = [
        jnp.concatenate(
            [jnp.zeros((1 << k,), jnp.bool_), batch_pad[1 << k:] == batch_pad[:-(1 << k)]]
        )
        for k in range(NSCAN)
    ]
    same_m = jnp.stack(
        same_cols + [jnp.zeros((NPAD,), jnp.bool_)] * (16 - NSCAN), axis=1
    ).astype(jnp.float32)
    end_m = jnp.concatenate(
        [batch_pad[:-1] != batch_pad[1:], jnp.ones((1,), jnp.bool_)]
    ).astype(jnp.float32).reshape(1, NPAD)
    zeros_w = jnp.zeros((RPT, H), jnp.float32)
    ones_tab = jnp.ones((128, 128), jnp.float32)
    src_s = src_p.reshape(NSUB, SUB)
    dst_s = dst_p.reshape(NSUB, SUB)

    degp = _degree128(dst_p, ones_tab, zeros_w)
    norm, hn = _prep(degp[0], degp[1], x_p)
    p = _prop128(hn, src_s, dst_s, zeros_w)
    hn = _layer(p[0], p[1], hn, norm, W0, b0.reshape(1, H))
    p = _prop128(hn, src_s, dst_s, zeros_w)
    hn = _layer(p[0], p[1], hn, norm, W1, b1.reshape(1, H))
    p = _prop128(hn, src_s, dst_s, zeros_w)
    return _final(
        p[0], p[1], hn, norm, W2, b2.reshape(1, H),
        batch_p, same_m, end_m, Wm[:H], Wm[H:], bm.reshape(1, C),
    )

# --- scband reference (transcript-rebuilt; emitter-appended) ---
"""Pipeline reference for scband-predictor-89713276878904 (READ-ONLY COPY).

The authoritative reference and input builder live on the scoring server;
editing this copy changes nothing except your own understanding.
"""

import jax, jax.numpy as jnp
import numpy as np

N = 10000
E = 320000
F = 128
H = 128
G = 64
C = 2


def setup_inputs(seed: int = 0) -> dict:
    key = jax.random.key(seed)
    ks = jax.random.split(key, 12)
    x = jax.random.normal(ks[0], (N, F), dtype=jnp.float32)
    edge_index = jax.random.randint(ks[1], (2, E), 0, N, dtype=jnp.int32)
    batch = jnp.sort(jax.random.randint(ks[2], (N,), 0, G, dtype=jnp.int32))
    # EncoderGCN parameters: layer_num=3 GCN layers (F->H, H->H, H->H)
    s0 = 1.0 / np.sqrt(F)
    s1 = 1.0 / np.sqrt(H)
    W0 = jax.random.uniform(ks[3], (F, H), jnp.float32, -s0, s0)
    b0 = jnp.zeros((H,), jnp.float32)
    W1 = jax.random.uniform(ks[4], (H, H), jnp.float32, -s1, s1)
    b1 = jnp.zeros((H,), jnp.float32)
    W2 = jax.random.uniform(ks[5], (H, H), jnp.float32, -s1, s1)
    b2 = jnp.zeros((H,), jnp.float32)
    # MLP head: (2*H -> C) + sigmoid
    sm = 1.0 / np.sqrt(2 * H)
    Wm = jax.random.uniform(ks[6], (2 * H, C), jnp.float32, -sm, sm)
    bm = jnp.zeros((C,), jnp.float32)
    return {"x": x, "edge_index": edge_index, "batch": batch,
            "W0": W0, "b0": b0, "W1": W1, "b1": b1, "W2": W2, "b2": b2,
            "Wm": Wm, "bm": bm}


def reference(x, edge_index, batch, W0, b0, W1, b1, W2, b2, Wm, bm):
    n = x.shape[0]
    src = edge_index[0]
    dst = edge_index[1]
    # symmetric GCN normalization with self-loops
    deg = jnp.zeros((n,), jnp.float32).at[dst].add(1.0) + 1.0
    norm = 1.0 / jnp.sqrt(deg)
    ew = (norm[src] * norm[dst])[:, None]
    self_w = (norm * norm)[:, None]
    h = x
    for (W, b) in ((W0, b0), (W1, b1), (W2, b2)):
        msg = h[src] * ew
        agg = jnp.zeros((n, h.shape[1]), jnp.float32).at[dst].add(msg) + h * self_w
        h = jax.nn.relu(agg @ W + b)
    # graph readout: concat(mean pool, max pool) -> [G, 2H]
    counts = jnp.zeros((G,), jnp.float32).at[batch].add(1.0)
    meanp = jax.ops.segment_sum(h, batch, num_segments=G) / jnp.maximum(counts, 1.0)[:, None]
    maxp = jax.ops.segment_max(h, batch, num_segments=G)
    maxp = jnp.where(counts[:, None] > 0, maxp, 0.0)
    emb = jnp.concatenate([meanp, maxp], axis=1)
    # MLP head with sigmoid
    return jax.nn.sigmoid(emb @ Wm + bm)

if __name__ == "__main__":
    import jax
    _d = setup_inputs()
    print(jax.jit(kernel)(*tuple(_d.values())))

</pallas_src>

<mosaic_0001>
#map = affine_map<(d0, d1) -> (0, 0)>
#map1 = affine_map<(d0, d1) -> (0, 0, 0)>
module attributes {stable_mosaic.version = 14 : i64} {
  func.func @degree(%arg0: i32, %arg1: i32, %arg2: memref<2560x128xi32, #tpu.memory_space<hbm>>, %arg3: memref<128x128xf32, #tpu.memory_space<hbm>>, %arg4: memref<640x128xf32, #tpu.memory_space<hbm>>, %arg5: memref<2x10240x128xf32, #tpu.memory_space<hbm>>, %arg6: memref<80x128xi32, #tpu.memory_space<vmem>>, %arg7: memref<128x128xf32, #tpu.memory_space<vmem>>, %arg8: memref<10240x128xf32, #tpu.memory_space<vmem_shared>>, %arg9: memref<!tpu.dma_semaphore, #tpu.memory_space<semaphore_mem>>, %arg10: memref<!tpu.dma_semaphore, #tpu.memory_space<semaphore_mem>>, %arg11: memref<!tpu.dma_semaphore, #tpu.memory_space<semaphore_mem>>, %arg12: memref<!tpu.dma_semaphore, #tpu.memory_space<semaphore_mem>>) attributes {dimension_semantics = [#tpu.dimension_semantics<core_parallel>, #tpu.dimension_semantics<subcore_parallel>], iteration_bounds = array<i64: 2, 16>, scalar_prefetch = 0 : i64, scratch_operands = 7 : i64, tpu.core_type = #tpu.core_type<sc_vector_subcore>, window_params = [{transform_indices = #map}, {transform_indices = #map}, {transform_indices = #map}, {transform_indices = #map1}]} {
    %mul3A = arith.constant 2 : i32
    %mul3A_0 = arith.muli %arg1, %mul3A : i32
    %add3A = arith.addi %mul3A_0, %arg0 : i32
    %mul3A_1 = arith.constant 80 : i32
    %mul3A_2 = arith.muli %add3A, %mul3A_1 : i32
    "tpu.region"() ({
      %run_scoped3A = tpu.sem_alloc : memref<!tpu.dma_semaphore, #tpu.memory_space<semaphore_mem>>
      %dma_start3A_69 = arith.constant 0 : i32
      %dma_start3A_70 = tpu.memref_slice %arg2[%mul3A_2, %dma_start3A_69] : memref<2560x128xi32, #tpu.memory_space<hbm>> -> memref<80x128xi32, #tpu.memory_space<hbm>>
      %dma_start3A_71 = arith.constant 0 : i32
      %dma_start3A_72 = tpu.memref_slice %arg2[%mul3A_2, %dma_start3A_71] : memref<2560x128xi32, #tpu.memory_space<hbm>> -> memref<80x128xi32, #tpu.memory_space<hbm>>
      tpu.enqueue_dma source(%dma_start3A_72 : memref<80x128xi32, #tpu.memory_space<hbm>>) target(%arg6 : memref<80x128xi32, #tpu.memory_space<vmem>>) target_semaphore(%run_scoped3A : memref<!tpu.dma_semaphore, #tpu.memory_space<semaphore_mem>>)
      %dma_wait3A_73 = arith.constant 0 : i32
      %dma_wait3A_74 = tpu.memref_slice %arg2[%mul3A_2, %dma_wait3A_73] : memref<2560x128xi32, #tpu.memory_space<hbm>> -> memref<80x128xi32, #tpu.memory_space<hbm>>
      %dma_wait3A_75 = arith.constant 0 : i32
      %dma_wait3A_76 = tpu.memref_slice %arg2[%mul3A_2, %dma_wait3A_75] : memref<2560x128xi32, #tpu.memory_space<hbm>> -> memref<80x128xi32, #tpu.memory_space<hbm>>
      tpu.wait_dma2 semaphore(%run_scoped3A : memref<!tpu.dma_semaphore, #tpu.memory_space<semaphore_mem>>) src(%dma_wait3A_76 : memref<80x128xi32, #tpu.memory_space<hbm>>) dst(%arg6 : memref<80x128xi32, #tpu.memory_space<vmem>>)
      tpu.yield
    }) : () -> ()
    "tpu.region"() ({
      %run_scoped3A = tpu.sem_alloc : memref<!tpu.dma_semaphore, #tpu.memory_space<semaphore_mem>>
      tpu.enqueue_dma source(%arg3 : memref<128x128xf32, #tpu.memory_space<hbm>>) target(%arg7 : memref<128x128xf32, #tpu.memory_space<vmem>>) target_semaphore(%run_scoped3A : memref<!tpu.dma_semaphore, #tpu.memory_space<semaphore_mem>>)
      tpu.wait_dma2 semaphore(%run_scoped3A : memref<!tpu.dma_semaphore, #tpu.memory_space<semaphore_mem>>) src(%arg3 : memref<128x128xf32, #tpu.memory_space<hbm>>) dst(%arg7 : memref<128x128xf32, #tpu.memory_space<vmem>>)
      tpu.yield
    }) : () -> ()
    %mul3A_3 = arith.constant 640 : i32
    %mul3A_4 = arith.muli %arg1, %mul3A_3 : i32
    "tpu.region"() ({
      %run_scoped3A = tpu.sem_alloc : memref<!tpu.dma_semaphore, #tpu.memory_space<semaphore_mem>>
      %dma_start3A_69 = arith.constant 0 : i32
      %dma_start3A_70 = tpu.memref_slice %arg8[%mul3A_4, %dma_start3A_69] : memref<10240x128xf32, #tpu.memory_space<vmem_shared>> -> memref<640x128xf32, #tpu.memory_space<vmem_shared>>
      tpu.enqueue_dma source(%arg4 : memref<640x128xf32, #tpu.memory_space<hbm>>) target(%dma_start3A_70 : memref<640x128xf32, #tpu.memory_space<vmem_shared>>) target_semaphore(%run_scoped3A : memref<!tpu.dma_semaphore, #tpu.memory_space<semaphore_mem>>)
      %dma_wait3A_71 = arith.constant 0 : i32
      %dma_wait3A_72 = tpu.memref_slice %arg8[%mul3A_4, %dma_wait3A_71] : memref<10240x128xf32, #tpu.memory_space<vmem_shared>> -> memref<640x128xf32, #tpu.memory_space<vmem_shared>>
      tpu.wait_dma2 semaphore(%run_scoped3A : memref<!tpu.dma_semaphore, #tpu.memory_space<semaphore_mem>>) src(%arg4 : memref<640x128xf32, #tpu.memory_space<hbm>>) dst(%dma_wait3A_72 : memref<640x128xf32, #tpu.memory_space<vmem_shared>>)
      tpu.yield
    }) : () -> ()
    %barrier3A = arith.constant 0 : index
    tpu.barrier barrier_id(%barrier3A)
    %dma_start3A = arith.constant 0 : i32
    %dma_start3A_5 = arith.constant 0 : i32
    %dma_start3A_6 = tpu.memref_slice %arg6[%dma_start3A, %dma_start3A_5] : memref<80x128xi32, #tpu.memory_space<vmem>> -> memref<1x128xi32, #tpu.memory_space<vmem>>
    %dma_start3A_7 = tpu.memref_squeeze %dma_start3A_6 : memref<1x128xi32, #tpu.memory_space<vmem>> -> memref<128xi32, #tpu.memory_space<vmem>>
    %dma_start3A_8 = arith.constant 0 : i32
    %dma_start3A_9 = arith.constant 0 : i32
    %dma_start3A_10 = tpu.memref_slice %arg8[%dma_start3A_8, %dma_start3A_9] : memref<10240x128xf32, #tpu.memory_space<vmem_shared>> -> memref<10240x128xf32, #tpu.memory_space<vmem_shared>>
    tpu.enqueue_indirect_dma source(%arg7 : memref<128x128xf32, #tpu.memory_space<vmem>>) target(%dma_start3A_10 : memref<10240x128xf32, #tpu.memory_space<vmem_shared>>) offsets(%dma_start3A_7 : memref<128xi32, #tpu.memory_space<vmem>>) semaphore(%arg9 : memref<!tpu.dma_semaphore, #tpu.memory_space<semaphore_mem>>) {add = true}
    %dma_start3A_11 = arith.constant 1 : i32
    %dma_start3A_12 = arith.constant 0 : i32
    %dma_start3A_13 = tpu.memref_slice %arg6[%dma_start3A_11, %dma_start3A_12] : memref<80x128xi32, #tpu.memory_space<vmem>> -> memref<1x128xi32, #tpu.memory_space<vmem>>
    %dma_start3A_14 = tpu.memref_squeeze %dma_start3A_13 : memref<1x128xi32, #tpu.memory_space<vmem>> -> memref<128xi32, #tpu.memory_space<vmem>>
    %dma_start3A_15 = arith.constant 0 : i32
    %dma_start3A_16 = arith.constant 0 : i32
    %dma_start3A_17 = tpu.memref_slice %arg8[%dma_start3A_15, %dma_start3A_16] : memref<10240x128xf32, #tpu.memory_space<vmem_shared>> -> memref<10240x128xf32, #tpu.memory_space<vmem_shared>>
    tpu.enqueue_indirect_dma source(%arg7 : memref<128x128xf32, #tpu.memory_space<vmem>>) target(%dma_start3A_17 : memref<10240x128xf32, #tpu.memory_space<vmem_shared>>) offsets(%dma_start3A_14 : memref<128xi32, #tpu.memory_space<vmem>>) semaphore(%arg10 : memref<!tpu.dma_semaphore, #tpu.memory_space<semaphore_mem>>) {add = true}
    %dma_start3A_18 = arith.constant 2 : i32
    %dma_start3A_19 = arith.constant 0 : i32
    %dma_start3A_20 = tpu.memref_slice %arg6[%dma_start3A_18, %dma_start3A_19] : memref<80x128xi32, #tpu.memory_space<vmem>> -> memref<1x128xi32, #tpu.memory_space<vmem>>
    %dma_start3A_21 = tpu.memref_squeeze %dma_start3A_20 : memref<1x128xi32, #tpu.memory_space<vmem>> -> memref<128xi32, #tpu.memory_space<vmem>>
    %dma_start3A_22 = arith.constant 0 : i32
    %dma_start3A_23 = arith.constant 0 : i32
    %dma_start3A_24 = tpu.memref_slice %arg8[%dma_start3A_22, %dma_start3A_23] : memref<10240x128xf32, #tpu.memory_space<vmem_shared>> -> memref<10240x128xf32, #tpu.memory_space<vmem_shared>>
    tpu.enqueue_indirect_dma source(%arg7 : memref<128x128xf32, #tpu.memory_space<vmem>>) target(%dma_start3A_24 : memref<10240x128xf32, #tpu.memory_space<vmem_shared>>) offsets(%dma_start3A_21 : memref<128xi32, #tpu.memory_space<vmem>>) semaphore(%arg11 : memref<!tpu.dma_semaphore, #tpu.memory_space<semaphore_mem>>) {add = true}
    %dma_start3A_25 = arith.constant 3 : i32
    %dma_start3A_26 = arith.constant 0 : i32
    %dma_start3A_27 = tpu.memref_slice %arg6[%dma_start3A_25, %dma_start3A_26] : memref<80x128xi32, #tpu.memory_space<vmem>> -> memref<1x128xi32, #tpu.memory_space<vmem>>
    %dma_start3A_28 = tpu.memref_squeeze %dma_start3A_27 : memref<1x128xi32, #tpu.memory_space<vmem>> -> memref<128xi32, #tpu.memory_space<vmem>>
    %dma_start3A_29 = arith.constant 0 : i32
    %dma_start3A_30 = arith.constant 0 : i32
    %dma_start3A_31 = tpu.memref_slice %arg8[%dma_start3A_29, %dma_start3A_30] : memref<10240x128xf32, #tpu.memory_space<vmem_shared>> -> memref<10240x128xf32, #tpu.memory_space<vmem_shared>>
    tpu.enqueue_indirect_dma source(%arg7 : memref<128x128xf32, #tpu.memory_space<vmem>>) target(%dma_start3A_31 : memref<10240x128xf32, #tpu.memory_space<vmem_shared>>) offsets(%dma_start3A_28 : memref<128xi32, #tpu.memory_space<vmem>>) semaphore(%arg12 : memref<!tpu.dma_semaphore, #tpu.memory_space<semaphore_mem>>) {add = true}
    %scan3A = arith.constant 0 : i32
    %scan3A_32 = arith.constant 1 : i32
    %scan3A_33 = arith.constant 19 : i32
    %scan3A_34 = arith.addi %scan3A_32, %scan3A_33 : i32
    %scan3A_35 = arith.constant 1 : i32
    scf.for %scan3A_69 = %scan3A_32 to %scan3A_34 step %scan3A_35  : i32 {
      %dma_wait3A_70 = arith.constant 0 : i32
      %dma_wait3A_71 = arith.constant 0 : i32
      %dma_wait3A_72 = tpu.memref_slice %arg6[%dma_wait3A_70, %dma_wait3A_71] : memref<80x128xi32, #tpu.memory_space<vmem>> -> memref<1x128xi32, #tpu.memory_space<vmem>>
      %dma_wait3A_73 = tpu.memref_squeeze %dma_wait3A_72 : memref<1x128xi32, #tpu.memory_space<vmem>> -> memref<128xi32, #tpu.memory_space<vmem>>
      %dma_wait3A_74 = arith.constant 0 : i32
      %dma_wait3A_75 = arith.constant 0 : i32
      %dma_wait3A_76 = tpu.memref_slice %arg8[%dma_wait3A_74, %dma_wait3A_75] : memref<10240x128xf32, #tpu.memory_space<vmem_shared>> -> memref<10240x128xf32, #tpu.memory_space<vmem_shared>>
      tpu.wait_indirect_dma semaphore(%arg9 : memref<!tpu.dma_semaphore, #tpu.memory_space<semaphore_mem>>) src(%arg7 : memref<128x128xf32, #tpu.memory_space<vmem>>) dst(%dma_wait3A_76 : memref<10240x128xf32, #tpu.memory_space<vmem_shared>>)
      %mul3A_77 = arith.constant 4 : i32
      %mul3A_78 = arith.muli %scan3A_69, %mul3A_77 : i32
      %add3A_79 = arith.constant 0 : i32
      %add3A_80 = arith.addi %mul3A_78, %add3A_79 : i32
      %dma_start3A_81 = arith.constant 0 : i32
      %dma_start3A_82 = tpu.memref_slice %arg6[%add3A_80, %dma_start3A_81] : memref<80x128xi32, #tpu.memory_space<vmem>> -> memref<1x128xi32, #tpu.memory_space<vmem>>
      %dma_start3A_83 = tpu.memref_squeeze %dma_start3A_82 : memref<1x128xi32, #tpu.memory_space<vmem>> -> memref<128xi32, #tpu.memory_space<vmem>>
      %dma_start3A_84 = arith.constant 0 : i32
      %dma_start3A_85 = arith.constant 0 : i32
      %dma_start3A_86 = tpu.memref_slice %arg8[%dma_start3A_84, %dma_start3A_85] : memref<10240x128xf32, #tpu.memory_space<vmem_shared>> -> memref<10240x128xf32, #tpu.memory_space<vmem_shared>>
      tpu.enqueue_indirect_dma source(%arg7 : memref<128x128xf32, #tpu.memory_space<vmem>>) target(%dma_start3A_86 : memref<10240x128xf32, #tpu.memory_space<vmem_shared>>) offsets(%dma_start3A_83 : memref<128xi32, #tpu.memory_space<vmem>>) semaphore(%arg9 : memref<!tpu.dma_semaphore, #tpu.memory_space<semaphore_mem>>) {add = true}
      %dma_wait3A_87 = arith.constant 0 : i32
      %dma_wait3A_88 = arith.constant 0 : i32
      %dma_wait3A_89 = tpu.memref_slice %arg6[%dma_wait3A_87, %dma_wait3A_88] : memref<80x128xi32, #tpu.memory_space<vmem>> -> memref<1x128xi32, #tpu.memory_space<vmem>>
      %dma_wait3A_90 = tpu.memref_squeeze %dma_wait3A_89 : memref<1x128xi32, #tpu.memory_space<vmem>> -> memref<128xi32, #tpu.memory_space<vmem>>
      %dma_wait3A_91 = arith.constant 0 : i32
      %dma_wait3A_92 = arith.constant 0 : i32
      %dma_wait3A_93 = tpu.memref_slice %arg8[%dma_wait3A_91, %dma_wait3A_92] : memref<10240x128xf32, #tpu.memory_space<vmem_shared>> -> memref<10240x128xf32, #tpu.memory_space<vmem_shared>>
      tpu.wait_indirect_dma semaphore(%arg10 : memref<!tpu.dma_semaphore, #tpu.memory_space<semaphore_mem>>) src(%arg7 : memref<128x128xf32, #tpu.memory_space<vmem>>) dst(%dma_wait3A_93 : memref<10240x128xf32, #tpu.memory_space<vmem_shared>>)
      %mul3A_94 = arith.constant 4 : i32
      %mul3A_95 = arith.muli %scan3A_69, %mul3A_94 : i32
      %add3A_96 = arith.constant 1 : i32
      %add3A_97 = arith.addi %mul3A_95, %add3A_96 : i32
      %dma_start3A_98 = arith.constant 0 : i32
      %dma_start3A_99 = tpu.memref_slice %arg6[%add3A_97, %dma_start3A_98] : memref<80x128xi32, #tpu.memory_space<vmem>> -> memref<1x128xi32, #tpu.memory_space<vmem>>
      %dma_start3A_100 = tpu.memref_squeeze %dma_start3A_99 : memref<1x128xi32, #tpu.memory_space<vmem>> -> memref<128xi32, #tpu.memory_space<vmem>>
      %dma_start3A_101 = arith.constant 0 : i32
      %dma_start3A_102 = arith.constant 0 : i32
      %dma_start3A_103 = tpu.memref_slice %arg8[%dma_start3A_101, %dma_start3A_102] : memref<10240x128xf32, #tpu.memory_space<vmem_shared>> -> memref<10240x128xf32, #tpu.memory_space<vmem_shared>>
      tpu.enqueue_indirect_dma source(%arg7 : memref<128x128xf32, #tpu.memory_space<vmem>>) target(%dma_start3A_103 : memref<10240x128xf32, #tpu.memory_space<vmem_shared>>) offsets(%dma_start3A_100 : memref<128xi32, #tpu.memory_space<vmem>>) semaphore(%arg10 : memref<!tpu.dma_semaphore, #tpu.memory_space<semaphore_mem>>) {add = true}
      %dma_wait3A_104 = arith.constant 0 : i32
      %dma_wait3A_105 = arith.constant 0 : i32
      %dma_wait3A_106 = tpu.memref_slice %arg6[%dma_wait3A_104, %dma_wait3A_105] : memref<80x128xi32, #tpu.memory_space<vmem>> -> memref<1x128xi32, #tpu.memory_space<vmem>>
      %dma_wait3A_107 = tpu.memref_squeeze %dma_wait3A_106 : memref<1x128xi32, #tpu.memory_space<vmem>> -> memref<128xi32, #tpu.memory_space<vmem>>
      %dma_wait3A_108 = arith.constant 0 : i32
      %dma_wait3A_109 = arith.constant 0 : i32
      %dma_wait3A_110 = tpu.memref_slice %arg8[%dma_wait3A_108, %dma_wait3A_109] : memref<10240x128xf32, #tpu.memory_space<vmem_shared>> -> memref<10240x128xf32, #tpu.memory_space<vmem_shared>>
      tpu.wait_indirect_dma semaphore(%arg11 : memref<!tpu.dma_semaphore, #tpu.memory_space<semaphore_mem>>) src(%arg7 : memref<128x128xf32, #tpu.memory_space<vmem>>) dst(%dma_wait3A_110 : memref<10240x128xf32, #tpu.memory_space<vmem_shared>>)
      %mul3A_111 = arith.constant 4 : i32
      %mul3A_112 = arith.muli %scan3A_69, %mul3A_111 : i32
      %add3A_113 = arith.constant 2 : i32
      %add3A_114 = arith.addi %mul3A_112, %add3A_113 : i32
      %dma_start3A_115 = arith.constant 0 : i32
      %dma_start3A_116 = tpu.memref_slice %arg6[%add3A_114, %dma_start3A_115] : memref<80x128xi32, #tpu.memory_space<vmem>> -> memref<1x128xi32, #tpu.memory_space<vmem>>
      %dma_start3A_117 = tpu.memref_squeeze %dma_start3A_116 : memref<1x128xi32, #tpu.memory_space<vmem>> -> memref<128xi32, #tpu.memory_space<vmem>>
      %dma_start3A_118 = arith.constant 0 : i32
      %dma_start3A_119 = arith.constant 0 : i32
      %dma_start3A_120 = tpu.memref_slice %arg8[%dma_start3A_118, %dma_start3A_119] : memref<10240x128xf32, #tpu.memory_space<vmem_shared>> -> memref<10240x128xf32, #tpu.memory_space<vmem_shared>>
      tpu.enqueue_indirect_dma source(%arg7 : memref<128x128xf32, #tpu.memory_space<vmem>>) target(%dma_start3A_120 : memref<10240x128xf32, #tpu.memory_space<vmem_shared>>) offsets(%dma_start3A_117 : memref<128xi32, #tpu.memory_space<vmem>>) semaphore(%arg11 : memref<!tpu.dma_semaphore, #tpu.memory_space<semaphore_mem>>) {add = true}
      %dma_wait3A_121 = arith.constant 0 : i32
      %dma_wait3A_122 = arith.constant 0 : i32
      %dma_wait3A_123 = tpu.memref_slice %arg6[%dma_wait3A_121, %dma_wait3A_122] : memref<80x128xi32, #tpu.memory_space<vmem>> -> memref<1x128xi32, #tpu.memory_space<vmem>>
      %dma_wait3A_124 = tpu.memref_squeeze %dma_wait3A_123 : memref<1x128xi32, #tpu.memory_space<vmem>> -> memref<128xi32, #tpu.memory_space<vmem>>
      %dma_wait3A_125 = arith.constant 0 : i32
      %dma_wait3A_126 = arith.constant 0 : i32
      %dma_wait3A_127 = tpu.memref_slice %arg8[%dma_wait3A_125, %dma_wait3A_126] : memref<10240x128xf32, #tpu.memory_space<vmem_shared>> -> memref<10240x128xf32, #tpu.memory_space<vmem_shared>>
      tpu.wait_indirect_dma semaphore(%arg12 : memref<!tpu.dma_semaphore, #tpu.memory_space<semaphore_mem>>) src(%arg7 : memref<128x128xf32, #tpu.memory_space<vmem>>) dst(%dma_wait3A_127 : memref<10240x128xf32, #tpu.memory_space<vmem_shared>>)
      %mul3A_128 = arith.constant 4 : i32
      %mul3A_129 = arith.muli %scan3A_69, %mul3A_128 : i32
      %add3A_130 = arith.constant 3 : i32
      %add3A_131 = arith.addi %mul3A_129, %add3A_130 : i32
      %dma_start3A_132 = arith.constant 0 : i32
      %dma_start3A_133 = tpu.memref_slice %arg6[%add3A_131, %dma_start3A_132] : memref<80x128xi32, #tpu.memory_space<vmem>> -> memref<1x128xi32, #tpu.memory_space<vmem>>
      %dma_start3A_134 = tpu.memref_squeeze %dma_start3A_133 : memref<1x128xi32, #tpu.memory_space<vmem>> -> memref<128xi32, #tpu.memory_space<vmem>>
      %dma_start3A_135 = arith.constant 0 : i32
      %dma_start3A_136 = arith.constant 0 : i32
      %dma_start3A_137 = tpu.memref_slice %arg8[%dma_start3A_135, %dma_start3A_136] : memref<10240x128xf32, #tpu.memory_space<vmem_shared>> -> memref<10240x128xf32, #tpu.memory_space<vmem_shared>>
      tpu.enqueue_indirect_dma source(%arg7 : memref<128x128xf32, #tpu.memory_space<vmem>>) target(%dma_start3A_137 : memref<10240x128xf32, #tpu.memory_space<vmem_shared>>) offsets(%dma_start3A_134 : memref<128xi32, #tpu.memory_space<vmem>>) semaphore(%arg12 : memref<!tpu.dma_semaphore, #tpu.memory_space<semaphore_mem>>) {add = true}
    }
    %scan3A_36 = arith.constant 19 : i32
    %dma_wait3A = arith.constant 0 : i32
    %dma_wait3A_37 = arith.constant 0 : i32
    %dma_wait3A_38 = tpu.memref_slice %arg6[%dma_wait3A, %dma_wait3A_37] : memref<80x128xi32, #tpu.memory_space<vmem>> -> memref<1x128xi32, #tpu.memory_space<vmem>>
    %dma_wait3A_39 = tpu.memref_squeeze %dma_wait3A_38 : memref<1x128xi32, #tpu.memory_space<vmem>> -> memref<128xi32, #tpu.memory_space<vmem>>
    %dma_wait3A_40 = arith.constant 0 : i32
    %dma_wait3A_41 = arith.constant 0 : i32
    %dma_wait3A_42 = tpu.memref_slice %arg8[%dma_wait3A_40, %dma_wait3A_41] : memref<10240x128xf32, #tpu.memory_space<vmem_shared>> -> memref<10240x128xf32, #tpu.memory_space<vmem_shared>>
    tpu.wait_indirect_dma semaphore(%arg9 : memref<!tpu.dma_semaphore, #tpu.memory_space<semaphore_mem>>) src(%arg7 : memref<128x128xf32, #tpu.memory_space<vmem>>) dst(%dma_wait3A_42 : memref<10240x128xf32, #tpu.memory_space<vmem_shared>>)
    %dma_wait3A_43 = arith.constant 0 : i32
    %dma_wait3A_44 = arith.constant 0 : i32
    %dma_wait3A_45 = tpu.memref_slice %arg6[%dma_wait3A_43, %dma_wait3A_44] : memref<80x128xi32, #tpu.memory_space<vmem>> -> memref<1x128xi32, #tpu.memory_space<vmem>>
    %dma_wait3A_46 = tpu.memref_squeeze %dma_wait3A_45 : memref<1x128xi32, #tpu.memory_space<vmem>> -> memref<128xi32, #tpu.memory_space<vmem>>
    %dma_wait3A_47 = arith.constant 0 : i32
    %dma_wait3A_48 = arith.constant 0 : i32
    %dma_wait3A_49 = tpu.memref_slice %arg8[%dma_wait3A_47, %dma_wait3A_48] : memref<10240x128xf32, #tpu.memory_space<vmem_shared>> -> memref<10240x128xf32, #tpu.memory_space<vmem_shared>>
    tpu.wait_indirect_dma semaphore(%arg10 : memref<!tpu.dma_semaphore, #tpu.memory_space<semaphore_mem>>) src(%arg7 : memref<128x128xf32, #tpu.memory_space<vmem>>) dst(%dma_wait3A_49 : memref<10240x128xf32, #tpu.memory_space<vmem_shared>>)
    %dma_wait3A_50 = arith.constant 0 : i32
    %dma_wait3A_51 = arith.constant 0 : i32
    %dma_wait3A_52 = tpu.memref_slice %arg6[%dma_wait3A_50, %dma_wait3A_51] : memref<80x128xi32, #tpu.memory_space<vmem>> -> memref<1x128xi32, #tpu.memory_space<vmem>>
    %dma_wait3A_53 = tpu.memref_squeeze %dma_wait3A_52 : memref<1x128xi32, #tpu.memory_space<vmem>> -> memref<128xi32, #tpu.memory_space<vmem>>
    %dma_wait3A_54 = arith.constant 0 : i32
    %dma_wait3A_55 = arith.constant 0 : i32
    %dma_wait3A_56 = tpu.memref_slice %arg8[%dma_wait3A_54, %dma_wait3A_55] : memref<10240x128xf32, #tpu.memory_space<vmem_shared>> -> memref<10240x128xf32, #tpu.memory_space<vmem_shared>>
    tpu.wait_indirect_dma semaphore(%arg11 : memref<!tpu.dma_semaphore, #tpu.memory_space<semaphore_mem>>) src(%arg7 : memref<128x128xf32, #tpu.memory_space<vmem>>) dst(%dma_wait3A_56 : memref<10240x128xf32, #tpu.memory_space<vmem_shared>>)
    %dma_wait3A_57 = arith.constant 0 : i32
    %dma_wait3A_58 = arith.constant 0 : i32
    %dma_wait3A_59 = tpu.memref_slice %arg6[%dma_wait3A_57, %dma_wait3A_58] : memref<80x128xi32, #tpu.memory_space<vmem>> -> memref<1x128xi32, #tpu.memory_space<vmem>>
    %dma_wait3A_60 = tpu.memref_squeeze %dma_wait3A_59 : memref<1x128xi32, #tpu.memory_space<vmem>> -> memref<128xi32, #tpu.memory_space<vmem>>
    %dma_wait3A_61 = arith.constant 0 : i32
    %dma_wait3A_62 = arith.constant 0 : i32
    %dma_wait3A_63 = tpu.memref_slice %arg8[%dma_wait3A_61, %dma_wait3A_62] : memref<10240x128xf32, #tpu.memory_space<vmem_shared>> -> memref<10240x128xf32, #tpu.memory_space<vmem_shared>>
    tpu.wait_indirect_dma semaphore(%arg12 : memref<!tpu.dma_semaphore, #tpu.memory_space<semaphore_mem>>) src(%arg7 : memref<128x128xf32, #tpu.memory_space<vmem>>) dst(%dma_wait3A_63 : memref<10240x128xf32, #tpu.memory_space<vmem_shared>>)
    %barrier3A_64 = arith.constant 0 : index
    tpu.barrier barrier_id(%barrier3A_64)
    %mul3A_65 = arith.constant 640 : i32
    %mul3A_66 = arith.muli %arg1, %mul3A_65 : i32
    %mul3A_67 = arith.constant 640 : i32
    %mul3A_68 = arith.muli %arg1, %mul3A_67 : i32
    "tpu.region"() ({
      %run_scoped3A = tpu.sem_alloc : memref<!tpu.dma_semaphore, #tpu.memory_space<semaphore_mem>>
      %dma_start3A_69 = arith.constant 0 : i32
      %dma_start3A_70 = tpu.memref_slice %arg5[%arg0, %mul3A_68, %dma_start3A_69] : memref<2x10240x128xf32, #tpu.memory_space<hbm>> -> memref<1x640x128xf32, #tpu.memory_space<hbm>>
      %dma_start3A_71 = tpu.memref_squeeze %dma_start3A_70 : memref<1x640x128xf32, #tpu.memory_space<hbm>> -> memref<640x128xf32, #tpu.memory_space<hbm>>
      %dma_start3A_72 = arith.constant 0 : i32
      %dma_start3A_73 = tpu.memref_slice %arg8[%mul3A_66, %dma_start3A_72] : memref<10240x128xf32, #tpu.memory_space<vmem_shared>> -> memref<640x128xf32, #tpu.memory_space<vmem_shared>>
      tpu.enqueue_dma source(%dma_start3A_73 : memref<640x128xf32, #tpu.memory_space<vmem_shared>>) target(%dma_start3A_71 : memref<640x128xf32, #tpu.memory_space<hbm>>) target_semaphore(%run_scoped3A : memref<!tpu.dma_semaphore, #tpu.memory_space<semaphore_mem>>)
      %dma_wait3A_74 = arith.constant 0 : i32
      %dma_wait3A_75 = tpu.memref_slice %arg5[%arg0, %mul3A_68, %dma_wait3A_74] : memref<2x10240x128xf32, #tpu.memory_space<hbm>> -> memref<1x640x128xf32, #tpu.memory_space<hbm>>
      %dma_wait3A_76 = tpu.memref_squeeze %dma_wait3A_75 : memref<1x640x128xf32, #tpu.memory_space<hbm>> -> memref<640x128xf32, #tpu.memory_space<hbm>>
      %dma_wait3A_77 = arith.constant 0 : i32
      %dma_wait3A_78 = tpu.memref_slice %arg8[%mul3A_66, %dma_wait3A_77] : memref<10240x128xf32, #tpu.memory_space<vmem_shared>> -> memref<640x128xf32, #tpu.memory_space<vmem_shared>>
      tpu.wait_dma2 semaphore(%run_scoped3A : memref<!tpu.dma_semaphore, #tpu.memory_space<semaphore_mem>>) src(%dma_wait3A_78 : memref<640x128xf32, #tpu.memory_space<vmem_shared>>) dst(%dma_wait3A_76 : memref<640x128xf32, #tpu.memory_space<hbm>>)
      tpu.yield
    }) : () -> ()
    return
  }
}

#map = affine_map<(d0, d1) -> (0, 0)>
#map1 = affine_map<(d0, d1) -> (0, 0, 0)>
module attributes {stable_mosaic.version = 14 : i64} {
  func.func @prop(%arg0: i32, %arg1: i32, %arg2: memref<10240x128xf32, #tpu.memory_space<hbm>>, %arg3: memref<10240x32xi32, #tpu.memory_space<hbm>>, %arg4: memref<10240x32xi32, #tpu.memory_space<hbm>>, %arg5: memref<640x128xf32, #tpu.memory_space<hbm>>, %arg6: memref<2x10240x128xf32, #tpu.memory_space<hbm>>, %arg7: memref<64x32xi32, #tpu.memory_space<vmem>>, %arg8: memref<64x32xi32, #tpu.memory_space<vmem>>, %arg9: memref<32x128xf32, #tpu.memory_space<vmem>>, %arg10: memref<32x128xf32, #tpu.memory_space<vmem>>, %arg11: memref<32x128xf32, #tpu.memory_space<vmem>>, %arg12: memref<32x128xf32, #tpu.memory_space<vmem>>, %arg13: memref<32x128xf32, #tpu.memory_space<vmem>>, %arg14: memref<32x128xf32, #tpu.memory_space<vmem>>, %arg15: memref<32x128xf32, #tpu.memory_space<vmem>>, %arg16: memref<32x128xf32, #tpu.memory_space<vmem>>, %arg17: memref<10240x128xf32, #tpu.memory_space<vmem_shared>>, %arg18: memref<!tpu.dma_semaphore, #tpu.memory_space<semaphore_mem>>, %arg19: memref<!tpu.dma_semaphore, #tpu.memory_space<semaphore_mem>>, %arg20: memref<!tpu.dma_semaphore, #tpu.memory_space<semaphore_mem>>, %arg21: memref<!tpu.dma_semaphore, #tpu.memory_space<semaphore_mem>>, %arg22: memref<!tpu.dma_semaphore, #tpu.memory_space<semaphore_mem>>, %arg23: memref<!tpu.dma_semaphore, #tpu.memory_space<semaphore_mem>>, %arg24: memref<!tpu.dma_semaphore, #tpu.memory_space<semaphore_mem>>, %arg25: memref<!tpu.dma_semaphore, #tpu.memory_space<semaphore_mem>>, %arg26: memref<!tpu.dma_semaphore, #tpu.memory_space<semaphore_mem>>, %arg27: memref<!tpu.dma_semaphore, #tpu.memory_space<semaphore_mem>>, %arg28: memref<!tpu.dma_semaphore, #tpu.memory_space<semaphore_mem>>, %arg29: memref<!tpu.dma_semaphore, #tpu.memory_space<semaphore_mem>>, %arg30: memref<!tpu.dma_semaphore, #tpu.memory_space<semaphore_mem>>, %arg31: memref<!tpu.dma_semaphore, #tpu.memory_space<semaphore_mem>>, %arg32: memref<!tpu.dma_semaphore, #tpu.memory_space<semaphore_mem>>, %arg33: memref<!tpu.dma_semaphore, #tpu.memory_space<semaphore_mem>>) attributes {dimension_semantics = [#tpu.dimension_semantics<core_parallel>, #tpu.dimension_semantics<subcore_parallel>], iteration_bounds = array<i64: 2, 16>, scalar_prefetch = 0 : i64, scratch_operands = 27 : i64, tpu.core_type = #tpu.core_type<sc_vector_subcore>, window_params = [{transform_indices = #map}, {transform_indices = #map}, {transform_indices = #map}, {transform_indices = #map}, {transform_indices = #map1}]} {
    %mul3A = arith.constant 2 : i32
    %mul3A_0 = arith.muli %arg1, %mul3A : i32
    %add3A = arith.addi %mul3A_0, %arg0 : i32
    %mul3A_1 = arith.constant 640 : i32
    %mul3A_2 = arith.muli %arg1, %mul3A_1 : i32
    "tpu.region"() ({
      %run_scoped3A = tpu.sem_alloc : memref<!tpu.dma_semaphore, #tpu.memory_space<semaphore_mem>>
      %dma_start3A = arith.constant 0 : i32
      %dma_start3A_13 = tpu.memref_slice %arg17[%mul3A_2, %dma_start3A] : memref<10240x128xf32, #tpu.memory_space<vmem_shared>> -> memref<640x128xf32, #tpu.memory_space<vmem_shared>>
      tpu.enqueue_dma source(%arg5 : memref<640x128xf32, #tpu.memory_space<hbm>>) target(%dma_start3A_13 : memref<640x128xf32, #tpu.memory_space<vmem_shared>>) target_semaphore(%run_scoped3A : memref<!tpu.dma_semaphore, #tpu.memory_space<semaphore_mem>>)
      %dma_wait3A = arith.constant 0 : i32
      %dma_wait3A_14 = tpu.memref_slice %arg17[%mul3A_2, %dma_wait3A] : memref<10240x128xf32, #tpu.memory_space<vmem_shared>> -> memref<640x128xf32, #tpu.memory_space<vmem_shared>>
      tpu.wait_dma2 semaphore(%run_scoped3A : memref<!tpu.dma_semaphore, #tpu.memory_space<semaphore_mem>>) src(%arg5 : memref<640x128xf32, #tpu.memory_space<hbm>>) dst(%dma_wait3A_14 : memref<640x128xf32, #tpu.memory_space<vmem_shared>>)
      tpu.yield
    }) : () -> ()
    %barrier3A = arith.constant 0 : index
    tpu.barrier barrier_id(%barrier3A)
    %scan3A = arith.constant 0 : i32
    %scan3A_3 = arith.constant 0 : i32
    %scan3A_4 = arith.constant 5 : i32
    %scan3A_5 = arith.addi %scan3A_3, %scan3A_4 : i32
    %scan3A_6 = arith.constant 1 : i32
    scf.for %scan3A_13 = %scan3A_3 to %scan3A_5 step %scan3A_6  : i32 {
      %mul3A_14 = arith.constant 320 : i32
      %mul3A_15 = arith.muli %add3A, %mul3A_14 : i32
      %mul3A_16 = arith.constant 64 : i32
      %mul3A_17 = arith.muli %scan3A_13, %mul3A_16 : i32
      %add3A_18 = arith.addi %mul3A_15, %mul3A_17 : i32
      "tpu.region"() ({
        %run_scoped3A = tpu.sem_alloc : memref<!tpu.dma_semaphore, #tpu.memory_space<semaphore_mem>>
        %dma_start3A_247 = arith.constant 0 : i32
        %dma_start3A_248 = tpu.memref_slice %arg3[%add3A_18, %dma_start3A_247] : memref<10240x32xi32, #tpu.memory_space<hbm>> -> memref<64x32xi32, #tpu.memory_space<hbm>>
        %dma_start3A_249 = arith.constant 0 : i32
        %dma_start3A_250 = tpu.memref_slice %arg3[%add3A_18, %dma_start3A_249] : memref<10240x32xi32, #tpu.memory_space<hbm>> -> memref<64x32xi32, #tpu.memory_space<hbm>>
        tpu.enqueue_dma source(%dma_start3A_250 : memref<64x32xi32, #tpu.memory_space<hbm>>) target(%arg7 : memref<64x32xi32, #tpu.memory_space<vmem>>) target_semaphore(%run_scoped3A : memref<!tpu.dma_semaphore, #tpu.memory_space<semaphore_mem>>)
        %dma_wait3A_251 = arith.constant 0 : i32
        %dma_wait3A_252 = tpu.memref_slice %arg3[%add3A_18, %dma_wait3A_251] : memref<10240x32xi32, #tpu.memory_space<hbm>> -> memref<64x32xi32, #tpu.memory_space<hbm>>
        %dma_wait3A_253 = arith.constant 0 : i32
        %dma_wait3A_254 = tpu.memref_slice %arg3[%add3A_18, %dma_wait3A_253] : memref<10240x32xi32, #tpu.memory_space<hbm>> -> memref<64x32xi32, #tpu.memory_space<hbm>>
        tpu.wait_dma2 semaphore(%run_scoped3A : memref<!tpu.dma_semaphore, #tpu.memory_space<semaphore_mem>>) src(%dma_wait3A_254 : memref<64x32xi32, #tpu.memory_space<hbm>>) dst(%arg7 : memref<64x32xi32, #tpu.memory_space<vmem>>)
        tpu.yield
      }) : () -> ()
      "tpu.region"() ({
        %run_scoped3A = tpu.sem_alloc : memref<!tpu.dma_semaphore, #tpu.memory_space<semaphore_mem>>
        %dma_start3A_247 = arith.constant 0 : i32
        %dma_start3A_248 = tpu.memref_slice %arg4[%add3A_18, %dma_start3A_247] : memref<10240x32xi32, #tpu.memory_space<hbm>> -> memref<64x32xi32, #tpu.memory_space<hbm>>
        %dma_start3A_249 = arith.constant 0 : i32
        %dma_start3A_250 = tpu.memref_slice %arg4[%add3A_18, %dma_start3A_249] : memref<10240x32xi32, #tpu.memory_space<hbm>> -> memref<64x32xi32, #tpu.memory_space<hbm>>
        tpu.enqueue_dma source(%dma_start3A_250 : memref<64x32xi32, #tpu.memory_space<hbm>>) target(%arg8 : memref<64x32xi32, #tpu.memory_space<vmem>>) target_semaphore(%run_scoped3A : memref<!tpu.dma_semaphore, #tpu.memory_space<semaphore_mem>>)
        %dma_wait3A_251 = arith.constant 0 : i32
        %dma_wait3A_252 = tpu.memref_slice %arg4[%add3A_18, %dma_wait3A_251] : memref<10240x32xi32, #tpu.memory_space<hbm>> -> memref<64x32xi32, #tpu.memory_space<hbm>>
        %dma_wait3A_253 = arith.constant 0 : i32
        %dma_wait3A_254 = tpu.memref_slice %arg4[%add3A_18, %dma_wait3A_253] : memref<10240x32xi32, #tpu.memory_space<hbm>> -> memref<64x32xi32, #tpu.memory_space<hbm>>
        tpu.wait_dma2 semaphore(%run_scoped3A : memref<!tpu.dma_semaphore, #tpu.memory_space<semaphore_mem>>) src(%dma_wait3A_254 : memref<64x32xi32, #tpu.memory_space<hbm>>) dst(%arg8 : memref<64x32xi32, #tpu.memory_space<vmem>>)
        tpu.yield
      }) : () -> ()
      %dma_start3A = arith.constant 0 : i32
      %dma_start3A_19 = arith.constant 0 : i32
      %dma_start3A_20 = tpu.memref_slice %arg7[%dma_start3A, %dma_start3A_19] : memref<64x32xi32, #tpu.memory_space<vmem>> -> memref<1x32xi32, #tpu.memory_space<vmem>>
      %dma_start3A_21 = tpu.memref_squeeze %dma_start3A_20 : memref<1x32xi32, #tpu.memory_space<vmem>> -> memref<32xi32, #tpu.memory_space<vmem>>
      %dma_start3A_22 = arith.constant 0 : i32
      %dma_start3A_23 = arith.constant 0 : i32
      %dma_start3A_24 = tpu.memref_slice %arg2[%dma_start3A_22, %dma_start3A_23] : memref<10240x128xf32, #tpu.memory_space<hbm>> -> memref<10240x128xf32, #tpu.memory_space<hbm>>
      tpu.enqueue_indirect_dma source(%dma_start3A_24 : memref<10240x128xf32, #tpu.memory_space<hbm>>) target(%arg9 : memref<32x128xf32, #tpu.memory_space<vmem>>) offsets(%dma_start3A_21 : memref<32xi32, #tpu.memory_space<vmem>>) semaphore(%arg18 : memref<!tpu.dma_semaphore, #tpu.memory_space<semaphore_mem>>)
      %dma_start3A_25 = arith.constant 1 : i32
      %dma_start3A_26 = arith.constant 0 : i32
      %dma_start3A_27 = tpu.memref_slice %arg7[%dma_start3A_25, %dma_start3A_26] : memref<64x32xi32, #tpu.memory_space<vmem>> -> memref<1x32xi32, #tpu.memory_space<vmem>>
      %dma_start3A_28 = tpu.memref_squeeze %dma_start3A_27 : memref<1x32xi32, #tpu.memory_space<vmem>> -> memref<32xi32, #tpu.memory_space<vmem>>
      %dma_start3A_29 = arith.constant 0 : i32
      %dma_start3A_30 = arith.constant 0 : i32
      %dma_start3A_31 = tpu.memref_slice %arg2[%dma_start3A_29, %dma_start3A_30] : memref<10240x128xf32, #tpu.memory_space<hbm>> -> memref<10240x128xf32, #tpu.memory_space<hbm>>
      tpu.enqueue_indirect_dma source(%dma_start3A_31 : memref<10240x128xf32, #tpu.memory_space<hbm>>) target(%arg10 : memref<32x128xf32, #tpu.memory_space<vmem>>) offsets(%dma_start3A_28 : memref<32xi32, #tpu.memory_space<vmem>>) semaphore(%arg19 : memref<!tpu.dma_semaphore, #tpu.memory_space<semaphore_mem>>)
      %dma_start3A_32 = arith.constant 2 : i32
      %dma_start3A_33 = arith.constant 0 : i32
      %dma_start3A_34 = tpu.memref_slice %arg7[%dma_start3A_32, %dma_start3A_33] : memref<64x32xi32, #tpu.memory_space<vmem>> -> memref<1x32xi32, #tpu.memory_space<vmem>>
      %dma_start3A_35 = tpu.memref_squeeze %dma_start3A_34 : memref<1x32xi32, #tpu.memory_space<vmem>> -> memref<32xi32, #tpu.memory_space<vmem>>
      %dma_start3A_36 = arith.constant 0 : i32
      %dma_start3A_37 = arith.constant 0 : i32
      %dma_start3A_38 = tpu.memref_slice %arg2[%dma_start3A_36, %dma_start3A_37] : memref<10240x128xf32, #tpu.memory_space<hbm>> -> memref<10240x128xf32, #tpu.memory_space<hbm>>
      tpu.enqueue_indirect_dma source(%dma_start3A_38 : memref<10240x128xf32, #tpu.memory_space<hbm>>) target(%arg11 : memref<32x128xf32, #tpu.memory_space<vmem>>) offsets(%dma_start3A_35 : memref<32xi32, #tpu.memory_space<vmem>>) semaphore(%arg20 : memref<!tpu.dma_semaphore, #tpu.memory_space<semaphore_mem>>)
      %dma_start3A_39 = arith.constant 3 : i32
      %dma_start3A_40 = arith.constant 0 : i32
      %dma_start3A_41 = tpu.memref_slice %arg7[%dma_start3A_39, %dma_start3A_40] : memref<64x32xi32, #tpu.memory_space<vmem>> -> memref<1x32xi32, #tpu.memory_space<vmem>>
      %dma_start3A_42 = tpu.memref_squeeze %dma_start3A_41 : memref<1x32xi32, #tpu.memory_space<vmem>> -> memref<32xi32, #tpu.memory_space<vmem>>
      %dma_start3A_43 = arith.constant 0 : i32
      %dma_start3A_44 = arith.constant 0 : i32
      %dma_start3A_45 = tpu.memref_slice %arg2[%dma_start3A_43, %dma_start3A_44] : memref<10240x128xf32, #tpu.memory_space<hbm>> -> memref<10240x128xf32, #tpu.memory_space<hbm>>
      tpu.enqueue_indirect_dma source(%dma_start3A_45 : memref<10240x128xf32, #tpu.memory_space<hbm>>) target(%arg12 : memref<32x128xf32, #tpu.memory_space<vmem>>) offsets(%dma_start3A_42 : memref<32xi32, #tpu.memory_space<vmem>>) semaphore(%arg21 : memref<!tpu.dma_semaphore, #tpu.memory_space<semaphore_mem>>)
      %dma_start3A_46 = arith.constant 4 : i32
      %dma_start3A_47 = arith.constant 0 : i32
      %dma_start3A_48 = tpu.memref_slice %arg7[%dma_start3A_46, %dma_start3A_47] : memref<64x32xi32, #tpu.memory_space<vmem>> -> memref<1x32xi32, #tpu.memory_space<vmem>>
      %dma_start3A_49 = tpu.memref_squeeze %dma_start3A_48 : memref<1x32xi32, #tpu.memory_space<vmem>> -> memref<32xi32, #tpu.memory_space<vmem>>
      %dma_start3A_50 = arith.constant 0 : i32
      %dma_start3A_51 = arith.constant 0 : i32
      %dma_start3A_52 = tpu.memref_slice %arg2[%dma_start3A_50, %dma_start3A_51] : memref<10240x128xf32, #tpu.memory_space<hbm>> -> memref<10240x128xf32, #tpu.memory_space<hbm>>
      tpu.enqueue_indirect_dma source(%dma_start3A_52 : memref<10240x128xf32, #tpu.memory_space<hbm>>) target(%arg13 : memref<32x128xf32, #tpu.memory_space<vmem>>) offsets(%dma_start3A_49 : memref<32xi32, #tpu.memory_space<vmem>>) semaphore(%arg22 : memref<!tpu.dma_semaphore, #tpu.memory_space<semaphore_mem>>)
      %dma_start3A_53 = arith.constant 5 : i32
      %dma_start3A_54 = arith.constant 0 : i32
      %dma_start3A_55 = tpu.memref_slice %arg7[%dma_start3A_53, %dma_start3A_54] : memref<64x32xi32, #tpu.memory_space<vmem>> -> memref<1x32xi32, #tpu.memory_space<vmem>>
      %dma_start3A_56 = tpu.memref_squeeze %dma_start3A_55 : memref<1x32xi32, #tpu.memory_space<vmem>> -> memref<32xi32, #tpu.memory_space<vmem>>
      %dma_start3A_57 = arith.constant 0 : i32
      %dma_start3A_58 = arith.constant 0 : i32
      %dma_start3A_59 = tpu.memref_slice %arg2[%dma_start3A_57, %dma_start3A_58] : memref<10240x128xf32, #tpu.memory_space<hbm>> -> memref<10240x128xf32, #tpu.memory_space<hbm>>
      tpu.enqueue_indirect_dma source(%dma_start3A_59 : memref<10240x128xf32, #tpu.memory_space<hbm>>) target(%arg14 : memref<32x128xf32, #tpu.memory_space<vmem>>) offsets(%dma_start3A_56 : memref<32xi32, #tpu.memory_space<vmem>>) semaphore(%arg23 : memref<!tpu.dma_semaphore, #tpu.memory_space<semaphore_mem>>)
      %dma_start3A_60 = arith.constant 6 : i32
      %dma_start3A_61 = arith.constant 0 : i32
      %dma_start3A_62 = tpu.memref_slice %arg7[%dma_start3A_60, %dma_start3A_61] : memref<64x32xi32, #tpu.memory_space<vmem>> -> memref<1x32xi32, #tpu.memory_space<vmem>>
      %dma_start3A_63 = tpu.memref_squeeze %dma_start3A_62 : memref<1x32xi32, #tpu.memory_space<vmem>> -> memref<32xi32, #tpu.memory_space<vmem>>
      %dma_start3A_64 = arith.constant 0 : i32
      %dma_start3A_65 = arith.constant 0 : i32
      %dma_start3A_66 = tpu.memref_slice %arg2[%dma_start3A_64, %dma_start3A_65] : memref<10240x128xf32, #tpu.memory_space<hbm>> -> memref<10240x128xf32, #tpu.memory_space<hbm>>
      tpu.enqueue_indirect_dma source(%dma_start3A_66 : memref<10240x128xf32, #tpu.memory_space<hbm>>) target(%arg15 : memref<32x128xf32, #tpu.memory_space<vmem>>) offsets(%dma_start3A_63 : memref<32xi32, #tpu.memory_space<vmem>>) semaphore(%arg24 : memref<!tpu.dma_semaphore, #tpu.memory_space<semaphore_mem>>)
      %dma_start3A_67 = arith.constant 7 : i32
      %dma_start3A_68 = arith.constant 0 : i32
      %dma_start3A_69 = tpu.memref_slice %arg7[%dma_start3A_67, %dma_start3A_68] : memref<64x32xi32, #tpu.memory_space<vmem>> -> memref<1x32xi32, #tpu.memory_space<vmem>>
      %dma_start3A_70 = tpu.memref_squeeze %dma_start3A_69 : memref<1x32xi32, #tpu.memory_space<vmem>> -> memref<32xi32, #tpu.memory_space<vmem>>
      %dma_start3A_71 = arith.constant 0 : i32
      %dma_start3A_72 = arith.constant 0 : i32
      %dma_start3A_73 = tpu.memref_slice %arg2[%dma_start3A_71, %dma_start3A_72] : memref<10240x128xf32, #tpu.memory_space<hbm>> -> memref<10240x128xf32, #tpu.memory_space<hbm>>
      tpu.enqueue_indirect_dma source(%dma_start3A_73 : memref<10240x128xf32, #tpu.memory_space<hbm>>) target(%arg16 : memref<32x128xf32, #tpu.memory_space<vmem>>) offsets(%dma_start3A_70 : memref<32xi32, #tpu.memory_space<vmem>>) semaphore(%arg25 : memref<!tpu.dma_semaphore, #tpu.memory_space<semaphore_mem>>)
      %scan3A_74 = arith.constant 0 : i32
      %scan3A_75 = arith.constant 0 : i32
      %scan3A_76 = arith.constant 7 : i32
      %scan3A_77 = arith.addi %scan3A_75, %scan3A_76 : i32
      %scan3A_78 = arith.constant 1 : i32
      scf.for %scan3A_247 = %scan3A_75 to %scan3A_77 step %scan3A_78  : i32 {
        %dma_wait3A_248 = arith.constant 0 : i32
        %dma_wait3A_249 = arith.constant 0 : i32
        %dma_wait3A_250 = tpu.memref_slice %arg7[%dma_wait3A_248, %dma_wait3A_249] : memref<64x32xi32, #tpu.memory_space<vmem>> -> memref<1x32xi32, #tpu.memory_space<vmem>>
        %dma_wait3A_251 = tpu.memref_squeeze %dma_wait3A_250 : memref<1x32xi32, #tpu.memory_space<vmem>> -> memref<32xi32, #tpu.memory_space<vmem>>
        %dma_wait3A_252 = arith.constant 0 : i32
        %dma_wait3A_253 = arith.constant 0 : i32
        %dma_wait3A_254 = tpu.memref_slice %arg2[%dma_wait3A_252, %dma_wait3A_253] : memref<10240x128xf32, #tpu.memory_space<hbm>> -> memref<10240x128xf32, #tpu.memory_space<hbm>>
        tpu.wait_indirect_dma semaphore(%arg18 : memref<!tpu.dma_semaphore, #tpu.memory_space<semaphore_mem>>) src(%dma_wait3A_254 : memref<10240x128xf32, #tpu.memory_space<hbm>>) dst(%arg9 : memref<32x128xf32, #tpu.memory_space<vmem>>)
        %mul3A_255 = arith.constant 8 : i32
        %mul3A_256 = arith.muli %scan3A_247, %mul3A_255 : i32
        %add3A_257 = arith.constant 0 : i32
        %add3A_258 = arith.addi %mul3A_256, %add3A_257 : i32
        %dma_start3A_259 = arith.constant 0 : i32
        %dma_start3A_260 = tpu.memref_slice %arg8[%add3A_258, %dma_start3A_259] : memref<64x32xi32, #tpu.memory_space<vmem>> -> memref<1x32xi32, #tpu.memory_space<vmem>>
        %dma_start3A_261 = tpu.memref_squeeze %dma_start3A_260 : memref<1x32xi32, #tpu.memory_space<vmem>> -> memref<32xi32, #tpu.memory_space<vmem>>
        %dma_start3A_262 = arith.constant 0 : i32
        %dma_start3A_263 = arith.constant 0 : i32
        %dma_start3A_264 = tpu.memref_slice %arg17[%dma_start3A_262, %dma_start3A_263] : memref<10240x128xf32, #tpu.memory_space<vmem_shared>> -> memref<10240x128xf32, #tpu.memory_space<vmem_shared>>
        tpu.enqueue_indirect_dma source(%arg9 : memref<32x128xf32, #tpu.memory_space<vmem>>) target(%dma_start3A_264 : memref<10240x128xf32, #tpu.memory_space<vmem_shared>>) offsets(%dma_start3A_261 : memref<32xi32, #tpu.memory_space<vmem>>) semaphore(%arg26 : memref<!tpu.dma_semaphore, #tpu.memory_space<semaphore_mem>>) {add = true}
        %dma_wait3A_265 = arith.constant 0 : i32
        %dma_wait3A_266 = arith.constant 0 : i32
        %dma_wait3A_267 = tpu.memref_slice %arg7[%dma_wait3A_265, %dma_wait3A_266] : memref<64x32xi32, #tpu.memory_space<vmem>> -> memref<1x32xi32, #tpu.memory_space<vmem>>
        %dma_wait3A_268 = tpu.memref_squeeze %dma_wait3A_267 : memref<1x32xi32, #tpu.memory_space<vmem>> -> memref<32xi32, #tpu.memory_space<vmem>>
        %dma_wait3A_269 = arith.constant 0 : i32
        %dma_wait3A_270 = arith.constant 0 : i32
        %dma_wait3A_271 = tpu.memref_slice %arg2[%dma_wait3A_269, %dma_wait3A_270] : memref<10240x128xf32, #tpu.memory_space<hbm>> -> memref<10240x128xf32, #tpu.memory_space<hbm>>
        tpu.wait_indirect_dma semaphore(%arg19 : memref<!tpu.dma_semaphore, #tpu.memory_space<semaphore_mem>>) src(%dma_wait3A_271 : memref<10240x128xf32, #tpu.memory_space<hbm>>) dst(%arg10 : memref<32x128xf32, #tpu.memory_space<vmem>>)
        %mul3A_272 = arith.constant 8 : i32
        %mul3A_273 = arith.muli %scan3A_247, %mul3A_272 : i32
        %add3A_274 = arith.constant 1 : i32
        %add3A_275 = arith.addi %mul3A_273, %add3A_274 : i32
        %dma_start3A_276 = arith.constant 0 : i32
        %dma_start3A_277 = tpu.memref_slice %arg8[%add3A_275, %dma_start3A_276] : memref<64x32xi32, #tpu.memory_space<vmem>> -> memref<1x32xi32, #tpu.memory_space<vmem>>
        %dma_start3A_278 = tpu.memref_squeeze %dma_start3A_277 : memref<1x32xi32, #tpu.memory_space<vmem>> -> memref<32xi32, #tpu.memory_space<vmem>>
        %dma_start3A_279 = arith.constant 0 : i32
        %dma_start3A_280 = arith.constant 0 : i32
        %dma_start3A_281 = tpu.memref_slice %arg17[%dma_start3A_279, %dma_start3A_280] : memref<10240x128xf32, #tpu.memory_space<vmem_shared>> -> memref<10240x128xf32, #tpu.memory_space<vmem_shared>>
        tpu.enqueue_indirect_dma source(%arg10 : memref<32x128xf32, #tpu.memory_space<vmem>>) target(%dma_start3A_281 : memref<10240x128xf32, #tpu.memory_space<vmem_shared>>) offsets(%dma_start3A_278 : memref<32xi32, #tpu.memory_space<vmem>>) semaphore(%arg27 : memref<!tpu.dma_semaphore, #tpu.memory_space<semaphore_mem>>) {add = true}
        %dma_wait3A_282 = arith.constant 0 : i32
        %dma_wait3A_283 = arith.constant 0 : i32
        %dma_wait3A_284 = tpu.memref_slice %arg7[%dma_wait3A_282, %dma_wait3A_283] : memref<64x32xi32, #tpu.memory_space<vmem>> -> memref<1x32xi32, #tpu.memory_space<vmem>>
        %dma_wait3A_285 = tpu.memref_squeeze %dma_wait3A_284 : memref<1x32xi32, #tpu.memory_space<vmem>> -> memref<32xi32, #tpu.memory_space<vmem>>
        %dma_wait3A_286 = arith.constant 0 : i32
        %dma_wait3A_287 = arith.constant 0 : i32
        %dma_wait3A_288 = tpu.memref_slice %arg2[%dma_wait3A_286, %dma_wait3A_287] : memref<10240x128xf32, #tpu.memory_space<hbm>> -> memref<10240x128xf32, #tpu.memory_space<hbm>>
        tpu.wait_indirect_dma semaphore(%arg20 : memref<!tpu.dma_semaphore, #tpu.memory_space<semaphore_mem>>) src(%dma_wait3A_288 : memref<10240x128xf32, #tpu.memory_space<hbm>>) dst(%arg11 : memref<32x128xf32, #tpu.memory_space<vmem>>)
        %mul3A_289 = arith.constant 8 : i32
        %mul3A_290 = arith.muli %scan3A_247, %mul3A_289 : i32
        %add3A_291 = arith.constant 2 : i32
        %add3A_292 = arith.addi %mul3A_290, %add3A_291 : i32
        %dma_start3A_293 = arith.constant 0 : i32
        %dma_start3A_294 = tpu.memref_slice %arg8[%add3A_292, %dma_start3A_293] : memref<64x32xi32, #tpu.memory_space<vmem>> -> memref<1x32xi32, #tpu.memory_space<vmem>>
        %dma_start3A_295 = tpu.memref_squeeze %dma_start3A_294 : memref<1x32xi32, #tpu.memory_space<vmem>> -> memref<32xi32, #tpu.memory_space<vmem>>
        %dma_start3A_296 = arith.constant 0 : i32
        %dma_start3A_297 = arith.constant 0 : i32
        %dma_start3A_298 = tpu.memref_slice %arg17[%dma_start3A_296, %dma_start3A_297] : memref<10240x128xf32, #tpu.memory_space<vmem_shared>> -> memref<10240x128xf32, #tpu.memory_space<vmem_shared>>
        tpu.enqueue_indirect_dma source(%arg11 : memref<32x128xf32, #tpu.memory_space<vmem>>) target(%dma_start3A_298 : memref<10240x128xf32, #tpu.memory_space<vmem_shared>>) offsets(%dma_start3A_295 : memref<32xi32, #tpu.memory_space<vmem>>) semaphore(%arg28 : memref<!tpu.dma_semaphore, #tpu.memory_space<semaphore_mem>>) {add = true}
        %dma_wait3A_299 = arith.constant 0 : i32
        %dma_wait3A_300 = arith.constant 0 : i32
        %dma_wait3A_301 = tpu.memref_slice %arg7[%dma_wait3A_299, %dma_wait3A_300] : memref<64x32xi32, #tpu.memory_space<vmem>> -> memref<1x32xi32, #tpu.memory_space<vmem>>
        %dma_wait3A_302 = tpu.memref_squeeze %dma_wait3A_301 : memref<1x32xi32, #tpu.memory_space<vmem>> -> memref<32xi32, #tpu.memory_space<vmem>>
        %dma_wait3A_303 = arith.constant 0 : i32
        %dma_wait3A_304 = arith.constant 0 : i32
        %dma_wait3A_305 = tpu.memref_slice %arg2[%dma_wait3A_303, %dma_wait3A_304] : memref<10240x128xf32, #tpu.memory_space<hbm>> -> memref<10240x128xf32, #tpu.memory_space<hbm>>
        tpu.wait_indirect_dma semaphore(%arg21 : memref<!tpu.dma_semaphore, #tpu.memory_space<semaphore_mem>>) src(%dma_wait3A_305 : memref<10240x128xf32, #tpu.memory_space<hbm>>) dst(%arg12 : memref<32x128xf32, #tpu.memory_space<vmem>>)
        %mul3A_306 = arith.constant 8 : i32
        %mul3A_307 = arith.muli %scan3A_247, %mul3A_306 : i32
        %add3A_308 = arith.constant 3 : i32
        %add3A_309 = arith.addi %mul3A_307, %add3A_308 : i32
        %dma_start3A_310 = arith.constant 0 : i32
        %dma_start3A_311 = tpu.memref_slice %arg8[%add3A_309, %dma_start3A_310] : memref<64x32xi32, #tpu.memory_space<vmem>> -> memref<1x32xi32, #tpu.memory_space<vmem>>
        %dma_start3A_312 = tpu.memref_squeeze %dma_start3A_311 : memref<1x32xi32, #tpu.memory_space<vmem>> -> memref<32xi32, #tpu.memory_space<vmem>>
        %dma_start3A_313 = arith.constant 0 : i32
        %dma_start3A_314 = arith.constant 0 : i32
        %dma_start3A_315 = tpu.memref_slice %arg17[%dma_start3A_313, %dma_start3A_314] : memref<10240x128xf32, #tpu.memory_space<vmem_shared>> -> memref<10240x128xf32, #tpu.memory_space<vmem_shared>>
        tpu.enqueue_indirect_dma source(%arg12 : memref<32x128xf32, #tpu.memory_space<vmem>>) target(%dma_start3A_315 : memref<10240x128xf32, #tpu.memory_space<vmem_shared>>) offsets(%dma_start3A_312 : memref<32xi32, #tpu.memory_space<vmem>>) semaphore(%arg29 : memref<!tpu.dma_semaphore, #tpu.memory_space<semaphore_mem>>) {add = true}
        %dma_wait3A_316 = arith.constant 0 : i32
        %dma_wait3A_317 = arith.constant 0 : i32
        %dma_wait3A_318 = tpu.memref_slice %arg7[%dma_wait3A_316, %dma_wait3A_317] : memref<64x32xi32, #tpu.memory_space<vmem>> -> memref<1x32xi32, #tpu.memory_space<vmem>>
        %dma_wait3A_319 = tpu.memref_squeeze %dma_wait3A_318 : memref<1x32xi32, #tpu.memory_space<vmem>> -> memref<32xi32, #tpu.memory_space<vmem>>
        %dma_wait3A_320 = arith.constant 0 : i32
        %dma_wait3A_321 = arith.constant 0 : i32
        %dma_wait3A_322 = tpu.memref_slice %arg2[%dma_wait3A_320, %dma_wait3A_321] : memref<10240x128xf32, #tpu.memory_space<hbm>> -> memref<10240x128xf32, #tpu.memory_space<hbm>>
        tpu.wait_indirect_dma semaphore(%arg22 : memref<!tpu.dma_semaphore, #tpu.memory_space<semaphore_mem>>) src(%dma_wait3A_322 : memref<10240x128xf32, #tpu.memory_space<hbm>>) dst(%arg13 : memref<32x128xf32, #tpu.memory_space<vmem>>)
        %mul3A_323 = arith.constant 8 : i32
        %mul3A_324 = arith.muli %scan3A_247, %mul3A_323 : i32
        %add3A_325 = arith.constant 4 : i32
        %add3A_326 = arith.addi %mul3A_324, %add3A_325 : i32
        %dma_start3A_327 = arith.constant 0 : i32
        %dma_start3A_328 = tpu.memref_slice %arg8[%add3A_326, %dma_start3A_327] : memref<64x32xi32, #tpu.memory_space<vmem>> -> memref<1x32xi32, #tpu.memory_space<vmem>>
        %dma_start3A_329 = tpu.memref_squeeze %dma_start3A_328 : memref<1x32xi32, #tpu.memory_space<vmem>> -> memref<32xi32, #tpu.memory_space<vmem>>
        %dma_start3A_330 = arith.constant 0 : i32
        %dma_start3A_331 = arith.constant 0 : i32
        %dma_start3A_332 = tpu.memref_slice %arg17[%dma_start3A_330, %dma_start3A_331] : memref<10240x128xf32, #tpu.memory_space<vmem_shared>> -> memref<10240x128xf32, #tpu.memory_space<vmem_shared>>
        tpu.enqueue_indirect_dma source(%arg13 : memref<32x128xf32, #tpu.memory_space<vmem>>) target(%dma_start3A_332 : memref<10240x128xf32, #tpu.memory_space<vmem_shared>>) offsets(%dma_start3A_329 : memref<32xi32, #tpu.memory_space<vmem>>) semaphore(%arg30 : memref<!tpu.dma_semaphore, #tpu.memory_space<semaphore_mem>>) {add = true}
        %dma_wait3A_333 = arith.constant 0 : i32
        %dma_wait3A_334 = arith.constant 0 : i32
        %dma_wait3A_335 = tpu.memref_slice %arg7[%dma_wait3A_333, %dma_wait3A_334] : memref<64x32xi32, #tpu.memory_space<vmem>> -> memref<1x32xi32, #tpu.memory_space<vmem>>
        %dma_wait3A_336 = tpu.memref_squeeze %dma_wait3A_335 : memref<1x32xi32, #tpu.memory_space<vmem>> -> memref<32xi32, #tpu.memory_space<vmem>>
        %dma_wait3A_337 = arith.constant 0 : i32
        %dma_wait3A_338 = arith.constant 0 : i32
        %dma_wait3A_339 = tpu.memref_slice %arg2[%dma_wait3A_337, %dma_wait3A_338] : memref<10240x128xf32, #tpu.memory_space<hbm>> -> memref<10240x128xf32, #tpu.memory_space<hbm>>
        tpu.wait_indirect_dma semaphore(%arg23 : memref<!tpu.dma_semaphore, #tpu.memory_space<semaphore_mem>>) src(%dma_wait3A_339 : memref<10240x128xf32, #tpu.memory_space<hbm>>) dst(%arg14 : memref<32x128xf32, #tpu.memory_space<vmem>>)
        %mul3A_340 = arith.constant 8 : i32
        %mul3A_341 = arith.muli %scan3A_247, %mul3A_340 : i32
        %add3A_342 = arith.constant 5 : i32
        %add3A_343 = arith.addi %mul3A_341, %add3A_342 : i32
        %dma_start3A_344 = arith.constant 0 : i32
        %dma_start3A_345 = tpu.memref_slice %arg8[%add3A_343, %dma_start3A_344] : memref<64x32xi32, #tpu.memory_space<vmem>> -> memref<1x32xi32, #tpu.memory_space<vmem>>
        %dma_start3A_346 = tpu.memref_squeeze %dma_start3A_345 : memref<1x32xi32, #tpu.memory_space<vmem>> -> memref<32xi32, #tpu.memory_space<vmem>>
        %dma_start3A_347 = arith.constant 0 : i32
        %dma_start3A_348 = arith.constant 0 : i32
        %dma_start3A_349 = tpu.memref_slice %arg17[%dma_start3A_347, %dma_start3A_348] : memref<10240x128xf32, #tpu.memory_space<vmem_shared>> -> memref<10240x128xf32, #tpu.memory_space<vmem_shared>>
        tpu.enqueue_indirect_dma source(%arg14 : memref<32x128xf32, #tpu.memory_space<vmem>>) target(%dma_start3A_349 : memref<10240x128xf32, #tpu.memory_space<vmem_shared>>) offsets(%dma_start3A_346 : memref<32xi32, #tpu.memory_space<vmem>>) semaphore(%arg31 : memref<!tpu.dma_semaphore, #tpu.memory_space<semaphore_mem>>) {add = true}
        %dma_wait3A_350 = arith.constant 0 : i32
        %dma_wait3A_351 = arith.constant 0 : i32
        %dma_wait3A_352 = tpu.memref_slice %arg7[%dma_wait3A_350, %dma_wait3A_351] : memref<64x32xi32, #tpu.memory_space<vmem>> -> memref<1x32xi32, #tpu.memory_space<vmem>>
        %dma_wait3A_353 = tpu.memref_squeeze %dma_wait3A_352 : memref<1x32xi32, #tpu.memory_space<vmem>> -> memref<32xi32, #tpu.memory_space<vmem>>
        %dma_wait3A_354 = arith.constant 0 : i32
        %dma_wait3A_355 = arith.constant 0 : i32
        %dma_wait3A_356 = tpu.memref_slice %arg2[%dma_wait3A_354, %dma_wait3A_355] : memref<10240x128xf32, #tpu.memory_space<hbm>> -> memref<10240x128xf32, #tpu.memory_space<hbm>>
        tpu.wait_indirect_dma semaphore(%arg24 : memref<!tpu.dma_semaphore, #tpu.memory_space<semaphore_mem>>) src(%dma_wait3A_356 : memref<10240x128xf32, #tpu.memory_space<hbm>>) dst(%arg15 : memref<32x128xf32, #tpu.memory_space<vmem>>)
        %mul3A_357 = arith.constant 8 : i32
        %mul3A_358 = arith.muli %scan3A_247, %mul3A_357 : i32
        %add3A_359 = arith.constant 6 : i32
        %add3A_360 = arith.addi %mul3A_358, %add3A_359 : i32
        %dma_start3A_361 = arith.constant 0 : i32
        %dma_start3A_362 = tpu.memref_slice %arg8[%add3A_360, %dma_start3A_361] : memref<64x32xi32, #tpu.memory_space<vmem>> -> memref<1x32xi32, #tpu.memory_space<vmem>>
        %dma_start3A_363 = tpu.memref_squeeze %dma_start3A_362 : memref<1x32xi32, #tpu.memory_space<vmem>> -> memref<32xi32, #tpu.memory_space<vmem>>
        %dma_start3A_364 = arith.constant 0 : i32
        %dma_start3A_365 = arith.constant 0 : i32
        %dma_start3A_366 = tpu.memref_slice %arg17[%dma_start3A_364, %dma_start3A_365] : memref<10240x128xf32, #tpu.memory_space<vmem_shared>> -> memref<10240x128xf32, #tpu.memory_space<vmem_shared>>
        tpu.enqueue_indirect_dma source(%arg15 : memref<32x128xf32, #tpu.memory_space<vmem>>) target(%dma_start3A_366 : memref<10240x128xf32, #tpu.memory_space<vmem_shared>>) offsets(%dma_start3A_363 : memref<32xi32, #tpu.memory_space<vmem>>) semaphore(%arg32 : memref<!tpu.dma_semaphore, #tpu.memory_space<semaphore_mem>>) {add = true}
        %dma_wait3A_367 = arith.constant 0 : i32
        %dma_wait3A_368 = arith.constant 0 : i32
        %dma_wait3A_369 = tpu.memref_slice %arg7[%dma_wait3A_367, %dma_wait3A_368] : memref<64x32xi32, #tpu.memory_space<vmem>> -> memref<1x32xi32, #tpu.memory_space<vmem>>
        %dma_wait3A_370 = tpu.memref_squeeze %dma_wait3A_369 : memref<1x32xi32, #tpu.memory_space<vmem>> -> memref<32xi32, #tpu.memory_space<vmem>>
        %dma_wait3A_371 = arith.constant 0 : i32
        %dma_wait3A_372 = arith.constant 0 : i32
        %dma_wait3A_373 = tpu.memref_slice %arg2[%dma_wait3A_371, %dma_wait3A_372] : memref<10240x128xf32, #tpu.memory_space<hbm>> -> memref<10240x128xf32, #tpu.memory_space<hbm>>
        tpu.wait_indirect_dma semaphore(%arg25 : memref<!tpu.dma_semaphore, #tpu.memory_space<semaphore_mem>>) src(%dma_wait3A_373 : memref<10240x128xf32, #tpu.memory_space<hbm>>) dst(%arg16 : memref<32x128xf32, #tpu.memory_space<vmem>>)
        %mul3A_374 = arith.constant 8 : i32
        %mul3A_375 = arith.muli %scan3A_247, %mul3A_374 : i32
        %add3A_376 = arith.constant 7 : i32
        %add3A_377 = arith.addi %mul3A_375, %add3A_376 : i32
        %dma_start3A_378 = arith.constant 0 : i32
        %dma_start3A_379 = tpu.memref_slice %arg8[%add3A_377, %dma_start3A_378] : memref<64x32xi32, #tpu.memory_space<vmem>> -> memref<1x32xi32, #tpu.memory_space<vmem>>
        %dma_start3A_380 = tpu.memref_squeeze %dma_start3A_379 : memref<1x32xi32, #tpu.memory_space<vmem>> -> memref<32xi32, #tpu.memory_space<vmem>>
        %dma_start3A_381 = arith.constant 0 : i32
        %dma_start3A_382 = arith.constant 0 : i32
        %dma_start3A_383 = tpu.memref_slice %arg17[%dma_start3A_381, %dma_start3A_382] : memref<10240x128xf32, #tpu.memory_space<vmem_shared>> -> memref<10240x128xf32, #tpu.memory_space<vmem_shared>>
        tpu.enqueue_indirect_dma source(%arg16 : memref<32x128xf32, #tpu.memory_space<vmem>>) target(%dma_start3A_383 : memref<10240x128xf32, #tpu.memory_space<vmem_shared>>) offsets(%dma_start3A_380 : memref<32xi32, #tpu.memory_space<vmem>>) semaphore(%arg33 : memref<!tpu.dma_semaphore, #tpu.memory_space<semaphore_mem>>) {add = true}
        %dma_wait3A_384 = arith.constant 0 : i32
        %dma_wait3A_385 = arith.constant 0 : i32
        %dma_wait3A_386 = tpu.memref_slice %arg8[%dma_wait3A_384, %dma_wait3A_385] : memref<64x32xi32, #tpu.memory_space<vmem>> -> memref<1x32xi32, #tpu.memory_space<vmem>>
        %dma_wait3A_387 = tpu.memref_squeeze %dma_wait3A_386 : memref<1x32xi32, #tpu.memory_space<vmem>> -> memref<32xi32, #tpu.memory_space<vmem>>
        %dma_wait3A_388 = arith.constant 0 : i32
        %dma_wait3A_389 = arith.constant 0 : i32
        %dma_wait3A_390 = tpu.memref_slice %arg17[%dma_wait3A_388, %dma_wait3A_389] : memref<10240x128xf32, #tpu.memory_space<vmem_shared>> -> memref<10240x128xf32, #tpu.memory_space<vmem_shared>>
        tpu.wait_indirect_dma semaphore(%arg26 : memref<!tpu.dma_semaphore, #tpu.memory_space<semaphore_mem>>) src(%arg9 : memref<32x128xf32, #tpu.memory_space<vmem>>) dst(%dma_wait3A_390 : memref<10240x128xf32, #tpu.memory_space<vmem_shared>>)
        %add3A_391 = arith.constant 1 : i32
        %add3A_392 = arith.addi %scan3A_247, %add3A_391 : i32
        %mul3A_393 = arith.constant 8 : i32
        %mul3A_394 = arith.muli %add3A_392, %mul3A_393 : i32
        %add3A_395 = arith.constant 0 : i32
        %add3A_396 = arith.addi %mul3A_394, %add3A_395 : i32
        %dma_start3A_397 = arith.constant 0 : i32
        %dma_start3A_398 = tpu.memref_slice %arg7[%add3A_396, %dma_start3A_397] : memref<64x32xi32, #tpu.memory_space<vmem>> -> memref<1x32xi32, #tpu.memory_space<vmem>>
        %dma_start3A_399 = tpu.memref_squeeze %dma_start3A_398 : memref<1x32xi32, #tpu.memory_space<vmem>> -> memref<32xi32, #tpu.memory_space<vmem>>
        %dma_start3A_400 = arith.constant 0 : i32
        %dma_start3A_401 = arith.constant 0 : i32
        %dma_start3A_402 = tpu.memref_slice %arg2[%dma_start3A_400, %dma_start3A_401] : memref<10240x128xf32, #tpu.memory_space<hbm>> -> memref<10240x128xf32, #tpu.memory_space<hbm>>
        tpu.enqueue_indirect_dma source(%dma_start3A_402 : memref<10240x128xf32, #tpu.memory_space<hbm>>) target(%arg9 : memref<32x128xf32, #tpu.memory_space<vmem>>) offsets(%dma_start3A_399 : memref<32xi32, #tpu.memory_space<vmem>>) semaphore(%arg18 : memref<!tpu.dma_semaphore, #tpu.memory_space<semaphore_mem>>)
        %dma_wait3A_403 = arith.constant 0 : i32
        %dma_wait3A_404 = arith.constant 0 : i32
        %dma_wait3A_405 = tpu.memref_slice %arg8[%dma_wait3A_403, %dma_wait3A_404] : memref<64x32xi32, #tpu.memory_space<vmem>> -> memref<1x32xi32, #tpu.memory_space<vmem>>
        %dma_wait3A_406 = tpu.memref_squeeze %dma_wait3A_405 : memref<1x32xi32, #tpu.memory_space<vmem>> -> memref<32xi32, #tpu.memory_space<vmem>>
        %dma_wait3A_407 = arith.constant 0 : i32
        %dma_wait3A_408 = arith.constant 0 : i32
        %dma_wait3A_409 = tpu.memref_slice %arg17[%dma_wait3A_407, %dma_wait3A_408] : memref<10240x128xf32, #tpu.memory_space<vmem_shared>> -> memref<10240x128xf32, #tpu.memory_space<vmem_shared>>
        tpu.wait_indirect_dma semaphore(%arg27 : memref<!tpu.dma_semaphore, #tpu.memory_space<semaphore_mem>>) src(%arg10 : memref<32x128xf32, #tpu.memory_space<vmem>>) dst(%dma_wait3A_409 : memref<10240x128xf32, #tpu.memory_space<vmem_shared>>)
        %add3A_410 = arith.constant 1 : i32
        %add3A_411 = arith.addi %scan3A_247, %add3A_410 : i32
        %mul3A_412 = arith.constant 8 : i32
        %mul3A_413 = arith.muli %add3A_411, %mul3A_412 : i32
        %add3A_414 = arith.constant 1 : i32
        %add3A_415 = arith.addi %mul3A_413, %add3A_414 : i32
        %dma_start3A_416 = arith.constant 0 : i32
        %dma_start3A_417 = tpu.memref_slice %arg7[%add3A_415, %dma_start3A_416] : memref<64x32xi32, #tpu.memory_space<vmem>> -> memref<1x32xi32, #tpu.memory_space<vmem>>
        %dma_start3A_418 = tpu.memref_squeeze %dma_start3A_417 : memref<1x32xi32, #tpu.memory_space<vmem>> -> memref<32xi32, #tpu.memory_space<vmem>>
        %dma_start3A_419 = arith.constant 0 : i32
        %dma_start3A_420 = arith.constant 0 : i32
        %dma_start3A_421 = tpu.memref_slice %arg2[%dma_start3A_419, %dma_start3A_420] : memref<10240x128xf32, #tpu.memory_space<hbm>> -> memref<10240x128xf32, #tpu.memory_space<hbm>>
        tpu.enqueue_indirect_dma source(%dma_start3A_421 : memref<10240x128xf32, #tpu.memory_space<hbm>>) target(%arg10 : memref<32x128xf32, #tpu.memory_space<vmem>>) offsets(%dma_start3A_418 : memref<32xi32, #tpu.memory_space<vmem>>) semaphore(%arg19 : memref<!tpu.dma_semaphore, #tpu.memory_space<semaphore_mem>>)
        %dma_wait3A_422 = arith.constant 0 : i32
        %dma_wait3A_423 = arith.constant 0 : i32
        %dma_wait3A_424 = tpu.memref_slice %arg8[%dma_wait3A_422, %dma_wait3A_423] : memref<64x32xi32, #tpu.memory_space<vmem>> -> memref<1x32xi32, #tpu.memory_space<vmem>>
        %dma_wait3A_425 = tpu.memref_squeeze %dma_wait3A_424 : memref<1x32xi32, #tpu.memory_space<vmem>> -> memref<32xi32, #tpu.memory_space<vmem>>
        %dma_wait3A_426 = arith.constant 0 : i32
        %dma_wait3A_427 = arith.constant 0 : i32
        %dma_wait3A_428 = tpu.memref_slice %arg17[%dma_wait3A_426, %dma_wait3A_427] : memref<10240x128xf32, #tpu.memory_space<vmem_shared>> -> memref<10240x128xf32, #tpu.memory_space<vmem_shared>>
        tpu.wait_indirect_dma semaphore(%arg28 : memref<!tpu.dma_semaphore, #tpu.memory_space<semaphore_mem>>) src(%arg11 : memref<32x128xf32, #tpu.memory_space<vmem>>) dst(%dma_wait3A_428 : memref<10240x128xf32, #tpu.memory_space<vmem_shared>>)
        %add3A_429 = arith.constant 1 : i32
        %add3A_430 = arith.addi %scan3A_247, %add3A_429 : i32
        %mul3A_431 = arith.constant 8 : i32
        %mul3A_432 = arith.muli %add3A_430, %mul3A_431 : i32
        %add3A_433 = arith.constant 2 : i32
        %add3A_434 = arith.addi %mul3A_432, %add3A_433 : i32
        %dma_start3A_435 = arith.constant 0 : i32
        %dma_start3A_436 = tpu.memref_slice %arg7[%add3A_434, %dma_start3A_435] : memref<64x32xi32, #tpu.memory_space<vmem>> -> memref<1x32xi32, #tpu.memory_space<vmem>>
        %dma_start3A_437 = tpu.memref_squeeze %dma_start3A_436 : memref<1x32xi32, #tpu.memory_space<vmem>> -> memref<32xi32, #tpu.memory_space<vmem>>
        %dma_start3A_438 = arith.constant 0 : i32
        %dma_start3A_439 = arith.constant 0 : i32
        %dma_start3A_440 = tpu.memref_slice %arg2[%dma_start3A_438, %dma_start3A_439] : memref<10240x128xf32, #tpu.memory_space<hbm>> -> memref<10240x128xf32, #tpu.memory_space<hbm>>
        tpu.enqueue_indirect_dma source(%dma_start3A_440 : memref<10240x128xf32, #tpu.memory_space<hbm>>) target(%arg11 : memref<32x128xf32, #tpu.memory_space<vmem>>) offsets(%dma_start3A_437 : memref<32xi32, #tpu.memory_space<vmem>>) semaphore(%arg20 : memref<!tpu.dma_semaphore, #tpu.memory_space<semaphore_mem>>)
        %dma_wait3A_441 = arith.constant 0 : i32
        %dma_wait3A_442 = arith.constant 0 : i32
        %dma_wait3A_443 = tpu.memref_slice %arg8[%dma_wait3A_441, %dma_wait3A_442] : memref<64x32xi32, #tpu.memory_space<vmem>> -> memref<1x32xi32, #tpu.memory_space<vmem>>
        %dma_wait3A_444 = tpu.memref_squeeze %dma_wait3A_443 : memref<1x32xi32, #tpu.memory_space<vmem>> -> memref<32xi32, #tpu.memory_space<vmem>>
        %dma_wait3A_445 = arith.constant 0 : i32
        %dma_wait3A_446 = arith.constant 0 : i32
        %dma_wait3A_447 = tpu.memref_slice %arg17[%dma_wait3A_445, %dma_wait3A_446] : memref<10240x128xf32, #tpu.memory_space<vmem_shared>> -> memref<10240x128xf32, #tpu.memory_space<vmem_shared>>
        tpu.wait_indirect_dma semaphore(%arg29 : memref<!tpu.dma_semaphore, #tpu.memory_space<semaphore_mem>>) src(%arg12 : memref<32x128xf32, #tpu.memory_space<vmem>>) dst(%dma_wait3A_447 : memref<10240x128xf32, #tpu.memory_space<vmem_shared>>)
        %add3A_448 = arith.constant 1 : i32
        %add3A_449 = arith.addi %scan3A_247, %add3A_448 : i32
        %mul3A_450 = arith.constant 8 : i32
        %mul3A_451 = arith.muli %add3A_449, %mul3A_450 : i32
        %add3A_452 = arith.constant 3 : i32
        %add3A_453 = arith.addi %mul3A_451, %add3A_452 : i32
        %dma_start3A_454 = arith.constant 0 : i32
        %dma_start3A_455 = tpu.memref_slice %arg7[%add3A_453, %dma_start3A_454] : memref<64x32xi32, #tpu.memory_space<vmem>> -> memref<1x32xi32, #tpu.memory_space<vmem>>
        %dma_start3A_456 = tpu.memref_squeeze %dma_start3A_455 : memref<1x32xi32, #tpu.memory_space<vmem>> -> memref<32xi32, #tpu.memory_space<vmem>>
        %dma_start3A_457 = arith.constant 0 : i32
        %dma_start3A_458 = arith.constant 0 : i32
        %dma_start3A_459 = tpu.memref_slice %arg2[%dma_start3A_457, %dma_start3A_458] : memref<10240x128xf32, #tpu.memory_space<hbm>> -> memref<10240x128xf32, #tpu.memory_space<hbm>>
        tpu.enqueue_indirect_dma source(%dma_start3A_459 : memref<10240x128xf32, #tpu.memory_space<hbm>>) target(%arg12 : memref<32x128xf32, #tpu.memory_space<vmem>>) offsets(%dma_start3A_456 : memref<32xi32, #tpu.memory_space<vmem>>) semaphore(%arg21 : memref<!tpu.dma_semaphore, #tpu.memory_space<semaphore_mem>>)
        %dma_wait3A_460 = arith.constant 0 : i32
        %dma_wait3A_461 = arith.constant 0 : i32
        %dma_wait3A_462 = tpu.memref_slice %arg8[%dma_wait3A_460, %dma_wait3A_461] : memref<64x32xi32, #tpu.memory_space<vmem>> -> memref<1x32xi32, #tpu.memory_space<vmem>>
        %dma_wait3A_463 = tpu.memref_squeeze %dma_wait3A_462 : memref<1x32xi32, #tpu.memory_space<vmem>> -> memref<32xi32, #tpu.memory_space<vmem>>
        %dma_wait3A_464 = arith.constant 0 : i32
        %dma_wait3A_465 = arith.constant 0 : i32
        %dma_wait3A_466 = tpu.memref_slice %arg17[%dma_wait3A_464, %dma_wait3A_465] : memref<10240x128xf32, #tpu.memory_space<vmem_shared>> -> memref<10240x128xf32, #tpu.memory_space<vmem_shared>>
        tpu.wait_indirect_dma semaphore(%arg30 : memref<!tpu.dma_semaphore, #tpu.memory_space<semaphore_mem>>) src(%arg13 : memref<32x128xf32, #tpu.memory_space<vmem>>) dst(%dma_wait3A_466 : memref<10240x128xf32, #tpu.memory_space<vmem_shared>>)
        %add3A_467 = arith.constant 1 : i32
        %add3A_468 = arith.addi %scan3A_247, %add3A_467 : i32
        %mul3A_469 = arith.constant 8 : i32
        %mul3A_470 = arith.muli %add3A_468, %mul3A_469 : i32
        %add3A_471 = arith.constant 4 : i32
        %add3A_472 = arith.addi %mul3A_470, %add3A_471 : i32
        %dma_start3A_473 = arith.constant 0 : i32
        %dma_start3A_474 = tpu.memref_slice %arg7[%add3A_472, %dma_start3A_473] : memref<64x32xi32, #tpu.memory_space<vmem>> -> memref<1x32xi32, #tpu.memory_space<vmem>>
        %dma_start3A_475 = tpu.memref_squeeze %dma_start3A_474 : memref<1x32xi32, #tpu.memory_space<vmem>> -> memref<32xi32, #tpu.memory_space<vmem>>
        %dma_start3A_476 = arith.constant 0 : i32
        %dma_start3A_477 = arith.constant 0 : i32
        %dma_start3A_478 = tpu.memref_slice %arg2[%dma_start3A_476, %dma_start3A_477] : memref<10240x128xf32, #tpu.memory_space<hbm>> -> memref<10240x128xf32, #tpu.memory_space<hbm>>
        tpu.enqueue_indirect_dma source(%dma_start3A_478 : memref<10240x128xf32, #tpu.memory_space<hbm>>) target(%arg13 : memref<32x128xf32, #tpu.memory_space<vmem>>) offsets(%dma_start3A_475 : memref<32xi32, #tpu.memory_space<vmem>>) semaphore(%arg22 : memref<!tpu.dma_semaphore, #tpu.memory_space<semaphore_mem>>)
        %dma_wait3A_479 = arith.constant 0 : i32
        %dma_wait3A_480 = arith.constant 0 : i32
        %dma_wait3A_481 = tpu.memref_slice %arg8[%dma_wait3A_479, %dma_wait3A_480] : memref<64x32xi32, #tpu.memory_space<vmem>> -> memref<1x32xi32, #tpu.memory_space<vmem>>
        %dma_wait3A_482 = tpu.memref_squeeze %dma_wait3A_481 : memref<1x32xi32, #tpu.memory_space<vmem>> -> memref<32xi32, #tpu.memory_space<vmem>>
        %dma_wait3A_483 = arith.constant 0 : i32
        %dma_wait3A_484 = arith.constant 0 : i32
        %dma_wait3A_485 = tpu.memref_slice %arg17[%dma_wait3A_483, %dma_wait3A_484] : memref<10240x128xf32, #tpu.memory_space<vmem_shared>> -> memref<10240x128xf32, #tpu.memory_space<vmem_shared>>
        tpu.wait_indirect_dma semaphore(%arg31 : memref<!tpu.dma_semaphore, #tpu.memory_space<semaphore_mem>>) src(%arg14 : memref<32x128xf32, #tpu.memory_space<vmem>>) dst(%dma_wait3A_485 : memref<10240x128xf32, #tpu.memory_space<vmem_shared>>)
        %add3A_486 = arith.constant 1 : i32
        %add3A_487 = arith.addi %scan3A_247, %add3A_486 : i32
        %mul3A_488 = arith.constant 8 : i32
        %mul3A_489 = arith.muli %add3A_487, %mul3A_488 : i32
        %add3A_490 = arith.constant 5 : i32
        %add3A_491 = arith.addi %mul3A_489, %add3A_490 : i32
        %dma_start3A_492 = arith.constant 0 : i32
        %dma_start3A_493 = tpu.memref_slice %arg7[%add3A_491, %dma_start3A_492] : memref<64x32xi32, #tpu.memory_space<vmem>> -> memref<1x32xi32, #tpu.memory_space<vmem>>
        %dma_start3A_494 = tpu.memref_squeeze %dma_start3A_493 : memref<1x32xi32, #tpu.memory_space<vmem>> -> memref<32xi32, #tpu.memory_space<vmem>>
        %dma_start3A_495 = arith.constant 0 : i32
        %dma_start3A_496 = arith.constant 0 : i32
        %dma_start3A_497 = tpu.memref_slice %arg2[%dma_start3A_495, %dma_start3A_496] : memref<10240x128xf32, #tpu.memory_space<hbm>> -> memref<10240x128xf32, #tpu.memory_space<hbm>>
        tpu.enqueue_indirect_dma source(%dma_start3A_497 : memref<10240x128xf32, #tpu.memory_space<hbm>>) target(%arg14 : memref<32x128xf32, #tpu.memory_space<vmem>>) offsets(%dma_start3A_494 : memref<32xi32, #tpu.memory_space<vmem>>) semaphore(%arg23 : memref<!tpu.dma_semaphore, #tpu.memory_space<semaphore_mem>>)
        %dma_wait3A_498 = arith.constant 0 : i32
        %dma_wait3A_499 = arith.constant 0 : i32
        %dma_wait3A_500 = tpu.memref_slice %arg8[%dma_wait3A_498, %dma_wait3A_499] : memref<64x32xi32, #tpu.memory_space<vmem>> -> memref<1x32xi32, #tpu.memory_space<vmem>>
        %dma_wait3A_501 = tpu.memref_squeeze %dma_wait3A_500 : memref<1x32xi32, #tpu.memory_space<vmem>> -> memref<32xi32, #tpu.memory_space<vmem>>
        %dma_wait3A_502 = arith.constant 0 : i32
        %dma_wait3A_503 = arith.constant 0 : i32
        %dma_wait3A_504 = tpu.memref_slice %arg17[%dma_wait3A_502, %dma_wait3A_503] : memref<10240x128xf32, #tpu.memory_space<vmem_shared>> -> memref<10240x128xf32, #tpu.memory_space<vmem_shared>>
        tpu.wait_indirect_dma semaphore(%arg32 : memref<!tpu.dma_semaphore, #tpu.memory_space<semaphore_mem>>) src(%arg15 : memref<32x128xf32, #tpu.memory_space<vmem>>) dst(%dma_wait3A_504 : memref<10240x128xf32, #tpu.memory_space<vmem_shared>>)
        %add3A_505 = arith.constant 1 : i32
        %add3A_506 = arith.addi %scan3A_247, %add3A_505 : i32
        %mul3A_507 = arith.constant 8 : i32
        %mul3A_508 = arith.muli %add3A_506, %mul3A_507 : i32
        %add3A_509 = arith.constant 6 : i32
        %add3A_510 = arith.addi %mul3A_508, %add3A_509 : i32
        %dma_start3A_511 = arith.constant 0 : i32
        %dma_start3A_512 = tpu.memref_slice %arg7[%add3A_510, %dma_start3A_511] : memref<64x32xi32, #tpu.memory_space<vmem>> -> memref<1x32xi32, #tpu.memory_space<vmem>>
        %dma_start3A_513 = tpu.memref_squeeze %dma_start3A_512 : memref<1x32xi32, #tpu.memory_space<vmem>> -> memref<32xi32, #tpu.memory_space<vmem>>
        %dma_start3A_514 = arith.constant 0 : i32
        %dma_start3A_515 = arith.constant 0 : i32
        %dma_start3A_516 = tpu.memref_slice %arg2[%dma_start3A_514, %dma_start3A_515] : memref<10240x128xf32, #tpu.memory_space<hbm>> -> memref<10240x128xf32, #tpu.memory_space<hbm>>
        tpu.enqueue_indirect_dma source(%dma_start3A_516 : memref<10240x128xf32, #tpu.memory_space<hbm>>) target(%arg15 : memref<32x128xf32, #tpu.memory_space<vmem>>) offsets(%dma_start3A_513 : memref<32xi32, #tpu.memory_space<vmem>>) semaphore(%arg24 : memref<!tpu.dma_semaphore, #tpu.memory_space<semaphore_mem>>)
        %dma_wait3A_517 = arith.constant 0 : i32
        %dma_wait3A_518 = arith.constant 0 : i32
        %dma_wait3A_519 = tpu.memref_slice %arg8[%dma_wait3A_517, %dma_wait3A_518] : memref<64x32xi32, #tpu.memory_space<vmem>> -> memref<1x32xi32, #tpu.memory_space<vmem>>
        %dma_wait3A_520 = tpu.memref_squeeze %dma_wait3A_519 : memref<1x32xi32, #tpu.memory_space<vmem>> -> memref<32xi32, #tpu.memory_space<vmem>>
        %dma_wait3A_521 = arith.constant 0 : i32
        %dma_wait3A_522 = arith.constant 0 : i32
        %dma_wait3A_523 = tpu.memref_slice %arg17[%dma_wait3A_521, %dma_wait3A_522] : memref<10240x128xf32, #tpu.memory_space<vmem_shared>> -> memref<10240x128xf32, #tpu.memory_space<vmem_shared>>
        tpu.wait_indirect_dma semaphore(%arg33 : memref<!tpu.dma_semaphore, #tpu.memory_space<semaphore_mem>>) src(%arg16 : memref<32x128xf32, #tpu.memory_space<vmem>>) dst(%dma_wait3A_523 : memref<10240x128xf32, #tpu.memory_space<vmem_shared>>)
        %add3A_524 = arith.constant 1 : i32
        %add3A_525 = arith.addi %scan3A_247, %add3A_524 : i32
        %mul3A_526 = arith.constant 8 : i32
        %mul3A_527 = arith.muli %add3A_525, %mul3A_526 : i32
        %add3A_528 = arith.constant 7 : i32
        %add3A_529 = arith.addi %mul3A_527, %add3A_528 : i32
        %dma_start3A_530 = arith.constant 0 : i32
        %dma_start3A_531 = tpu.memref_slice %arg7[%add3A_529, %dma_start3A_530] : memref<64x32xi32, #tpu.memory_space<vmem>> -> memref<1x32xi32, #tpu.memory_space<vmem>>
        %dma_start3A_532 = tpu.memref_squeeze %dma_start3A_531 : memref<1x32xi32, #tpu.memory_space<vmem>> -> memref<32xi32, #tpu.memory_space<vmem>>
        %dma_start3A_533 = arith.constant 0 : i32
        %dma_start3A_534 = arith.constant 0 : i32
        %dma_start3A_535 = tpu.memref_slice %arg2[%dma_start3A_533, %dma_start3A_534] : memref<10240x128xf32, #tpu.memory_space<hbm>> -> memref<10240x128xf32, #tpu.memory_space<hbm>>
        tpu.enqueue_indirect_dma source(%dma_start3A_535 : memref<10240x128xf32, #tpu.memory_space<hbm>>) target(%arg16 : memref<32x128xf32, #tpu.memory_space<vmem>>) offsets(%dma_start3A_532 : memref<32xi32, #tpu.memory_space<vmem>>) semaphore(%arg25 : memref<!tpu.dma_semaphore, #tpu.memory_space<semaphore_mem>>)
      }
      %scan3A_79 = arith.constant 7 : i32
      %dma_wait3A = arith.constant 0 : i32
      %dma_wait3A_80 = arith.constant 0 : i32
      %dma_wait3A_81 = tpu.memref_slice %arg7[%dma_wait3A, %dma_wait3A_80] : memref<64x32xi32, #tpu.memory_space<vmem>> -> memref<1x32xi32, #tpu.memory_space<vmem>>
      %dma_wait3A_82 = tpu.memref_squeeze %dma_wait3A_81 : memref<1x32xi32, #tpu.memory_space<vmem>> -> memref<32xi32, #tpu.memory_space<vmem>>
      %dma_wait3A_83 = arith.constant 0 : i32
      %dma_wait3A_84 = arith.constant 0 : i32
      %dma_wait3A_85 = tpu.memref_slice %arg2[%dma_wait3A_83, %dma_wait3A_84] : memref<10240x128xf32, #tpu.memory_space<hbm>> -> memref<10240x128xf32, #tpu.memory_space<hbm>>
      tpu.wait_indirect_dma semaphore(%arg18 : memref<!tpu.dma_semaphore, #tpu.memory_space<semaphore_mem>>) src(%dma_wait3A_85 : memref<10240x128xf32, #tpu.memory_space<hbm>>) dst(%arg9 : memref<32x128xf32, #tpu.memory_space<vmem>>)
      %dma_start3A_86 = arith.constant 56 : i32
      %dma_start3A_87 = arith.constant 0 : i32
      %dma_start3A_88 = tpu.memref_slice %arg8[%dma_start3A_86, %dma_start3A_87] : memref<64x32xi32, #tpu.memory_space<vmem>> -> memref<1x32xi32, #tpu.memory_space<vmem>>
      %dma_start3A_89 = tpu.memref_squeeze %dma_start3A_88 : memref<1x32xi32, #tpu.memory_space<vmem>> -> memref<32xi32, #tpu.memory_space<vmem>>
      %dma_start3A_90 = arith.constant 0 : i32
      %dma_start3A_91 = arith.constant 0 : i32
      %dma_start3A_92 = tpu.memref_slice %arg17[%dma_start3A_90, %dma_start3A_91] : memref<10240x128xf32, #tpu.memory_space<vmem_shared>> -> memref<10240x128xf32, #tpu.memory_space<vmem_shared>>
      tpu.enqueue_indirect_dma source(%arg9 : memref<32x128xf32, #tpu.memory_space<vmem>>) target(%dma_start3A_92 : memref<10240x128xf32, #tpu.memory_space<vmem_shared>>) offsets(%dma_start3A_89 : memref<32xi32, #tpu.memory_space<vmem>>) semaphore(%arg26 : memref<!tpu.dma_semaphore, #tpu.memory_space<semaphore_mem>>) {add = true}
      %dma_wait3A_93 = arith.constant 0 : i32
      %dma_wait3A_94 = arith.constant 0 : i32
      %dma_wait3A_95 = tpu.memref_slice %arg7[%dma_wait3A_93, %dma_wait3A_94] : memref<64x32xi32, #tpu.memory_space<vmem>> -> memref<1x32xi32, #tpu.memory_space<vmem>>
      %dma_wait3A_96 = tpu.memref_squeeze %dma_wait3A_95 : memref<1x32xi32, #tpu.memory_space<vmem>> -> memref<32xi32, #tpu.memory_space<vmem>>
      %dma_wait3A_97 = arith.constant 0 : i32
      %dma_wait3A_98 = arith.constant 0 : i32
      %dma_wait3A_99 = tpu.memref_slice %arg2[%dma_wait3A_97, %dma_wait3A_98] : memref<10240x128xf32, #tpu.memory_space<hbm>> -> memref<10240x128xf32, #tpu.memory_space<hbm>>
      tpu.wait_indirect_dma semaphore(%arg19 : memref<!tpu.dma_semaphore, #tpu.memory_space<semaphore_mem>>) src(%dma_wait3A_99 : memref<10240x128xf32, #tpu.memory_space<hbm>>) dst(%arg10 : memref<32x128xf32, #tpu.memory_space<vmem>>)
      %dma_start3A_100 = arith.constant 57 : i32
      %dma_start3A_101 = arith.constant 0 : i32
      %dma_start3A_102 = tpu.memref_slice %arg8[%dma_start3A_100, %dma_start3A_101] : memref<64x32xi32, #tpu.memory_space<vmem>> -> memref<1x32xi32, #tpu.memory_space<vmem>>
      %dma_start3A_103 = tpu.memref_squeeze %dma_start3A_102 : memref<1x32xi32, #tpu.memory_space<vmem>> -> memref<32xi32, #tpu.memory_space<vmem>>
      %dma_start3A_104 = arith.constant 0 : i32
      %dma_start3A_105 = arith.constant 0 : i32
      %dma_start3A_106 = tpu.memref_slice %arg17[%dma_start3A_104, %dma_start3A_105] : memref<10240x128xf32, #tpu.memory_space<vmem_shared>> -> memref<10240x128xf32, #tpu.memory_space<vmem_shared>>
      tpu.enqueue_indirect_dma source(%arg10 : memref<32x128xf32, #tpu.memory_space<vmem>>) target(%dma_start3A_106 : memref<10240x128xf32, #tpu.memory_space<vmem_shared>>) offsets(%dma_start3A_103 : memref<32xi32, #tpu.memory_space<vmem>>) semaphore(%arg27 : memref<!tpu.dma_semaphore, #tpu.memory_space<semaphore_mem>>) {add = true}
      %dma_wait3A_107 = arith.constant 0 : i32
      %dma_wait3A_108 = arith.constant 0 : i32
      %dma_wait3A_109 = tpu.memref_slice %arg7[%dma_wait3A_107, %dma_wait3A_108] : memref<64x32xi32, #tpu.memory_space<vmem>> -> memref<1x32xi32, #tpu.memory_space<vmem>>
      %dma_wait3A_110 = tpu.memref_squeeze %dma_wait3A_109 : memref<1x32xi32, #tpu.memory_space<vmem>> -> memref<32xi32, #tpu.memory_space<vmem>>
      %dma_wait3A_111 = arith.constant 0 : i32
      %dma_wait3A_112 = arith.constant 0 : i32
      %dma_wait3A_113 = tpu.memref_slice %arg2[%dma_wait3A_111, %dma_wait3A_112] : memref<10240x128xf32, #tpu.memory_space<hbm>> -> memref<10240x128xf32, #tpu.memory_space<hbm>>
      tpu.wait_indirect_dma semaphore(%arg20 : memref<!tpu.dma_semaphore, #tpu.memory_space<semaphore_mem>>) src(%dma_wait3A_113 : memref<10240x128xf32, #tpu.memory_space<hbm>>) dst(%arg11 : memref<32x128xf32, #tpu.memory_space<vmem>>)
      %dma_start3A_114 = arith.constant 58 : i32
      %dma_start3A_115 = arith.constant 0 : i32
      %dma_start3A_116 = tpu.memref_slice %arg8[%dma_start3A_114, %dma_start3A_115] : memref<64x32xi32, #tpu.memory_space<vmem>> -> memref<1x32xi32, #tpu.memory_space<vmem>>
      %dma_start3A_117 = tpu.memref_squeeze %dma_start3A_116 : memref<1x32xi32, #tpu.memory_space<vmem>> -> memref<32xi32, #tpu.memory_space<vmem>>
      %dma_start3A_118 = arith.constant 0 : i32
      %dma_start3A_119 = arith.constant 0 : i32
      %dma_start3A_120 = tpu.memref_slice %arg17[%dma_start3A_118, %dma_start3A_119] : memref<10240x128xf32, #tpu.memory_space<vmem_shared>> -> memref<10240x128xf32, #tpu.memory_space<vmem_shared>>
      tpu.enqueue_indirect_dma source(%arg11 : memref<32x128xf32, #tpu.memory_space<vmem>>) target(%dma_start3A_120 : memref<10240x128xf32, #tpu.memory_space<vmem_shared>>) offsets(%dma_start3A_117 : memref<32xi32, #tpu.memory_space<vmem>>) semaphore(%arg28 : memref<!tpu.dma_semaphore, #tpu.memory_space<semaphore_mem>>) {add = true}
      %dma_wait3A_121 = arith.constant 0 : i32
      %dma_wait3A_122 = arith.constant 0 : i32
      %dma_wait3A_123 = tpu.memref_slice %arg7[%dma_wait3A_121, %dma_wait3A_122] : memref<64x32xi32, #tpu.memory_space<vmem>> -> memref<1x32xi32, #tpu.memory_space<vmem>>
      %dma_wait3A_124 = tpu.memref_squeeze %dma_wait3A_123 : memref<1x32xi32, #tpu.memory_space<vmem>> -> memref<32xi32, #tpu.memory_space<vmem>>
      %dma_wait3A_125 = arith.constant 0 : i32
      %dma_wait3A_126 = arith.constant 0 : i32
      %dma_wait3A_127 = tpu.memref_slice %arg2[%dma_wait3A_125, %dma_wait3A_126] : memref<10240x128xf32, #tpu.memory_space<hbm>> -> memref<10240x128xf32, #tpu.memory_space<hbm>>
      tpu.wait_indirect_dma semaphore(%arg21 : memref<!tpu.dma_semaphore, #tpu.memory_space<semaphore_mem>>) src(%dma_wait3A_127 : memref<10240x128xf32, #tpu.memory_space<hbm>>) dst(%arg12 : memref<32x128xf32, #tpu.memory_space<vmem>>)
      %dma_start3A_128 = arith.constant 59 : i32
      %dma_start3A_129 = arith.constant 0 : i32
      %dma_start3A_130 = tpu.memref_slice %arg8[%dma_start3A_128, %dma_start3A_129] : memref<64x32xi32, #tpu.memory_space<vmem>> -> memref<1x32xi32, #tpu.memory_space<vmem>>
      %dma_start3A_131 = tpu.memref_squeeze %dma_start3A_130 : memref<1x32xi32, #tpu.memory_space<vmem>> -> memref<32xi32, #tpu.memory_space<vmem>>
      %dma_start3A_132 = arith.constant 0 : i32
      %dma_start3A_133 = arith.constant 0 : i32
      %dma_start3A_134 = tpu.memref_slice %arg17[%dma_start3A_132, %dma_start3A_133] : memref<10240x128xf32, #tpu.memory_space<vmem_shared>> -> memref<10240x128xf32, #tpu.memory_space<vmem_shared>>
      tpu.enqueue_indirect_dma source(%arg12 : memref<32x128xf32, #tpu.memory_space<vmem>>) target(%dma_start3A_134 : memref<10240x128xf32, #tpu.memory_space<vmem_shared>>) offsets(%dma_start3A_131 : memref<32xi32, #tpu.memory_space<vmem>>) semaphore(%arg29 : memref<!tpu.dma_semaphore, #tpu.memory_space<semaphore_mem>>) {add = true}
      %dma_wait3A_135 = arith.constant 0 : i32
      %dma_wait3A_136 = arith.constant 0 : i32
      %dma_wait3A_137 = tpu.memref_slice %arg7[%dma_wait3A_135, %dma_wait3A_136] : memref<64x32xi32, #tpu.memory_space<vmem>> -> memref<1x32xi32, #tpu.memory_space<vmem>>
      %dma_wait3A_138 = tpu.memref_squeeze %dma_wait3A_137 : memref<1x32xi32, #tpu.memory_space<vmem>> -> memref<32xi32, #tpu.memory_space<vmem>>
      %dma_wait3A_139 = arith.constant 0 : i32
      %dma_wait3A_140 = arith.constant 0 : i32
      %dma_wait3A_141 = tpu.memref_slice %arg2[%dma_wait3A_139, %dma_wait3A_140] : memref<10240x128xf32, #tpu.memory_space<hbm>> -> memref<10240x128xf32, #tpu.memory_space<hbm>>
      tpu.wait_indirect_dma semaphore(%arg22 : memref<!tpu.dma_semaphore, #tpu.memory_space<semaphore_mem>>) src(%dma_wait3A_141 : memref<10240x128xf32, #tpu.memory_space<hbm>>) dst(%arg13 : memref<32x128xf32, #tpu.memory_space<vmem>>)
      %dma_start3A_142 = arith.constant 60 : i32
      %dma_start3A_143 = arith.constant 0 : i32
      %dma_start3A_144 = tpu.memref_slice %arg8[%dma_start3A_142, %dma_start3A_143] : memref<64x32xi32, #tpu.memory_space<vmem>> -> memref<1x32xi32, #tpu.memory_space<vmem>>
      %dma_start3A_145 = tpu.memref_squeeze %dma_start3A_144 : memref<1x32xi32, #tpu.memory_space<vmem>> -> memref<32xi32, #tpu.memory_space<vmem>>
      %dma_start3A_146 = arith.constant 0 : i32
      %dma_start3A_147 = arith.constant 0 : i32
      %dma_start3A_148 = tpu.memref_slice %arg17[%dma_start3A_146, %dma_start3A_147] : memref<10240x128xf32, #tpu.memory_space<vmem_shared>> -> memref<10240x128xf32, #tpu.memory_space<vmem_shared>>
      tpu.enqueue_indirect_dma source(%arg13 : memref<32x128xf32, #tpu.memory_space<vmem>>) target(%dma_start3A_148 : memref<10240x128xf32, #tpu.memory_space<vmem_shared>>) offsets(%dma_start3A_145 : memref<32xi32, #tpu.memory_space<vmem>>) semaphore(%arg30 : memref<!tpu.dma_semaphore, #tpu.memory_space<semaphore_mem>>) {add = true}
      %dma_wait3A_149 = arith.constant 0 : i32
      %dma_wait3A_150 = arith.constant 0 : i32
      %dma_wait3A_151 = tpu.memref_slice %arg7[%dma_wait3A_149, %dma_wait3A_150] : memref<64x32xi32, #tpu.memory_space<vmem>> -> memref<1x32xi32, #tpu.memory_space<vmem>>
      %dma_wait3A_152 = tpu.memref_squeeze %dma_wait3A_151 : memref<1x32xi32, #tpu.memory_space<vmem>> -> memref<32xi32, #tpu.memory_space<vmem>>
      %dma_wait3A_153 = arith.constant 0 : i32
      %dma_wait3A_154 = arith.constant 0 : i32
      %dma_wait3A_155 = tpu.memref_slice %arg2[%dma_wait3A_153, %dma_wait3A_154] : memref<10240x128xf32, #tpu.memory_space<hbm>> -> memref<10240x128xf32, #tpu.memory_space<hbm>>
      tpu.wait_indirect_dma semaphore(%arg23 : memref<!tpu.dma_semaphore, #tpu.memory_space<semaphore_mem>>) src(%dma_wait3A_155 : memref<10240x128xf32, #tpu.memory_space<hbm>>) dst(%arg14 : memref<32x128xf32, #tpu.memory_space<vmem>>)
      %dma_start3A_156 = arith.constant 61 : i32
      %dma_start3A_157 = arith.constant 0 : i32
      %dma_start3A_158 = tpu.memref_slice %arg8[%dma_start3A_156, %dma_start3A_157] : memref<64x32xi32, #tpu.memory_space<vmem>> -> memref<1x32xi32, #tpu.memory_space<vmem>>
      %dma_start3A_159 = tpu.memref_squeeze %dma_start3A_158 : memref<1x32xi32, #tpu.memory_space<vmem>> -> memref<32xi32, #tpu.memory_space<vmem>>
      %dma_start3A_160 = arith.constant 0 : i32
      %dma_start3A_161 = arith.constant 0 : i32
      %dma_start3A_162 = tpu.memref_slice %arg17[%dma_start3A_160, %dma_start3A_161] : memref<10240x128xf32, #tpu.memory_space<vmem_shared>> -> memref<10240x128xf32, #tpu.memory_space<vmem_shared>>
      tpu.enqueue_indirect_dma source(%arg14 : memref<32x128xf32, #tpu.memory_space<vmem>>) target(%dma_start3A_162 : memref<10240x128xf32, #tpu.memory_space<vmem_shared>>) offsets(%dma_start3A_159 : memref<32xi32, #tpu.memory_space<vmem>>) semaphore(%arg31 : memref<!tpu.dma_semaphore, #tpu.memory_space<semaphore_mem>>) {add = true}
      %dma_wait3A_163 = arith.constant 0 : i32
      %dma_wait3A_164 = arith.constant 0 : i32
      %dma_wait3A_165 = tpu.memref_slice %arg7[%dma_wait3A_163, %dma_wait3A_164] : memref<64x32xi32, #tpu.memory_space<vmem>> -> memref<1x32xi32, #tpu.memory_space<vmem>>
      %dma_wait3A_166 = tpu.memref_squeeze %dma_wait3A_165 : memref<1x32xi32, #tpu.memory_space<vmem>> -> memref<32xi32, #tpu.memory_space<vmem>>
      %dma_wait3A_167 = arith.constant 0 : i32
      %dma_wait3A_168 = arith.constant 0 : i32
      %dma_wait3A_169 = tpu.memref_slice %arg2[%dma_wait3A_167, %dma_wait3A_168] : memref<10240x128xf32, #tpu.memory_space<hbm>> -> memref<10240x128xf32, #tpu.memory_space<hbm>>
      tpu.wait_indirect_dma semaphore(%arg24 : memref<!tpu.dma_semaphore, #tpu.memory_space<semaphore_mem>>) src(%dma_wait3A_169 : memref<10240x128xf32, #tpu.memory_space<hbm>>) dst(%arg15 : memref<32x128xf32, #tpu.memory_space<vmem>>)
      %dma_start3A_170 = arith.constant 62 : i32
      %dma_start3A_171 = arith.constant 0 : i32
      %dma_start3A_172 = tpu.memref_slice %arg8[%dma_start3A_170, %dma_start3A_171] : memref<64x32xi32, #tpu.memory_space<vmem>> -> memref<1x32xi32, #tpu.memory_space<vmem>>
      %dma_start3A_173 = tpu.memref_squeeze %dma_start3A_172 : memref<1x32xi32, #tpu.memory_space<vmem>> -> memref<32xi32, #tpu.memory_space<vmem>>
      %dma_start3A_174 = arith.constant 0 : i32
      %dma_start3A_175 = arith.constant 0 : i32
      %dma_start3A_176 = tpu.memref_slice %arg17[%dma_start3A_174, %dma_start3A_175] : memref<10240x128xf32, #tpu.memory_space<vmem_shared>> -> memref<10240x128xf32, #tpu.memory_space<vmem_shared>>
      tpu.enqueue_indirect_dma source(%arg15 : memref<32x128xf32, #tpu.memory_space<vmem>>) target(%dma_start3A_176 : memref<10240x128xf32, #tpu.memory_space<vmem_shared>>) offsets(%dma_start3A_173 : memref<32xi32, #tpu.memory_space<vmem>>) semaphore(%arg32 : memref<!tpu.dma_semaphore, #tpu.memory_space<semaphore_mem>>) {add = true}
      %dma_wait3A_177 = arith.constant 0 : i32
      %dma_wait3A_178 = arith.constant 0 : i32
      %dma_wait3A_179 = tpu.memref_slice %arg7[%dma_wait3A_177, %dma_wait3A_178] : memref<64x32xi32, #tpu.memory_space<vmem>> -> memref<1x32xi32, #tpu.memory_space<vmem>>
      %dma_wait3A_180 = tpu.memref_squeeze %dma_wait3A_179 : memref<1x32xi32, #tpu.memory_space<vmem>> -> memref<32xi32, #tpu.memory_space<vmem>>
      %dma_wait3A_181 = arith.constant 0 : i32
      %dma_wait3A_182 = arith.constant 0 : i32
      %dma_wait3A_183 = tpu.memref_slice %arg2[%dma_wait3A_181, %dma_wait3A_182] : memref<10240x128xf32, #tpu.memory_space<hbm>> -> memref<10240x128xf32, #tpu.memory_space<hbm>>
      tpu.wait_indirect_dma semaphore(%arg25 : memref<!tpu.dma_semaphore, #tpu.memory_space<semaphore_mem>>) src(%dma_wait3A_183 : memref<10240x128xf32, #tpu.memory_space<hbm>>) dst(%arg16 : memref<32x128xf32, #tpu.memory_space<vmem>>)
      %dma_start3A_184 = arith.constant 63 : i32
      %dma_start3A_185 = arith.constant 0 : i32
      %dma_start3A_186 = tpu.memref_slice %arg8[%dma_start3A_184, %dma_start3A_185] : memref<64x32xi32, #tpu.memory_space<vmem>> -> memref<1x32xi32, #tpu.memory_space<vmem>>
      %dma_start3A_187 = tpu.memref_squeeze %dma_start3A_186 : memref<1x32xi32, #tpu.memory_space<vmem>> -> memref<32xi32, #tpu.memory_space<vmem>>
      %dma_start3A_188 = arith.constant 0 : i32
      %dma_start3A_189 = arith.constant 0 : i32
      %dma_start3A_190 = tpu.memref_slice %arg17[%dma_start3A_188, %dma_start3A_189] : memref<10240x128xf32, #tpu.memory_space<vmem_shared>> -> memref<10240x128xf32, #tpu.memory_space<vmem_shared>>
      tpu.enqueue_indirect_dma source(%arg16 : memref<32x128xf32, #tpu.memory_space<vmem>>) target(%dma_start3A_190 : memref<10240x128xf32, #tpu.memory_space<vmem_shared>>) offsets(%dma_start3A_187 : memref<32xi32, #tpu.memory_space<vmem>>) semaphore(%arg33 : memref<!tpu.dma_semaphore, #tpu.memory_space<semaphore_mem>>) {add = true}
      %dma_wait3A_191 = arith.constant 0 : i32
      %dma_wait3A_192 = arith.constant 0 : i32
      %dma_wait3A_193 = tpu.memref_slice %arg8[%dma_wait3A_191, %dma_wait3A_192] : memref<64x32xi32, #tpu.memory_space<vmem>> -> memref<1x32xi32, #tpu.memory_space<vmem>>
      %dma_wait3A_194 = tpu.memref_squeeze %dma_wait3A_193 : memref<1x32xi32, #tpu.memory_space<vmem>> -> memref<32xi32, #tpu.memory_space<vmem>>
      %dma_wait3A_195 = arith.constant 0 : i32
      %dma_wait3A_196 = arith.constant 0 : i32
      %dma_wait3A_197 = tpu.memref_slice %arg17[%dma_wait3A_195, %dma_wait3A_196] : memref<10240x128xf32, #tpu.memory_space<vmem_shared>> -> memref<10240x128xf32, #tpu.memory_space<vmem_shared>>
      tpu.wait_indirect_dma semaphore(%arg26 : memref<!tpu.dma_semaphore, #tpu.memory_space<semaphore_mem>>) src(%arg9 : memref<32x128xf32, #tpu.memory_space<vmem>>) dst(%dma_wait3A_197 : memref<10240x128xf32, #tpu.memory_space<vmem_shared>>)
      %dma_wait3A_198 = arith.constant 0 : i32
      %dma_wait3A_199 = arith.constant 0 : i32
      %dma_wait3A_200 = tpu.memref_slice %arg8[%dma_wait3A_198, %dma_wait3A_199] : memref<64x32xi32, #tpu.memory_space<vmem>> -> memref<1x32xi32, #tpu.memory_space<vmem>>
      %dma_wait3A_201 = tpu.memref_squeeze %dma_wait3A_200 : memref<1x32xi32, #tpu.memory_space<vmem>> -> memref<32xi32, #tpu.memory_space<vmem>>
      %dma_wait3A_202 = arith.constant 0 : i32
      %dma_wait3A_203 = arith.constant 0 : i32
      %dma_wait3A_204 = tpu.memref_slice %arg17[%dma_wait3A_202, %dma_wait3A_203] : memref<10240x128xf32, #tpu.memory_space<vmem_shared>> -> memref<10240x128xf32, #tpu.memory_space<vmem_shared>>
      tpu.wait_indirect_dma semaphore(%arg27 : memref<!tpu.dma_semaphore, #tpu.memory_space<semaphore_mem>>) src(%arg10 : memref<32x128xf32, #tpu.memory_space<vmem>>) dst(%dma_wait3A_204 : memref<10240x128xf32, #tpu.memory_space<vmem_shared>>)
      %dma_wait3A_205 = arith.constant 0 : i32
      %dma_wait3A_206 = arith.constant 0 : i32
      %dma_wait3A_207 = tpu.memref_slice %arg8[%dma_wait3A_205, %dma_wait3A_206] : memref<64x32xi32, #tpu.memory_space<vmem>> -> memref<1x32xi32, #tpu.memory_space<vmem>>
      %dma_wait3A_208 = tpu.memref_squeeze %dma_wait3A_207 : memref<1x32xi32, #tpu.memory_space<vmem>> -> memref<32xi32, #tpu.memory_space<vmem>>
      %dma_wait3A_209 = arith.constant 0 : i32
      %dma_wait3A_210 = arith.constant 0 : i32
      %dma_wait3A_211 = tpu.memref_slice %arg17[%dma_wait3A_209, %dma_wait3A_210] : memref<10240x128xf32, #tpu.memory_space<vmem_shared>> -> memref<10240x128xf32, #tpu.memory_space<vmem_shared>>
      tpu.wait_indirect_dma semaphore(%arg28 : memref<!tpu.dma_semaphore, #tpu.memory_space<semaphore_mem>>) src(%arg11 : memref<32x128xf32, #tpu.memory_space<vmem>>) dst(%dma_wait3A_211 : memref<10240x128xf32, #tpu.memory_space<vmem_shared>>)
      %dma_wait3A_212 = arith.constant 0 : i32
      %dma_wait3A_213 = arith.constant 0 : i32
      %dma_wait3A_214 = tpu.memref_slice %arg8[%dma_wait3A_212, %dma_wait3A_213] : memref<64x32xi32, #tpu.memory_space<vmem>> -> memref<1x32xi32, #tpu.memory_space<vmem>>
      %dma_wait3A_215 = tpu.memref_squeeze %dma_wait3A_214 : memref<1x32xi32, #tpu.memory_space<vmem>> -> memref<32xi32, #tpu.memory_space<vmem>>
      %dma_wait3A_216 = arith.constant 0 : i32
      %dma_wait3A_217 = arith.constant 0 : i32
      %dma_wait3A_218 = tpu.memref_slice %arg17[%dma_wait3A_216, %dma_wait3A_217] : memref<10240x128xf32, #tpu.memory_space<vmem_shared>> -> memref<10240x128xf32, #tpu.memory_space<vmem_shared>>
      tpu.wait_indirect_dma semaphore(%arg29 : memref<!tpu.dma_semaphore, #tpu.memory_space<semaphore_mem>>) src(%arg12 : memref<32x128xf32, #tpu.memory_space<vmem>>) dst(%dma_wait3A_218 : memref<10240x128xf32, #tpu.memory_space<vmem_shared>>)
      %dma_wait3A_219 = arith.constant 0 : i32
      %dma_wait3A_220 = arith.constant 0 : i32
      %dma_wait3A_221 = tpu.memref_slice %arg8[%dma_wait3A_219, %dma_wait3A_220] : memref<64x32xi32, #tpu.memory_space<vmem>> -> memref<1x32xi32, #tpu.memory_space<vmem>>
      %dma_wait3A_222 = tpu.memref_squeeze %dma_wait3A_221 : memref<1x32xi32, #tpu.memory_space<vmem>> -> memref<32xi32, #tpu.memory_space<vmem>>
      %dma_wait3A_223 = arith.constant 0 : i32
      %dma_wait3A_224 = arith.constant 0 : i32
      %dma_wait3A_225 = tpu.memref_slice %arg17[%dma_wait3A_223, %dma_wait3A_224] : memref<10240x128xf32, #tpu.memory_space<vmem_shared>> -> memref<10240x128xf32, #tpu.memory_space<vmem_shared>>
      tpu.wait_indirect_dma semaphore(%arg30 : memref<!tpu.dma_semaphore, #tpu.memory_space<semaphore_mem>>) src(%arg13 : memref<32x128xf32, #tpu.memory_space<vmem>>) dst(%dma_wait3A_225 : memref<10240x128xf32, #tpu.memory_space<vmem_shared>>)
      %dma_wait3A_226 = arith.constant 0 : i32
      %dma_wait3A_227 = arith.constant 0 : i32
      %dma_wait3A_228 = tpu.memref_slice %arg8[%dma_wait3A_226, %dma_wait3A_227] : memref<64x32xi32, #tpu.memory_space<vmem>> -> memref<1x32xi32, #tpu.memory_space<vmem>>
      %dma_wait3A_229 = tpu.memref_squeeze %dma_wait3A_228 : memref<1x32xi32, #tpu.memory_space<vmem>> -> memref<32xi32, #tpu.memory_space<vmem>>
      %dma_wait3A_230 = arith.constant 0 : i32
      %dma_wait3A_231 = arith.constant 0 : i32
      %dma_wait3A_232 = tpu.memref_slice %arg17[%dma_wait3A_230, %dma_wait3A_231] : memref<10240x128xf32, #tpu.memory_space<vmem_shared>> -> memref<10240x128xf32, #tpu.memory_space<vmem_shared>>
      tpu.wait_indirect_dma semaphore(%arg31 : memref<!tpu.dma_semaphore, #tpu.memory_space<semaphore_mem>>) src(%arg14 : memref<32x128xf32, #tpu.memory_space<vmem>>) dst(%dma_wait3A_232 : memref<10240x128xf32, #tpu.memory_space<vmem_shared>>)
      %dma_wait3A_233 = arith.constant 0 : i32
      %dma_wait3A_234 = arith.constant 0 : i32
      %dma_wait3A_235 = tpu.memref_slice %arg8[%dma_wait3A_233, %dma_wait3A_234] : memref<64x32xi32, #tpu.memory_space<vmem>> -> memref<1x32xi32, #tpu.memory_space<vmem>>
      %dma_wait3A_236 = tpu.memref_squeeze %dma_wait3A_235 : memref<1x32xi32, #tpu.memory_space<vmem>> -> memref<32xi32, #tpu.memory_space<vmem>>
      %dma_wait3A_237 = arith.constant 0 : i32
      %dma_wait3A_238 = arith.constant 0 : i32
      %dma_wait3A_239 = tpu.memref_slice %arg17[%dma_wait3A_237, %dma_wait3A_238] : memref<10240x128xf32, #tpu.memory_space<vmem_shared>> -> memref<10240x128xf32, #tpu.memory_space<vmem_shared>>
      tpu.wait_indirect_dma semaphore(%arg32 : memref<!tpu.dma_semaphore, #tpu.memory_space<semaphore_mem>>) src(%arg15 : memref<32x128xf32, #tpu.memory_space<vmem>>) dst(%dma_wait3A_239 : memref<10240x128xf32, #tpu.memory_space<vmem_shared>>)
      %dma_wait3A_240 = arith.constant 0 : i32
      %dma_wait3A_241 = arith.constant 0 : i32
      %dma_wait3A_242 = tpu.memref_slice %arg8[%dma_wait3A_240, %dma_wait3A_241] : memref<64x32xi32, #tpu.memory_space<vmem>> -> memref<1x32xi32, #tpu.memory_space<vmem>>
      %dma_wait3A_243 = tpu.memref_squeeze %dma_wait3A_242 : memref<1x32xi32, #tpu.memory_space<vmem>> -> memref<32xi32, #tpu.memory_space<vmem>>
      %dma_wait3A_244 = arith.constant 0 : i32
      %dma_wait3A_245 = arith.constant 0 : i32
      %dma_wait3A_246 = tpu.memref_slice %arg17[%dma_wait3A_244, %dma_wait3A_245] : memref<10240x128xf32, #tpu.memory_space<vmem_shared>> -> memref<10240x128xf32, #tpu.memory_space<vmem_shared>>
      tpu.wait_indirect_dma semaphore(%arg33 : memref<!tpu.dma_semaphore, #tpu.memory_space<semaphore_mem>>) src(%arg16 : memref<32x128xf32, #tpu.memory_space<vmem>>) dst(%dma_wait3A_246 : memref<10240x128xf32, #tpu.memory_space<vmem_shared>>)
    }
    %scan3A_7 = arith.constant 5 : i32
    %barrier3A_8 = arith.constant 0 : index
    tpu.barrier barrier_id(%barrier3A_8)
    %mul3A_9 = arith.constant 640 : i32
    %mul3A_10 = arith.muli %arg1, %mul3A_9 : i32
    %mul3A_11 = arith.constant 640 : i32
    %mul3A_12 = arith.muli %arg1, %mul3A_11 : i32
    "tpu.region"() ({
      %run_scoped3A = tpu.sem_alloc : memref<!tpu.dma_semaphore, #tpu.memory_space<semaphore_mem>>
      %dma_start3A = arith.constant 0 : i32
      %dma_start3A_13 = tpu.memref_slice %arg6[%arg0, %mul3A_12, %dma_start3A] : memref<2x10240x128xf32, #tpu.memory_space<hbm>> -> memref<1x640x128xf32, #tpu.memory_space<hbm>>
      %dma_start3A_14 = tpu.memref_squeeze %dma_start3A_13 : memref<1x640x128xf32, #tpu.memory_space<hbm>> -> memref<640x128xf32, #tpu.memory_space<hbm>>
      %dma_start3A_15 = arith.constant 0 : i32
      %dma_start3A_16 = tpu.memref_slice %arg17[%mul3A_10, %dma_start3A_15] : memref<10240x128xf32, #tpu.memory_space<vmem_shared>> -> memref<640x128xf32, #tpu.memory_space<vmem_shared>>
      tpu.enqueue_dma source(%dma_start3A_16 : memref<640x128xf32, #tpu.memory_space<vmem_shared>>) target(%dma_start3A_14 : memref<640x128xf32, #tpu.memory_space<hbm>>) target_semaphore(%run_scoped3A : memref<!tpu.dma_semaphore, #tpu.memory_space<semaphore_mem>>)
      %dma_wait3A = arith.constant 0 : i32
      %dma_wait3A_17 = tpu.memref_slice %arg6[%arg0, %mul3A_12, %dma_wait3A] : memref<2x10240x128xf32, #tpu.memory_space<hbm>> -> memref<1x640x128xf32, #tpu.memory_space<hbm>>
      %dma_wait3A_18 = tpu.memref_squeeze %dma_wait3A_17 : memref<1x640x128xf32, #tpu.memory_space<hbm>> -> memref<640x128xf32, #tpu.memory_space<hbm>>
      %dma_wait3A_19 = arith.constant 0 : i32
      %dma_wait3A_20 = tpu.memref_slice %arg17[%mul3A_10, %dma_wait3A_19] : memref<10240x128xf32, #tpu.memory_space<vmem_shared>> -> memref<640x128xf32, #tpu.memory_space<vmem_shared>>
      tpu.wait_dma2 semaphore(%run_scoped3A : memref<!tpu.dma_semaphore, #tpu.memory_space<semaphore_mem>>) src(%dma_wait3A_20 : memref<640x128xf32, #tpu.memory_space<vmem_shared>>) dst(%dma_wait3A_18 : memref<640x128xf32, #tpu.memory_space<hbm>>)
      tpu.yield
    }) : () -> ()
    return
  }
}

#map = affine_map<(d0, d1) -> (0, 0)>
#map1 = affine_map<(d0, d1) -> (0, 0, 0)>
module attributes {stable_mosaic.version = 14 : i64} {
  func.func @prop(%arg0: i32, %arg1: i32, %arg2: memref<10240x128xf32, #tpu.memory_space<hbm>>, %arg3: memref<10240x32xi32, #tpu.memory_space<hbm>>, %arg4: memref<10240x32xi32, #tpu.memory_space<hbm>>, %arg5: memref<640x128xf32, #tpu.memory_space<hbm>>, %arg6: memref<2x10240x128xf32, #tpu.memory_space<hbm>>, %arg7: memref<64x32xi32, #tpu.memory_space<vmem>>, %arg8: memref<64x32xi32, #tpu.memory_space<vmem>>, %arg9: memref<32x128xf32, #tpu.memory_space<vmem>>, %arg10: memref<32x128xf32, #tpu.memory_space<vmem>>, %arg11: memref<32x128xf32, #tpu.memory_space<vmem>>, %arg12: memref<32x128xf32, #tpu.memory_space<vmem>>, %arg13: memref<32x128xf32, #tpu.memory_space<vmem>>, %arg14: memref<32x128xf32, #tpu.memory_space<vmem>>, %arg15: memref<32x128xf32, #tpu.memory_space<vmem>>, %arg16: memref<32x128xf32, #tpu.memory_space<vmem>>, %arg17: memref<10240x128xf32, #tpu.memory_space<vmem_shared>>, %arg18: memref<!tpu.dma_semaphore, #tpu.memory_space<semaphore_mem>>, %arg19: memref<!tpu.dma_semaphore, #tpu.memory_space<semaphore_mem>>, %arg20: memref<!tpu.dma_semaphore, #tpu.memory_space<semaphore_mem>>, %arg21: memref<!tpu.dma_semaphore, #tpu.memory_space<semaphore_mem>>, %arg22: memref<!tpu.dma_semaphore, #tpu.memory_space<semaphore_mem>>, %arg23: memref<!tpu.dma_semaphore, #tpu.memory_space<semaphore_mem>>, %arg24: memref<!tpu.dma_semaphore, #tpu.memory_space<semaphore_mem>>, %arg25: memref<!tpu.dma_semaphore, #tpu.memory_space<semaphore_mem>>, %arg26: memref<!tpu.dma_semaphore, #tpu.memory_space<semaphore_mem>>, %arg27: memref<!tpu.dma_semaphore, #tpu.memory_space<semaphore_mem>>, %arg28: memref<!tpu.dma_semaphore, #tpu.memory_space<semaphore_mem>>, %arg29: memref<!tpu.dma_semaphore, #tpu.memory_space<semaphore_mem>>, %arg30: memref<!tpu.dma_semaphore, #tpu.memory_space<semaphore_mem>>, %arg31: memref<!tpu.dma_semaphore, #tpu.memory_space<semaphore_mem>>, %arg32: memref<!tpu.dma_semaphore, #tpu.memory_space<semaphore_mem>>, %arg33: memref<!tpu.dma_semaphore, #tpu.memory_space<semaphore_mem>>) attributes {dimension_semantics = [#tpu.dimension_semantics<core_parallel>, #tpu.dimension_semantics<subcore_parallel>], iteration_bounds = array<i64: 2, 16>, scalar_prefetch = 0 : i64, scratch_operands = 27 : i64, tpu.core_type = #tpu.core_type<sc_vector_subcore>, window_params = [{transform_indices = #map}, {transform_indices = #map}, {transform_indices = #map}, {transform_indices = #map}, {transform_indices = #map1}]} {
    %mul3A = arith.constant 2 : i32
    %mul3A_0 = arith.muli %arg1, %mul3A : i32
    %add3A = arith.addi %mul3A_0, %arg0 : i32
    %mul3A_1 = arith.constant 640 : i32
    %mul3A_2 = arith.muli %arg1, %mul3A_1 : i32
    "tpu.region"() ({
      %run_scoped3A = tpu.sem_alloc : memref<!tpu.dma_semaphore, #tpu.memory_space<semaphore_mem>>
      %dma_start3A = arith.constant 0 : i32
      %dma_start3A_13 = tpu.memref_slice %arg17[%mul3A_2, %dma_start3A] : memref<10240x128xf32, #tpu.memory_space<vmem_shared>> -> memref<640x128xf32, #tpu.memory_space<vmem_shared>>
      tpu.enqueue_dma source(%arg5 : memref<640x128xf32, #tpu.memory_space<hbm>>) target(%dma_start3A_13 : memref<640x128xf32, #tpu.memory_space<vmem_shared>>) target_semaphore(%run_scoped3A : memref<!tpu.dma_semaphore, #tpu.memory_space<semaphore_mem>>)
      %dma_wait3A = arith.constant 0 : i32
      %dma_wait3A_14 = tpu.memref_slice %arg17[%mul3A_2, %dma_wait3A] : memref<10240x128xf32, #tpu.memory_space<vmem_shared>> -> memref<640x128xf32, #tpu.memory_space<vmem_shared>>
      tpu.wait_dma2 semaphore(%run_scoped3A : memref<!tpu.dma_semaphore, #tpu.memory_space<semaphore_mem>>) src(%arg5 : memref<640x128xf32, #tpu.memory_space<hbm>>) dst(%dma_wait3A_14 : memref<640x128xf32, #tpu.memory_space<vmem_shared>>)
      tpu.yield
    }) : () -> ()
    %barrier3A = arith.constant 0 : index
    tpu.barrier barrier_id(%barrier3A)
    %scan3A = arith.constant 0 : i32
    %scan3A_3 = arith.constant 0 : i32
    %scan3A_4 = arith.constant 5 : i32
    %scan3A_5 = arith.addi %scan3A_3, %scan3A_4 : i32
    %scan3A_6 = arith.constant 1 : i32
    scf.for %scan3A_13 = %scan3A_3 to %scan3A_5 step %scan3A_6  : i32 {
      %mul3A_14 = arith.constant 320 : i32
      %mul3A_15 = arith.muli %add3A, %mul3A_14 : i32
      %mul3A_16 = arith.constant 64 : i32
      %mul3A_17 = arith.muli %scan3A_13, %mul3A_16 : i32
      %add3A_18 = arith.addi %mul3A_15, %mul3A_17 : i32
      "tpu.region"() ({
        %run_scoped3A = tpu.sem_alloc : memref<!tpu.dma_semaphore, #tpu.memory_space<semaphore_mem>>
        %dma_start3A_247 = arith.constant 0 : i32
        %dma_start3A_248 = tpu.memref_slice %arg3[%add3A_18, %dma_start3A_247] : memref<10240x32xi32, #tpu.memory_space<hbm>> -> memref<64x32xi32, #tpu.memory_space<hbm>>
        %dma_start3A_249 = arith.constant 0 : i32
        %dma_start3A_250 = tpu.memref_slice %arg3[%add3A_18, %dma_start3A_249] : memref<10240x32xi32, #tpu.memory_space<hbm>> -> memref<64x32xi32, #tpu.memory_space<hbm>>
        tpu.enqueue_dma source(%dma_start3A_250 : memref<64x32xi32, #tpu.memory_space<hbm>>) target(%arg7 : memref<64x32xi32, #tpu.memory_space<vmem>>) target_semaphore(%run_scoped3A : memref<!tpu.dma_semaphore, #tpu.memory_space<semaphore_mem>>)
        %dma_wait3A_251 = arith.constant 0 : i32
        %dma_wait3A_252 = tpu.memref_slice %arg3[%add3A_18, %dma_wait3A_251] : memref<10240x32xi32, #tpu.memory_space<hbm>> -> memref<64x32xi32, #tpu.memory_space<hbm>>
        %dma_wait3A_253 = arith.constant 0 : i32
        %dma_wait3A_254 = tpu.memref_slice %arg3[%add3A_18, %dma_wait3A_253] : memref<10240x32xi32, #tpu.memory_space<hbm>> -> memref<64x32xi32, #tpu.memory_space<hbm>>
        tpu.wait_dma2 semaphore(%run_scoped3A : memref<!tpu.dma_semaphore, #tpu.memory_space<semaphore_mem>>) src(%dma_wait3A_254 : memref<64x32xi32, #tpu.memory_space<hbm>>) dst(%arg7 : memref<64x32xi32, #tpu.memory_space<vmem>>)
        tpu.yield
      }) : () -> ()
      "tpu.region"() ({
        %run_scoped3A = tpu.sem_alloc : memref<!tpu.dma_semaphore, #tpu.memory_space<semaphore_mem>>
        %dma_start3A_247 = arith.constant 0 : i32
        %dma_start3A_248 = tpu.memref_slice %arg4[%add3A_18, %dma_start3A_247] : memref<10240x32xi32, #tpu.memory_space<hbm>> -> memref<64x32xi32, #tpu.memory_space<hbm>>
        %dma_start3A_249 = arith.constant 0 : i32
        %dma_start3A_250 = tpu.memref_slice %arg4[%add3A_18, %dma_start3A_249] : memref<10240x32xi32, #tpu.memory_space<hbm>> -> memref<64x32xi32, #tpu.memory_space<hbm>>
        tpu.enqueue_dma source(%dma_start3A_250 : memref<64x32xi32, #tpu.memory_space<hbm>>) target(%arg8 : memref<64x32xi32, #tpu.memory_space<vmem>>) target_semaphore(%run_scoped3A : memref<!tpu.dma_semaphore, #tpu.memory_space<semaphore_mem>>)
        %dma_wait3A_251 = arith.constant 0 : i32
        %dma_wait3A_252 = tpu.memref_slice %arg4[%add3A_18, %dma_wait3A_251] : memref<10240x32xi32, #tpu.memory_space<hbm>> -> memref<64x32xi32, #tpu.memory_space<hbm>>
        %dma_wait3A_253 = arith.constant 0 : i32
        %dma_wait3A_254 = tpu.memref_slice %arg4[%add3A_18, %dma_wait3A_253] : memref<10240x32xi32, #tpu.memory_space<hbm>> -> memref<64x32xi32, #tpu.memory_space<hbm>>
        tpu.wait_dma2 semaphore(%run_scoped3A : memref<!tpu.dma_semaphore, #tpu.memory_space<semaphore_mem>>) src(%dma_wait3A_254 : memref<64x32xi32, #tpu.memory_space<hbm>>) dst(%arg8 : memref<64x32xi32, #tpu.memory_space<vmem>>)
        tpu.yield
      }) : () -> ()
      %dma_start3A = arith.constant 0 : i32
      %dma_start3A_19 = arith.constant 0 : i32
      %dma_start3A_20 = tpu.memref_slice %arg7[%dma_start3A, %dma_start3A_19] : memref<64x32xi32, #tpu.memory_space<vmem>> -> memref<1x32xi32, #tpu.memory_space<vmem>>
      %dma_start3A_21 = tpu.memref_squeeze %dma_start3A_20 : memref<1x32xi32, #tpu.memory_space<vmem>> -> memref<32xi32, #tpu.memory_space<vmem>>
      %dma_start3A_22 = arith.constant 0 : i32
      %dma_start3A_23 = arith.constant 0 : i32
      %dma_start3A_24 = tpu.memref_slice %arg2[%dma_start3A_22, %dma_start3A_23] : memref<10240x128xf32, #tpu.memory_space<hbm>> -> memref<10240x128xf32, #tpu.memory_space<hbm>>
      tpu.enqueue_indirect_dma source(%dma_start3A_24 : memref<10240x128xf32, #tpu.memory_space<hbm>>) target(%arg9 : memref<32x128xf32, #tpu.memory_space<vmem>>) offsets(%dma_start3A_21 : memref<32xi32, #tpu.memory_space<vmem>>) semaphore(%arg18 : memref<!tpu.dma_semaphore, #tpu.memory_space<semaphore_mem>>)
      %dma_start3A_25 = arith.constant 1 : i32
      %dma_start3A_26 = arith.constant 0 : i32
      %dma_start3A_27 = tpu.memref_slice %arg7[%dma_start3A_25, %dma_start3A_26] : memref<64x32xi32, #tpu.memory_space<vmem>> -> memref<1x32xi32, #tpu.memory_space<vmem>>
      %dma_start3A_28 = tpu.memref_squeeze %dma_start3A_27 : memref<1x32xi32, #tpu.memory_space<vmem>> -> memref<32xi32, #tpu.memory_space<vmem>>
      %dma_start3A_29 = arith.constant 0 : i32
      %dma_start3A_30 = arith.constant 0 : i32
      %dma_start3A_31 = tpu.memref_slice %arg2[%dma_start3A_29, %dma_start3A_30] : memref<10240x128xf32, #tpu.memory_space<hbm>> -> memref<10240x128xf32, #tpu.memory_space<hbm>>
      tpu.enqueue_indirect_dma source(%dma_start3A_31 : memref<10240x128xf32, #tpu.memory_space<hbm>>) target(%arg10 : memref<32x128xf32, #tpu.memory_space<vmem>>) offsets(%dma_start3A_28 : memref<32xi32, #tpu.memory_space<vmem>>) semaphore(%arg19 : memref<!tpu.dma_semaphore, #tpu.memory_space<semaphore_mem>>)
      %dma_start3A_32 = arith.constant 2 : i32
      %dma_start3A_33 = arith.constant 0 : i32
      %dma_start3A_34 = tpu.memref_slice %arg7[%dma_start3A_32, %dma_start3A_33] : memref<64x32xi32, #tpu.memory_space<vmem>> -> memref<1x32xi32, #tpu.memory_space<vmem>>
      %dma_start3A_35 = tpu.memref_squeeze %dma_start3A_34 : memref<1x32xi32, #tpu.memory_space<vmem>> -> memref<32xi32, #tpu.memory_space<vmem>>
      %dma_start3A_36 = arith.constant 0 : i32
      %dma_start3A_37 = arith.constant 0 : i32
      %dma_start3A_38 = tpu.memref_slice %arg2[%dma_start3A_36, %dma_start3A_37] : memref<10240x128xf32, #tpu.memory_space<hbm>> -> memref<10240x128xf32, #tpu.memory_space<hbm>>
      tpu.enqueue_indirect_dma source(%dma_start3A_38 : memref<10240x128xf32, #tpu.memory_space<hbm>>) target(%arg11 : memref<32x128xf32, #tpu.memory_space<vmem>>) offsets(%dma_start3A_35 : memref<32xi32, #tpu.memory_space<vmem>>) semaphore(%arg20 : memref<!tpu.dma_semaphore, #tpu.memory_space<semaphore_mem>>)
      %dma_start3A_39 = arith.constant 3 : i32
      %dma_start3A_40 = arith.constant 0 : i32
      %dma_start3A_41 = tpu.memref_slice %arg7[%dma_start3A_39, %dma_start3A_40] : memref<64x32xi32, #tpu.memory_space<vmem>> -> memref<1x32xi32, #tpu.memory_space<vmem>>
      %dma_start3A_42 = tpu.memref_squeeze %dma_start3A_41 : memref<1x32xi32, #tpu.memory_space<vmem>> -> memref<32xi32, #tpu.memory_space<vmem>>
      %dma_start3A_43 = arith.constant 0 : i32
      %dma_start3A_44 = arith.constant 0 : i32
      %dma_start3A_45 = tpu.memref_slice %arg2[%dma_start3A_43, %dma_start3A_44] : memref<10240x128xf32, #tpu.memory_space<hbm>> -> memref<10240x128xf32, #tpu.memory_space<hbm>>
      tpu.enqueue_indirect_dma source(%dma_start3A_45 : memref<10240x128xf32, #tpu.memory_space<hbm>>) target(%arg12 : memref<32x128xf32, #tpu.memory_space<vmem>>) offsets(%dma_start3A_42 : memref<32xi32, #tpu.memory_space<vmem>>) semaphore(%arg21 : memref<!tpu.dma_semaphore, #tpu.memory_space<semaphore_mem>>)
      %dma_start3A_46 = arith.constant 4 : i32
      %dma_start3A_47 = arith.constant 0 : i32
      %dma_start3A_48 = tpu.memref_slice %arg7[%dma_start3A_46, %dma_start3A_47] : memref<64x32xi32, #tpu.memory_space<vmem>> -> memref<1x32xi32, #tpu.memory_space<vmem>>
      %dma_start3A_49 = tpu.memref_squeeze %dma_start3A_48 : memref<1x32xi32, #tpu.memory_space<vmem>> -> memref<32xi32, #tpu.memory_space<vmem>>
      %dma_start3A_50 = arith.constant 0 : i32
      %dma_start3A_51 = arith.constant 0 : i32
      %dma_start3A_52 = tpu.memref_slice %arg2[%dma_start3A_50, %dma_start3A_51] : memref<10240x128xf32, #tpu.memory_space<hbm>> -> memref<10240x128xf32, #tpu.memory_space<hbm>>
      tpu.enqueue_indirect_dma source(%dma_start3A_52 : memref<10240x128xf32, #tpu.memory_space<hbm>>) target(%arg13 : memref<32x128xf32, #tpu.memory_space<vmem>>) offsets(%dma_start3A_49 : memref<32xi32, #tpu.memory_space<vmem>>) semaphore(%arg22 : memref<!tpu.dma_semaphore, #tpu.memory_space<semaphore_mem>>)
      %dma_start3A_53 = arith.constant 5 : i32
      %dma_start3A_54 = arith.constant 0 : i32
      %dma_start3A_55 = tpu.memref_slice %arg7[%dma_start3A_53, %dma_start3A_54] : memref<64x32xi32, #tpu.memory_space<vmem>> -> memref<1x32xi32, #tpu.memory_space<vmem>>
      %dma_start3A_56 = tpu.memref_squeeze %dma_start3A_55 : memref<1x32xi32, #tpu.memory_space<vmem>> -> memref<32xi32, #tpu.memory_space<vmem>>
      %dma_start3A_57 = arith.constant 0 : i32
      %dma_start3A_58 = arith.constant 0 : i32
      %dma_start3A_59 = tpu.memref_slice %arg2[%dma_start3A_57, %dma_start3A_58] : memref<10240x128xf32, #tpu.memory_space<hbm>> -> memref<10240x128xf32, #tpu.memory_space<hbm>>
      tpu.enqueue_indirect_dma source(%dma_start3A_59 : memref<10240x128xf32, #tpu.memory_space<hbm>>) target(%arg14 : memref<32x128xf32, #tpu.memory_space<vmem>>) offsets(%dma_start3A_56 : memref<32xi32, #tpu.memory_space<vmem>>) semaphore(%arg23 : memref<!tpu.dma_semaphore, #tpu.memory_space<semaphore_mem>>)
      %dma_start3A_60 = arith.constant 6 : i32
      %dma_start3A_61 = arith.constant 0 : i32
      %dma_start3A_62 = tpu.memref_slice %arg7[%dma_start3A_60, %dma_start3A_61] : memref<64x32xi32, #tpu.memory_space<vmem>> -> memref<1x32xi32, #tpu.memory_space<vmem>>
      %dma_start3A_63 = tpu.memref_squeeze %dma_start3A_62 : memref<1x32xi32, #tpu.memory_space<vmem>> -> memref<32xi32, #tpu.memory_space<vmem>>
      %dma_start3A_64 = arith.constant 0 : i32
      %dma_start3A_65 = arith.constant 0 : i32
      %dma_start3A_66 = tpu.memref_slice %arg2[%dma_start3A_64, %dma_start3A_65] : memref<10240x128xf32, #tpu.memory_space<hbm>> -> memref<10240x128xf32, #tpu.memory_space<hbm>>
      tpu.enqueue_indirect_dma source(%dma_start3A_66 : memref<10240x128xf32, #tpu.memory_space<hbm>>) target(%arg15 : memref<32x128xf32, #tpu.memory_space<vmem>>) offsets(%dma_start3A_63 : memref<32xi32, #tpu.memory_space<vmem>>) semaphore(%arg24 : memref<!tpu.dma_semaphore, #tpu.memory_space<semaphore_mem>>)
      %dma_start3A_67 = arith.constant 7 : i32
      %dma_start3A_68 = arith.constant 0 : i32
      %dma_start3A_69 = tpu.memref_slice %arg7[%dma_start3A_67, %dma_start3A_68] : memref<64x32xi32, #tpu.memory_space<vmem>> -> memref<1x32xi32, #tpu.memory_space<vmem>>
      %dma_start3A_70 = tpu.memref_squeeze %dma_start3A_69 : memref<1x32xi32, #tpu.memory_space<vmem>> -> memref<32xi32, #tpu.memory_space<vmem>>
      %dma_start3A_71 = arith.constant 0 : i32
      %dma_start3A_72 = arith.constant 0 : i32
      %dma_start3A_73 = tpu.memref_slice %arg2[%dma_start3A_71, %dma_start3A_72] : memref<10240x128xf32, #tpu.memory_space<hbm>> -> memref<10240x128xf32, #tpu.memory_space<hbm>>
      tpu.enqueue_indirect_dma source(%dma_start3A_73 : memref<10240x128xf32, #tpu.memory_space<hbm>>) target(%arg16 : memref<32x128xf32, #tpu.memory_space<vmem>>) offsets(%dma_start3A_70 : memref<32xi32, #tpu.memory_space<vmem>>) semaphore(%arg25 : memref<!tpu.dma_semaphore, #tpu.memory_space<semaphore_mem>>)
      %scan3A_74 = arith.constant 0 : i32
      %scan3A_75 = arith.constant 0 : i32
      %scan3A_76 = arith.constant 7 : i32
      %scan3A_77 = arith.addi %scan3A_75, %scan3A_76 : i32
      %scan3A_78 = arith.constant 1 : i32
      scf.for %scan3A_247 = %scan3A_75 to %scan3A_77 step %scan3A_78  : i32 {
        %dma_wait3A_248 = arith.constant 0 : i32
        %dma_wait3A_249 = arith.constant 0 : i32
        %dma_wait3A_250 = tpu.memref_slice %arg7[%dma_wait3A_248, %dma_wait3A_249] : memref<64x32xi32, #tpu.memory_space<vmem>> -> memref<1x32xi32, #tpu.memory_space<vmem>>
        %dma_wait3A_251 = tpu.memref_squeeze %dma_wait3A_250 : memref<1x32xi32, #tpu.memory_space<vmem>> -> memref<32xi32, #tpu.memory_space<vmem>>
        %dma_wait3A_252 = arith.constant 0 : i32
        %dma_wait3A_253 = arith.constant 0 : i32
        %dma_wait3A_254 = tpu.memref_slice %arg2[%dma_wait3A_252, %dma_wait3A_253] : memref<10240x128xf32, #tpu.memory_space<hbm>> -> memref<10240x128xf32, #tpu.memory_space<hbm>>
        tpu.wait_indirect_dma semaphore(%arg18 : memref<!tpu.dma_semaphore, #tpu.memory_space<semaphore_mem>>) src(%dma_wait3A_254 : memref<10240x128xf32, #tpu.memory_space<hbm>>) dst(%arg9 : memref<32x128xf32, #tpu.memory_space<vmem>>)
        %mul3A_255 = arith.constant 8 : i32
        %mul3A_256 = arith.muli %scan3A_247, %mul3A_255 : i32
        %add3A_257 = arith.constant 0 : i32
        %add3A_258 = arith.addi %mul3A_256, %add3A_257 : i32
        %dma_start3A_259 = arith.constant 0 : i32
        %dma_start3A_260 = tpu.memref_slice %arg8[%add3A_258, %dma_start3A_259] : memref<64x32xi32, #tpu.memory_space<vmem>> -> memref<1x32xi32, #tpu.memory_space<vmem>>
        %dma_start3A_261 = tpu.memref_squeeze %dma_start3A_260 : memref<1x32xi32, #tpu.memory_space<vmem>> -> memref<32xi32, #tpu.memory_space<vmem>>
        %dma_start3A_262 = arith.constant 0 : i32
        %dma_start3A_263 = arith.constant 0 : i32
        %dma_start3A_264 = tpu.memref_slice %arg17[%dma_start3A_262, %dma_start3A_263] : memref<10240x128xf32, #tpu.memory_space<vmem_shared>> -> memref<10240x128xf32, #tpu.memory_space<vmem_shared>>
        tpu.enqueue_indirect_dma source(%arg9 : memref<32x128xf32, #tpu.memory_space<vmem>>) target(%dma_start3A_264 : memref<10240x128xf32, #tpu.memory_space<vmem_shared>>) offsets(%dma_start3A_261 : memref<32xi32, #tpu.memory_space<vmem>>) semaphore(%arg26 : memref<!tpu.dma_semaphore, #tpu.memory_space<semaphore_mem>>) {add = true}
        %dma_wait3A_265 = arith.constant 0 : i32
        %dma_wait3A_266 = arith.constant 0 : i32
        %dma_wait3A_267 = tpu.memref_slice %arg7[%dma_wait3A_265, %dma_wait3A_266] : memref<64x32xi32, #tpu.memory_space<vmem>> -> memref<1x32xi32, #tpu.memory_space<vmem>>
        %dma_wait3A_268 = tpu.memref_squeeze %dma_wait3A_267 : memref<1x32xi32, #tpu.memory_space<vmem>> -> memref<32xi32, #tpu.memory_space<vmem>>
        %dma_wait3A_269 = arith.constant 0 : i32
        %dma_wait3A_270 = arith.constant 0 : i32
        %dma_wait3A_271 = tpu.memref_slice %arg2[%dma_wait3A_269, %dma_wait3A_270] : memref<10240x128xf32, #tpu.memory_space<hbm>> -> memref<10240x128xf32, #tpu.memory_space<hbm>>
        tpu.wait_indirect_dma semaphore(%arg19 : memref<!tpu.dma_semaphore, #tpu.memory_space<semaphore_mem>>) src(%dma_wait3A_271 : memref<10240x128xf32, #tpu.memory_space<hbm>>) dst(%arg10 : memref<32x128xf32, #tpu.memory_space<vmem>>)
        %mul3A_272 = arith.constant 8 : i32
        %mul3A_273 = arith.muli %scan3A_247, %mul3A_272 : i32
        %add3A_274 = arith.constant 1 : i32
        %add3A_275 = arith.addi %mul3A_273, %add3A_274 : i32
        %dma_start3A_276 = arith.constant 0 : i32
        %dma_start3A_277 = tpu.memref_slice %arg8[%add3A_275, %dma_start3A_276] : memref<64x32xi32, #tpu.memory_space<vmem>> -> memref<1x32xi32, #tpu.memory_space<vmem>>
        %dma_start3A_278 = tpu.memref_squeeze %dma_start3A_277 : memref<1x32xi32, #tpu.memory_space<vmem>> -> memref<32xi32, #tpu.memory_space<vmem>>
        %dma_start3A_279 = arith.constant 0 : i32
        %dma_start3A_280 = arith.constant 0 : i32
        %dma_start3A_281 = tpu.memref_slice %arg17[%dma_start3A_279, %dma_start3A_280] : memref<10240x128xf32, #tpu.memory_space<vmem_shared>> -> memref<10240x128xf32, #tpu.memory_space<vmem_shared>>
        tpu.enqueue_indirect_dma source(%arg10 : memref<32x128xf32, #tpu.memory_space<vmem>>) target(%dma_start3A_281 : memref<10240x128xf32, #tpu.memory_space<vmem_shared>>) offsets(%dma_start3A_278 : memref<32xi32, #tpu.memory_space<vmem>>) semaphore(%arg27 : memref<!tpu.dma_semaphore, #tpu.memory_space<semaphore_mem>>) {add = true}
        %dma_wait3A_282 = arith.constant 0 : i32
        %dma_wait3A_283 = arith.constant 0 : i32
        %dma_wait3A_284 = tpu.memref_slice %arg7[%dma_wait3A_282, %dma_wait3A_283] : memref<64x32xi32, #tpu.memory_space<vmem>> -> memref<1x32xi32, #tpu.memory_space<vmem>>
        %dma_wait3A_285 = tpu.memref_squeeze %dma_wait3A_284 : memref<1x32xi32, #tpu.memory_space<vmem>> -> memref<32xi32, #tpu.memory_space<vmem>>
        %dma_wait3A_286 = arith.constant 0 : i32
        %dma_wait3A_287 = arith.constant 0 : i32
        %dma_wait3A_288 = tpu.memref_slice %arg2[%dma_wait3A_286, %dma_wait3A_287] : memref<10240x128xf32, #tpu.memory_space<hbm>> -> memref<10240x128xf32, #tpu.memory_space<hbm>>
        tpu.wait_indirect_dma semaphore(%arg20 : memref<!tpu.dma_semaphore, #tpu.memory_space<semaphore_mem>>) src(%dma_wait3A_288 : memref<10240x128xf32, #tpu.memory_space<hbm>>) dst(%arg11 : memref<32x128xf32, #tpu.memory_space<vmem>>)
        %mul3A_289 = arith.constant 8 : i32
        %mul3A_290 = arith.muli %scan3A_247, %mul3A_289 : i32
        %add3A_291 = arith.constant 2 : i32
        %add3A_292 = arith.addi %mul3A_290, %add3A_291 : i32
        %dma_start3A_293 = arith.constant 0 : i32
        %dma_start3A_294 = tpu.memref_slice %arg8[%add3A_292, %dma_start3A_293] : memref<64x32xi32, #tpu.memory_space<vmem>> -> memref<1x32xi32, #tpu.memory_space<vmem>>
        %dma_start3A_295 = tpu.memref_squeeze %dma_start3A_294 : memref<1x32xi32, #tpu.memory_space<vmem>> -> memref<32xi32, #tpu.memory_space<vmem>>
        %dma_start3A_296 = arith.constant 0 : i32
        %dma_start3A_297 = arith.constant 0 : i32
        %dma_start3A_298 = tpu.memref_slice %arg17[%dma_start3A_296, %dma_start3A_297] : memref<10240x128xf32, #tpu.memory_space<vmem_shared>> -> memref<10240x128xf32, #tpu.memory_space<vmem_shared>>
        tpu.enqueue_indirect_dma source(%arg11 : memref<32x128xf32, #tpu.memory_space<vmem>>) target(%dma_start3A_298 : memref<10240x128xf32, #tpu.memory_space<vmem_shared>>) offsets(%dma_start3A_295 : memref<32xi32, #tpu.memory_space<vmem>>) semaphore(%arg28 : memref<!tpu.dma_semaphore, #tpu.memory_space<semaphore_mem>>) {add = true}
        %dma_wait3A_299 = arith.constant 0 : i32
        %dma_wait3A_300 = arith.constant 0 : i32
        %dma_wait3A_301 = tpu.memref_slice %arg7[%dma_wait3A_299, %dma_wait3A_300] : memref<64x32xi32, #tpu.memory_space<vmem>> -> memref<1x32xi32, #tpu.memory_space<vmem>>
        %dma_wait3A_302 = tpu.memref_squeeze %dma_wait3A_301 : memref<1x32xi32, #tpu.memory_space<vmem>> -> memref<32xi32, #tpu.memory_space<vmem>>
        %dma_wait3A_303 = arith.constant 0 : i32
        %dma_wait3A_304 = arith.constant 0 : i32
        %dma_wait3A_305 = tpu.memref_slice %arg2[%dma_wait3A_303, %dma_wait3A_304] : memref<10240x128xf32, #tpu.memory_space<hbm>> -> memref<10240x128xf32, #tpu.memory_space<hbm>>
        tpu.wait_indirect_dma semaphore(%arg21 : memref<!tpu.dma_semaphore, #tpu.memory_space<semaphore_mem>>) src(%dma_wait3A_305 : memref<10240x128xf32, #tpu.memory_space<hbm>>) dst(%arg12 : memref<32x128xf32, #tpu.memory_space<vmem>>)
        %mul3A_306 = arith.constant 8 : i32
        %mul3A_307 = arith.muli %scan3A_247, %mul3A_306 : i32
        %add3A_308 = arith.constant 3 : i32
        %add3A_309 = arith.addi %mul3A_307, %add3A_308 : i32
        %dma_start3A_310 = arith.constant 0 : i32
        %dma_start3A_311 = tpu.memref_slice %arg8[%add3A_309, %dma_start3A_310] : memref<64x32xi32, #tpu.memory_space<vmem>> -> memref<1x32xi32, #tpu.memory_space<vmem>>
        %dma_start3A_312 = tpu.memref_squeeze %dma_start3A_311 : memref<1x32xi32, #tpu.memory_space<vmem>> -> memref<32xi32, #tpu.memory_space<vmem>>
        %dma_start3A_313 = arith.constant 0 : i32
        %dma_start3A_314 = arith.constant 0 : i32
        %dma_start3A_315 = tpu.memref_slice %arg17[%dma_start3A_313, %dma_start3A_314] : memref<10240x128xf32, #tpu.memory_space<vmem_shared>> -> memref<10240x128xf32, #tpu.memory_space<vmem_shared>>
        tpu.enqueue_indirect_dma source(%arg12 : memref<32x128xf32, #tpu.memory_space<vmem>>) target(%dma_start3A_315 : memref<10240x128xf32, #tpu.memory_space<vmem_shared>>) offsets(%dma_start3A_312 : memref<32xi32, #tpu.memory_space<vmem>>) semaphore(%arg29 : memref<!tpu.dma_semaphore, #tpu.memory_space<semaphore_mem>>) {add = true}
        %dma_wait3A_316 = arith.constant 0 : i32
        %dma_wait3A_317 = arith.constant 0 : i32
        %dma_wait3A_318 = tpu.memref_slice %arg7[%dma_wait3A_316, %dma_wait3A_317] : memref<64x32xi32, #tpu.memory_space<vmem>> -> memref<1x32xi32, #tpu.memory_space<vmem>>
        %dma_wait3A_319 = tpu.memref_squeeze %dma_wait3A_318 : memref<1x32xi32, #tpu.memory_space<vmem>> -> memref<32xi32, #tpu.memory_space<vmem>>
        %dma_wait3A_320 = arith.constant 0 : i32
        %dma_wait3A_321 = arith.constant 0 : i32
        %dma_wait3A_322 = tpu.memref_slice %arg2[%dma_wait3A_320, %dma_wait3A_321] : memref<10240x128xf32, #tpu.memory_space<hbm>> -> memref<10240x128xf32, #tpu.memory_space<hbm>>
        tpu.wait_indirect_dma semaphore(%arg22 : memref<!tpu.dma_semaphore, #tpu.memory_space<semaphore_mem>>) src(%dma_wait3A_322 : memref<10240x128xf32, #tpu.memory_space<hbm>>) dst(%arg13 : memref<32x128xf32, #tpu.memory_space<vmem>>)
        %mul3A_323 = arith.constant 8 : i32
        %mul3A_324 = arith.muli %scan3A_247, %mul3A_323 : i32
        %add3A_325 = arith.constant 4 : i32
        %add3A_326 = arith.addi %mul3A_324, %add3A_325 : i32
        %dma_start3A_327 = arith.constant 0 : i32
        %dma_start3A_328 = tpu.memref_slice %arg8[%add3A_326, %dma_start3A_327] : memref<64x32xi32, #tpu.memory_space<vmem>> -> memref<1x32xi32, #tpu.memory_space<vmem>>
        %dma_start3A_329 = tpu.memref_squeeze %dma_start3A_328 : memref<1x32xi32, #tpu.memory_space<vmem>> -> memref<32xi32, #tpu.memory_space<vmem>>
        %dma_start3A_330 = arith.constant 0 : i32
        %dma_start3A_331 = arith.constant 0 : i32
        %dma_start3A_332 = tpu.memref_slice %arg17[%dma_start3A_330, %dma_start3A_331] : memref<10240x128xf32, #tpu.memory_space<vmem_shared>> -> memref<10240x128xf32, #tpu.memory_space<vmem_shared>>
        tpu.enqueue_indirect_dma source(%arg13 : memref<32x128xf32, #tpu.memory_space<vmem>>) target(%dma_start3A_332 : memref<10240x128xf32, #tpu.memory_space<vmem_shared>>) offsets(%dma_start3A_329 : memref<32xi32, #tpu.memory_space<vmem>>) semaphore(%arg30 : memref<!tpu.dma_semaphore, #tpu.memory_space<semaphore_mem>>) {add = true}
        %dma_wait3A_333 = arith.constant 0 : i32
        %dma_wait3A_334 = arith.constant 0 : i32
        %dma_wait3A_335 = tpu.memref_slice %arg7[%dma_wait3A_333, %dma_wait3A_334] : memref<64x32xi32, #tpu.memory_space<vmem>> -> memref<1x32xi32, #tpu.memory_space<vmem>>
        %dma_wait3A_336 = tpu.memref_squeeze %dma_wait3A_335 : memref<1x32xi32, #tpu.memory_space<vmem>> -> memref<32xi32, #tpu.memory_space<vmem>>
        %dma_wait3A_337 = arith.constant 0 : i32
        %dma_wait3A_338 = arith.constant 0 : i32
        %dma_wait3A_339 = tpu.memref_slice %arg2[%dma_wait3A_337, %dma_wait3A_338] : memref<10240x128xf32, #tpu.memory_space<hbm>> -> memref<10240x128xf32, #tpu.memory_space<hbm>>
        tpu.wait_indirect_dma semaphore(%arg23 : memref<!tpu.dma_semaphore, #tpu.memory_space<semaphore_mem>>) src(%dma_wait3A_339 : memref<10240x128xf32, #tpu.memory_space<hbm>>) dst(%arg14 : memref<32x128xf32, #tpu.memory_space<vmem>>)
        %mul3A_340 = arith.constant 8 : i32
        %mul3A_341 = arith.muli %scan3A_247, %mul3A_340 : i32
        %add3A_342 = arith.constant 5 : i32
        %add3A_343 = arith.addi %mul3A_341, %add3A_342 : i32
        %dma_start3A_344 = arith.constant 0 : i32
        %dma_start3A_345 = tpu.memref_slice %arg8[%add3A_343, %dma_start3A_344] : memref<64x32xi32, #tpu.memory_space<vmem>> -> memref<1x32xi32, #tpu.memory_space<vmem>>
        %dma_start3A_346 = tpu.memref_squeeze %dma_start3A_345 : memref<1x32xi32, #tpu.memory_space<vmem>> -> memref<32xi32, #tpu.memory_space<vmem>>
        %dma_start3A_347 = arith.constant 0 : i32
        %dma_start3A_348 = arith.constant 0 : i32
        %dma_start3A_349 = tpu.memref_slice %arg17[%dma_start3A_347, %dma_start3A_348] : memref<10240x128xf32, #tpu.memory_space<vmem_shared>> -> memref<10240x128xf32, #tpu.memory_space<vmem_shared>>
        tpu.enqueue_indirect_dma source(%arg14 : memref<32x128xf32, #tpu.memory_space<vmem>>) target(%dma_start3A_349 : memref<10240x128xf32, #tpu.memory_space<vmem_shared>>) offsets(%dma_start3A_346 : memref<32xi32, #tpu.memory_space<vmem>>) semaphore(%arg31 : memref<!tpu.dma_semaphore, #tpu.memory_space<semaphore_mem>>) {add = true}
        %dma_wait3A_350 = arith.constant 0 : i32
        %dma_wait3A_351 = arith.constant 0 : i32
        %dma_wait3A_352 = tpu.memref_slice %arg7[%dma_wait3A_350, %dma_wait3A_351] : memref<64x32xi32, #tpu.memory_space<vmem>> -> memref<1x32xi32, #tpu.memory_space<vmem>>
        %dma_wait3A_353 = tpu.memref_squeeze %dma_wait3A_352 : memref<1x32xi32, #tpu.memory_space<vmem>> -> memref<32xi32, #tpu.memory_space<vmem>>
        %dma_wait3A_354 = arith.constant 0 : i32
        %dma_wait3A_355 = arith.constant 0 : i32
        %dma_wait3A_356 = tpu.memref_slice %arg2[%dma_wait3A_354, %dma_wait3A_355] : memref<10240x128xf32, #tpu.memory_space<hbm>> -> memref<10240x128xf32, #tpu.memory_space<hbm>>
        tpu.wait_indirect_dma semaphore(%arg24 : memref<!tpu.dma_semaphore, #tpu.memory_space<semaphore_mem>>) src(%dma_wait3A_356 : memref<10240x128xf32, #tpu.memory_space<hbm>>) dst(%arg15 : memref<32x128xf32, #tpu.memory_space<vmem>>)
        %mul3A_357 = arith.constant 8 : i32
        %mul3A_358 = arith.muli %scan3A_247, %mul3A_357 : i32
        %add3A_359 = arith.constant 6 : i32
        %add3A_360 = arith.addi %mul3A_358, %add3A_359 : i32
        %dma_start3A_361 = arith.constant 0 : i32
        %dma_start3A_362 = tpu.memref_slice %arg8[%add3A_360, %dma_start3A_361] : memref<64x32xi32, #tpu.memory_space<vmem>> -> memref<1x32xi32, #tpu.memory_space<vmem>>
        %dma_start3A_363 = tpu.memref_squeeze %dma_start3A_362 : memref<1x32xi32, #tpu.memory_space<vmem>> -> memref<32xi32, #tpu.memory_space<vmem>>
        %dma_start3A_364 = arith.constant 0 : i32
        %dma_start3A_365 = arith.constant 0 : i32
        %dma_start3A_366 = tpu.memref_slice %arg17[%dma_start3A_364, %dma_start3A_365] : memref<10240x128xf32, #tpu.memory_space<vmem_shared>> -> memref<10240x128xf32, #tpu.memory_space<vmem_shared>>
        tpu.enqueue_indirect_dma source(%arg15 : memref<32x128xf32, #tpu.memory_space<vmem>>) target(%dma_start3A_366 : memref<10240x128xf32, #tpu.memory_space<vmem_shared>>) offsets(%dma_start3A_363 : memref<32xi32, #tpu.memory_space<vmem>>) semaphore(%arg32 : memref<!tpu.dma_semaphore, #tpu.memory_space<semaphore_mem>>) {add = true}
        %dma_wait3A_367 = arith.constant 0 : i32
        %dma_wait3A_368 = arith.constant 0 : i32
        %dma_wait3A_369 = tpu.memref_slice %arg7[%dma_wait3A_367, %dma_wait3A_368] : memref<64x32xi32, #tpu.memory_space<vmem>> -> memref<1x32xi32, #tpu.memory_space<vmem>>
        %dma_wait3A_370 = tpu.memref_squeeze %dma_wait3A_369 : memref<1x32xi32, #tpu.memory_space<vmem>> -> memref<32xi32, #tpu.memory_space<vmem>>
        %dma_wait3A_371 = arith.constant 0 : i32
        %dma_wait3A_372 = arith.constant 0 : i32
        %dma_wait3A_373 = tpu.memref_slice %arg2[%dma_wait3A_371, %dma_wait3A_372] : memref<10240x128xf32, #tpu.memory_space<hbm>> -> memref<10240x128xf32, #tpu.memory_space<hbm>>
        tpu.wait_indirect_dma semaphore(%arg25 : memref<!tpu.dma_semaphore, #tpu.memory_space<semaphore_mem>>) src(%dma_wait3A_373 : memref<10240x128xf32, #tpu.memory_space<hbm>>) dst(%arg16 : memref<32x128xf32, #tpu.memory_space<vmem>>)
        %mul3A_374 = arith.constant 8 : i32
        %mul3A_375 = arith.muli %scan3A_247, %mul3A_374 : i32
        %add3A_376 = arith.constant 7 : i32
        %add3A_377 = arith.addi %mul3A_375, %add3A_376 : i32
        %dma_start3A_378 = arith.constant 0 : i32
        %dma_start3A_379 = tpu.memref_slice %arg8[%add3A_377, %dma_start3A_378] : memref<64x32xi32, #tpu.memory_space<vmem>> -> memref<1x32xi32, #tpu.memory_space<vmem>>
        %dma_start3A_380 = tpu.memref_squeeze %dma_start3A_379 : memref<1x32xi32, #tpu.memory_space<vmem>> -> memref<32xi32, #tpu.memory_space<vmem>>
        %dma_start3A_381 = arith.constant 0 : i32
        %dma_start3A_382 = arith.constant 0 : i32
        %dma_start3A_383 = tpu.memref_slice %arg17[%dma_start3A_381, %dma_start3A_382] : memref<10240x128xf32, #tpu.memory_space<vmem_shared>> -> memref<10240x128xf32, #tpu.memory_space<vmem_shared>>
        tpu.enqueue_indirect_dma source(%arg16 : memref<32x128xf32, #tpu.memory_space<vmem>>) target(%dma_start3A_383 : memref<10240x128xf32, #tpu.memory_space<vmem_shared>>) offsets(%dma_start3A_380 : memref<32xi32, #tpu.memory_space<vmem>>) semaphore(%arg33 : memref<!tpu.dma_semaphore, #tpu.memory_space<semaphore_mem>>) {add = true}
        %dma_wait3A_384 = arith.constant 0 : i32
        %dma_wait3A_385 = arith.constant 0 : i32
        %dma_wait3A_386 = tpu.memref_slice %arg8[%dma_wait3A_384, %dma_wait3A_385] : memref<64x32xi32, #tpu.memory_space<vmem>> -> memref<1x32xi32, #tpu.memory_space<vmem>>
        %dma_wait3A_387 = tpu.memref_squeeze %dma_wait3A_386 : memref<1x32xi32, #tpu.memory_space<vmem>> -> memref<32xi32, #tpu.memory_space<vmem>>
        %dma_wait3A_388 = arith.constant 0 : i32
        %dma_wait3A_389 = arith.constant 0 : i32
        %dma_wait3A_390 = tpu.memref_slice %arg17[%dma_wait3A_388, %dma_wait3A_389] : memref<10240x128xf32, #tpu.memory_space<vmem_shared>> -> memref<10240x128xf32, #tpu.memory_space<vmem_shared>>
        tpu.wait_indirect_dma semaphore(%arg26 : memref<!tpu.dma_semaphore, #tpu.memory_space<semaphore_mem>>) src(%arg9 : memref<32x128xf32, #tpu.memory_space<vmem>>) dst(%dma_wait3A_390 : memref<10240x128xf32, #tpu.memory_space<vmem_shared>>)
        %add3A_391 = arith.constant 1 : i32
        %add3A_392 = arith.addi %scan3A_247, %add3A_391 : i32
        %mul3A_393 = arith.constant 8 : i32
        %mul3A_394 = arith.muli %add3A_392, %mul3A_393 : i32
        %add3A_395 = arith.constant 0 : i32
        %add3A_396 = arith.addi %mul3A_394, %add3A_395 : i32
        %dma_start3A_397 = arith.constant 0 : i32
        %dma_start3A_398 = tpu.memref_slice %arg7[%add3A_396, %dma_start3A_397] : memref<64x32xi32, #tpu.memory_space<vmem>> -> memref<1x32xi32, #tpu.memory_space<vmem>>
        %dma_start3A_399 = tpu.memref_squeeze %dma_start3A_398 : memref<1x32xi32, #tpu.memory_space<vmem>> -> memref<32xi32, #tpu.memory_space<vmem>>
        %dma_start3A_400 = arith.constant 0 : i32
        %dma_start3A_401 = arith.constant 0 : i32
        %dma_start3A_402 = tpu.memref_slice %arg2[%dma_start3A_400, %dma_start3A_401] : memref<10240x128xf32, #tpu.memory_space<hbm>> -> memref<10240x128xf32, #tpu.memory_space<hbm>>
        tpu.enqueue_indirect_dma source(%dma_start3A_402 : memref<10240x128xf32, #tpu.memory_space<hbm>>) target(%arg9 : memref<32x128xf32, #tpu.memory_space<vmem>>) offsets(%dma_start3A_399 : memref<32xi32, #tpu.memory_space<vmem>>) semaphore(%arg18 : memref<!tpu.dma_semaphore, #tpu.memory_space<semaphore_mem>>)
        %dma_wait3A_403 = arith.constant 0 : i32
        %dma_wait3A_404 = arith.constant 0 : i32
        %dma_wait3A_405 = tpu.memref_slice %arg8[%dma_wait3A_403, %dma_wait3A_404] : memref<64x32xi32, #tpu.memory_space<vmem>> -> memref<1x32xi32, #tpu.memory_space<vmem>>
        %dma_wait3A_406 = tpu.memref_squeeze %dma_wait3A_405 : memref<1x32xi32, #tpu.memory_space<vmem>> -> memref<32xi32, #tpu.memory_space<vmem>>
        %dma_wait3A_407 = arith.constant 0 : i32
        %dma_wait3A_408 = arith.constant 0 : i32
        %dma_wait3A_409 = tpu.memref_slice %arg17[%dma_wait3A_407, %dma_wait3A_408] : memref<10240x128xf32, #tpu.memory_space<vmem_shared>> -> memref<10240x128xf32, #tpu.memory_space<vmem_shared>>
        tpu.wait_indirect_dma semaphore(%arg27 : memref<!tpu.dma_semaphore, #tpu.memory_space<semaphore_mem>>) src(%arg10 : memref<32x128xf32, #tpu.memory_space<vmem>>) dst(%dma_wait3A_409 : memref<10240x128xf32, #tpu.memory_space<vmem_shared>>)
        %add3A_410 = arith.constant 1 : i32
        %add3A_411 = arith.addi %scan3A_247, %add3A_410 : i32
        %mul3A_412 = arith.constant 8 : i32
        %mul3A_413 = arith.muli %add3A_411, %mul3A_412 : i32
        %add3A_414 = arith.constant 1 : i32
        %add3A_415 = arith.addi %mul3A_413, %add3A_414 : i32
        %dma_start3A_416 = arith.constant 0 : i32
        %dma_start3A_417 = tpu.memref_slice %arg7[%add3A_415, %dma_start3A_416] : memref<64x32xi32, #tpu.memory_space<vmem>> -> memref<1x32xi32, #tpu.memory_space<vmem>>
        %dma_start3A_418 = tpu.memref_squeeze %dma_start3A_417 : memref<1x32xi32, #tpu.memory_space<vmem>> -> memref<32xi32, #tpu.memory_space<vmem>>
        %dma_start3A_419 = arith.constant 0 : i32
        %dma_start3A_420 = arith.constant 0 : i32
        %dma_start3A_421 = tpu.memref_slice %arg2[%dma_start3A_419, %dma_start3A_420] : memref<10240x128xf32, #tpu.memory_space<hbm>> -> memref<10240x128xf32, #tpu.memory_space<hbm>>
        tpu.enqueue_indirect_dma source(%dma_start3A_421 : memref<10240x128xf32, #tpu.memory_space<hbm>>) target(%arg10 : memref<32x128xf32, #tpu.memory_space<vmem>>) offsets(%dma_start3A_418 : memref<32xi32, #tpu.memory_space<vmem>>) semaphore(%arg19 : memref<!tpu.dma_semaphore, #tpu.memory_space<semaphore_mem>>)
        %dma_wait3A_422 = arith.constant 0 : i32
        %dma_wait3A_423 = arith.constant 0 : i32
        %dma_wait3A_424 = tpu.memref_slice %arg8[%dma_wait3A_422, %dma_wait3A_423] : memref<64x32xi32, #tpu.memory_space<vmem>> -> memref<1x32xi32, #tpu.memory_space<vmem>>
        %dma_wait3A_425 = tpu.memref_squeeze %dma_wait3A_424 : memref<1x32xi32, #tpu.memory_space<vmem>> -> memref<32xi32, #tpu.memory_space<vmem>>
        %dma_wait3A_426 = arith.constant 0 : i32
        %dma_wait3A_427 = arith.constant 0 : i32
        %dma_wait3A_428 = tpu.memref_slice %arg17[%dma_wait3A_426, %dma_wait3A_427] : memref<10240x128xf32, #tpu.memory_space<vmem_shared>> -> memref<10240x128xf32, #tpu.memory_space<vmem_shared>>
        tpu.wait_indirect_dma semaphore(%arg28 : memref<!tpu.dma_semaphore, #tpu.memory_space<semaphore_mem>>) src(%arg11 : memref<32x128xf32, #tpu.memory_space<vmem>>) dst(%dma_wait3A_428 : memref<10240x128xf32, #tpu.memory_space<vmem_shared>>)
        %add3A_429 = arith.constant 1 : i32
        %add3A_430 = arith.addi %scan3A_247, %add3A_429 : i32
        %mul3A_431 = arith.constant 8 : i32
        %mul3A_432 = arith.muli %add3A_430, %mul3A_431 : i32
        %add3A_433 = arith.constant 2 : i32
        %add3A_434 = arith.addi %mul3A_432, %add3A_433 : i32
        %dma_start3A_435 = arith.constant 0 : i32
        %dma_start3A_436 = tpu.memref_slice %arg7[%add3A_434, %dma_start3A_435] : memref<64x32xi32, #tpu.memory_space<vmem>> -> memref<1x32xi32, #tpu.memory_space<vmem>>
        %dma_start3A_437 = tpu.memref_squeeze %dma_start3A_436 : memref<1x32xi32, #tpu.memory_space<vmem>> -> memref<32xi32, #tpu.memory_space<vmem>>
        %dma_start3A_438 = arith.constant 0 : i32
        %dma_start3A_439 = arith.constant 0 : i32
        %dma_start3A_440 = tpu.memref_slice %arg2[%dma_start3A_438, %dma_start3A_439] : memref<10240x128xf32, #tpu.memory_space<hbm>> -> memref<10240x128xf32, #tpu.memory_space<hbm>>
        tpu.enqueue_indirect_dma source(%dma_start3A_440 : memref<10240x128xf32, #tpu.memory_space<hbm>>) target(%arg11 : memref<32x128xf32, #tpu.memory_space<vmem>>) offsets(%dma_start3A_437 : memref<32xi32, #tpu.memory_space<vmem>>) semaphore(%arg20 : memref<!tpu.dma_semaphore, #tpu.memory_space<semaphore_mem>>)
        %dma_wait3A_441 = arith.constant 0 : i32
        %dma_wait3A_442 = arith.constant 0 : i32
        %dma_wait3A_443 = tpu.memref_slice %arg8[%dma_wait3A_441, %dma_wait3A_442] : memref<64x32xi32, #tpu.memory_space<vmem>> -> memref<1x32xi32, #tpu.memory_space<vmem>>
        %dma_wait3A_444 = tpu.memref_squeeze %dma_wait3A_443 : memref<1x32xi32, #tpu.memory_space<vmem>> -> memref<32xi32, #tpu.memory_space<vmem>>
        %dma_wait3A_445 = arith.constant 0 : i32
        %dma_wait3A_446 = arith.constant 0 : i32
        %dma_wait3A_447 = tpu.memref_slice %arg17[%dma_wait3A_445, %dma_wait3A_446] : memref<10240x128xf32, #tpu.memory_space<vmem_shared>> -> memref<10240x128xf32, #tpu.memory_space<vmem_shared>>
        tpu.wait_indirect_dma semaphore(%arg29 : memref<!tpu.dma_semaphore, #tpu.memory_space<semaphore_mem>>) src(%arg12 : memref<32x128xf32, #tpu.memory_space<vmem>>) dst(%dma_wait3A_447 : memref<10240x128xf32, #tpu.memory_space<vmem_shared>>)
        %add3A_448 = arith.constant 1 : i32
        %add3A_449 = arith.addi %scan3A_247, %add3A_448 : i32
        %mul3A_450 = arith.constant 8 : i32
        %mul3A_451 = arith.muli %add3A_449, %mul3A_450 : i32
        %add3A_452 = arith.constant 3 : i32
        %add3A_453 = arith.addi %mul3A_451, %add3A_452 : i32
        %dma_start3A_454 = arith.constant 0 : i32
        %dma_start3A_455 = tpu.memref_slice %arg7[%add3A_453, %dma_start3A_454] : memref<64x32xi32, #tpu.memory_space<vmem>> -> memref<1x32xi32, #tpu.memory_space<vmem>>
        %dma_start3A_456 = tpu.memref_squeeze %dma_start3A_455 : memref<1x32xi32, #tpu.memory_space<vmem>> -> memref<32xi32, #tpu.memory_space<vmem>>
        %dma_start3A_457 = arith.constant 0 : i32
        %dma_start3A_458 = arith.constant 0 : i32
        %dma_start3A_459 = tpu.memref_slice %arg2[%dma_start3A_457, %dma_start3A_458] : memref<10240x128xf32, #tpu.memory_space<hbm>> -> memref<10240x128xf32, #tpu.memory_space<hbm>>
        tpu.enqueue_indirect_dma source(%dma_start3A_459 : memref<10240x128xf32, #tpu.memory_space<hbm>>) target(%arg12 : memref<32x128xf32, #tpu.memory_space<vmem>>) offsets(%dma_start3A_456 : memref<32xi32, #tpu.memory_space<vmem>>) semaphore(%arg21 : memref<!tpu.dma_semaphore, #tpu.memory_space<semaphore_mem>>)
        %dma_wait3A_460 = arith.constant 0 : i32
        %dma_wait3A_461 = arith.constant 0 : i32
        %dma_wait3A_462 = tpu.memref_slice %arg8[%dma_wait3A_460, %dma_wait3A_461] : memref<64x32xi32, #tpu.memory_space<vmem>> -> memref<1x32xi32, #tpu.memory_space<vmem>>
        %dma_wait3A_463 = tpu.memref_squeeze %dma_wait3A_462 : memref<1x32xi32, #tpu.memory_space<vmem>> -> memref<32xi32, #tpu.memory_space<vmem>>
        %dma_wait3A_464 = arith.constant 0 : i32
        %dma_wait3A_465 = arith.constant 0 : i32
        %dma_wait3A_466 = tpu.memref_slice %arg17[%dma_wait3A_464, %dma_wait3A_465] : memref<10240x128xf32, #tpu.memory_space<vmem_shared>> -> memref<10240x128xf32, #tpu.memory_space<vmem_shared>>
        tpu.wait_indirect_dma semaphore(%arg30 : memref<!tpu.dma_semaphore, #tpu.memory_space<semaphore_mem>>) src(%arg13 : memref<32x128xf32, #tpu.memory_space<vmem>>) dst(%dma_wait3A_466 : memref<10240x128xf32, #tpu.memory_space<vmem_shared>>)
        %add3A_467 = arith.constant 1 : i32
        %add3A_468 = arith.addi %scan3A_247, %add3A_467 : i32
        %mul3A_469 = arith.constant 8 : i32
        %mul3A_470 = arith.muli %add3A_468, %mul3A_469 : i32
        %add3A_471 = arith.constant 4 : i32
        %add3A_472 = arith.addi %mul3A_470, %add3A_471 : i32
        %dma_start3A_473 = arith.constant 0 : i32
        %dma_start3A_474 = tpu.memref_slice %arg7[%add3A_472, %dma_start3A_473] : memref<64x32xi32, #tpu.memory_space<vmem>> -> memref<1x32xi32, #tpu.memory_space<vmem>>
        %dma_start3A_475 = tpu.memref_squeeze %dma_start3A_474 : memref<1x32xi32, #tpu.memory_space<vmem>> -> memref<32xi32, #tpu.memory_space<vmem>>
        %dma_start3A_476 = arith.constant 0 : i32
        %dma_start3A_477 = arith.constant 0 : i32
        %dma_start3A_478 = tpu.memref_slice %arg2[%dma_start3A_476, %dma_start3A_477] : memref<10240x128xf32, #tpu.memory_space<hbm>> -> memref<10240x128xf32, #tpu.memory_space<hbm>>
        tpu.enqueue_indirect_dma source(%dma_start3A_478 : memref<10240x128xf32, #tpu.memory_space<hbm>>) target(%arg13 : memref<32x128xf32, #tpu.memory_space<vmem>>) offsets(%dma_start3A_475 : memref<32xi32, #tpu.memory_space<vmem>>) semaphore(%arg22 : memref<!tpu.dma_semaphore, #tpu.memory_space<semaphore_mem>>)
        %dma_wait3A_479 = arith.constant 0 : i32
        %dma_wait3A_480 = arith.constant 0 : i32
        %dma_wait3A_481 = tpu.memref_slice %arg8[%dma_wait3A_479, %dma_wait3A_480] : memref<64x32xi32, #tpu.memory_space<vmem>> -> memref<1x32xi32, #tpu.memory_space<vmem>>
        %dma_wait3A_482 = tpu.memref_squeeze %dma_wait3A_481 : memref<1x32xi32, #tpu.memory_space<vmem>> -> memref<32xi32, #tpu.memory_space<vmem>>
        %dma_wait3A_483 = arith.constant 0 : i32
        %dma_wait3A_484 = arith.constant 0 : i32
        %dma_wait3A_485 = tpu.memref_slice %arg17[%dma_wait3A_483, %dma_wait3A_484] : memref<10240x128xf32, #tpu.memory_space<vmem_shared>> -> memref<10240x128xf32, #tpu.memory_space<vmem_shared>>
        tpu.wait_indirect_dma semaphore(%arg31 : memref<!tpu.dma_semaphore, #tpu.memory_space<semaphore_mem>>) src(%arg14 : memref<32x128xf32, #tpu.memory_space<vmem>>) dst(%dma_wait3A_485 : memref<10240x128xf32, #tpu.memory_space<vmem_shared>>)
        %add3A_486 = arith.constant 1 : i32
        %add3A_487 = arith.addi %scan3A_247, %add3A_486 : i32
        %mul3A_488 = arith.constant 8 : i32
        %mul3A_489 = arith.muli %add3A_487, %mul3A_488 : i32
        %add3A_490 = arith.constant 5 : i32
        %add3A_491 = arith.addi %mul3A_489, %add3A_490 : i32
        %dma_start3A_492 = arith.constant 0 : i32
        %dma_start3A_493 = tpu.memref_slice %arg7[%add3A_491, %dma_start3A_492] : memref<64x32xi32, #tpu.memory_space<vmem>> -> memref<1x32xi32, #tpu.memory_space<vmem>>
        %dma_start3A_494 = tpu.memref_squeeze %dma_start3A_493 : memref<1x32xi32, #tpu.memory_space<vmem>> -> memref<32xi32, #tpu.memory_space<vmem>>
        %dma_start3A_495 = arith.constant 0 : i32
        %dma_start3A_496 = arith.constant 0 : i32
        %dma_start3A_497 = tpu.memref_slice %arg2[%dma_start3A_495, %dma_start3A_496] : memref<10240x128xf32, #tpu.memory_space<hbm>> -> memref<10240x128xf32, #tpu.memory_space<hbm>>
        tpu.enqueue_indirect_dma source(%dma_start3A_497 : memref<10240x128xf32, #tpu.memory_space<hbm>>) target(%arg14 : memref<32x128xf32, #tpu.memory_space<vmem>>) offsets(%dma_start3A_494 : memref<32xi32, #tpu.memory_space<vmem>>) semaphore(%arg23 : memref<!tpu.dma_semaphore, #tpu.memory_space<semaphore_mem>>)
        %dma_wait3A_498 = arith.constant 0 : i32
        %dma_wait3A_499 = arith.constant 0 : i32
        %dma_wait3A_500 = tpu.memref_slice %arg8[%dma_wait3A_498, %dma_wait3A_499] : memref<64x32xi32, #tpu.memory_space<vmem>> -> memref<1x32xi32, #tpu.memory_space<vmem>>
        %dma_wait3A_501 = tpu.memref_squeeze %dma_wait3A_500 : memref<1x32xi32, #tpu.memory_space<vmem>> -> memref<32xi32, #tpu.memory_space<vmem>>
        %dma_wait3A_502 = arith.constant 0 : i32
        %dma_wait3A_503 = arith.constant 0 : i32
        %dma_wait3A_504 = tpu.memref_slice %arg17[%dma_wait3A_502, %dma_wait3A_503] : memref<10240x128xf32, #tpu.memory_space<vmem_shared>> -> memref<10240x128xf32, #tpu.memory_space<vmem_shared>>
        tpu.wait_indirect_dma semaphore(%arg32 : memref<!tpu.dma_semaphore, #tpu.memory_space<semaphore_mem>>) src(%arg15 : memref<32x128xf32, #tpu.memory_space<vmem>>) dst(%dma_wait3A_504 : memref<10240x128xf32, #tpu.memory_space<vmem_shared>>)
        %add3A_505 = arith.constant 1 : i32
        %add3A_506 = arith.addi %scan3A_247, %add3A_505 : i32
        %mul3A_507 = arith.constant 8 : i32
        %mul3A_508 = arith.muli %add3A_506, %mul3A_507 : i32
        %add3A_509 = arith.constant 6 : i32
        %add3A_510 = arith.addi %mul3A_508, %add3A_509 : i32
        %dma_start3A_511 = arith.constant 0 : i32
        %dma_start3A_512 = tpu.memref_slice %arg7[%add3A_510, %dma_start3A_511] : memref<64x32xi32, #tpu.memory_space<vmem>> -> memref<1x32xi32, #tpu.memory_space<vmem>>
        %dma_start3A_513 = tpu.memref_squeeze %dma_start3A_512 : memref<1x32xi32, #tpu.memory_space<vmem>> -> memref<32xi32, #tpu.memory_space<vmem>>
        %dma_start3A_514 = arith.constant 0 : i32
        %dma_start3A_515 = arith.constant 0 : i32
        %dma_start3A_516 = tpu.memref_slice %arg2[%dma_start3A_514, %dma_start3A_515] : memref<10240x128xf32, #tpu.memory_space<hbm>> -> memref<10240x128xf32, #tpu.memory_space<hbm>>
        tpu.enqueue_indirect_dma source(%dma_start3A_516 : memref<10240x128xf32, #tpu.memory_space<hbm>>) target(%arg15 : memref<32x128xf32, #tpu.memory_space<vmem>>) offsets(%dma_start3A_513 : memref<32xi32, #tpu.memory_space<vmem>>) semaphore(%arg24 : memref<!tpu.dma_semaphore, #tpu.memory_space<semaphore_mem>>)
        %dma_wait3A_517 = arith.constant 0 : i32
        %dma_wait3A_518 = arith.constant 0 : i32
        %dma_wait3A_519 = tpu.memref_slice %arg8[%dma_wait3A_517, %dma_wait3A_518] : memref<64x32xi32, #tpu.memory_space<vmem>> -> memref<1x32xi32, #tpu.memory_space<vmem>>
        %dma_wait3A_520 = tpu.memref_squeeze %dma_wait3A_519 : memref<1x32xi32, #tpu.memory_space<vmem>> -> memref<32xi32, #tpu.memory_space<vmem>>
        %dma_wait3A_521 = arith.constant 0 : i32
        %dma_wait3A_522 = arith.constant 0 : i32
        %dma_wait3A_523 = tpu.memref_slice %arg17[%dma_wait3A_521, %dma_wait3A_522] : memref<10240x128xf32, #tpu.memory_space<vmem_shared>> -> memref<10240x128xf32, #tpu.memory_space<vmem_shared>>
        tpu.wait_indirect_dma semaphore(%arg33 : memref<!tpu.dma_semaphore, #tpu.memory_space<semaphore_mem>>) src(%arg16 : memref<32x128xf32, #tpu.memory_space<vmem>>) dst(%dma_wait3A_523 : memref<10240x128xf32, #tpu.memory_space<vmem_shared>>)
        %add3A_524 = arith.constant 1 : i32
        %add3A_525 = arith.addi %scan3A_247, %add3A_524 : i32
        %mul3A_526 = arith.constant 8 : i32
        %mul3A_527 = arith.muli %add3A_525, %mul3A_526 : i32
        %add3A_528 = arith.constant 7 : i32
        %add3A_529 = arith.addi %mul3A_527, %add3A_528 : i32
        %dma_start3A_530 = arith.constant 0 : i32
        %dma_start3A_531 = tpu.memref_slice %arg7[%add3A_529, %dma_start3A_530] : memref<64x32xi32, #tpu.memory_space<vmem>> -> memref<1x32xi32, #tpu.memory_space<vmem>>
        %dma_start3A_532 = tpu.memref_squeeze %dma_start3A_531 : memref<1x32xi32, #tpu.memory_space<vmem>> -> memref<32xi32, #tpu.memory_space<vmem>>
        %dma_start3A_533 = arith.constant 0 : i32
        %dma_start3A_534 = arith.constant 0 : i32
        %dma_start3A_535 = tpu.memref_slice %arg2[%dma_start3A_533, %dma_start3A_534] : memref<10240x128xf32, #tpu.memory_space<hbm>> -> memref<10240x128xf32, #tpu.memory_space<hbm>>
        tpu.enqueue_indirect_dma source(%dma_start3A_535 : memref<10240x128xf32, #tpu.memory_space<hbm>>) target(%arg16 : memref<32x128xf32, #tpu.memory_space<vmem>>) offsets(%dma_start3A_532 : memref<32xi32, #tpu.memory_space<vmem>>) semaphore(%arg25 : memref<!tpu.dma_semaphore, #tpu.memory_space<semaphore_mem>>)
      }
      %scan3A_79 = arith.constant 7 : i32
      %dma_wait3A = arith.constant 0 : i32
      %dma_wait3A_80 = arith.constant 0 : i32
      %dma_wait3A_81 = tpu.memref_slice %arg7[%dma_wait3A, %dma_wait3A_80] : memref<64x32xi32, #tpu.memory_space<vmem>> -> memref<1x32xi32, #tpu.memory_space<vmem>>
      %dma_wait3A_82 = tpu.memref_squeeze %dma_wait3A_81 : memref<1x32xi32, #tpu.memory_space<vmem>> -> memref<32xi32, #tpu.memory_space<vmem>>
      %dma_wait3A_83 = arith.constant 0 : i32
      %dma_wait3A_84 = arith.constant 0 : i32
      %dma_wait3A_85 = tpu.memref_slice %arg2[%dma_wait3A_83, %dma_wait3A_84] : memref<10240x128xf32, #tpu.memory_space<hbm>> -> memref<10240x128xf32, #tpu.memory_space<hbm>>
      tpu.wait_indirect_dma semaphore(%arg18 : memref<!tpu.dma_semaphore, #tpu.memory_space<semaphore_mem>>) src(%dma_wait3A_85 : memref<10240x128xf32, #tpu.memory_space<hbm>>) dst(%arg9 : memref<32x128xf32, #tpu.memory_space<vmem>>)
      %dma_start3A_86 = arith.constant 56 : i32
      %dma_start3A_87 = arith.constant 0 : i32
      %dma_start3A_88 = tpu.memref_slice %arg8[%dma_start3A_86, %dma_start3A_87] : memref<64x32xi32, #tpu.memory_space<vmem>> -> memref<1x32xi32, #tpu.memory_space<vmem>>
      %dma_start3A_89 = tpu.memref_squeeze %dma_start3A_88 : memref<1x32xi32, #tpu.memory_space<vmem>> -> memref<32xi32, #tpu.memory_space<vmem>>
      %dma_start3A_90 = arith.constant 0 : i32
      %dma_start3A_91 = arith.constant 0 : i32
      %dma_start3A_92 = tpu.memref_slice %arg17[%dma_start3A_90, %dma_start3A_91] : memref<10240x128xf32, #tpu.memory_space<vmem_shared>> -> memref<10240x128xf32, #tpu.memory_space<vmem_shared>>
      tpu.enqueue_indirect_dma source(%arg9 : memref<32x128xf32, #tpu.memory_space<vmem>>) target(%dma_start3A_92 : memref<10240x128xf32, #tpu.memory_space<vmem_shared>>) offsets(%dma_start3A_89 : memref<32xi32, #tpu.memory_space<vmem>>) semaphore(%arg26 : memref<!tpu.dma_semaphore, #tpu.memory_space<semaphore_mem>>) {add = true}
      %dma_wait3A_93 = arith.constant 0 : i32
      %dma_wait3A_94 = arith.constant 0 : i32
      %dma_wait3A_95 = tpu.memref_slice %arg7[%dma_wait3A_93, %dma_wait3A_94] : memref<64x32xi32, #tpu.memory_space<vmem>> -> memref<1x32xi32, #tpu.memory_space<vmem>>
      %dma_wait3A_96 = tpu.memref_squeeze %dma_wait3A_95 : memref<1x32xi32, #tpu.memory_space<vmem>> -> memref<32xi32, #tpu.memory_space<vmem>>
      %dma_wait3A_97 = arith.constant 0 : i32
      %dma_wait3A_98 = arith.constant 0 : i32
      %dma_wait3A_99 = tpu.memref_slice %arg2[%dma_wait3A_97, %dma_wait3A_98] : memref<10240x128xf32, #tpu.memory_space<hbm>> -> memref<10240x128xf32, #tpu.memory_space<hbm>>
      tpu.wait_indirect_dma semaphore(%arg19 : memref<!tpu.dma_semaphore, #tpu.memory_space<semaphore_mem>>) src(%dma_wait3A_99 : memref<10240x128xf32, #tpu.memory_space<hbm>>) dst(%arg10 : memref<32x128xf32, #tpu.memory_space<vmem>>)
      %dma_start3A_100 = arith.constant 57 : i32
      %dma_start3A_101 = arith.constant 0 : i32
      %dma_start3A_102 = tpu.memref_slice %arg8[%dma_start3A_100, %dma_start3A_101] : memref<64x32xi32, #tpu.memory_space<vmem>> -> memref<1x32xi32, #tpu.memory_space<vmem>>
      %dma_start3A_103 = tpu.memref_squeeze %dma_start3A_102 : memref<1x32xi32, #tpu.memory_space<vmem>> -> memref<32xi32, #tpu.memory_space<vmem>>
      %dma_start3A_104 = arith.constant 0 : i32
      %dma_start3A_105 = arith.constant 0 : i32
      %dma_start3A_106 = tpu.memref_slice %arg17[%dma_start3A_104, %dma_start3A_105] : memref<10240x128xf32, #tpu.memory_space<vmem_shared>> -> memref<10240x128xf32, #tpu.memory_space<vmem_shared>>
      tpu.enqueue_indirect_dma source(%arg10 : memref<32x128xf32, #tpu.memory_space<vmem>>) target(%dma_start3A_106 : memref<10240x128xf32, #tpu.memory_space<vmem_shared>>) offsets(%dma_start3A_103 : memref<32xi32, #tpu.memory_space<vmem>>) semaphore(%arg27 : memref<!tpu.dma_semaphore, #tpu.memory_space<semaphore_mem>>) {add = true}
      %dma_wait3A_107 = arith.constant 0 : i32
      %dma_wait3A_108 = arith.constant 0 : i32
      %dma_wait3A_109 = tpu.memref_slice %arg7[%dma_wait3A_107, %dma_wait3A_108] : memref<64x32xi32, #tpu.memory_space<vmem>> -> memref<1x32xi32, #tpu.memory_space<vmem>>
      %dma_wait3A_110 = tpu.memref_squeeze %dma_wait3A_109 : memref<1x32xi32, #tpu.memory_space<vmem>> -> memref<32xi32, #tpu.memory_space<vmem>>
      %dma_wait3A_111 = arith.constant 0 : i32
      %dma_wait3A_112 = arith.constant 0 : i32
      %dma_wait3A_113 = tpu.memref_slice %arg2[%dma_wait3A_111, %dma_wait3A_112] : memref<10240x128xf32, #tpu.memory_space<hbm>> -> memref<10240x128xf32, #tpu.memory_space<hbm>>
      tpu.wait_indirect_dma semaphore(%arg20 : memref<!tpu.dma_semaphore, #tpu.memory_space<semaphore_mem>>) src(%dma_wait3A_113 : memref<10240x128xf32, #tpu.memory_space<hbm>>) dst(%arg11 : memref<32x128xf32, #tpu.memory_space<vmem>>)
      %dma_start3A_114 = arith.constant 58 : i32
      %dma_start3A_115 = arith.constant 0 : i32
      %dma_start3A_116 = tpu.memref_slice %arg8[%dma_start3A_114, %dma_start3A_115] : memref<64x32xi32, #tpu.memory_space<vmem>> -> memref<1x32xi32, #tpu.memory_space<vmem>>
      %dma_start3A_117 = tpu.memref_squeeze %dma_start3A_116 : memref<1x32xi32, #tpu.memory_space<vmem>> -> memref<32xi32, #tpu.memory_space<vmem>>
      %dma_start3A_118 = arith.constant 0 : i32
      %dma_start3A_119 = arith.constant 0 : i32
      %dma_start3A_120 = tpu.memref_slice %arg17[%dma_start3A_118, %dma_start3A_119] : memref<10240x128xf32, #tpu.memory_space<vmem_shared>> -> memref<10240x128xf32, #tpu.memory_space<vmem_shared>>
      tpu.enqueue_indirect_dma source(%arg11 : memref<32x128xf32, #tpu.memory_space<vmem>>) target(%dma_start3A_120 : memref<10240x128xf32, #tpu.memory_space<vmem_shared>>) offsets(%dma_start3A_117 : memref<32xi32, #tpu.memory_space<vmem>>) semaphore(%arg28 : memref<!tpu.dma_semaphore, #tpu.memory_space<semaphore_mem>>) {add = true}
      %dma_wait3A_121 = arith.constant 0 : i32
      %dma_wait3A_122 = arith.constant 0 : i32
      %dma_wait3A_123 = tpu.memref_slice %arg7[%dma_wait3A_121, %dma_wait3A_122] : memref<64x32xi32, #tpu.memory_space<vmem>> -> memref<1x32xi32, #tpu.memory_space<vmem>>
      %dma_wait3A_124 = tpu.memref_squeeze %dma_wait3A_123 : memref<1x32xi32, #tpu.memory_space<vmem>> -> memref<32xi32, #tpu.memory_space<vmem>>
      %dma_wait3A_125 = arith.constant 0 : i32
      %dma_wait3A_126 = arith.constant 0 : i32
      %dma_wait3A_127 = tpu.memref_slice %arg2[%dma_wait3A_125, %dma_wait3A_126] : memref<10240x128xf32, #tpu.memory_space<hbm>> -> memref<10240x128xf32, #tpu.memory_space<hbm>>
      tpu.wait_indirect_dma semaphore(%arg21 : memref<!tpu.dma_semaphore, #tpu.memory_space<semaphore_mem>>) src(%dma_wait3A_127 : memref<10240x128xf32, #tpu.memory_space<hbm>>) dst(%arg12 : memref<32x128xf32, #tpu.memory_space<vmem>>)
      %dma_start3A_128 = arith.constant 59 : i32
      %dma_start3A_129 = arith.constant 0 : i32
      %dma_start3A_130 = tpu.memref_slice %arg8[%dma_start3A_128, %dma_start3A_129] : memref<64x32xi32, #tpu.memory_space<vmem>> -> memref<1x32xi32, #tpu.memory_space<vmem>>
      %dma_start3A_131 = tpu.memref_squeeze %dma_start3A_130 : memref<1x32xi32, #tpu.memory_space<vmem>> -> memref<32xi32, #tpu.memory_space<vmem>>
      %dma_start3A_132 = arith.constant 0 : i32
      %dma_start3A_133 = arith.constant 0 : i32
      %dma_start3A_134 = tpu.memref_slice %arg17[%dma_start3A_132, %dma_start3A_133] : memref<10240x128xf32, #tpu.memory_space<vmem_shared>> -> memref<10240x128xf32, #tpu.memory_space<vmem_shared>>
      tpu.enqueue_indirect_dma source(%arg12 : memref<32x128xf32, #tpu.memory_space<vmem>>) target(%dma_start3A_134 : memref<10240x128xf32, #tpu.memory_space<vmem_shared>>) offsets(%dma_start3A_131 : memref<32xi32, #tpu.memory_space<vmem>>) semaphore(%arg29 : memref<!tpu.dma_semaphore, #tpu.memory_space<semaphore_mem>>) {add = true}
      %dma_wait3A_135 = arith.constant 0 : i32
      %dma_wait3A_136 = arith.constant 0 : i32
      %dma_wait3A_137 = tpu.memref_slice %arg7[%dma_wait3A_135, %dma_wait3A_136] : memref<64x32xi32, #tpu.memory_space<vmem>> -> memref<1x32xi32, #tpu.memory_space<vmem>>
      %dma_wait3A_138 = tpu.memref_squeeze %dma_wait3A_137 : memref<1x32xi32, #tpu.memory_space<vmem>> -> memref<32xi32, #tpu.memory_space<vmem>>
      %dma_wait3A_139 = arith.constant 0 : i32
      %dma_wait3A_140 = arith.constant 0 : i32
      %dma_wait3A_141 = tpu.memref_slice %arg2[%dma_wait3A_139, %dma_wait3A_140] : memref<10240x128xf32, #tpu.memory_space<hbm>> -> memref<10240x128xf32, #tpu.memory_space<hbm>>
      tpu.wait_indirect_dma semaphore(%arg22 : memref<!tpu.dma_semaphore, #tpu.memory_space<semaphore_mem>>) src(%dma_wait3A_141 : memref<10240x128xf32, #tpu.memory_space<hbm>>) dst(%arg13 : memref<32x128xf32, #tpu.memory_space<vmem>>)
      %dma_start3A_142 = arith.constant 60 : i32
      %dma_start3A_143 = arith.constant 0 : i32
      %dma_start3A_144 = tpu.memref_slice %arg8[%dma_start3A_142, %dma_start3A_143] : memref<64x32xi32, #tpu.memory_space<vmem>> -> memref<1x32xi32, #tpu.memory_space<vmem>>
      %dma_start3A_145 = tpu.memref_squeeze %dma_start3A_144 : memref<1x32xi32, #tpu.memory_space<vmem>> -> memref<32xi32, #tpu.memory_space<vmem>>
      %dma_start3A_146 = arith.constant 0 : i32
      %dma_start3A_147 = arith.constant 0 : i32
      %dma_start3A_148 = tpu.memref_slice %arg17[%dma_start3A_146, %dma_start3A_147] : memref<10240x128xf32, #tpu.memory_space<vmem_shared>> -> memref<10240x128xf32, #tpu.memory_space<vmem_shared>>
      tpu.enqueue_indirect_dma source(%arg13 : memref<32x128xf32, #tpu.memory_space<vmem>>) target(%dma_start3A_148 : memref<10240x128xf32, #tpu.memory_space<vmem_shared>>) offsets(%dma_start3A_145 : memref<32xi32, #tpu.memory_space<vmem>>) semaphore(%arg30 : memref<!tpu.dma_semaphore, #tpu.memory_space<semaphore_mem>>) {add = true}
      %dma_wait3A_149 = arith.constant 0 : i32
      %dma_wait3A_150 = arith.constant 0 : i32
      %dma_wait3A_151 = tpu.memref_slice %arg7[%dma_wait3A_149, %dma_wait3A_150] : memref<64x32xi32, #tpu.memory_space<vmem>> -> memref<1x32xi32, #tpu.memory_space<vmem>>
      %dma_wait3A_152 = tpu.memref_squeeze %dma_wait3A_151 : memref<1x32xi32, #tpu.memory_space<vmem>> -> memref<32xi32, #tpu.memory_space<vmem>>
      %dma_wait3A_153 = arith.constant 0 : i32
      %dma_wait3A_154 = arith.constant 0 : i32
      %dma_wait3A_155 = tpu.memref_slice %arg2[%dma_wait3A_153, %dma_wait3A_154] : memref<10240x128xf32, #tpu.memory_space<hbm>> -> memref<10240x128xf32, #tpu.memory_space<hbm>>
      tpu.wait_indirect_dma semaphore(%arg23 : memref<!tpu.dma_semaphore, #tpu.memory_space<semaphore_mem>>) src(%dma_wait3A_155 : memref<10240x128xf32, #tpu.memory_space<hbm>>) dst(%arg14 : memref<32x128xf32, #tpu.memory_space<vmem>>)
      %dma_start3A_156 = arith.constant 61 : i32
      %dma_start3A_157 = arith.constant 0 : i32
      %dma_start3A_158 = tpu.memref_slice %arg8[%dma_start3A_156, %dma_start3A_157] : memref<64x32xi32, #tpu.memory_space<vmem>> -> memref<1x32xi32, #tpu.memory_space<vmem>>
      %dma_start3A_159 = tpu.memref_squeeze %dma_start3A_158 : memref<1x32xi32, #tpu.memory_space<vmem>> -> memref<32xi32, #tpu.memory_space<vmem>>
      %dma_start3A_160 = arith.constant 0 : i32
      %dma_start3A_161 = arith.constant 0 : i32
      %dma_start3A_162 = tpu.memref_slice %arg17[%dma_start3A_160, %dma_start3A_161] : memref<10240x128xf32, #tpu.memory_space<vmem_shared>> -> memref<10240x128xf32, #tpu.memory_space<vmem_shared>>
      tpu.enqueue_indirect_dma source(%arg14 : memref<32x128xf32, #tpu.memory_space<vmem>>) target(%dma_start3A_162 : memref<10240x128xf32, #tpu.memory_space<vmem_shared>>) offsets(%dma_start3A_159 : memref<32xi32, #tpu.memory_space<vmem>>) semaphore(%arg31 : memref<!tpu.dma_semaphore, #tpu.memory_space<semaphore_mem>>) {add = true}
      %dma_wait3A_163 = arith.constant 0 : i32
      %dma_wait3A_164 = arith.constant 0 : i32
      %dma_wait3A_165 = tpu.memref_slice %arg7[%dma_wait3A_163, %dma_wait3A_164] : memref<64x32xi32, #tpu.memory_space<vmem>> -> memref<1x32xi32, #tpu.memory_space<vmem>>
      %dma_wait3A_166 = tpu.memref_squeeze %dma_wait3A_165 : memref<1x32xi32, #tpu.memory_space<vmem>> -> memref<32xi32, #tpu.memory_space<vmem>>
      %dma_wait3A_167 = arith.constant 0 : i32
      %dma_wait3A_168 = arith.constant 0 : i32
      %dma_wait3A_169 = tpu.memref_slice %arg2[%dma_wait3A_167, %dma_wait3A_168] : memref<10240x128xf32, #tpu.memory_space<hbm>> -> memref<10240x128xf32, #tpu.memory_space<hbm>>
      tpu.wait_indirect_dma semaphore(%arg24 : memref<!tpu.dma_semaphore, #tpu.memory_space<semaphore_mem>>) src(%dma_wait3A_169 : memref<10240x128xf32, #tpu.memory_space<hbm>>) dst(%arg15 : memref<32x128xf32, #tpu.memory_space<vmem>>)
      %dma_start3A_170 = arith.constant 62 : i32
      %dma_start3A_171 = arith.constant 0 : i32
      %dma_start3A_172 = tpu.memref_slice %arg8[%dma_start3A_170, %dma_start3A_171] : memref<64x32xi32, #tpu.memory_space<vmem>> -> memref<1x32xi32, #tpu.memory_space<vmem>>
      %dma_start3A_173 = tpu.memref_squeeze %dma_start3A_172 : memref<1x32xi32, #tpu.memory_space<vmem>> -> memref<32xi32, #tpu.memory_space<vmem>>
      %dma_start3A_174 = arith.constant 0 : i32
      %dma_start3A_175 = arith.constant 0 : i32
      %dma_start3A_176 = tpu.memref_slice %arg17[%dma_start3A_174, %dma_start3A_175] : memref<10240x128xf32, #tpu.memory_space<vmem_shared>> -> memref<10240x128xf32, #tpu.memory_space<vmem_shared>>
      tpu.enqueue_indirect_dma source(%arg15 : memref<32x128xf32, #tpu.memory_space<vmem>>) target(%dma_start3A_176 : memref<10240x128xf32, #tpu.memory_space<vmem_shared>>) offsets(%dma_start3A_173 : memref<32xi32, #tpu.memory_space<vmem>>) semaphore(%arg32 : memref<!tpu.dma_semaphore, #tpu.memory_space<semaphore_mem>>) {add = true}
      %dma_wait3A_177 = arith.constant 0 : i32
      %dma_wait3A_178 = arith.constant 0 : i32
      %dma_wait3A_179 = tpu.memref_slice %arg7[%dma_wait3A_177, %dma_wait3A_178] : memref<64x32xi32, #tpu.memory_space<vmem>> -> memref<1x32xi32, #tpu.memory_space<vmem>>
      %dma_wait3A_180 = tpu.memref_squeeze %dma_wait3A_179 : memref<1x32xi32, #tpu.memory_space<vmem>> -> memref<32xi32, #tpu.memory_space<vmem>>
      %dma_wait3A_181 = arith.constant 0 : i32
      %dma_wait3A_182 = arith.constant 0 : i32
      %dma_wait3A_183 = tpu.memref_slice %arg2[%dma_wait3A_181, %dma_wait3A_182] : memref<10240x128xf32, #tpu.memory_space<hbm>> -> memref<10240x128xf32, #tpu.memory_space<hbm>>
      tpu.wait_indirect_dma semaphore(%arg25 : memref<!tpu.dma_semaphore, #tpu.memory_space<semaphore_mem>>) src(%dma_wait3A_183 : memref<10240x128xf32, #tpu.memory_space<hbm>>) dst(%arg16 : memref<32x128xf32, #tpu.memory_space<vmem>>)
      %dma_start3A_184 = arith.constant 63 : i32
      %dma_start3A_185 = arith.constant 0 : i32
      %dma_start3A_186 = tpu.memref_slice %arg8[%dma_start3A_184, %dma_start3A_185] : memref<64x32xi32, #tpu.memory_space<vmem>> -> memref<1x32xi32, #tpu.memory_space<vmem>>
      %dma_start3A_187 = tpu.memref_squeeze %dma_start3A_186 : memref<1x32xi32, #tpu.memory_space<vmem>> -> memref<32xi32, #tpu.memory_space<vmem>>
      %dma_start3A_188 = arith.constant 0 : i32
      %dma_start3A_189 = arith.constant 0 : i32
      %dma_start3A_190 = tpu.memref_slice %arg17[%dma_start3A_188, %dma_start3A_189] : memref<10240x128xf32, #tpu.memory_space<vmem_shared>> -> memref<10240x128xf32, #tpu.memory_space<vmem_shared>>
      tpu.enqueue_indirect_dma source(%arg16 : memref<32x128xf32, #tpu.memory_space<vmem>>) target(%dma_start3A_190 : memref<10240x128xf32, #tpu.memory_space<vmem_shared>>) offsets(%dma_start3A_187 : memref<32xi32, #tpu.memory_space<vmem>>) semaphore(%arg33 : memref<!tpu.dma_semaphore, #tpu.memory_space<semaphore_mem>>) {add = true}
      %dma_wait3A_191 = arith.constant 0 : i32
      %dma_wait3A_192 = arith.constant 0 : i32
      %dma_wait3A_193 = tpu.memref_slice %arg8[%dma_wait3A_191, %dma_wait3A_192] : memref<64x32xi32, #tpu.memory_space<vmem>> -> memref<1x32xi32, #tpu.memory_space<vmem>>
      %dma_wait3A_194 = tpu.memref_squeeze %dma_wait3A_193 : memref<1x32xi32, #tpu.memory_space<vmem>> -> memref<32xi32, #tpu.memory_space<vmem>>
      %dma_wait3A_195 = arith.constant 0 : i32
      %dma_wait3A_196 = arith.constant 0 : i32
      %dma_wait3A_197 = tpu.memref_slice %arg17[%dma_wait3A_195, %dma_wait3A_196] : memref<10240x128xf32, #tpu.memory_space<vmem_shared>> -> memref<10240x128xf32, #tpu.memory_space<vmem_shared>>
      tpu.wait_indirect_dma semaphore(%arg26 : memref<!tpu.dma_semaphore, #tpu.memory_space<semaphore_mem>>) src(%arg9 : memref<32x128xf32, #tpu.memory_space<vmem>>) dst(%dma_wait3A_197 : memref<10240x128xf32, #tpu.memory_space<vmem_shared>>)
      %dma_wait3A_198 = arith.constant 0 : i32
      %dma_wait3A_199 = arith.constant 0 : i32
      %dma_wait3A_200 = tpu.memref_slice %arg8[%dma_wait3A_198, %dma_wait3A_199] : memref<64x32xi32, #tpu.memory_space<vmem>> -> memref<1x32xi32, #tpu.memory_space<vmem>>
      %dma_wait3A_201 = tpu.memref_squeeze %dma_wait3A_200 : memref<1x32xi32, #tpu.memory_space<vmem>> -> memref<32xi32, #tpu.memory_space<vmem>>
      %dma_wait3A_202 = arith.constant 0 : i32
      %dma_wait3A_203 = arith.constant 0 : i32
      %dma_wait3A_204 = tpu.memref_slice %arg17[%dma_wait3A_202, %dma_wait3A_203] : memref<10240x128xf32, #tpu.memory_space<vmem_shared>> -> memref<10240x128xf32, #tpu.memory_space<vmem_shared>>
      tpu.wait_indirect_dma semaphore(%arg27 : memref<!tpu.dma_semaphore, #tpu.memory_space<semaphore_mem>>) src(%arg10 : memref<32x128xf32, #tpu.memory_space<vmem>>) dst(%dma_wait3A_204 : memref<10240x128xf32, #tpu.memory_space<vmem_shared>>)
      %dma_wait3A_205 = arith.constant 0 : i32
      %dma_wait3A_206 = arith.constant 0 : i32
      %dma_wait3A_207 = tpu.memref_slice %arg8[%dma_wait3A_205, %dma_wait3A_206] : memref<64x32xi32, #tpu.memory_space<vmem>> -> memref<1x32xi32, #tpu.memory_space<vmem>>
      %dma_wait3A_208 = tpu.memref_squeeze %dma_wait3A_207 : memref<1x32xi32, #tpu.memory_space<vmem>> -> memref<32xi32, #tpu.memory_space<vmem>>
      %dma_wait3A_209 = arith.constant 0 : i32
      %dma_wait3A_210 = arith.constant 0 : i32
      %dma_wait3A_211 = tpu.memref_slice %arg17[%dma_wait3A_209, %dma_wait3A_210] : memref<10240x128xf32, #tpu.memory_space<vmem_shared>> -> memref<10240x128xf32, #tpu.memory_space<vmem_shared>>
      tpu.wait_indirect_dma semaphore(%arg28 : memref<!tpu.dma_semaphore, #tpu.memory_space<semaphore_mem>>) src(%arg11 : memref<32x128xf32, #tpu.memory_space<vmem>>) dst(%dma_wait3A_211 : memref<10240x128xf32, #tpu.memory_space<vmem_shared>>)
      %dma_wait3A_212 = arith.constant 0 : i32
      %dma_wait3A_213 = arith.constant 0 : i32
      %dma_wait3A_214 = tpu.memref_slice %arg8[%dma_wait3A_212, %dma_wait3A_213] : memref<64x32xi32, #tpu.memory_space<vmem>> -> memref<1x32xi32, #tpu.memory_space<vmem>>
      %dma_wait3A_215 = tpu.memref_squeeze %dma_wait3A_214 : memref<1x32xi32, #tpu.memory_space<vmem>> -> memref<32xi32, #tpu.memory_space<vmem>>
      %dma_wait3A_216 = arith.constant 0 : i32
      %dma_wait3A_217 = arith.constant 0 : i32
      %dma_wait3A_218 = tpu.memref_slice %arg17[%dma_wait3A_216, %dma_wait3A_217] : memref<10240x128xf32, #tpu.memory_space<vmem_shared>> -> memref<10240x128xf32, #tpu.memory_space<vmem_shared>>
      tpu.wait_indirect_dma semaphore(%arg29 : memref<!tpu.dma_semaphore, #tpu.memory_space<semaphore_mem>>) src(%arg12 : memref<32x128xf32, #tpu.memory_space<vmem>>) dst(%dma_wait3A_218 : memref<10240x128xf32, #tpu.memory_space<vmem_shared>>)
      %dma_wait3A_219 = arith.constant 0 : i32
      %dma_wait3A_220 = arith.constant 0 : i32
      %dma_wait3A_221 = tpu.memref_slice %arg8[%dma_wait3A_219, %dma_wait3A_220] : memref<64x32xi32, #tpu.memory_space<vmem>> -> memref<1x32xi32, #tpu.memory_space<vmem>>
      %dma_wait3A_222 = tpu.memref_squeeze %dma_wait3A_221 : memref<1x32xi32, #tpu.memory_space<vmem>> -> memref<32xi32, #tpu.memory_space<vmem>>
      %dma_wait3A_223 = arith.constant 0 : i32
      %dma_wait3A_224 = arith.constant 0 : i32
      %dma_wait3A_225 = tpu.memref_slice %arg17[%dma_wait3A_223, %dma_wait3A_224] : memref<10240x128xf32, #tpu.memory_space<vmem_shared>> -> memref<10240x128xf32, #tpu.memory_space<vmem_shared>>
      tpu.wait_indirect_dma semaphore(%arg30 : memref<!tpu.dma_semaphore, #tpu.memory_space<semaphore_mem>>) src(%arg13 : memref<32x128xf32, #tpu.memory_space<vmem>>) dst(%dma_wait3A_225 : memref<10240x128xf32, #tpu.memory_space<vmem_shared>>)
      %dma_wait3A_226 = arith.constant 0 : i32
      %dma_wait3A_227 = arith.constant 0 : i32
      %dma_wait3A_228 = tpu.memref_slice %arg8[%dma_wait3A_226, %dma_wait3A_227] : memref<64x32xi32, #tpu.memory_space<vmem>> -> memref<1x32xi32, #tpu.memory_space<vmem>>
      %dma_wait3A_229 = tpu.memref_squeeze %dma_wait3A_228 : memref<1x32xi32, #tpu.memory_space<vmem>> -> memref<32xi32, #tpu.memory_space<vmem>>
      %dma_wait3A_230 = arith.constant 0 : i32
      %dma_wait3A_231 = arith.constant 0 : i32
      %dma_wait3A_232 = tpu.memref_slice %arg17[%dma_wait3A_230, %dma_wait3A_231] : memref<10240x128xf32, #tpu.memory_space<vmem_shared>> -> memref<10240x128xf32, #tpu.memory_space<vmem_shared>>
      tpu.wait_indirect_dma semaphore(%arg31 : memref<!tpu.dma_semaphore, #tpu.memory_space<semaphore_mem>>) src(%arg14 : memref<32x128xf32, #tpu.memory_space<vmem>>) dst(%dma_wait3A_232 : memref<10240x128xf32, #tpu.memory_space<vmem_shared>>)
      %dma_wait3A_233 = arith.constant 0 : i32
      %dma_wait3A_234 = arith.constant 0 : i32
      %dma_wait3A_235 = tpu.memref_slice %arg8[%dma_wait3A_233, %dma_wait3A_234] : memref<64x32xi32, #tpu.memory_space<vmem>> -> memref<1x32xi32, #tpu.memory_space<vmem>>
      %dma_wait3A_236 = tpu.memref_squeeze %dma_wait3A_235 : memref<1x32xi32, #tpu.memory_space<vmem>> -> memref<32xi32, #tpu.memory_space<vmem>>
      %dma_wait3A_237 = arith.constant 0 : i32
      %dma_wait3A_238 = arith.constant 0 : i32
      %dma_wait3A_239 = tpu.memref_slice %arg17[%dma_wait3A_237, %dma_wait3A_238] : memref<10240x128xf32, #tpu.memory_space<vmem_shared>> -> memref<10240x128xf32, #tpu.memory_space<vmem_shared>>
      tpu.wait_indirect_dma semaphore(%arg32 : memref<!tpu.dma_semaphore, #tpu.memory_space<semaphore_mem>>) src(%arg15 : memref<32x128xf32, #tpu.memory_space<vmem>>) dst(%dma_wait3A_239 : memref<10240x128xf32, #tpu.memory_space<vmem_shared>>)
      %dma_wait3A_240 = arith.constant 0 : i32
      %dma_wait3A_241 = arith.constant 0 : i32
      %dma_wait3A_242 = tpu.memref_slice %arg8[%dma_wait3A_240, %dma_wait3A_241] : memref<64x32xi32, #tpu.memory_space<vmem>> -> memref<1x32xi32, #tpu.memory_space<vmem>>
      %dma_wait3A_243 = tpu.memref_squeeze %dma_wait3A_242 : memref<1x32xi32, #tpu.memory_space<vmem>> -> memref<32xi32, #tpu.memory_space<vmem>>
      %dma_wait3A_244 = arith.constant 0 : i32
      %dma_wait3A_245 = arith.constant 0 : i32
      %dma_wait3A_246 = tpu.memref_slice %arg17[%dma_wait3A_244, %dma_wait3A_245] : memref<10240x128xf32, #tpu.memory_space<vmem_shared>> -> memref<10240x128xf32, #tpu.memory_space<vmem_shared>>
      tpu.wait_indirect_dma semaphore(%arg33 : memref<!tpu.dma_semaphore, #tpu.memory_space<semaphore_mem>>) src(%arg16 : memref<32x128xf32, #tpu.memory_space<vmem>>) dst(%dma_wait3A_246 : memref<10240x128xf32, #tpu.memory_space<vmem_shared>>)
    }
    %scan3A_7 = arith.constant 5 : i32
    %barrier3A_8 = arith.constant 0 : index
    tpu.barrier barrier_id(%barrier3A_8)
    %mul3A_9 = arith.constant 640 : i32
    %mul3A_10 = arith.muli %arg1, %mul3A_9 : i32
    %mul3A_11 = arith.constant 640 : i32
    %mul3A_12 = arith.muli %arg1, %mul3A_11 : i32
    "tpu.region"() ({
      %run_scoped3A = tpu.sem_alloc : memref<!tpu.dma_semaphore, #tpu.memory_space<semaphore_mem>>
      %dma_start3A = arith.constant 0 : i32
      %dma_start3A_13 = tpu.memref_slice %arg6[%arg0, %mul3A_12, %dma_start3A] : memref<2x10240x128xf32, #tpu.memory_space<hbm>> -> memref<1x640x128xf32, #tpu.memory_space<hbm>>
      %dma_start3A_14 = tpu.memref_squeeze %dma_start3A_13 : memref<1x640x128xf32, #tpu.memory_space<hbm>> -> memref<640x128xf32, #tpu.memory_space<hbm>>
      %dma_start3A_15 = arith.constant 0 : i32
      %dma_start3A_16 = tpu.memref_slice %arg17[%mul3A_10, %dma_start3A_15] : memref<10240x128xf32, #tpu.memory_space<vmem_shared>> -> memref<640x128xf32, #tpu.memory_space<vmem_shared>>
      tpu.enqueue_dma source(%dma_start3A_16 : memref<640x128xf32, #tpu.memory_space<vmem_shared>>) target(%dma_start3A_14 : memref<640x128xf32, #tpu.memory_space<hbm>>) target_semaphore(%run_scoped3A : memref<!tpu.dma_semaphore, #tpu.memory_space<semaphore_mem>>)
      %dma_wait3A = arith.constant 0 : i32
      %dma_wait3A_17 = tpu.memref_slice %arg6[%arg0, %mul3A_12, %dma_wait3A] : memref<2x10240x128xf32, #tpu.memory_space<hbm>> -> memref<1x640x128xf32, #tpu.memory_space<hbm>>
      %dma_wait3A_18 = tpu.memref_squeeze %dma_wait3A_17 : memref<1x640x128xf32, #tpu.memory_space<hbm>> -> memref<640x128xf32, #tpu.memory_space<hbm>>
      %dma_wait3A_19 = arith.constant 0 : i32
      %dma_wait3A_20 = tpu.memref_slice %arg17[%mul3A_10, %dma_wait3A_19] : memref<10240x128xf32, #tpu.memory_space<vmem_shared>> -> memref<640x128xf32, #tpu.memory_space<vmem_shared>>
      tpu.wait_dma2 semaphore(%run_scoped3A : memref<!tpu.dma_semaphore, #tpu.memory_space<semaphore_mem>>) src(%dma_wait3A_20 : memref<640x128xf32, #tpu.memory_space<vmem_shared>>) dst(%dma_wait3A_18 : memref<640x128xf32, #tpu.memory_space<hbm>>)
      tpu.yield
    }) : () -> ()
    return
  }
}

#map = affine_map<(d0, d1) -> (0, 0)>
#map1 = affine_map<(d0, d1) -> (0, 0, 0)>
module attributes {stable_mosaic.version = 14 : i64} {
  func.func @prop(%arg0: i32, %arg1: i32, %arg2: memref<10240x128xf32, #tpu.memory_space<hbm>>, %arg3: memref<10240x32xi32, #tpu.memory_space<hbm>>, %arg4: memref<10240x32xi32, #tpu.memory_space<hbm>>, %arg5: memref<640x128xf32, #tpu.memory_space<hbm>>, %arg6: memref<2x10240x128xf32, #tpu.memory_space<hbm>>, %arg7: memref<64x32xi32, #tpu.memory_space<vmem>>, %arg8: memref<64x32xi32, #tpu.memory_space<vmem>>, %arg9: memref<32x128xf32, #tpu.memory_space<vmem>>, %arg10: memref<32x128xf32, #tpu.memory_space<vmem>>, %arg11: memref<32x128xf32, #tpu.memory_space<vmem>>, %arg12: memref<32x128xf32, #tpu.memory_space<vmem>>, %arg13: memref<32x128xf32, #tpu.memory_space<vmem>>, %arg14: memref<32x128xf32, #tpu.memory_space<vmem>>, %arg15: memref<32x128xf32, #tpu.memory_space<vmem>>, %arg16: memref<32x128xf32, #tpu.memory_space<vmem>>, %arg17: memref<10240x128xf32, #tpu.memory_space<vmem_shared>>, %arg18: memref<!tpu.dma_semaphore, #tpu.memory_space<semaphore_mem>>, %arg19: memref<!tpu.dma_semaphore, #tpu.memory_space<semaphore_mem>>, %arg20: memref<!tpu.dma_semaphore, #tpu.memory_space<semaphore_mem>>, %arg21: memref<!tpu.dma_semaphore, #tpu.memory_space<semaphore_mem>>, %arg22: memref<!tpu.dma_semaphore, #tpu.memory_space<semaphore_mem>>, %arg23: memref<!tpu.dma_semaphore, #tpu.memory_space<semaphore_mem>>, %arg24: memref<!tpu.dma_semaphore, #tpu.memory_space<semaphore_mem>>, %arg25: memref<!tpu.dma_semaphore, #tpu.memory_space<semaphore_mem>>, %arg26: memref<!tpu.dma_semaphore, #tpu.memory_space<semaphore_mem>>, %arg27: memref<!tpu.dma_semaphore, #tpu.memory_space<semaphore_mem>>, %arg28: memref<!tpu.dma_semaphore, #tpu.memory_space<semaphore_mem>>, %arg29: memref<!tpu.dma_semaphore, #tpu.memory_space<semaphore_mem>>, %arg30: memref<!tpu.dma_semaphore, #tpu.memory_space<semaphore_mem>>, %arg31: memref<!tpu.dma_semaphore, #tpu.memory_space<semaphore_mem>>, %arg32: memref<!tpu.dma_semaphore, #tpu.memory_space<semaphore_mem>>, %arg33: memref<!tpu.dma_semaphore, #tpu.memory_space<semaphore_mem>>) attributes {dimension_semantics = [#tpu.dimension_semantics<core_parallel>, #tpu.dimension_semantics<subcore_parallel>], iteration_bounds = array<i64: 2, 16>, scalar_prefetch = 0 : i64, scratch_operands = 27 : i64, tpu.core_type = #tpu.core_type<sc_vector_subcore>, window_params = [{transform_indices = #map}, {transform_indices = #map}, {transform_indices = #map}, {transform_indices = #map}, {transform_indices = #map1}]} {
    %mul3A = arith.constant 2 : i32
    %mul3A_0 = arith.muli %arg1, %mul3A : i32
    %add3A = arith.addi %mul3A_0, %arg0 : i32
    %mul3A_1 = arith.constant 640 : i32
    %mul3A_2 = arith.muli %arg1, %mul3A_1 : i32
    "tpu.region"() ({
      %run_scoped3A = tpu.sem_alloc : memref<!tpu.dma_semaphore, #tpu.memory_space<semaphore_mem>>
      %dma_start3A = arith.constant 0 : i32
      %dma_start3A_13 = tpu.memref_slice %arg17[%mul3A_2, %dma_start3A] : memref<10240x128xf32, #tpu.memory_space<vmem_shared>> -> memref<640x128xf32, #tpu.memory_space<vmem_shared>>
      tpu.enqueue_dma source(%arg5 : memref<640x128xf32, #tpu.memory_space<hbm>>) target(%dma_start3A_13 : memref<640x128xf32, #tpu.memory_space<vmem_shared>>) target_semaphore(%run_scoped3A : memref<!tpu.dma_semaphore, #tpu.memory_space<semaphore_mem>>)
      %dma_wait3A = arith.constant 0 : i32
      %dma_wait3A_14 = tpu.memref_slice %arg17[%mul3A_2, %dma_wait3A] : memref<10240x128xf32, #tpu.memory_space<vmem_shared>> -> memref<640x128xf32, #tpu.memory_space<vmem_shared>>
      tpu.wait_dma2 semaphore(%run_scoped3A : memref<!tpu.dma_semaphore, #tpu.memory_space<semaphore_mem>>) src(%arg5 : memref<640x128xf32, #tpu.memory_space<hbm>>) dst(%dma_wait3A_14 : memref<640x128xf32, #tpu.memory_space<vmem_shared>>)
      tpu.yield
    }) : () -> ()
    %barrier3A = arith.constant 0 : index
    tpu.barrier barrier_id(%barrier3A)
    %scan3A = arith.constant 0 : i32
    %scan3A_3 = arith.constant 0 : i32
    %scan3A_4 = arith.constant 5 : i32
    %scan3A_5 = arith.addi %scan3A_3, %scan3A_4 : i32
    %scan3A_6 = arith.constant 1 : i32
    scf.for %scan3A_13 = %scan3A_3 to %scan3A_5 step %scan3A_6  : i32 {
      %mul3A_14 = arith.constant 320 : i32
      %mul3A_15 = arith.muli %add3A, %mul3A_14 : i32
      %mul3A_16 = arith.constant 64 : i32
      %mul3A_17 = arith.muli %scan3A_13, %mul3A_16 : i32
      %add3A_18 = arith.addi %mul3A_15, %mul3A_17 : i32
      "tpu.region"() ({
        %run_scoped3A = tpu.sem_alloc : memref<!tpu.dma_semaphore, #tpu.memory_space<semaphore_mem>>
        %dma_start3A_247 = arith.constant 0 : i32
        %dma_start3A_248 = tpu.memref_slice %arg3[%add3A_18, %dma_start3A_247] : memref<10240x32xi32, #tpu.memory_space<hbm>> -> memref<64x32xi32, #tpu.memory_space<hbm>>
        %dma_start3A_249 = arith.constant 0 : i32
        %dma_start3A_250 = tpu.memref_slice %arg3[%add3A_18, %dma_start3A_249] : memref<10240x32xi32, #tpu.memory_space<hbm>> -> memref<64x32xi32, #tpu.memory_space<hbm>>
        tpu.enqueue_dma source(%dma_start3A_250 : memref<64x32xi32, #tpu.memory_space<hbm>>) target(%arg7 : memref<64x32xi32, #tpu.memory_space<vmem>>) target_semaphore(%run_scoped3A : memref<!tpu.dma_semaphore, #tpu.memory_space<semaphore_mem>>)
        %dma_wait3A_251 = arith.constant 0 : i32
        %dma_wait3A_252 = tpu.memref_slice %arg3[%add3A_18, %dma_wait3A_251] : memref<10240x32xi32, #tpu.memory_space<hbm>> -> memref<64x32xi32, #tpu.memory_space<hbm>>
        %dma_wait3A_253 = arith.constant 0 : i32
        %dma_wait3A_254 = tpu.memref_slice %arg3[%add3A_18, %dma_wait3A_253] : memref<10240x32xi32, #tpu.memory_space<hbm>> -> memref<64x32xi32, #tpu.memory_space<hbm>>
        tpu.wait_dma2 semaphore(%run_scoped3A : memref<!tpu.dma_semaphore, #tpu.memory_space<semaphore_mem>>) src(%dma_wait3A_254 : memref<64x32xi32, #tpu.memory_space<hbm>>) dst(%arg7 : memref<64x32xi32, #tpu.memory_space<vmem>>)
        tpu.yield
      }) : () -> ()
      "tpu.region"() ({
        %run_scoped3A = tpu.sem_alloc : memref<!tpu.dma_semaphore, #tpu.memory_space<semaphore_mem>>
        %dma_start3A_247 = arith.constant 0 : i32
        %dma_start3A_248 = tpu.memref_slice %arg4[%add3A_18, %dma_start3A_247] : memref<10240x32xi32, #tpu.memory_space<hbm>> -> memref<64x32xi32, #tpu.memory_space<hbm>>
        %dma_start3A_249 = arith.constant 0 : i32
        %dma_start3A_250 = tpu.memref_slice %arg4[%add3A_18, %dma_start3A_249] : memref<10240x32xi32, #tpu.memory_space<hbm>> -> memref<64x32xi32, #tpu.memory_space<hbm>>
        tpu.enqueue_dma source(%dma_start3A_250 : memref<64x32xi32, #tpu.memory_space<hbm>>) target(%arg8 : memref<64x32xi32, #tpu.memory_space<vmem>>) target_semaphore(%run_scoped3A : memref<!tpu.dma_semaphore, #tpu.memory_space<semaphore_mem>>)
        %dma_wait3A_251 = arith.constant 0 : i32
        %dma_wait3A_252 = tpu.memref_slice %arg4[%add3A_18, %dma_wait3A_251] : memref<10240x32xi32, #tpu.memory_space<hbm>> -> memref<64x32xi32, #tpu.memory_space<hbm>>
        %dma_wait3A_253 = arith.constant 0 : i32
        %dma_wait3A_254 = tpu.memref_slice %arg4[%add3A_18, %dma_wait3A_253] : memref<10240x32xi32, #tpu.memory_space<hbm>> -> memref<64x32xi32, #tpu.memory_space<hbm>>
        tpu.wait_dma2 semaphore(%run_scoped3A : memref<!tpu.dma_semaphore, #tpu.memory_space<semaphore_mem>>) src(%dma_wait3A_254 : memref<64x32xi32, #tpu.memory_space<hbm>>) dst(%arg8 : memref<64x32xi32, #tpu.memory_space<vmem>>)
        tpu.yield
      }) : () -> ()
      %dma_start3A = arith.constant 0 : i32
      %dma_start3A_19 = arith.constant 0 : i32
      %dma_start3A_20 = tpu.memref_slice %arg7[%dma_start3A, %dma_start3A_19] : memref<64x32xi32, #tpu.memory_space<vmem>> -> memref<1x32xi32, #tpu.memory_space<vmem>>
      %dma_start3A_21 = tpu.memref_squeeze %dma_start3A_20 : memref<1x32xi32, #tpu.memory_space<vmem>> -> memref<32xi32, #tpu.memory_space<vmem>>
      %dma_start3A_22 = arith.constant 0 : i32
      %dma_start3A_23 = arith.constant 0 : i32
      %dma_start3A_24 = tpu.memref_slice %arg2[%dma_start3A_22, %dma_start3A_23] : memref<10240x128xf32, #tpu.memory_space<hbm>> -> memref<10240x128xf32, #tpu.memory_space<hbm>>
      tpu.enqueue_indirect_dma source(%dma_start3A_24 : memref<10240x128xf32, #tpu.memory_space<hbm>>) target(%arg9 : memref<32x128xf32, #tpu.memory_space<vmem>>) offsets(%dma_start3A_21 : memref<32xi32, #tpu.memory_space<vmem>>) semaphore(%arg18 : memref<!tpu.dma_semaphore, #tpu.memory_space<semaphore_mem>>)
      %dma_start3A_25 = arith.constant 1 : i32
      %dma_start3A_26 = arith.constant 0 : i32
      %dma_start3A_27 = tpu.memref_slice %arg7[%dma_start3A_25, %dma_start3A_26] : memref<64x32xi32, #tpu.memory_space<vmem>> -> memref<1x32xi32, #tpu.memory_space<vmem>>
      %dma_start3A_28 = tpu.memref_squeeze %dma_start3A_27 : memref<1x32xi32, #tpu.memory_space<vmem>> -> memref<32xi32, #tpu.memory_space<vmem>>
      %dma_start3A_29 = arith.constant 0 : i32
      %dma_start3A_30 = arith.constant 0 : i32
      %dma_start3A_31 = tpu.memref_slice %arg2[%dma_start3A_29, %dma_start3A_30] : memref<10240x128xf32, #tpu.memory_space<hbm>> -> memref<10240x128xf32, #tpu.memory_space<hbm>>
      tpu.enqueue_indirect_dma source(%dma_start3A_31 : memref<10240x128xf32, #tpu.memory_space<hbm>>) target(%arg10 : memref<32x128xf32, #tpu.memory_space<vmem>>) offsets(%dma_start3A_28 : memref<32xi32, #tpu.memory_space<vmem>>) semaphore(%arg19 : memref<!tpu.dma_semaphore, #tpu.memory_space<semaphore_mem>>)
      %dma_start3A_32 = arith.constant 2 : i32
      %dma_start3A_33 = arith.constant 0 : i32
      %dma_start3A_34 = tpu.memref_slice %arg7[%dma_start3A_32, %dma_start3A_33] : memref<64x32xi32, #tpu.memory_space<vmem>> -> memref<1x32xi32, #tpu.memory_space<vmem>>
      %dma_start3A_35 = tpu.memref_squeeze %dma_start3A_34 : memref<1x32xi32, #tpu.memory_space<vmem>> -> memref<32xi32, #tpu.memory_space<vmem>>
      %dma_start3A_36 = arith.constant 0 : i32
      %dma_start3A_37 = arith.constant 0 : i32
      %dma_start3A_38 = tpu.memref_slice %arg2[%dma_start3A_36, %dma_start3A_37] : memref<10240x128xf32, #tpu.memory_space<hbm>> -> memref<10240x128xf32, #tpu.memory_space<hbm>>
      tpu.enqueue_indirect_dma source(%dma_start3A_38 : memref<10240x128xf32, #tpu.memory_space<hbm>>) target(%arg11 : memref<32x128xf32, #tpu.memory_space<vmem>>) offsets(%dma_start3A_35 : memref<32xi32, #tpu.memory_space<vmem>>) semaphore(%arg20 : memref<!tpu.dma_semaphore, #tpu.memory_space<semaphore_mem>>)
      %dma_start3A_39 = arith.constant 3 : i32
      %dma_start3A_40 = arith.constant 0 : i32
      %dma_start3A_41 = tpu.memref_slice %arg7[%dma_start3A_39, %dma_start3A_40] : memref<64x32xi32, #tpu.memory_space<vmem>> -> memref<1x32xi32, #tpu.memory_space<vmem>>
      %dma_start3A_42 = tpu.memref_squeeze %dma_start3A_41 : memref<1x32xi32, #tpu.memory_space<vmem>> -> memref<32xi32, #tpu.memory_space<vmem>>
      %dma_start3A_43 = arith.constant 0 : i32
      %dma_start3A_44 = arith.constant 0 : i32
      %dma_start3A_45 = tpu.memref_slice %arg2[%dma_start3A_43, %dma_start3A_44] : memref<10240x128xf32, #tpu.memory_space<hbm>> -> memref<10240x128xf32, #tpu.memory_space<hbm>>
      tpu.enqueue_indirect_dma source(%dma_start3A_45 : memref<10240x128xf32, #tpu.memory_space<hbm>>) target(%arg12 : memref<32x128xf32, #tpu.memory_space<vmem>>) offsets(%dma_start3A_42 : memref<32xi32, #tpu.memory_space<vmem>>) semaphore(%arg21 : memref<!tpu.dma_semaphore, #tpu.memory_space<semaphore_mem>>)
      %dma_start3A_46 = arith.constant 4 : i32
      %dma_start3A_47 = arith.constant 0 : i32
      %dma_start3A_48 = tpu.memref_slice %arg7[%dma_start3A_46, %dma_start3A_47] : memref<64x32xi32, #tpu.memory_space<vmem>> -> memref<1x32xi32, #tpu.memory_space<vmem>>
      %dma_start3A_49 = tpu.memref_squeeze %dma_start3A_48 : memref<1x32xi32, #tpu.memory_space<vmem>> -> memref<32xi32, #tpu.memory_space<vmem>>
      %dma_start3A_50 = arith.constant 0 : i32
      %dma_start3A_51 = arith.constant 0 : i32
      %dma_start3A_52 = tpu.memref_slice %arg2[%dma_start3A_50, %dma_start3A_51] : memref<10240x128xf32, #tpu.memory_space<hbm>> -> memref<10240x128xf32, #tpu.memory_space<hbm>>
      tpu.enqueue_indirect_dma source(%dma_start3A_52 : memref<10240x128xf32, #tpu.memory_space<hbm>>) target(%arg13 : memref<32x128xf32, #tpu.memory_space<vmem>>) offsets(%dma_start3A_49 : memref<32xi32, #tpu.memory_space<vmem>>) semaphore(%arg22 : memref<!tpu.dma_semaphore, #tpu.memory_space<semaphore_mem>>)
      %dma_start3A_53 = arith.constant 5 : i32
      %dma_start3A_54 = arith.constant 0 : i32
      %dma_start3A_55 = tpu.memref_slice %arg7[%dma_start3A_53, %dma_start3A_54] : memref<64x32xi32, #tpu.memory_space<vmem>> -> memref<1x32xi32, #tpu.memory_space<vmem>>
      %dma_start3A_56 = tpu.memref_squeeze %dma_start3A_55 : memref<1x32xi32, #tpu.memory_space<vmem>> -> memref<32xi32, #tpu.memory_space<vmem>>
      %dma_start3A_57 = arith.constant 0 : i32
      %dma_start3A_58 = arith.constant 0 : i32
      %dma_start3A_59 = tpu.memref_slice %arg2[%dma_start3A_57, %dma_start3A_58] : memref<10240x128xf32, #tpu.memory_space<hbm>> -> memref<10240x128xf32, #tpu.memory_space<hbm>>
      tpu.enqueue_indirect_dma source(%dma_start3A_59 : memref<10240x128xf32, #tpu.memory_space<hbm>>) target(%arg14 : memref<32x128xf32, #tpu.memory_space<vmem>>) offsets(%dma_start3A_56 : memref<32xi32, #tpu.memory_space<vmem>>) semaphore(%arg23 : memref<!tpu.dma_semaphore, #tpu.memory_space<semaphore_mem>>)
      %dma_start3A_60 = arith.constant 6 : i32
      %dma_start3A_61 = arith.constant 0 : i32
      %dma_start3A_62 = tpu.memref_slice %arg7[%dma_start3A_60, %dma_start3A_61] : memref<64x32xi32, #tpu.memory_space<vmem>> -> memref<1x32xi32, #tpu.memory_space<vmem>>
      %dma_start3A_63 = tpu.memref_squeeze %dma_start3A_62 : memref<1x32xi32, #tpu.memory_space<vmem>> -> memref<32xi32, #tpu.memory_space<vmem>>
      %dma_start3A_64 = arith.constant 0 : i32
      %dma_start3A_65 = arith.constant 0 : i32
      %dma_start3A_66 = tpu.memref_slice %arg2[%dma_start3A_64, %dma_start3A_65] : memref<10240x128xf32, #tpu.memory_space<hbm>> -> memref<10240x128xf32, #tpu.memory_space<hbm>>
      tpu.enqueue_indirect_dma source(%dma_start3A_66 : memref<10240x128xf32, #tpu.memory_space<hbm>>) target(%arg15 : memref<32x128xf32, #tpu.memory_space<vmem>>) offsets(%dma_start3A_63 : memref<32xi32, #tpu.memory_space<vmem>>) semaphore(%arg24 : memref<!tpu.dma_semaphore, #tpu.memory_space<semaphore_mem>>)
      %dma_start3A_67 = arith.constant 7 : i32
      %dma_start3A_68 = arith.constant 0 : i32
      %dma_start3A_69 = tpu.memref_slice %arg7[%dma_start3A_67, %dma_start3A_68] : memref<64x32xi32, #tpu.memory_space<vmem>> -> memref<1x32xi32, #tpu.memory_space<vmem>>
      %dma_start3A_70 = tpu.memref_squeeze %dma_start3A_69 : memref<1x32xi32, #tpu.memory_space<vmem>> -> memref<32xi32, #tpu.memory_space<vmem>>
      %dma_start3A_71 = arith.constant 0 : i32
      %dma_start3A_72 = arith.constant 0 : i32
      %dma_start3A_73 = tpu.memref_slice %arg2[%dma_start3A_71, %dma_start3A_72] : memref<10240x128xf32, #tpu.memory_space<hbm>> -> memref<10240x128xf32, #tpu.memory_space<hbm>>
      tpu.enqueue_indirect_dma source(%dma_start3A_73 : memref<10240x128xf32, #tpu.memory_space<hbm>>) target(%arg16 : memref<32x128xf32, #tpu.memory_space<vmem>>) offsets(%dma_start3A_70 : memref<32xi32, #tpu.memory_space<vmem>>) semaphore(%arg25 : memref<!tpu.dma_semaphore, #tpu.memory_space<semaphore_mem>>)
      %scan3A_74 = arith.constant 0 : i32
      %scan3A_75 = arith.constant 0 : i32
      %scan3A_76 = arith.constant 7 : i32
      %scan3A_77 = arith.addi %scan3A_75, %scan3A_76 : i32
      %scan3A_78 = arith.constant 1 : i32
      scf.for %scan3A_247 = %scan3A_75 to %scan3A_77 step %scan3A_78  : i32 {
        %dma_wait3A_248 = arith.constant 0 : i32
        %dma_wait3A_249 = arith.constant 0 : i32
        %dma_wait3A_250 = tpu.memref_slice %arg7[%dma_wait3A_248, %dma_wait3A_249] : memref<64x32xi32, #tpu.memory_space<vmem>> -> memref<1x32xi32, #tpu.memory_space<vmem>>
        %dma_wait3A_251 = tpu.memref_squeeze %dma_wait3A_250 : memref<1x32xi32, #tpu.memory_space<vmem>> -> memref<32xi32, #tpu.memory_space<vmem>>
        %dma_wait3A_252 = arith.constant 0 : i32
        %dma_wait3A_253 = arith.constant 0 : i32
        %dma_wait3A_254 = tpu.memref_slice %arg2[%dma_wait3A_252, %dma_wait3A_253] : memref<10240x128xf32, #tpu.memory_space<hbm>> -> memref<10240x128xf32, #tpu.memory_space<hbm>>
        tpu.wait_indirect_dma semaphore(%arg18 : memref<!tpu.dma_semaphore, #tpu.memory_space<semaphore_mem>>) src(%dma_wait3A_254 : memref<10240x128xf32, #tpu.memory_space<hbm>>) dst(%arg9 : memref<32x128xf32, #tpu.memory_space<vmem>>)
        %mul3A_255 = arith.constant 8 : i32
        %mul3A_256 = arith.muli %scan3A_247, %mul3A_255 : i32
        %add3A_257 = arith.constant 0 : i32
        %add3A_258 = arith.addi %mul3A_256, %add3A_257 : i32
        %dma_start3A_259 = arith.constant 0 : i32
        %dma_start3A_260 = tpu.memref_slice %arg8[%add3A_258, %dma_start3A_259] : memref<64x32xi32, #tpu.memory_space<vmem>> -> memref<1x32xi32, #tpu.memory_space<vmem>>
        %dma_start3A_261 = tpu.memref_squeeze %dma_start3A_260 : memref<1x32xi32, #tpu.memory_space<vmem>> -> memref<32xi32, #tpu.memory_space<vmem>>
        %dma_start3A_262 = arith.constant 0 : i32
        %dma_start3A_263 = arith.constant 0 : i32
        %dma_start3A_264 = tpu.memref_slice %arg17[%dma_start3A_262, %dma_start3A_263] : memref<10240x128xf32, #tpu.memory_space<vmem_shared>> -> memref<10240x128xf32, #tpu.memory_space<vmem_shared>>
        tpu.enqueue_indirect_dma source(%arg9 : memref<32x128xf32, #tpu.memory_space<vmem>>) target(%dma_start3A_264 : memref<10240x128xf32, #tpu.memory_space<vmem_shared>>) offsets(%dma_start3A_261 : memref<32xi32, #tpu.memory_space<vmem>>) semaphore(%arg26 : memref<!tpu.dma_semaphore, #tpu.memory_space<semaphore_mem>>) {add = true}
        %dma_wait3A_265 = arith.constant 0 : i32
        %dma_wait3A_266 = arith.constant 0 : i32
        %dma_wait3A_267 = tpu.memref_slice %arg7[%dma_wait3A_265, %dma_wait3A_266] : memref<64x32xi32, #tpu.memory_space<vmem>> -> memref<1x32xi32, #tpu.memory_space<vmem>>
        %dma_wait3A_268 = tpu.memref_squeeze %dma_wait3A_267 : memref<1x32xi32, #tpu.memory_space<vmem>> -> memref<32xi32, #tpu.memory_space<vmem>>
        %dma_wait3A_269 = arith.constant 0 : i32
        %dma_wait3A_270 = arith.constant 0 : i32
        %dma_wait3A_271 = tpu.memref_slice %arg2[%dma_wait3A_269, %dma_wait3A_270] : memref<10240x128xf32, #tpu.memory_space<hbm>> -> memref<10240x128xf32, #tpu.memory_space<hbm>>
        tpu.wait_indirect_dma semaphore(%arg19 : memref<!tpu.dma_semaphore, #tpu.memory_space<semaphore_mem>>) src(%dma_wait3A_271 : memref<10240x128xf32, #tpu.memory_space<hbm>>) dst(%arg10 : memref<32x128xf32, #tpu.memory_space<vmem>>)
        %mul3A_272 = arith.constant 8 : i32
        %mul3A_273 = arith.muli %scan3A_247, %mul3A_272 : i32
        %add3A_274 = arith.constant 1 : i32
        %add3A_275 = arith.addi %mul3A_273, %add3A_274 : i32
        %dma_start3A_276 = arith.constant 0 : i32
        %dma_start3A_277 = tpu.memref_slice %arg8[%add3A_275, %dma_start3A_276] : memref<64x32xi32, #tpu.memory_space<vmem>> -> memref<1x32xi32, #tpu.memory_space<vmem>>
        %dma_start3A_278 = tpu.memref_squeeze %dma_start3A_277 : memref<1x32xi32, #tpu.memory_space<vmem>> -> memref<32xi32, #tpu.memory_space<vmem>>
        %dma_start3A_279 = arith.constant 0 : i32
        %dma_start3A_280 = arith.constant 0 : i32
        %dma_start3A_281 = tpu.memref_slice %arg17[%dma_start3A_279, %dma_start3A_280] : memref<10240x128xf32, #tpu.memory_space<vmem_shared>> -> memref<10240x128xf32, #tpu.memory_space<vmem_shared>>
        tpu.enqueue_indirect_dma source(%arg10 : memref<32x128xf32, #tpu.memory_space<vmem>>) target(%dma_start3A_281 : memref<10240x128xf32, #tpu.memory_space<vmem_shared>>) offsets(%dma_start3A_278 : memref<32xi32, #tpu.memory_space<vmem>>) semaphore(%arg27 : memref<!tpu.dma_semaphore, #tpu.memory_space<semaphore_mem>>) {add = true}
        %dma_wait3A_282 = arith.constant 0 : i32
        %dma_wait3A_283 = arith.constant 0 : i32
        %dma_wait3A_284 = tpu.memref_slice %arg7[%dma_wait3A_282, %dma_wait3A_283] : memref<64x32xi32, #tpu.memory_space<vmem>> -> memref<1x32xi32, #tpu.memory_space<vmem>>
        %dma_wait3A_285 = tpu.memref_squeeze %dma_wait3A_284 : memref<1x32xi32, #tpu.memory_space<vmem>> -> memref<32xi32, #tpu.memory_space<vmem>>
        %dma_wait3A_286 = arith.constant 0 : i32
        %dma_wait3A_287 = arith.constant 0 : i32
        %dma_wait3A_288 = tpu.memref_slice %arg2[%dma_wait3A_286, %dma_wait3A_287] : memref<10240x128xf32, #tpu.memory_space<hbm>> -> memref<10240x128xf32, #tpu.memory_space<hbm>>
        tpu.wait_indirect_dma semaphore(%arg20 : memref<!tpu.dma_semaphore, #tpu.memory_space<semaphore_mem>>) src(%dma_wait3A_288 : memref<10240x128xf32, #tpu.memory_space<hbm>>) dst(%arg11 : memref<32x128xf32, #tpu.memory_space<vmem>>)
        %mul3A_289 = arith.constant 8 : i32
        %mul3A_290 = arith.muli %scan3A_247, %mul3A_289 : i32
        %add3A_291 = arith.constant 2 : i32
        %add3A_292 = arith.addi %mul3A_290, %add3A_291 : i32
        %dma_start3A_293 = arith.constant 0 : i32
        %dma_start3A_294 = tpu.memref_slice %arg8[%add3A_292, %dma_start3A_293] : memref<64x32xi32, #tpu.memory_space<vmem>> -> memref<1x32xi32, #tpu.memory_space<vmem>>
        %dma_start3A_295 = tpu.memref_squeeze %dma_start3A_294 : memref<1x32xi32, #tpu.memory_space<vmem>> -> memref<32xi32, #tpu.memory_space<vmem>>
        %dma_start3A_296 = arith.constant 0 : i32
        %dma_start3A_297 = arith.constant 0 : i32
        %dma_start3A_298 = tpu.memref_slice %arg17[%dma_start3A_296, %dma_start3A_297] : memref<10240x128xf32, #tpu.memory_space<vmem_shared>> -> memref<10240x128xf32, #tpu.memory_space<vmem_shared>>
        tpu.enqueue_indirect_dma source(%arg11 : memref<32x128xf32, #tpu.memory_space<vmem>>) target(%dma_start3A_298 : memref<10240x128xf32, #tpu.memory_space<vmem_shared>>) offsets(%dma_start3A_295 : memref<32xi32, #tpu.memory_space<vmem>>) semaphore(%arg28 : memref<!tpu.dma_semaphore, #tpu.memory_space<semaphore_mem>>) {add = true}
        %dma_wait3A_299 = arith.constant 0 : i32
        %dma_wait3A_300 = arith.constant 0 : i32
        %dma_wait3A_301 = tpu.memref_slice %arg7[%dma_wait3A_299, %dma_wait3A_300] : memref<64x32xi32, #tpu.memory_space<vmem>> -> memref<1x32xi32, #tpu.memory_space<vmem>>
        %dma_wait3A_302 = tpu.memref_squeeze %dma_wait3A_301 : memref<1x32xi32, #tpu.memory_space<vmem>> -> memref<32xi32, #tpu.memory_space<vmem>>
        %dma_wait3A_303 = arith.constant 0 : i32
        %dma_wait3A_304 = arith.constant 0 : i32
        %dma_wait3A_305 = tpu.memref_slice %arg2[%dma_wait3A_303, %dma_wait3A_304] : memref<10240x128xf32, #tpu.memory_space<hbm>> -> memref<10240x128xf32, #tpu.memory_space<hbm>>
        tpu.wait_indirect_dma semaphore(%arg21 : memref<!tpu.dma_semaphore, #tpu.memory_space<semaphore_mem>>) src(%dma_wait3A_305 : memref<10240x128xf32, #tpu.memory_space<hbm>>) dst(%arg12 : memref<32x128xf32, #tpu.memory_space<vmem>>)
        %mul3A_306 = arith.constant 8 : i32
        %mul3A_307 = arith.muli %scan3A_247, %mul3A_306 : i32
        %add3A_308 = arith.constant 3 : i32
        %add3A_309 = arith.addi %mul3A_307, %add3A_308 : i32
        %dma_start3A_310 = arith.constant 0 : i32
        %dma_start3A_311 = tpu.memref_slice %arg8[%add3A_309, %dma_start3A_310] : memref<64x32xi32, #tpu.memory_space<vmem>> -> memref<1x32xi32, #tpu.memory_space<vmem>>
        %dma_start3A_312 = tpu.memref_squeeze %dma_start3A_311 : memref<1x32xi32, #tpu.memory_space<vmem>> -> memref<32xi32, #tpu.memory_space<vmem>>
        %dma_start3A_313 = arith.constant 0 : i32
        %dma_start3A_314 = arith.constant 0 : i32
        %dma_start3A_315 = tpu.memref_slice %arg17[%dma_start3A_313, %dma_start3A_314] : memref<10240x128xf32, #tpu.memory_space<vmem_shared>> -> memref<10240x128xf32, #tpu.memory_space<vmem_shared>>
        tpu.enqueue_indirect_dma source(%arg12 : memref<32x128xf32, #tpu.memory_space<vmem>>) target(%dma_start3A_315 : memref<10240x128xf32, #tpu.memory_space<vmem_shared>>) offsets(%dma_start3A_312 : memref<32xi32, #tpu.memory_space<vmem>>) semaphore(%arg29 : memref<!tpu.dma_semaphore, #tpu.memory_space<semaphore_mem>>) {add = true}
        %dma_wait3A_316 = arith.constant 0 : i32
        %dma_wait3A_317 = arith.constant 0 : i32
        %dma_wait3A_318 = tpu.memref_slice %arg7[%dma_wait3A_316, %dma_wait3A_317] : memref<64x32xi32, #tpu.memory_space<vmem>> -> memref<1x32xi32, #tpu.memory_space<vmem>>
        %dma_wait3A_319 = tpu.memref_squeeze %dma_wait3A_318 : memref<1x32xi32, #tpu.memory_space<vmem>> -> memref<32xi32, #tpu.memory_space<vmem>>
        %dma_wait3A_320 = arith.constant 0 : i32
        %dma_wait3A_321 = arith.constant 0 : i32
        %dma_wait3A_322 = tpu.memref_slice %arg2[%dma_wait3A_320, %dma_wait3A_321] : memref<10240x128xf32, #tpu.memory_space<hbm>> -> memref<10240x128xf32, #tpu.memory_space<hbm>>
        tpu.wait_indirect_dma semaphore(%arg22 : memref<!tpu.dma_semaphore, #tpu.memory_space<semaphore_mem>>) src(%dma_wait3A_322 : memref<10240x128xf32, #tpu.memory_space<hbm>>) dst(%arg13 : memref<32x128xf32, #tpu.memory_space<vmem>>)
        %mul3A_323 = arith.constant 8 : i32
        %mul3A_324 = arith.muli %scan3A_247, %mul3A_323 : i32
        %add3A_325 = arith.constant 4 : i32
        %add3A_326 = arith.addi %mul3A_324, %add3A_325 : i32
        %dma_start3A_327 = arith.constant 0 : i32
        %dma_start3A_328 = tpu.memref_slice %arg8[%add3A_326, %dma_start3A_327] : memref<64x32xi32, #tpu.memory_space<vmem>> -> memref<1x32xi32, #tpu.memory_space<vmem>>
        %dma_start3A_329 = tpu.memref_squeeze %dma_start3A_328 : memref<1x32xi32, #tpu.memory_space<vmem>> -> memref<32xi32, #tpu.memory_space<vmem>>
        %dma_start3A_330 = arith.constant 0 : i32
        %dma_start3A_331 = arith.constant 0 : i32
        %dma_start3A_332 = tpu.memref_slice %arg17[%dma_start3A_330, %dma_start3A_331] : memref<10240x128xf32, #tpu.memory_space<vmem_shared>> -> memref<10240x128xf32, #tpu.memory_space<vmem_shared>>
        tpu.enqueue_indirect_dma source(%arg13 : memref<32x128xf32, #tpu.memory_space<vmem>>) target(%dma_start3A_332 : memref<10240x128xf32, #tpu.memory_space<vmem_shared>>) offsets(%dma_start3A_329 : memref<32xi32, #tpu.memory_space<vmem>>) semaphore(%arg30 : memref<!tpu.dma_semaphore, #tpu.memory_space<semaphore_mem>>) {add = true}
        %dma_wait3A_333 = arith.constant 0 : i32
        %dma_wait3A_334 = arith.constant 0 : i32
        %dma_wait3A_335 = tpu.memref_slice %arg7[%dma_wait3A_333, %dma_wait3A_334] : memref<64x32xi32, #tpu.memory_space<vmem>> -> memref<1x32xi32, #tpu.memory_space<vmem>>
        %dma_wait3A_336 = tpu.memref_squeeze %dma_wait3A_335 : memref<1x32xi32, #tpu.memory_space<vmem>> -> memref<32xi32, #tpu.memory_space<vmem>>
        %dma_wait3A_337 = arith.constant 0 : i32
        %dma_wait3A_338 = arith.constant 0 : i32
        %dma_wait3A_339 = tpu.memref_slice %arg2[%dma_wait3A_337, %dma_wait3A_338] : memref<10240x128xf32, #tpu.memory_space<hbm>> -> memref<10240x128xf32, #tpu.memory_space<hbm>>
        tpu.wait_indirect_dma semaphore(%arg23 : memref<!tpu.dma_semaphore, #tpu.memory_space<semaphore_mem>>) src(%dma_wait3A_339 : memref<10240x128xf32, #tpu.memory_space<hbm>>) dst(%arg14 : memref<32x128xf32, #tpu.memory_space<vmem>>)
        %mul3A_340 = arith.constant 8 : i32
        %mul3A_341 = arith.muli %scan3A_247, %mul3A_340 : i32
        %add3A_342 = arith.constant 5 : i32
        %add3A_343 = arith.addi %mul3A_341, %add3A_342 : i32
        %dma_start3A_344 = arith.constant 0 : i32
        %dma_start3A_345 = tpu.memref_slice %arg8[%add3A_343, %dma_start3A_344] : memref<64x32xi32, #tpu.memory_space<vmem>> -> memref<1x32xi32, #tpu.memory_space<vmem>>
        %dma_start3A_346 = tpu.memref_squeeze %dma_start3A_345 : memref<1x32xi32, #tpu.memory_space<vmem>> -> memref<32xi32, #tpu.memory_space<vmem>>
        %dma_start3A_347 = arith.constant 0 : i32
        %dma_start3A_348 = arith.constant 0 : i32
        %dma_start3A_349 = tpu.memref_slice %arg17[%dma_start3A_347, %dma_start3A_348] : memref<10240x128xf32, #tpu.memory_space<vmem_shared>> -> memref<10240x128xf32, #tpu.memory_space<vmem_shared>>
        tpu.enqueue_indirect_dma source(%arg14 : memref<32x128xf32, #tpu.memory_space<vmem>>) target(%dma_start3A_349 : memref<10240x128xf32, #tpu.memory_space<vmem_shared>>) offsets(%dma_start3A_346 : memref<32xi32, #tpu.memory_space<vmem>>) semaphore(%arg31 : memref<!tpu.dma_semaphore, #tpu.memory_space<semaphore_mem>>) {add = true}
        %dma_wait3A_350 = arith.constant 0 : i32
        %dma_wait3A_351 = arith.constant 0 : i32
        %dma_wait3A_352 = tpu.memref_slice %arg7[%dma_wait3A_350, %dma_wait3A_351] : memref<64x32xi32, #tpu.memory_space<vmem>> -> memref<1x32xi32, #tpu.memory_space<vmem>>
        %dma_wait3A_353 = tpu.memref_squeeze %dma_wait3A_352 : memref<1x32xi32, #tpu.memory_space<vmem>> -> memref<32xi32, #tpu.memory_space<vmem>>
        %dma_wait3A_354 = arith.constant 0 : i32
        %dma_wait3A_355 = arith.constant 0 : i32
        %dma_wait3A_356 = tpu.memref_slice %arg2[%dma_wait3A_354, %dma_wait3A_355] : memref<10240x128xf32, #tpu.memory_space<hbm>> -> memref<10240x128xf32, #tpu.memory_space<hbm>>
        tpu.wait_indirect_dma semaphore(%arg24 : memref<!tpu.dma_semaphore, #tpu.memory_space<semaphore_mem>>) src(%dma_wait3A_356 : memref<10240x128xf32, #tpu.memory_space<hbm>>) dst(%arg15 : memref<32x128xf32, #tpu.memory_space<vmem>>)
        %mul3A_357 = arith.constant 8 : i32
        %mul3A_358 = arith.muli %scan3A_247, %mul3A_357 : i32
        %add3A_359 = arith.constant 6 : i32
        %add3A_360 = arith.addi %mul3A_358, %add3A_359 : i32
        %dma_start3A_361 = arith.constant 0 : i32
        %dma_start3A_362 = tpu.memref_slice %arg8[%add3A_360, %dma_start3A_361] : memref<64x32xi32, #tpu.memory_space<vmem>> -> memref<1x32xi32, #tpu.memory_space<vmem>>
        %dma_start3A_363 = tpu.memref_squeeze %dma_start3A_362 : memref<1x32xi32, #tpu.memory_space<vmem>> -> memref<32xi32, #tpu.memory_space<vmem>>
        %dma_start3A_364 = arith.constant 0 : i32
        %dma_start3A_365 = arith.constant 0 : i32
        %dma_start3A_366 = tpu.memref_slice %arg17[%dma_start3A_364, %dma_start3A_365] : memref<10240x128xf32, #tpu.memory_space<vmem_shared>> -> memref<10240x128xf32, #tpu.memory_space<vmem_shared>>
        tpu.enqueue_indirect_dma source(%arg15 : memref<32x128xf32, #tpu.memory_space<vmem>>) target(%dma_start3A_366 : memref<10240x128xf32, #tpu.memory_space<vmem_shared>>) offsets(%dma_start3A_363 : memref<32xi32, #tpu.memory_space<vmem>>) semaphore(%arg32 : memref<!tpu.dma_semaphore, #tpu.memory_space<semaphore_mem>>) {add = true}
        %dma_wait3A_367 = arith.constant 0 : i32
        %dma_wait3A_368 = arith.constant 0 : i32
        %dma_wait3A_369 = tpu.memref_slice %arg7[%dma_wait3A_367, %dma_wait3A_368] : memref<64x32xi32, #tpu.memory_space<vmem>> -> memref<1x32xi32, #tpu.memory_space<vmem>>
        %dma_wait3A_370 = tpu.memref_squeeze %dma_wait3A_369 : memref<1x32xi32, #tpu.memory_space<vmem>> -> memref<32xi32, #tpu.memory_space<vmem>>
        %dma_wait3A_371 = arith.constant 0 : i32
        %dma_wait3A_372 = arith.constant 0 : i32
        %dma_wait3A_373 = tpu.memref_slice %arg2[%dma_wait3A_371, %dma_wait3A_372] : memref<10240x128xf32, #tpu.memory_space<hbm>> -> memref<10240x128xf32, #tpu.memory_space<hbm>>
        tpu.wait_indirect_dma semaphore(%arg25 : memref<!tpu.dma_semaphore, #tpu.memory_space<semaphore_mem>>) src(%dma_wait3A_373 : memref<10240x128xf32, #tpu.memory_space<hbm>>) dst(%arg16 : memref<32x128xf32, #tpu.memory_space<vmem>>)
        %mul3A_374 = arith.constant 8 : i32
        %mul3A_375 = arith.muli %scan3A_247, %mul3A_374 : i32
        %add3A_376 = arith.constant 7 : i32
        %add3A_377 = arith.addi %mul3A_375, %add3A_376 : i32
        %dma_start3A_378 = arith.constant 0 : i32
        %dma_start3A_379 = tpu.memref_slice %arg8[%add3A_377, %dma_start3A_378] : memref<64x32xi32, #tpu.memory_space<vmem>> -> memref<1x32xi32, #tpu.memory_space<vmem>>
        %dma_start3A_380 = tpu.memref_squeeze %dma_start3A_379 : memref<1x32xi32, #tpu.memory_space<vmem>> -> memref<32xi32, #tpu.memory_space<vmem>>
        %dma_start3A_381 = arith.constant 0 : i32
        %dma_start3A_382 = arith.constant 0 : i32
        %dma_start3A_383 = tpu.memref_slice %arg17[%dma_start3A_381, %dma_start3A_382] : memref<10240x128xf32, #tpu.memory_space<vmem_shared>> -> memref<10240x128xf32, #tpu.memory_space<vmem_shared>>
        tpu.enqueue_indirect_dma source(%arg16 : memref<32x128xf32, #tpu.memory_space<vmem>>) target(%dma_start3A_383 : memref<10240x128xf32, #tpu.memory_space<vmem_shared>>) offsets(%dma_start3A_380 : memref<32xi32, #tpu.memory_space<vmem>>) semaphore(%arg33 : memref<!tpu.dma_semaphore, #tpu.memory_space<semaphore_mem>>) {add = true}
        %dma_wait3A_384 = arith.constant 0 : i32
        %dma_wait3A_385 = arith.constant 0 : i32
        %dma_wait3A_386 = tpu.memref_slice %arg8[%dma_wait3A_384, %dma_wait3A_385] : memref<64x32xi32, #tpu.memory_space<vmem>> -> memref<1x32xi32, #tpu.memory_space<vmem>>
        %dma_wait3A_387 = tpu.memref_squeeze %dma_wait3A_386 : memref<1x32xi32, #tpu.memory_space<vmem>> -> memref<32xi32, #tpu.memory_space<vmem>>
        %dma_wait3A_388 = arith.constant 0 : i32
        %dma_wait3A_389 = arith.constant 0 : i32
        %dma_wait3A_390 = tpu.memref_slice %arg17[%dma_wait3A_388, %dma_wait3A_389] : memref<10240x128xf32, #tpu.memory_space<vmem_shared>> -> memref<10240x128xf32, #tpu.memory_space<vmem_shared>>
        tpu.wait_indirect_dma semaphore(%arg26 : memref<!tpu.dma_semaphore, #tpu.memory_space<semaphore_mem>>) src(%arg9 : memref<32x128xf32, #tpu.memory_space<vmem>>) dst(%dma_wait3A_390 : memref<10240x128xf32, #tpu.memory_space<vmem_shared>>)
        %add3A_391 = arith.constant 1 : i32
        %add3A_392 = arith.addi %scan3A_247, %add3A_391 : i32
        %mul3A_393 = arith.constant 8 : i32
        %mul3A_394 = arith.muli %add3A_392, %mul3A_393 : i32
        %add3A_395 = arith.constant 0 : i32
        %add3A_396 = arith.addi %mul3A_394, %add3A_395 : i32
        %dma_start3A_397 = arith.constant 0 : i32
        %dma_start3A_398 = tpu.memref_slice %arg7[%add3A_396, %dma_start3A_397] : memref<64x32xi32, #tpu.memory_space<vmem>> -> memref<1x32xi32, #tpu.memory_space<vmem>>
        %dma_start3A_399 = tpu.memref_squeeze %dma_start3A_398 : memref<1x32xi32, #tpu.memory_space<vmem>> -> memref<32xi32, #tpu.memory_space<vmem>>
        %dma_start3A_400 = arith.constant 0 : i32
        %dma_start3A_401 = arith.constant 0 : i32
        %dma_start3A_402 = tpu.memref_slice %arg2[%dma_start3A_400, %dma_start3A_401] : memref<10240x128xf32, #tpu.memory_space<hbm>> -> memref<10240x128xf32, #tpu.memory_space<hbm>>
        tpu.enqueue_indirect_dma source(%dma_start3A_402 : memref<10240x128xf32, #tpu.memory_space<hbm>>) target(%arg9 : memref<32x128xf32, #tpu.memory_space<vmem>>) offsets(%dma_start3A_399 : memref<32xi32, #tpu.memory_space<vmem>>) semaphore(%arg18 : memref<!tpu.dma_semaphore, #tpu.memory_space<semaphore_mem>>)
        %dma_wait3A_403 = arith.constant 0 : i32
        %dma_wait3A_404 = arith.constant 0 : i32
        %dma_wait3A_405 = tpu.memref_slice %arg8[%dma_wait3A_403, %dma_wait3A_404] : memref<64x32xi32, #tpu.memory_space<vmem>> -> memref<1x32xi32, #tpu.memory_space<vmem>>
        %dma_wait3A_406 = tpu.memref_squeeze %dma_wait3A_405 : memref<1x32xi32, #tpu.memory_space<vmem>> -> memref<32xi32, #tpu.memory_space<vmem>>
        %dma_wait3A_407 = arith.constant 0 : i32
        %dma_wait3A_408 = arith.constant 0 : i32
        %dma_wait3A_409 = tpu.memref_slice %arg17[%dma_wait3A_407, %dma_wait3A_408] : memref<10240x128xf32, #tpu.memory_space<vmem_shared>> -> memref<10240x128xf32, #tpu.memory_space<vmem_shared>>
        tpu.wait_indirect_dma semaphore(%arg27 : memref<!tpu.dma_semaphore, #tpu.memory_space<semaphore_mem>>) src(%arg10 : memref<32x128xf32, #tpu.memory_space<vmem>>) dst(%dma_wait3A_409 : memref<10240x128xf32, #tpu.memory_space<vmem_shared>>)
        %add3A_410 = arith.constant 1 : i32
        %add3A_411 = arith.addi %scan3A_247, %add3A_410 : i32
        %mul3A_412 = arith.constant 8 : i32
        %mul3A_413 = arith.muli %add3A_411, %mul3A_412 : i32
        %add3A_414 = arith.constant 1 : i32
        %add3A_415 = arith.addi %mul3A_413, %add3A_414 : i32
        %dma_start3A_416 = arith.constant 0 : i32
        %dma_start3A_417 = tpu.memref_slice %arg7[%add3A_415, %dma_start3A_416] : memref<64x32xi32, #tpu.memory_space<vmem>> -> memref<1x32xi32, #tpu.memory_space<vmem>>
        %dma_start3A_418 = tpu.memref_squeeze %dma_start3A_417 : memref<1x32xi32, #tpu.memory_space<vmem>> -> memref<32xi32, #tpu.memory_space<vmem>>
        %dma_start3A_419 = arith.constant 0 : i32
        %dma_start3A_420 = arith.constant 0 : i32
        %dma_start3A_421 = tpu.memref_slice %arg2[%dma_start3A_419, %dma_start3A_420] : memref<10240x128xf32, #tpu.memory_space<hbm>> -> memref<10240x128xf32, #tpu.memory_space<hbm>>
        tpu.enqueue_indirect_dma source(%dma_start3A_421 : memref<10240x128xf32, #tpu.memory_space<hbm>>) target(%arg10 : memref<32x128xf32, #tpu.memory_space<vmem>>) offsets(%dma_start3A_418 : memref<32xi32, #tpu.memory_space<vmem>>) semaphore(%arg19 : memref<!tpu.dma_semaphore, #tpu.memory_space<semaphore_mem>>)
        %dma_wait3A_422 = arith.constant 0 : i32
        %dma_wait3A_423 = arith.constant 0 : i32
        %dma_wait3A_424 = tpu.memref_slice %arg8[%dma_wait3A_422, %dma_wait3A_423] : memref<64x32xi32, #tpu.memory_space<vmem>> -> memref<1x32xi32, #tpu.memory_space<vmem>>
        %dma_wait3A_425 = tpu.memref_squeeze %dma_wait3A_424 : memref<1x32xi32, #tpu.memory_space<vmem>> -> memref<32xi32, #tpu.memory_space<vmem>>
        %dma_wait3A_426 = arith.constant 0 : i32
        %dma_wait3A_427 = arith.constant 0 : i32
        %dma_wait3A_428 = tpu.memref_slice %arg17[%dma_wait3A_426, %dma_wait3A_427] : memref<10240x128xf32, #tpu.memory_space<vmem_shared>> -> memref<10240x128xf32, #tpu.memory_space<vmem_shared>>
        tpu.wait_indirect_dma semaphore(%arg28 : memref<!tpu.dma_semaphore, #tpu.memory_space<semaphore_mem>>) src(%arg11 : memref<32x128xf32, #tpu.memory_space<vmem>>) dst(%dma_wait3A_428 : memref<10240x128xf32, #tpu.memory_space<vmem_shared>>)
        %add3A_429 = arith.constant 1 : i32
        %add3A_430 = arith.addi %scan3A_247, %add3A_429 : i32
        %mul3A_431 = arith.constant 8 : i32
        %mul3A_432 = arith.muli %add3A_430, %mul3A_431 : i32
        %add3A_433 = arith.constant 2 : i32
        %add3A_434 = arith.addi %mul3A_432, %add3A_433 : i32
        %dma_start3A_435 = arith.constant 0 : i32
        %dma_start3A_436 = tpu.memref_slice %arg7[%add3A_434, %dma_start3A_435] : memref<64x32xi32, #tpu.memory_space<vmem>> -> memref<1x32xi32, #tpu.memory_space<vmem>>
        %dma_start3A_437 = tpu.memref_squeeze %dma_start3A_436 : memref<1x32xi32, #tpu.memory_space<vmem>> -> memref<32xi32, #tpu.memory_space<vmem>>
        %dma_start3A_438 = arith.constant 0 : i32
        %dma_start3A_439 = arith.constant 0 : i32
        %dma_start3A_440 = tpu.memref_slice %arg2[%dma_start3A_438, %dma_start3A_439] : memref<10240x128xf32, #tpu.memory_space<hbm>> -> memref<10240x128xf32, #tpu.memory_space<hbm>>
        tpu.enqueue_indirect_dma source(%dma_start3A_440 : memref<10240x128xf32, #tpu.memory_space<hbm>>) target(%arg11 : memref<32x128xf32, #tpu.memory_space<vmem>>) offsets(%dma_start3A_437 : memref<32xi32, #tpu.memory_space<vmem>>) semaphore(%arg20 : memref<!tpu.dma_semaphore, #tpu.memory_space<semaphore_mem>>)
        %dma_wait3A_441 = arith.constant 0 : i32
        %dma_wait3A_442 = arith.constant 0 : i32
        %dma_wait3A_443 = tpu.memref_slice %arg8[%dma_wait3A_441, %dma_wait3A_442] : memref<64x32xi32, #tpu.memory_space<vmem>> -> memref<1x32xi32, #tpu.memory_space<vmem>>
        %dma_wait3A_444 = tpu.memref_squeeze %dma_wait3A_443 : memref<1x32xi32, #tpu.memory_space<vmem>> -> memref<32xi32, #tpu.memory_space<vmem>>
        %dma_wait3A_445 = arith.constant 0 : i32
        %dma_wait3A_446 = arith.constant 0 : i32
        %dma_wait3A_447 = tpu.memref_slice %arg17[%dma_wait3A_445, %dma_wait3A_446] : memref<10240x128xf32, #tpu.memory_space<vmem_shared>> -> memref<10240x128xf32, #tpu.memory_space<vmem_shared>>
        tpu.wait_indirect_dma semaphore(%arg29 : memref<!tpu.dma_semaphore, #tpu.memory_space<semaphore_mem>>) src(%arg12 : memref<32x128xf32, #tpu.memory_space<vmem>>) dst(%dma_wait3A_447 : memref<10240x128xf32, #tpu.memory_space<vmem_shared>>)
        %add3A_448 = arith.constant 1 : i32
        %add3A_449 = arith.addi %scan3A_247, %add3A_448 : i32
        %mul3A_450 = arith.constant 8 : i32
        %mul3A_451 = arith.muli %add3A_449, %mul3A_450 : i32
        %add3A_452 = arith.constant 3 : i32
        %add3A_453 = arith.addi %mul3A_451, %add3A_452 : i32
        %dma_start3A_454 = arith.constant 0 : i32
        %dma_start3A_455 = tpu.memref_slice %arg7[%add3A_453, %dma_start3A_454] : memref<64x32xi32, #tpu.memory_space<vmem>> -> memref<1x32xi32, #tpu.memory_space<vmem>>
        %dma_start3A_456 = tpu.memref_squeeze %dma_start3A_455 : memref<1x32xi32, #tpu.memory_space<vmem>> -> memref<32xi32, #tpu.memory_space<vmem>>
        %dma_start3A_457 = arith.constant 0 : i32
        %dma_start3A_458 = arith.constant 0 : i32
        %dma_start3A_459 = tpu.memref_slice %arg2[%dma_start3A_457, %dma_start3A_458] : memref<10240x128xf32, #tpu.memory_space<hbm>> -> memref<10240x128xf32, #tpu.memory_space<hbm>>
        tpu.enqueue_indirect_dma source(%dma_start3A_459 : memref<10240x128xf32, #tpu.memory_space<hbm>>) target(%arg12 : memref<32x128xf32, #tpu.memory_space<vmem>>) offsets(%dma_start3A_456 : memref<32xi32, #tpu.memory_space<vmem>>) semaphore(%arg21 : memref<!tpu.dma_semaphore, #tpu.memory_space<semaphore_mem>>)
        %dma_wait3A_460 = arith.constant 0 : i32
        %dma_wait3A_461 = arith.constant 0 : i32
        %dma_wait3A_462 = tpu.memref_slice %arg8[%dma_wait3A_460, %dma_wait3A_461] : memref<64x32xi32, #tpu.memory_space<vmem>> -> memref<1x32xi32, #tpu.memory_space<vmem>>
        %dma_wait3A_463 = tpu.memref_squeeze %dma_wait3A_462 : memref<1x32xi32, #tpu.memory_space<vmem>> -> memref<32xi32, #tpu.memory_space<vmem>>
        %dma_wait3A_464 = arith.constant 0 : i32
        %dma_wait3A_465 = arith.constant 0 : i32
        %dma_wait3A_466 = tpu.memref_slice %arg17[%dma_wait3A_464, %dma_wait3A_465] : memref<10240x128xf32, #tpu.memory_space<vmem_shared>> -> memref<10240x128xf32, #tpu.memory_space<vmem_shared>>
        tpu.wait_indirect_dma semaphore(%arg30 : memref<!tpu.dma_semaphore, #tpu.memory_space<semaphore_mem>>) src(%arg13 : memref<32x128xf32, #tpu.memory_space<vmem>>) dst(%dma_wait3A_466 : memref<10240x128xf32, #tpu.memory_space<vmem_shared>>)
        %add3A_467 = arith.constant 1 : i32
        %add3A_468 = arith.addi %scan3A_247, %add3A_467 : i32
        %mul3A_469 = arith.constant 8 : i32
        %mul3A_470 = arith.muli %add3A_468, %mul3A_469 : i32
        %add3A_471 = arith.constant 4 : i32
        %add3A_472 = arith.addi %mul3A_470, %add3A_471 : i32
        %dma_start3A_473 = arith.constant 0 : i32
        %dma_start3A_474 = tpu.memref_slice %arg7[%add3A_472, %dma_start3A_473] : memref<64x32xi32, #tpu.memory_space<vmem>> -> memref<1x32xi32, #tpu.memory_space<vmem>>
        %dma_start3A_475 = tpu.memref_squeeze %dma_start3A_474 : memref<1x32xi32, #tpu.memory_space<vmem>> -> memref<32xi32, #tpu.memory_space<vmem>>
        %dma_start3A_476 = arith.constant 0 : i32
        %dma_start3A_477 = arith.constant 0 : i32
        %dma_start3A_478 = tpu.memref_slice %arg2[%dma_start3A_476, %dma_start3A_477] : memref<10240x128xf32, #tpu.memory_space<hbm>> -> memref<10240x128xf32, #tpu.memory_space<hbm>>
        tpu.enqueue_indirect_dma source(%dma_start3A_478 : memref<10240x128xf32, #tpu.memory_space<hbm>>) target(%arg13 : memref<32x128xf32, #tpu.memory_space<vmem>>) offsets(%dma_start3A_475 : memref<32xi32, #tpu.memory_space<vmem>>) semaphore(%arg22 : memref<!tpu.dma_semaphore, #tpu.memory_space<semaphore_mem>>)
        %dma_wait3A_479 = arith.constant 0 : i32
        %dma_wait3A_480 = arith.constant 0 : i32
        %dma_wait3A_481 = tpu.memref_slice %arg8[%dma_wait3A_479, %dma_wait3A_480] : memref<64x32xi32, #tpu.memory_space<vmem>> -> memref<1x32xi32, #tpu.memory_space<vmem>>
        %dma_wait3A_482 = tpu.memref_squeeze %dma_wait3A_481 : memref<1x32xi32, #tpu.memory_space<vmem>> -> memref<32xi32, #tpu.memory_space<vmem>>
        %dma_wait3A_483 = arith.constant 0 : i32
        %dma_wait3A_484 = arith.constant 0 : i32
        %dma_wait3A_485 = tpu.memref_slice %arg17[%dma_wait3A_483, %dma_wait3A_484] : memref<10240x128xf32, #tpu.memory_space<vmem_shared>> -> memref<10240x128xf32, #tpu.memory_space<vmem_shared>>
        tpu.wait_indirect_dma semaphore(%arg31 : memref<!tpu.dma_semaphore, #tpu.memory_space<semaphore_mem>>) src(%arg14 : memref<32x128xf32, #tpu.memory_space<vmem>>) dst(%dma_wait3A_485 : memref<10240x128xf32, #tpu.memory_space<vmem_shared>>)
        %add3A_486 = arith.constant 1 : i32
        %add3A_487 = arith.addi %scan3A_247, %add3A_486 : i32
        %mul3A_488 = arith.constant 8 : i32
        %mul3A_489 = arith.muli %add3A_487, %mul3A_488 : i32
        %add3A_490 = arith.constant 5 : i32
        %add3A_491 = arith.addi %mul3A_489, %add3A_490 : i32
        %dma_start3A_492 = arith.constant 0 : i32
        %dma_start3A_493 = tpu.memref_slice %arg7[%add3A_491, %dma_start3A_492] : memref<64x32xi32, #tpu.memory_space<vmem>> -> memref<1x32xi32, #tpu.memory_space<vmem>>
        %dma_start3A_494 = tpu.memref_squeeze %dma_start3A_493 : memref<1x32xi32, #tpu.memory_space<vmem>> -> memref<32xi32, #tpu.memory_space<vmem>>
        %dma_start3A_495 = arith.constant 0 : i32
        %dma_start3A_496 = arith.constant 0 : i32
        %dma_start3A_497 = tpu.memref_slice %arg2[%dma_start3A_495, %dma_start3A_496] : memref<10240x128xf32, #tpu.memory_space<hbm>> -> memref<10240x128xf32, #tpu.memory_space<hbm>>
        tpu.enqueue_indirect_dma source(%dma_start3A_497 : memref<10240x128xf32, #tpu.memory_space<hbm>>) target(%arg14 : memref<32x128xf32, #tpu.memory_space<vmem>>) offsets(%dma_start3A_494 : memref<32xi32, #tpu.memory_space<vmem>>) semaphore(%arg23 : memref<!tpu.dma_semaphore, #tpu.memory_space<semaphore_mem>>)
        %dma_wait3A_498 = arith.constant 0 : i32
        %dma_wait3A_499 = arith.constant 0 : i32
        %dma_wait3A_500 = tpu.memref_slice %arg8[%dma_wait3A_498, %dma_wait3A_499] : memref<64x32xi32, #tpu.memory_space<vmem>> -> memref<1x32xi32, #tpu.memory_space<vmem>>
        %dma_wait3A_501 = tpu.memref_squeeze %dma_wait3A_500 : memref<1x32xi32, #tpu.memory_space<vmem>> -> memref<32xi32, #tpu.memory_space<vmem>>
        %dma_wait3A_502 = arith.constant 0 : i32
        %dma_wait3A_503 = arith.constant 0 : i32
        %dma_wait3A_504 = tpu.memref_slice %arg17[%dma_wait3A_502, %dma_wait3A_503] : memref<10240x128xf32, #tpu.memory_space<vmem_shared>> -> memref<10240x128xf32, #tpu.memory_space<vmem_shared>>
        tpu.wait_indirect_dma semaphore(%arg32 : memref<!tpu.dma_semaphore, #tpu.memory_space<semaphore_mem>>) src(%arg15 : memref<32x128xf32, #tpu.memory_space<vmem>>) dst(%dma_wait3A_504 : memref<10240x128xf32, #tpu.memory_space<vmem_shared>>)
        %add3A_505 = arith.constant 1 : i32
        %add3A_506 = arith.addi %scan3A_247, %add3A_505 : i32
        %mul3A_507 = arith.constant 8 : i32
        %mul3A_508 = arith.muli %add3A_506, %mul3A_507 : i32
        %add3A_509 = arith.constant 6 : i32
        %add3A_510 = arith.addi %mul3A_508, %add3A_509 : i32
        %dma_start3A_511 = arith.constant 0 : i32
        %dma_start3A_512 = tpu.memref_slice %arg7[%add3A_510, %dma_start3A_511] : memref<64x32xi32, #tpu.memory_space<vmem>> -> memref<1x32xi32, #tpu.memory_space<vmem>>
        %dma_start3A_513 = tpu.memref_squeeze %dma_start3A_512 : memref<1x32xi32, #tpu.memory_space<vmem>> -> memref<32xi32, #tpu.memory_space<vmem>>
        %dma_start3A_514 = arith.constant 0 : i32
        %dma_start3A_515 = arith.constant 0 : i32
        %dma_start3A_516 = tpu.memref_slice %arg2[%dma_start3A_514, %dma_start3A_515] : memref<10240x128xf32, #tpu.memory_space<hbm>> -> memref<10240x128xf32, #tpu.memory_space<hbm>>
        tpu.enqueue_indirect_dma source(%dma_start3A_516 : memref<10240x128xf32, #tpu.memory_space<hbm>>) target(%arg15 : memref<32x128xf32, #tpu.memory_space<vmem>>) offsets(%dma_start3A_513 : memref<32xi32, #tpu.memory_space<vmem>>) semaphore(%arg24 : memref<!tpu.dma_semaphore, #tpu.memory_space<semaphore_mem>>)
        %dma_wait3A_517 = arith.constant 0 : i32
        %dma_wait3A_518 = arith.constant 0 : i32
        %dma_wait3A_519 = tpu.memref_slice %arg8[%dma_wait3A_517, %dma_wait3A_518] : memref<64x32xi32, #tpu.memory_space<vmem>> -> memref<1x32xi32, #tpu.memory_space<vmem>>
        %dma_wait3A_520 = tpu.memref_squeeze %dma_wait3A_519 : memref<1x32xi32, #tpu.memory_space<vmem>> -> memref<32xi32, #tpu.memory_space<vmem>>
        %dma_wait3A_521 = arith.constant 0 : i32
        %dma_wait3A_522 = arith.constant 0 : i32
        %dma_wait3A_523 = tpu.memref_slice %arg17[%dma_wait3A_521, %dma_wait3A_522] : memref<10240x128xf32, #tpu.memory_space<vmem_shared>> -> memref<10240x128xf32, #tpu.memory_space<vmem_shared>>
        tpu.wait_indirect_dma semaphore(%arg33 : memref<!tpu.dma_semaphore, #tpu.memory_space<semaphore_mem>>) src(%arg16 : memref<32x128xf32, #tpu.memory_space<vmem>>) dst(%dma_wait3A_523 : memref<10240x128xf32, #tpu.memory_space<vmem_shared>>)
        %add3A_524 = arith.constant 1 : i32
        %add3A_525 = arith.addi %scan3A_247, %add3A_524 : i32
        %mul3A_526 = arith.constant 8 : i32
        %mul3A_527 = arith.muli %add3A_525, %mul3A_526 : i32
        %add3A_528 = arith.constant 7 : i32
        %add3A_529 = arith.addi %mul3A_527, %add3A_528 : i32
        %dma_start3A_530 = arith.constant 0 : i32
        %dma_start3A_531 = tpu.memref_slice %arg7[%add3A_529, %dma_start3A_530] : memref<64x32xi32, #tpu.memory_space<vmem>> -> memref<1x32xi32, #tpu.memory_space<vmem>>
        %dma_start3A_532 = tpu.memref_squeeze %dma_start3A_531 : memref<1x32xi32, #tpu.memory_space<vmem>> -> memref<32xi32, #tpu.memory_space<vmem>>
        %dma_start3A_533 = arith.constant 0 : i32
        %dma_start3A_534 = arith.constant 0 : i32
        %dma_start3A_535 = tpu.memref_slice %arg2[%dma_start3A_533, %dma_start3A_534] : memref<10240x128xf32, #tpu.memory_space<hbm>> -> memref<10240x128xf32, #tpu.memory_space<hbm>>
        tpu.enqueue_indirect_dma source(%dma_start3A_535 : memref<10240x128xf32, #tpu.memory_space<hbm>>) target(%arg16 : memref<32x128xf32, #tpu.memory_space<vmem>>) offsets(%dma_start3A_532 : memref<32xi32, #tpu.memory_space<vmem>>) semaphore(%arg25 : memref<!tpu.dma_semaphore, #tpu.memory_space<semaphore_mem>>)
      }
      %scan3A_79 = arith.constant 7 : i32
      %dma_wait3A = arith.constant 0 : i32
      %dma_wait3A_80 = arith.constant 0 : i32
      %dma_wait3A_81 = tpu.memref_slice %arg7[%dma_wait3A, %dma_wait3A_80] : memref<64x32xi32, #tpu.memory_space<vmem>> -> memref<1x32xi32, #tpu.memory_space<vmem>>
      %dma_wait3A_82 = tpu.memref_squeeze %dma_wait3A_81 : memref<1x32xi32, #tpu.memory_space<vmem>> -> memref<32xi32, #tpu.memory_space<vmem>>
      %dma_wait3A_83 = arith.constant 0 : i32
      %dma_wait3A_84 = arith.constant 0 : i32
      %dma_wait3A_85 = tpu.memref_slice %arg2[%dma_wait3A_83, %dma_wait3A_84] : memref<10240x128xf32, #tpu.memory_space<hbm>> -> memref<10240x128xf32, #tpu.memory_space<hbm>>
      tpu.wait_indirect_dma semaphore(%arg18 : memref<!tpu.dma_semaphore, #tpu.memory_space<semaphore_mem>>) src(%dma_wait3A_85 : memref<10240x128xf32, #tpu.memory_space<hbm>>) dst(%arg9 : memref<32x128xf32, #tpu.memory_space<vmem>>)
      %dma_start3A_86 = arith.constant 56 : i32
      %dma_start3A_87 = arith.constant 0 : i32
      %dma_start3A_88 = tpu.memref_slice %arg8[%dma_start3A_86, %dma_start3A_87] : memref<64x32xi32, #tpu.memory_space<vmem>> -> memref<1x32xi32, #tpu.memory_space<vmem>>
      %dma_start3A_89 = tpu.memref_squeeze %dma_start3A_88 : memref<1x32xi32, #tpu.memory_space<vmem>> -> memref<32xi32, #tpu.memory_space<vmem>>
      %dma_start3A_90 = arith.constant 0 : i32
      %dma_start3A_91 = arith.constant 0 : i32
      %dma_start3A_92 = tpu.memref_slice %arg17[%dma_start3A_90, %dma_start3A_91] : memref<10240x128xf32, #tpu.memory_space<vmem_shared>> -> memref<10240x128xf32, #tpu.memory_space<vmem_shared>>
      tpu.enqueue_indirect_dma source(%arg9 : memref<32x128xf32, #tpu.memory_space<vmem>>) target(%dma_start3A_92 : memref<10240x128xf32, #tpu.memory_space<vmem_shared>>) offsets(%dma_start3A_89 : memref<32xi32, #tpu.memory_space<vmem>>) semaphore(%arg26 : memref<!tpu.dma_semaphore, #tpu.memory_space<semaphore_mem>>) {add = true}
      %dma_wait3A_93 = arith.constant 0 : i32
      %dma_wait3A_94 = arith.constant 0 : i32
      %dma_wait3A_95 = tpu.memref_slice %arg7[%dma_wait3A_93, %dma_wait3A_94] : memref<64x32xi32, #tpu.memory_space<vmem>> -> memref<1x32xi32, #tpu.memory_space<vmem>>
      %dma_wait3A_96 = tpu.memref_squeeze %dma_wait3A_95 : memref<1x32xi32, #tpu.memory_space<vmem>> -> memref<32xi32, #tpu.memory_space<vmem>>
      %dma_wait3A_97 = arith.constant 0 : i32
      %dma_wait3A_98 = arith.constant 0 : i32
      %dma_wait3A_99 = tpu.memref_slice %arg2[%dma_wait3A_97, %dma_wait3A_98] : memref<10240x128xf32, #tpu.memory_space<hbm>> -> memref<10240x128xf32, #tpu.memory_space<hbm>>
      tpu.wait_indirect_dma semaphore(%arg19 : memref<!tpu.dma_semaphore, #tpu.memory_space<semaphore_mem>>) src(%dma_wait3A_99 : memref<10240x128xf32, #tpu.memory_space<hbm>>) dst(%arg10 : memref<32x128xf32, #tpu.memory_space<vmem>>)
      %dma_start3A_100 = arith.constant 57 : i32
      %dma_start3A_101 = arith.constant 0 : i32
      %dma_start3A_102 = tpu.memref_slice %arg8[%dma_start3A_100, %dma_start3A_101] : memref<64x32xi32, #tpu.memory_space<vmem>> -> memref<1x32xi32, #tpu.memory_space<vmem>>
      %dma_start3A_103 = tpu.memref_squeeze %dma_start3A_102 : memref<1x32xi32, #tpu.memory_space<vmem>> -> memref<32xi32, #tpu.memory_space<vmem>>
      %dma_start3A_104 = arith.constant 0 : i32
      %dma_start3A_105 = arith.constant 0 : i32
      %dma_start3A_106 = tpu.memref_slice %arg17[%dma_start3A_104, %dma_start3A_105] : memref<10240x128xf32, #tpu.memory_space<vmem_shared>> -> memref<10240x128xf32, #tpu.memory_space<vmem_shared>>
      tpu.enqueue_indirect_dma source(%arg10 : memref<32x128xf32, #tpu.memory_space<vmem>>) target(%dma_start3A_106 : memref<10240x128xf32, #tpu.memory_space<vmem_shared>>) offsets(%dma_start3A_103 : memref<32xi32, #tpu.memory_space<vmem>>) semaphore(%arg27 : memref<!tpu.dma_semaphore, #tpu.memory_space<semaphore_mem>>) {add = true}
      %dma_wait3A_107 = arith.constant 0 : i32
      %dma_wait3A_108 = arith.constant 0 : i32
      %dma_wait3A_109 = tpu.memref_slice %arg7[%dma_wait3A_107, %dma_wait3A_108] : memref<64x32xi32, #tpu.memory_space<vmem>> -> memref<1x32xi32, #tpu.memory_space<vmem>>
      %dma_wait3A_110 = tpu.memref_squeeze %dma_wait3A_109 : memref<1x32xi32, #tpu.memory_space<vmem>> -> memref<32xi32, #tpu.memory_space<vmem>>
      %dma_wait3A_111 = arith.constant 0 : i32
      %dma_wait3A_112 = arith.constant 0 : i32
      %dma_wait3A_113 = tpu.memref_slice %arg2[%dma_wait3A_111, %dma_wait3A_112] : memref<10240x128xf32, #tpu.memory_space<hbm>> -> memref<10240x128xf32, #tpu.memory_space<hbm>>
      tpu.wait_indirect_dma semaphore(%arg20 : memref<!tpu.dma_semaphore, #tpu.memory_space<semaphore_mem>>) src(%dma_wait3A_113 : memref<10240x128xf32, #tpu.memory_space<hbm>>) dst(%arg11 : memref<32x128xf32, #tpu.memory_space<vmem>>)
      %dma_start3A_114 = arith.constant 58 : i32
      %dma_start3A_115 = arith.constant 0 : i32
      %dma_start3A_116 = tpu.memref_slice %arg8[%dma_start3A_114, %dma_start3A_115] : memref<64x32xi32, #tpu.memory_space<vmem>> -> memref<1x32xi32, #tpu.memory_space<vmem>>
      %dma_start3A_117 = tpu.memref_squeeze %dma_start3A_116 : memref<1x32xi32, #tpu.memory_space<vmem>> -> memref<32xi32, #tpu.memory_space<vmem>>
      %dma_start3A_118 = arith.constant 0 : i32
      %dma_start3A_119 = arith.constant 0 : i32
      %dma_start3A_120 = tpu.memref_slice %arg17[%dma_start3A_118, %dma_start3A_119] : memref<10240x128xf32, #tpu.memory_space<vmem_shared>> -> memref<10240x128xf32, #tpu.memory_space<vmem_shared>>
      tpu.enqueue_indirect_dma source(%arg11 : memref<32x128xf32, #tpu.memory_space<vmem>>) target(%dma_start3A_120 : memref<10240x128xf32, #tpu.memory_space<vmem_shared>>) offsets(%dma_start3A_117 : memref<32xi32, #tpu.memory_space<vmem>>) semaphore(%arg28 : memref<!tpu.dma_semaphore, #tpu.memory_space<semaphore_mem>>) {add = true}
      %dma_wait3A_121 = arith.constant 0 : i32
      %dma_wait3A_122 = arith.constant 0 : i32
      %dma_wait3A_123 = tpu.memref_slice %arg7[%dma_wait3A_121, %dma_wait3A_122] : memref<64x32xi32, #tpu.memory_space<vmem>> -> memref<1x32xi32, #tpu.memory_space<vmem>>
      %dma_wait3A_124 = tpu.memref_squeeze %dma_wait3A_123 : memref<1x32xi32, #tpu.memory_space<vmem>> -> memref<32xi32, #tpu.memory_space<vmem>>
      %dma_wait3A_125 = arith.constant 0 : i32
      %dma_wait3A_126 = arith.constant 0 : i32
      %dma_wait3A_127 = tpu.memref_slice %arg2[%dma_wait3A_125, %dma_wait3A_126] : memref<10240x128xf32, #tpu.memory_space<hbm>> -> memref<10240x128xf32, #tpu.memory_space<hbm>>
      tpu.wait_indirect_dma semaphore(%arg21 : memref<!tpu.dma_semaphore, #tpu.memory_space<semaphore_mem>>) src(%dma_wait3A_127 : memref<10240x128xf32, #tpu.memory_space<hbm>>) dst(%arg12 : memref<32x128xf32, #tpu.memory_space<vmem>>)
      %dma_start3A_128 = arith.constant 59 : i32
      %dma_start3A_129 = arith.constant 0 : i32
      %dma_start3A_130 = tpu.memref_slice %arg8[%dma_start3A_128, %dma_start3A_129] : memref<64x32xi32, #tpu.memory_space<vmem>> -> memref<1x32xi32, #tpu.memory_space<vmem>>
      %dma_start3A_131 = tpu.memref_squeeze %dma_start3A_130 : memref<1x32xi32, #tpu.memory_space<vmem>> -> memref<32xi32, #tpu.memory_space<vmem>>
      %dma_start3A_132 = arith.constant 0 : i32
      %dma_start3A_133 = arith.constant 0 : i32
      %dma_start3A_134 = tpu.memref_slice %arg17[%dma_start3A_132, %dma_start3A_133] : memref<10240x128xf32, #tpu.memory_space<vmem_shared>> -> memref<10240x128xf32, #tpu.memory_space<vmem_shared>>
      tpu.enqueue_indirect_dma source(%arg12 : memref<32x128xf32, #tpu.memory_space<vmem>>) target(%dma_start3A_134 : memref<10240x128xf32, #tpu.memory_space<vmem_shared>>) offsets(%dma_start3A_131 : memref<32xi32, #tpu.memory_space<vmem>>) semaphore(%arg29 : memref<!tpu.dma_semaphore, #tpu.memory_space<semaphore_mem>>) {add = true}
      %dma_wait3A_135 = arith.constant 0 : i32
      %dma_wait3A_136 = arith.constant 0 : i32
      %dma_wait3A_137 = tpu.memref_slice %arg7[%dma_wait3A_135, %dma_wait3A_136] : memref<64x32xi32, #tpu.memory_space<vmem>> -> memref<1x32xi32, #tpu.memory_space<vmem>>
      %dma_wait3A_138 = tpu.memref_squeeze %dma_wait3A_137 : memref<1x32xi32, #tpu.memory_space<vmem>> -> memref<32xi32, #tpu.memory_space<vmem>>
      %dma_wait3A_139 = arith.constant 0 : i32
      %dma_wait3A_140 = arith.constant 0 : i32
      %dma_wait3A_141 = tpu.memref_slice %arg2[%dma_wait3A_139, %dma_wait3A_140] : memref<10240x128xf32, #tpu.memory_space<hbm>> -> memref<10240x128xf32, #tpu.memory_space<hbm>>
      tpu.wait_indirect_dma semaphore(%arg22 : memref<!tpu.dma_semaphore, #tpu.memory_space<semaphore_mem>>) src(%dma_wait3A_141 : memref<10240x128xf32, #tpu.memory_space<hbm>>) dst(%arg13 : memref<32x128xf32, #tpu.memory_space<vmem>>)
      %dma_start3A_142 = arith.constant 60 : i32
      %dma_start3A_143 = arith.constant 0 : i32
      %dma_start3A_144 = tpu.memref_slice %arg8[%dma_start3A_142, %dma_start3A_143] : memref<64x32xi32, #tpu.memory_space<vmem>> -> memref<1x32xi32, #tpu.memory_space<vmem>>
      %dma_start3A_145 = tpu.memref_squeeze %dma_start3A_144 : memref<1x32xi32, #tpu.memory_space<vmem>> -> memref<32xi32, #tpu.memory_space<vmem>>
      %dma_start3A_146 = arith.constant 0 : i32
      %dma_start3A_147 = arith.constant 0 : i32
      %dma_start3A_148 = tpu.memref_slice %arg17[%dma_start3A_146, %dma_start3A_147] : memref<10240x128xf32, #tpu.memory_space<vmem_shared>> -> memref<10240x128xf32, #tpu.memory_space<vmem_shared>>
      tpu.enqueue_indirect_dma source(%arg13 : memref<32x128xf32, #tpu.memory_space<vmem>>) target(%dma_start3A_148 : memref<10240x128xf32, #tpu.memory_space<vmem_shared>>) offsets(%dma_start3A_145 : memref<32xi32, #tpu.memory_space<vmem>>) semaphore(%arg30 : memref<!tpu.dma_semaphore, #tpu.memory_space<semaphore_mem>>) {add = true}
      %dma_wait3A_149 = arith.constant 0 : i32
      %dma_wait3A_150 = arith.constant 0 : i32
      %dma_wait3A_151 = tpu.memref_slice %arg7[%dma_wait3A_149, %dma_wait3A_150] : memref<64x32xi32, #tpu.memory_space<vmem>> -> memref<1x32xi32, #tpu.memory_space<vmem>>
      %dma_wait3A_152 = tpu.memref_squeeze %dma_wait3A_151 : memref<1x32xi32, #tpu.memory_space<vmem>> -> memref<32xi32, #tpu.memory_space<vmem>>
      %dma_wait3A_153 = arith.constant 0 : i32
      %dma_wait3A_154 = arith.constant 0 : i32
      %dma_wait3A_155 = tpu.memref_slice %arg2[%dma_wait3A_153, %dma_wait3A_154] : memref<10240x128xf32, #tpu.memory_space<hbm>> -> memref<10240x128xf32, #tpu.memory_space<hbm>>
      tpu.wait_indirect_dma semaphore(%arg23 : memref<!tpu.dma_semaphore, #tpu.memory_space<semaphore_mem>>) src(%dma_wait3A_155 : memref<10240x128xf32, #tpu.memory_space<hbm>>) dst(%arg14 : memref<32x128xf32, #tpu.memory_space<vmem>>)
      %dma_start3A_156 = arith.constant 61 : i32
      %dma_start3A_157 = arith.constant 0 : i32
      %dma_start3A_158 = tpu.memref_slice %arg8[%dma_start3A_156, %dma_start3A_157] : memref<64x32xi32, #tpu.memory_space<vmem>> -> memref<1x32xi32, #tpu.memory_space<vmem>>
      %dma_start3A_159 = tpu.memref_squeeze %dma_start3A_158 : memref<1x32xi32, #tpu.memory_space<vmem>> -> memref<32xi32, #tpu.memory_space<vmem>>
      %dma_start3A_160 = arith.constant 0 : i32
      %dma_start3A_161 = arith.constant 0 : i32
      %dma_start3A_162 = tpu.memref_slice %arg17[%dma_start3A_160, %dma_start3A_161] : memref<10240x128xf32, #tpu.memory_space<vmem_shared>> -> memref<10240x128xf32, #tpu.memory_space<vmem_shared>>
      tpu.enqueue_indirect_dma source(%arg14 : memref<32x128xf32, #tpu.memory_space<vmem>>) target(%dma_start3A_162 : memref<10240x128xf32, #tpu.memory_space<vmem_shared>>) offsets(%dma_start3A_159 : memref<32xi32, #tpu.memory_space<vmem>>) semaphore(%arg31 : memref<!tpu.dma_semaphore, #tpu.memory_space<semaphore_mem>>) {add = true}
      %dma_wait3A_163 = arith.constant 0 : i32
      %dma_wait3A_164 = arith.constant 0 : i32
      %dma_wait3A_165 = tpu.memref_slice %arg7[%dma_wait3A_163, %dma_wait3A_164] : memref<64x32xi32, #tpu.memory_space<vmem>> -> memref<1x32xi32, #tpu.memory_space<vmem>>
      %dma_wait3A_166 = tpu.memref_squeeze %dma_wait3A_165 : memref<1x32xi32, #tpu.memory_space<vmem>> -> memref<32xi32, #tpu.memory_space<vmem>>
      %dma_wait3A_167 = arith.constant 0 : i32
      %dma_wait3A_168 = arith.constant 0 : i32
      %dma_wait3A_169 = tpu.memref_slice %arg2[%dma_wait3A_167, %dma_wait3A_168] : memref<10240x128xf32, #tpu.memory_space<hbm>> -> memref<10240x128xf32, #tpu.memory_space<hbm>>
      tpu.wait_indirect_dma semaphore(%arg24 : memref<!tpu.dma_semaphore, #tpu.memory_space<semaphore_mem>>) src(%dma_wait3A_169 : memref<10240x128xf32, #tpu.memory_space<hbm>>) dst(%arg15 : memref<32x128xf32, #tpu.memory_space<vmem>>)
      %dma_start3A_170 = arith.constant 62 : i32
      %dma_start3A_171 = arith.constant 0 : i32
      %dma_start3A_172 = tpu.memref_slice %arg8[%dma_start3A_170, %dma_start3A_171] : memref<64x32xi32, #tpu.memory_space<vmem>> -> memref<1x32xi32, #tpu.memory_space<vmem>>
      %dma_start3A_173 = tpu.memref_squeeze %dma_start3A_172 : memref<1x32xi32, #tpu.memory_space<vmem>> -> memref<32xi32, #tpu.memory_space<vmem>>
      %dma_start3A_174 = arith.constant 0 : i32
      %dma_start3A_175 = arith.constant 0 : i32
      %dma_start3A_176 = tpu.memref_slice %arg17[%dma_start3A_174, %dma_start3A_175] : memref<10240x128xf32, #tpu.memory_space<vmem_shared>> -> memref<10240x128xf32, #tpu.memory_space<vmem_shared>>
      tpu.enqueue_indirect_dma source(%arg15 : memref<32x128xf32, #tpu.memory_space<vmem>>) target(%dma_start3A_176 : memref<10240x128xf32, #tpu.memory_space<vmem_shared>>) offsets(%dma_start3A_173 : memref<32xi32, #tpu.memory_space<vmem>>) semaphore(%arg32 : memref<!tpu.dma_semaphore, #tpu.memory_space<semaphore_mem>>) {add = true}
      %dma_wait3A_177 = arith.constant 0 : i32
      %dma_wait3A_178 = arith.constant 0 : i32
      %dma_wait3A_179 = tpu.memref_slice %arg7[%dma_wait3A_177, %dma_wait3A_178] : memref<64x32xi32, #tpu.memory_space<vmem>> -> memref<1x32xi32, #tpu.memory_space<vmem>>
      %dma_wait3A_180 = tpu.memref_squeeze %dma_wait3A_179 : memref<1x32xi32, #tpu.memory_space<vmem>> -> memref<32xi32, #tpu.memory_space<vmem>>
      %dma_wait3A_181 = arith.constant 0 : i32
      %dma_wait3A_182 = arith.constant 0 : i32
      %dma_wait3A_183 = tpu.memref_slice %arg2[%dma_wait3A_181, %dma_wait3A_182] : memref<10240x128xf32, #tpu.memory_space<hbm>> -> memref<10240x128xf32, #tpu.memory_space<hbm>>
      tpu.wait_indirect_dma semaphore(%arg25 : memref<!tpu.dma_semaphore, #tpu.memory_space<semaphore_mem>>) src(%dma_wait3A_183 : memref<10240x128xf32, #tpu.memory_space<hbm>>) dst(%arg16 : memref<32x128xf32, #tpu.memory_space<vmem>>)
      %dma_start3A_184 = arith.constant 63 : i32
      %dma_start3A_185 = arith.constant 0 : i32
      %dma_start3A_186 = tpu.memref_slice %arg8[%dma_start3A_184, %dma_start3A_185] : memref<64x32xi32, #tpu.memory_space<vmem>> -> memref<1x32xi32, #tpu.memory_space<vmem>>
      %dma_start3A_187 = tpu.memref_squeeze %dma_start3A_186 : memref<1x32xi32, #tpu.memory_space<vmem>> -> memref<32xi32, #tpu.memory_space<vmem>>
      %dma_start3A_188 = arith.constant 0 : i32
      %dma_start3A_189 = arith.constant 0 : i32
      %dma_start3A_190 = tpu.memref_slice %arg17[%dma_start3A_188, %dma_start3A_189] : memref<10240x128xf32, #tpu.memory_space<vmem_shared>> -> memref<10240x128xf32, #tpu.memory_space<vmem_shared>>
      tpu.enqueue_indirect_dma source(%arg16 : memref<32x128xf32, #tpu.memory_space<vmem>>) target(%dma_start3A_190 : memref<10240x128xf32, #tpu.memory_space<vmem_shared>>) offsets(%dma_start3A_187 : memref<32xi32, #tpu.memory_space<vmem>>) semaphore(%arg33 : memref<!tpu.dma_semaphore, #tpu.memory_space<semaphore_mem>>) {add = true}
      %dma_wait3A_191 = arith.constant 0 : i32
      %dma_wait3A_192 = arith.constant 0 : i32
      %dma_wait3A_193 = tpu.memref_slice %arg8[%dma_wait3A_191, %dma_wait3A_192] : memref<64x32xi32, #tpu.memory_space<vmem>> -> memref<1x32xi32, #tpu.memory_space<vmem>>
      %dma_wait3A_194 = tpu.memref_squeeze %dma_wait3A_193 : memref<1x32xi32, #tpu.memory_space<vmem>> -> memref<32xi32, #tpu.memory_space<vmem>>
      %dma_wait3A_195 = arith.constant 0 : i32
      %dma_wait3A_196 = arith.constant 0 : i32
      %dma_wait3A_197 = tpu.memref_slice %arg17[%dma_wait3A_195, %dma_wait3A_196] : memref<10240x128xf32, #tpu.memory_space<vmem_shared>> -> memref<10240x128xf32, #tpu.memory_space<vmem_shared>>
      tpu.wait_indirect_dma semaphore(%arg26 : memref<!tpu.dma_semaphore, #tpu.memory_space<semaphore_mem>>) src(%arg9 : memref<32x128xf32, #tpu.memory_space<vmem>>) dst(%dma_wait3A_197 : memref<10240x128xf32, #tpu.memory_space<vmem_shared>>)
      %dma_wait3A_198 = arith.constant 0 : i32
      %dma_wait3A_199 = arith.constant 0 : i32
      %dma_wait3A_200 = tpu.memref_slice %arg8[%dma_wait3A_198, %dma_wait3A_199] : memref<64x32xi32, #tpu.memory_space<vmem>> -> memref<1x32xi32, #tpu.memory_space<vmem>>
      %dma_wait3A_201 = tpu.memref_squeeze %dma_wait3A_200 : memref<1x32xi32, #tpu.memory_space<vmem>> -> memref<32xi32, #tpu.memory_space<vmem>>
      %dma_wait3A_202 = arith.constant 0 : i32
      %dma_wait3A_203 = arith.constant 0 : i32
      %dma_wait3A_204 = tpu.memref_slice %arg17[%dma_wait3A_202, %dma_wait3A_203] : memref<10240x128xf32, #tpu.memory_space<vmem_shared>> -> memref<10240x128xf32, #tpu.memory_space<vmem_shared>>
      tpu.wait_indirect_dma semaphore(%arg27 : memref<!tpu.dma_semaphore, #tpu.memory_space<semaphore_mem>>) src(%arg10 : memref<32x128xf32, #tpu.memory_space<vmem>>) dst(%dma_wait3A_204 : memref<10240x128xf32, #tpu.memory_space<vmem_shared>>)
      %dma_wait3A_205 = arith.constant 0 : i32
      %dma_wait3A_206 = arith.constant 0 : i32
      %dma_wait3A_207 = tpu.memref_slice %arg8[%dma_wait3A_205, %dma_wait3A_206] : memref<64x32xi32, #tpu.memory_space<vmem>> -> memref<1x32xi32, #tpu.memory_space<vmem>>
      %dma_wait3A_208 = tpu.memref_squeeze %dma_wait3A_207 : memref<1x32xi32, #tpu.memory_space<vmem>> -> memref<32xi32, #tpu.memory_space<vmem>>
      %dma_wait3A_209 = arith.constant 0 : i32
      %dma_wait3A_210 = arith.constant 0 : i32
      %dma_wait3A_211 = tpu.memref_slice %arg17[%dma_wait3A_209, %dma_wait3A_210] : memref<10240x128xf32, #tpu.memory_space<vmem_shared>> -> memref<10240x128xf32, #tpu.memory_space<vmem_shared>>
      tpu.wait_indirect_dma semaphore(%arg28 : memref<!tpu.dma_semaphore, #tpu.memory_space<semaphore_mem>>) src(%arg11 : memref<32x128xf32, #tpu.memory_space<vmem>>) dst(%dma_wait3A_211 : memref<10240x128xf32, #tpu.memory_space<vmem_shared>>)
      %dma_wait3A_212 = arith.constant 0 : i32
      %dma_wait3A_213 = arith.constant 0 : i32
      %dma_wait3A_214 = tpu.memref_slice %arg8[%dma_wait3A_212, %dma_wait3A_213] : memref<64x32xi32, #tpu.memory_space<vmem>> -> memref<1x32xi32, #tpu.memory_space<vmem>>
      %dma_wait3A_215 = tpu.memref_squeeze %dma_wait3A_214 : memref<1x32xi32, #tpu.memory_space<vmem>> -> memref<32xi32, #tpu.memory_space<vmem>>
      %dma_wait3A_216 = arith.constant 0 : i32
      %dma_wait3A_217 = arith.constant 0 : i32
      %dma_wait3A_218 = tpu.memref_slice %arg17[%dma_wait3A_216, %dma_wait3A_217] : memref<10240x128xf32, #tpu.memory_space<vmem_shared>> -> memref<10240x128xf32, #tpu.memory_space<vmem_shared>>
      tpu.wait_indirect_dma semaphore(%arg29 : memref<!tpu.dma_semaphore, #tpu.memory_space<semaphore_mem>>) src(%arg12 : memref<32x128xf32, #tpu.memory_space<vmem>>) dst(%dma_wait3A_218 : memref<10240x128xf32, #tpu.memory_space<vmem_shared>>)
      %dma_wait3A_219 = arith.constant 0 : i32
      %dma_wait3A_220 = arith.constant 0 : i32
      %dma_wait3A_221 = tpu.memref_slice %arg8[%dma_wait3A_219, %dma_wait3A_220] : memref<64x32xi32, #tpu.memory_space<vmem>> -> memref<1x32xi32, #tpu.memory_space<vmem>>
      %dma_wait3A_222 = tpu.memref_squeeze %dma_wait3A_221 : memref<1x32xi32, #tpu.memory_space<vmem>> -> memref<32xi32, #tpu.memory_space<vmem>>
      %dma_wait3A_223 = arith.constant 0 : i32
      %dma_wait3A_224 = arith.constant 0 : i32
      %dma_wait3A_225 = tpu.memref_slice %arg17[%dma_wait3A_223, %dma_wait3A_224] : memref<10240x128xf32, #tpu.memory_space<vmem_shared>> -> memref<10240x128xf32, #tpu.memory_space<vmem_shared>>
      tpu.wait_indirect_dma semaphore(%arg30 : memref<!tpu.dma_semaphore, #tpu.memory_space<semaphore_mem>>) src(%arg13 : memref<32x128xf32, #tpu.memory_space<vmem>>) dst(%dma_wait3A_225 : memref<10240x128xf32, #tpu.memory_space<vmem_shared>>)
      %dma_wait3A_226 = arith.constant 0 : i32
      %dma_wait3A_227 = arith.constant 0 : i32
      %dma_wait3A_228 = tpu.memref_slice %arg8[%dma_wait3A_226, %dma_wait3A_227] : memref<64x32xi32, #tpu.memory_space<vmem>> -> memref<1x32xi32, #tpu.memory_space<vmem>>
      %dma_wait3A_229 = tpu.memref_squeeze %dma_wait3A_228 : memref<1x32xi32, #tpu.memory_space<vmem>> -> memref<32xi32, #tpu.memory_space<vmem>>
      %dma_wait3A_230 = arith.constant 0 : i32
      %dma_wait3A_231 = arith.constant 0 : i32
      %dma_wait3A_232 = tpu.memref_slice %arg17[%dma_wait3A_230, %dma_wait3A_231] : memref<10240x128xf32, #tpu.memory_space<vmem_shared>> -> memref<10240x128xf32, #tpu.memory_space<vmem_shared>>
      tpu.wait_indirect_dma semaphore(%arg31 : memref<!tpu.dma_semaphore, #tpu.memory_space<semaphore_mem>>) src(%arg14 : memref<32x128xf32, #tpu.memory_space<vmem>>) dst(%dma_wait3A_232 : memref<10240x128xf32, #tpu.memory_space<vmem_shared>>)
      %dma_wait3A_233 = arith.constant 0 : i32
      %dma_wait3A_234 = arith.constant 0 : i32
      %dma_wait3A_235 = tpu.memref_slice %arg8[%dma_wait3A_233, %dma_wait3A_234] : memref<64x32xi32, #tpu.memory_space<vmem>> -> memref<1x32xi32, #tpu.memory_space<vmem>>
      %dma_wait3A_236 = tpu.memref_squeeze %dma_wait3A_235 : memref<1x32xi32, #tpu.memory_space<vmem>> -> memref<32xi32, #tpu.memory_space<vmem>>
      %dma_wait3A_237 = arith.constant 0 : i32
      %dma_wait3A_238 = arith.constant 0 : i32
      %dma_wait3A_239 = tpu.memref_slice %arg17[%dma_wait3A_237, %dma_wait3A_238] : memref<10240x128xf32, #tpu.memory_space<vmem_shared>> -> memref<10240x128xf32, #tpu.memory_space<vmem_shared>>
      tpu.wait_indirect_dma semaphore(%arg32 : memref<!tpu.dma_semaphore, #tpu.memory_space<semaphore_mem>>) src(%arg15 : memref<32x128xf32, #tpu.memory_space<vmem>>) dst(%dma_wait3A_239 : memref<10240x128xf32, #tpu.memory_space<vmem_shared>>)
      %dma_wait3A_240 = arith.constant 0 : i32
      %dma_wait3A_241 = arith.constant 0 : i32
      %dma_wait3A_242 = tpu.memref_slice %arg8[%dma_wait3A_240, %dma_wait3A_241] : memref<64x32xi32, #tpu.memory_space<vmem>> -> memref<1x32xi32, #tpu.memory_space<vmem>>
      %dma_wait3A_243 = tpu.memref_squeeze %dma_wait3A_242 : memref<1x32xi32, #tpu.memory_space<vmem>> -> memref<32xi32, #tpu.memory_space<vmem>>
      %dma_wait3A_244 = arith.constant 0 : i32
      %dma_wait3A_245 = arith.constant 0 : i32
      %dma_wait3A_246 = tpu.memref_slice %arg17[%dma_wait3A_244, %dma_wait3A_245] : memref<10240x128xf32, #tpu.memory_space<vmem_shared>> -> memref<10240x128xf32, #tpu.memory_space<vmem_shared>>
      tpu.wait_indirect_dma semaphore(%arg33 : memref<!tpu.dma_semaphore, #tpu.memory_space<semaphore_mem>>) src(%arg16 : memref<32x128xf32, #tpu.memory_space<vmem>>) dst(%dma_wait3A_246 : memref<10240x128xf32, #tpu.memory_space<vmem_shared>>)
    }
    %scan3A_7 = arith.constant 5 : i32
    %barrier3A_8 = arith.constant 0 : index
    tpu.barrier barrier_id(%barrier3A_8)
    %mul3A_9 = arith.constant 640 : i32
    %mul3A_10 = arith.muli %arg1, %mul3A_9 : i32
    %mul3A_11 = arith.constant 640 : i32
    %mul3A_12 = arith.muli %arg1, %mul3A_11 : i32
    "tpu.region"() ({
      %run_scoped3A = tpu.sem_alloc : memref<!tpu.dma_semaphore, #tpu.memory_space<semaphore_mem>>
      %dma_start3A = arith.constant 0 : i32
      %dma_start3A_13 = tpu.memref_slice %arg6[%arg0, %mul3A_12, %dma_start3A] : memref<2x10240x128xf32, #tpu.memory_space<hbm>> -> memref<1x640x128xf32, #tpu.memory_space<hbm>>
      %dma_start3A_14 = tpu.memref_squeeze %dma_start3A_13 : memref<1x640x128xf32, #tpu.memory_space<hbm>> -> memref<640x128xf32, #tpu.memory_space<hbm>>
      %dma_start3A_15 = arith.constant 0 : i32
      %dma_start3A_16 = tpu.memref_slice %arg17[%mul3A_10, %dma_start3A_15] : memref<10240x128xf32, #tpu.memory_space<vmem_shared>> -> memref<640x128xf32, #tpu.memory_space<vmem_shared>>
      tpu.enqueue_dma source(%dma_start3A_16 : memref<640x128xf32, #tpu.memory_space<vmem_shared>>) target(%dma_start3A_14 : memref<640x128xf32, #tpu.memory_space<hbm>>) target_semaphore(%run_scoped3A : memref<!tpu.dma_semaphore, #tpu.memory_space<semaphore_mem>>)
      %dma_wait3A = arith.constant 0 : i32
      %dma_wait3A_17 = tpu.memref_slice %arg6[%arg0, %mul3A_12, %dma_wait3A] : memref<2x10240x128xf32, #tpu.memory_space<hbm>> -> memref<1x640x128xf32, #tpu.memory_space<hbm>>
      %dma_wait3A_18 = tpu.memref_squeeze %dma_wait3A_17 : memref<1x640x128xf32, #tpu.memory_space<hbm>> -> memref<640x128xf32, #tpu.memory_space<hbm>>
      %dma_wait3A_19 = arith.constant 0 : i32
      %dma_wait3A_20 = tpu.memref_slice %arg17[%mul3A_10, %dma_wait3A_19] : memref<10240x128xf32, #tpu.memory_space<vmem_shared>> -> memref<640x128xf32, #tpu.memory_space<vmem_shared>>
      tpu.wait_dma2 semaphore(%run_scoped3A : memref<!tpu.dma_semaphore, #tpu.memory_space<semaphore_mem>>) src(%dma_wait3A_20 : memref<640x128xf32, #tpu.memory_space<vmem_shared>>) dst(%dma_wait3A_18 : memref<640x128xf32, #tpu.memory_space<hbm>>)
      tpu.yield
    }) : () -> ()
    return
  }
}

module attributes {stable_mosaic.version = 14 : i64} {
  func.func @_prep_body(%arg0: memref<10240x128xf32, #tpu.memory_space<vmem>>, %arg1: memref<10240x128xf32, #tpu.memory_space<vmem>>, %arg2: memref<10240x128xf32, #tpu.memory_space<vmem>>, %arg3: memref<10240x1xf32, #tpu.memory_space<vmem>>, %arg4: memref<10240x128xf32, #tpu.memory_space<vmem>>) attributes {dimension_semantics = [], scalar_prefetch = 0 : i64, scratch_operands = 0 : i64, tpu.core_type = #tpu.core_type<tc>} {
    %get3A = arith.constant 0 : index
    %get3A_0 = arith.constant 0 : index
    %get3A_1 = vector.load %arg0[%get3A, %get3A_0] : memref<10240x128xf32, #tpu.memory_space<vmem>>, vector<10240x1xf32>
    %get3A_2 = arith.constant 0 : index
    %get3A_3 = arith.constant 0 : index
    %get3A_4 = vector.load %arg1[%get3A_2, %get3A_3] : memref<10240x128xf32, #tpu.memory_space<vmem>>, vector<10240x1xf32>
    %add3A = arith.addf %get3A_1, %get3A_4 : vector<10240x1xf32>
    %add3A_5 = arith.constant 1.000000e+00 : f32
    %add3A_6 = vector.broadcast %add3A_5 : f32 to vector<10240x1xf32>
    %add3A_7 = arith.addf %add3A, %add3A_6 : vector<10240x1xf32>
    %rsqrt3A = math.rsqrt %add3A_7 : vector<10240x1xf32>
    %swap3A = arith.constant 0 : index
    %swap3A_8 = arith.constant 0 : index
    %swap3A_9 = vector.load %arg3[%swap3A, %swap3A_8] : memref<10240x1xf32, #tpu.memory_space<vmem>>, vector<10240x1xf32>
    tpu.vector_store %arg3[%swap3A, %swap3A_8], %rsqrt3A {strides = array<i32>} : memref<10240x1xf32, #tpu.memory_space<vmem>>, vector<10240x1xf32>,
    %get3A_10 = arith.constant 0 : index
    %get3A_11 = arith.constant 0 : index
    %get3A_12 = vector.load %arg2[%get3A_10, %get3A_11] : memref<10240x128xf32, #tpu.memory_space<vmem>>, vector<10240x128xf32>
    %mul3A = vector.broadcast %rsqrt3A : vector<10240x1xf32> to vector<10240x128xf32>
    %mul3A_13 = arith.mulf %get3A_12, %mul3A : vector<10240x128xf32>
    %swap3A_14 = arith.constant 0 : index
    %swap3A_15 = arith.constant 0 : index
    %swap3A_16 = vector.load %arg4[%swap3A_14, %swap3A_15] : memref<10240x128xf32, #tpu.memory_space<vmem>>, vector<10240x128xf32>
    tpu.vector_store %arg4[%swap3A_14, %swap3A_15], %mul3A_13 {strides = array<i32>} : memref<10240x128xf32, #tpu.memory_space<vmem>>, vector<10240x128xf32>,
    return
  }
}

module attributes {stable_mosaic.version = 14 : i64} {
  func.func @_layer_body(%arg0: memref<10240x128xf32, #tpu.memory_space<vmem>>, %arg1: memref<10240x128xf32, #tpu.memory_space<vmem>>, %arg2: memref<10240x128xf32, #tpu.memory_space<vmem>>, %arg3: memref<10240x1xf32, #tpu.memory_space<vmem>>, %arg4: memref<128x128xf32, #tpu.memory_space<vmem>>, %arg5: memref<1x128xf32, #tpu.memory_space<vmem>>, %arg6: memref<10240x128xf32, #tpu.memory_space<vmem>>) attributes {dimension_semantics = [], scalar_prefetch = 0 : i64, scratch_operands = 0 : i64, tpu.core_type = #tpu.core_type<tc>} {
    %get3A = arith.constant 0 : index
    %get3A_0 = arith.constant 0 : index
    %get3A_1 = vector.load %arg0[%get3A, %get3A_0] : memref<10240x128xf32, #tpu.memory_space<vmem>>, vector<10240x128xf32>
    %get3A_2 = arith.constant 0 : index
    %get3A_3 = arith.constant 0 : index
    %get3A_4 = vector.load %arg1[%get3A_2, %get3A_3] : memref<10240x128xf32, #tpu.memory_space<vmem>>, vector<10240x128xf32>
    %add3A = arith.addf %get3A_1, %get3A_4 : vector<10240x128xf32>
    %get3A_5 = arith.constant 0 : index
    %get3A_6 = arith.constant 0 : index
    %get3A_7 = vector.load %arg2[%get3A_5, %get3A_6] : memref<10240x128xf32, #tpu.memory_space<vmem>>, vector<10240x128xf32>
    %add3A_8 = arith.addf %add3A, %get3A_7 : vector<10240x128xf32>
    %get3A_9 = arith.constant 0 : index
    %get3A_10 = arith.constant 0 : index
    %get3A_11 = vector.load %arg3[%get3A_9, %get3A_10] : memref<10240x1xf32, #tpu.memory_space<vmem>>, vector<10240x1xf32>
    %mul3A = vector.broadcast %get3A_11 : vector<10240x1xf32> to vector<10240x128xf32>
    %mul3A_12 = arith.mulf %add3A_8, %mul3A : vector<10240x128xf32>
    %get3A_13 = arith.constant 0 : index
    %get3A_14 = arith.constant 0 : index
    %get3A_15 = vector.load %arg4[%get3A_13, %get3A_14] : memref<128x128xf32, #tpu.memory_space<vmem>>, vector<128x128xf32>
    %dot_general3A = arith.constant dense<0.000000e+00> : vector<10240x128xf32>
    %dot_general3A_16 = tpu.matmul %mul3A_12, %get3A_15, %dot_general3A {dimension_numbers = #tpu.dot_dimension_numbers<[1], [0], [0], [1], [0, 0, 1, 1], [], []>, transpose_lhs_hint = false} : vector<10240x128xf32>, vector<128x128xf32>, vector<10240x128xf32> -> vector<10240x128xf32>
    %get3A_17 = arith.constant 0 : index
    %get3A_18 = arith.constant 0 : index
    %get3A_19 = vector.load %arg5[%get3A_17, %get3A_18] : memref<1x128xf32, #tpu.memory_space<vmem>>, vector<1x128xf32>
    %add3A_20 = vector.broadcast %get3A_19 : vector<1x128xf32> to vector<10240x128xf32>
    %add3A_21 = arith.addf %dot_general3A_16, %add3A_20 : vector<10240x128xf32>
    %max3A = arith.constant 0.000000e+00 : f32
    %max3A_22 = vector.broadcast %max3A : f32 to vector<10240x128xf32>
    %max3A_23 = arith.maximumf %add3A_21, %max3A_22 : vector<10240x128xf32>
    %get3A_24 = arith.constant 0 : index
    %get3A_25 = arith.constant 0 : index
    %get3A_26 = vector.load %arg3[%get3A_24, %get3A_25] : memref<10240x1xf32, #tpu.memory_space<vmem>>, vector<10240x1xf32>
    %mul3A_27 = vector.broadcast %get3A_26 : vector<10240x1xf32> to vector<10240x128xf32>
    %mul3A_28 = arith.mulf %max3A_23, %mul3A_27 : vector<10240x128xf32>
    %swap3A = arith.constant 0 : index
    %swap3A_29 = arith.constant 0 : index
    %swap3A_30 = vector.load %arg6[%swap3A, %swap3A_29] : memref<10240x128xf32, #tpu.memory_space<vmem>>, vector<10240x128xf32>
    tpu.vector_store %arg6[%swap3A, %swap3A_29], %mul3A_28 {strides = array<i32>} : memref<10240x128xf32, #tpu.memory_space<vmem>>, vector<10240x128xf32>,
    return
  }
}

module attributes {stable_mosaic.version = 14 : i64} {
  func.func @_final_body(%arg0: memref<10240x128xf32, #tpu.memory_space<vmem>>, %arg1: memref<10240x128xf32, #tpu.memory_space<vmem>>, %arg2: memref<10240x128xf32, #tpu.memory_space<vmem>>, %arg3: memref<10240x1xf32, #tpu.memory_space<vmem>>, %arg4: memref<128x128xf32, #tpu.memory_space<vmem>>, %arg5: memref<1x128xf32, #tpu.memory_space<vmem>>, %arg6: memref<1x10240xi32, #tpu.memory_space<vmem>>, %arg7: memref<10240x16xf32, #tpu.memory_space<vmem>>, %arg8: memref<1x10240xf32, #tpu.memory_space<vmem>>, %arg9: memref<128x2xf32, #tpu.memory_space<vmem>>, %arg10: memref<128x2xf32, #tpu.memory_space<vmem>>, %arg11: memref<1x2xf32, #tpu.memory_space<vmem>>, %arg12: memref<64x2xf32, #tpu.memory_space<vmem>>, %arg13: memref<10240x128xf32, #tpu.memory_space<vmem>>, %arg14: memref<10240x128xf32, #tpu.memory_space<vmem>>, %arg15: memref<10240x128xf32, #tpu.memory_space<vmem>>) attributes {dimension_semantics = [], scalar_prefetch = 0 : i64, scratch_operands = 3 : i64, tpu.core_type = #tpu.core_type<tc>} {
    %get3A = arith.constant 0 : index
    %get3A_0 = arith.constant 0 : index
    %get3A_1 = vector.load %arg0[%get3A, %get3A_0] : memref<10240x128xf32, #tpu.memory_space<vmem>>, vector<10240x128xf32>
    %get3A_2 = arith.constant 0 : index
    %get3A_3 = arith.constant 0 : index
    %get3A_4 = vector.load %arg1[%get3A_2, %get3A_3] : memref<10240x128xf32, #tpu.memory_space<vmem>>, vector<10240x128xf32>
    %add3A = arith.addf %get3A_1, %get3A_4 : vector<10240x128xf32>
    %get3A_5 = arith.constant 0 : index
    %get3A_6 = arith.constant 0 : index
    %get3A_7 = vector.load %arg2[%get3A_5, %get3A_6] : memref<10240x128xf32, #tpu.memory_space<vmem>>, vector<10240x128xf32>
    %add3A_8 = arith.addf %add3A, %get3A_7 : vector<10240x128xf32>
    %get3A_9 = arith.constant 0 : index
    %get3A_10 = arith.constant 0 : index
    %get3A_11 = vector.load %arg3[%get3A_9, %get3A_10] : memref<10240x1xf32, #tpu.memory_space<vmem>>, vector<10240x1xf32>
    %mul3A = vector.broadcast %get3A_11 : vector<10240x1xf32> to vector<10240x128xf32>
    %mul3A_12 = arith.mulf %add3A_8, %mul3A : vector<10240x128xf32>
    %get3A_13 = arith.constant 0 : index
    %get3A_14 = arith.constant 0 : index
    %get3A_15 = vector.load %arg4[%get3A_13, %get3A_14] : memref<128x128xf32, #tpu.memory_space<vmem>>, vector<128x128xf32>
    %dot_general3A = arith.constant dense<0.000000e+00> : vector<10240x128xf32>
    %dot_general3A_16 = tpu.matmul %mul3A_12, %get3A_15, %dot_general3A {dimension_numbers = #tpu.dot_dimension_numbers<[1], [0], [0], [1], [0, 0, 1, 1], [], []>, transpose_lhs_hint = false} : vector<10240x128xf32>, vector<128x128xf32>, vector<10240x128xf32> -> vector<10240x128xf32>
    %get3A_17 = arith.constant 0 : index
    %get3A_18 = arith.constant 0 : index
    %get3A_19 = vector.load %arg5[%get3A_17, %get3A_18] : memref<1x128xf32, #tpu.memory_space<vmem>>, vector<1x128xf32>
    %add3A_20 = vector.broadcast %get3A_19 : vector<1x128xf32> to vector<10240x128xf32>
    %add3A_21 = arith.addf %dot_general3A_16, %add3A_20 : vector<10240x128xf32>
    %max3A = arith.constant 0.000000e+00 : f32
    %max3A_22 = vector.broadcast %max3A : f32 to vector<10240x128xf32>
    %max3A_23 = arith.maximumf %add3A_21, %max3A_22 : vector<10240x128xf32>
    %swap3A = arith.constant 0 : index
    %swap3A_24 = arith.constant 0 : index
    %swap3A_25 = vector.load %arg13[%swap3A, %swap3A_24] : memref<10240x128xf32, #tpu.memory_space<vmem>>, vector<10240x128xf32>
    tpu.vector_store %arg13[%swap3A, %swap3A_24], %max3A_23 {strides = array<i32>} : memref<10240x128xf32, #tpu.memory_space<vmem>>, vector<10240x128xf32>,
    %get3A_26 = arith.constant 0 : index
    %get3A_27 = arith.constant 0 : index
    %get3A_28 = vector.load %arg13[%get3A_26, %get3A_27] : memref<10240x128xf32, #tpu.memory_space<vmem>>, vector<1x128xf32>
    %swap3A_29 = arith.constant 0 : index
    %swap3A_30 = arith.constant 0 : index
    %swap3A_31 = vector.load %arg14[%swap3A_29, %swap3A_30] : memref<10240x128xf32, #tpu.memory_space<vmem>>, vector<1x128xf32>
    tpu.vector_store %arg14[%swap3A_29, %swap3A_30], %get3A_28 {strides = array<i32>} : memref<10240x128xf32, #tpu.memory_space<vmem>>, vector<1x128xf32>,
    %get3A_32 = arith.constant 0 : index
    %get3A_33 = arith.constant 0 : index
    %get3A_34 = vector.load %arg13[%get3A_32, %get3A_33] : memref<10240x128xf32, #tpu.memory_space<vmem>>, vector<10239x128xf32>
    %get3A_35 = arith.constant 1 : index
    %get3A_36 = arith.constant 0 : index
    %get3A_37 = vector.load %arg13[%get3A_35, %get3A_36] : memref<10240x128xf32, #tpu.memory_space<vmem>>, vector<10239x128xf32>
    %get3A_38 = arith.constant 1 : index
    %get3A_39 = arith.constant 0 : index
    %get3A_40 = vector.load %arg7[%get3A_38, %get3A_39] : memref<10240x16xf32, #tpu.memory_space<vmem>>, vector<10239x1xf32>
    %gt3A = arith.constant 0.000000e+00 : f32
    %gt3A_41 = vector.broadcast %gt3A : f32 to vector<10239x1xf32>
    %gt3A_42 = arith.cmpf ogt, %get3A_40, %gt3A_41 : vector<10239x1xf32>
    %jit3A = arith.constant -1.000000e+30 : f32
    %broadcast_in_dim3A = vector.shape_cast %gt3A_42 : vector<10239x1xi1> to vector<10239x1xi1>
    %broadcast_in_dim3A_43 = vector.broadcast %broadcast_in_dim3A : vector<10239x1xi1> to vector<10239x128xi1>
    %broadcast_in_dim3A_44 = vector.broadcast %jit3A : f32 to vector<10239x128xf32>
    %select_n3A = arith.select %broadcast_in_dim3A_43, %get3A_34, %broadcast_in_dim3A_44 : vector<10239x128xi1>, vector<10239x128xf32>
    %max3A_45 = arith.maximumf %get3A_37, %select_n3A : vector<10239x128xf32>
    %swap3A_46 = arith.constant 1 : index
    %swap3A_47 = arith.constant 0 : index
    %swap3A_48 = vector.load %arg14[%swap3A_46, %swap3A_47] : memref<10240x128xf32, #tpu.memory_space<vmem>>, vector<10239x128xf32>
    tpu.vector_store %arg14[%swap3A_46, %swap3A_47], %max3A_45 {strides = array<i32>} : memref<10240x128xf32, #tpu.memory_space<vmem>>, vector<10239x128xf32>,
    %get3A_49 = arith.constant 0 : index
    %get3A_50 = arith.constant 0 : index
    %get3A_51 = vector.load %arg14[%get3A_49, %get3A_50] : memref<10240x128xf32, #tpu.memory_space<vmem>>, vector<2x128xf32>
    %swap3A_52 = arith.constant 0 : index
    %swap3A_53 = arith.constant 0 : index
    %swap3A_54 = vector.load %arg15[%swap3A_52, %swap3A_53] : memref<10240x128xf32, #tpu.memory_space<vmem>>, vector<2x128xf32>
    tpu.vector_store %arg15[%swap3A_52, %swap3A_53], %get3A_51 {strides = array<i32>} : memref<10240x128xf32, #tpu.memory_space<vmem>>, vector<2x128xf32>,
    %get3A_55 = arith.constant 0 : index
    %get3A_56 = arith.constant 0 : index
    %get3A_57 = vector.load %arg14[%get3A_55, %get3A_56] : memref<10240x128xf32, #tpu.memory_space<vmem>>, vector<10238x128xf32>
    %get3A_58 = arith.constant 2 : index
    %get3A_59 = arith.constant 0 : index
    %get3A_60 = vector.load %arg14[%get3A_58, %get3A_59] : memref<10240x128xf32, #tpu.memory_space<vmem>>, vector<10238x128xf32>
    %get3A_61 = arith.constant 2 : index
    %get3A_62 = arith.constant 1 : index
    %get3A_63 = vector.load %arg7[%get3A_61, %get3A_62] : memref<10240x16xf32, #tpu.memory_space<vmem>>, vector<10238x1xf32>
    %gt3A_64 = arith.constant 0.000000e+00 : f32
    %gt3A_65 = vector.broadcast %gt3A_64 : f32 to vector<10238x1xf32>
    %gt3A_66 = arith.cmpf ogt, %get3A_63, %gt3A_65 : vector<10238x1xf32>
    %jit3A_67 = arith.constant -1.000000e+30 : f32
    %broadcast_in_dim3A_68 = vector.shape_cast %gt3A_66 : vector<10238x1xi1> to vector<10238x1xi1>
    %broadcast_in_dim3A_69 = vector.broadcast %broadcast_in_dim3A_68 : vector<10238x1xi1> to vector<10238x128xi1>
    %broadcast_in_dim3A_70 = vector.broadcast %jit3A_67 : f32 to vector<10238x128xf32>
    %select_n3A_71 = arith.select %broadcast_in_dim3A_69, %get3A_57, %broadcast_in_dim3A_70 : vector<10238x128xi1>, vector<10238x128xf32>
    %max3A_72 = arith.maximumf %get3A_60, %select_n3A_71 : vector<10238x128xf32>
    %swap3A_73 = arith.constant 2 : index
    %swap3A_74 = arith.constant 0 : index
    %swap3A_75 = vector.load %arg15[%swap3A_73, %swap3A_74] : memref<10240x128xf32, #tpu.memory_space<vmem>>, vector<10238x128xf32>
    tpu.vector_store %arg15[%swap3A_73, %swap3A_74], %max3A_72 {strides = array<i32>} : memref<10240x128xf32, #tpu.memory_space<vmem>>, vector<10238x128xf32>,
    %get3A_76 = arith.constant 0 : index
    %get3A_77 = arith.constant 0 : index
    %get3A_78 = vector.load %arg15[%get3A_76, %get3A_77] : memref<10240x128xf32, #tpu.memory_space<vmem>>, vector<4x128xf32>
    %swap3A_79 = arith.constant 0 : index
    %swap3A_80 = arith.constant 0 : index
    %swap3A_81 = vector.load %arg14[%swap3A_79, %swap3A_80] : memref<10240x128xf32, #tpu.memory_space<vmem>>, vector<4x128xf32>
    tpu.vector_store %arg14[%swap3A_79, %swap3A_80], %get3A_78 {strides = array<i32>} : memref<10240x128xf32, #tpu.memory_space<vmem>>, vector<4x128xf32>,
    %get3A_82 = arith.constant 0 : index
    %get3A_83 = arith.constant 0 : index
    %get3A_84 = vector.load %arg15[%get3A_82, %get3A_83] : memref<10240x128xf32, #tpu.memory_space<vmem>>, vector<10236x128xf32>
    %get3A_85 = arith.constant 4 : index
    %get3A_86 = arith.constant 0 : index
    %get3A_87 = vector.load %arg15[%get3A_85, %get3A_86] : memref<10240x128xf32, #tpu.memory_space<vmem>>, vector<10236x128xf32>
    %get3A_88 = arith.constant 4 : index
    %get3A_89 = arith.constant 2 : index
    %get3A_90 = vector.load %arg7[%get3A_88, %get3A_89] : memref<10240x16xf32, #tpu.memory_space<vmem>>, vector<10236x1xf32>
    %gt3A_91 = arith.constant 0.000000e+00 : f32
    %gt3A_92 = vector.broadcast %gt3A_91 : f32 to vector<10236x1xf32>
    %gt3A_93 = arith.cmpf ogt, %get3A_90, %gt3A_92 : vector<10236x1xf32>
    %jit3A_94 = arith.constant -1.000000e+30 : f32
    %broadcast_in_dim3A_95 = vector.shape_cast %gt3A_93 : vector<10236x1xi1> to vector<10236x1xi1>
    %broadcast_in_dim3A_96 = vector.broadcast %broadcast_in_dim3A_95 : vector<10236x1xi1> to vector<10236x128xi1>
    %broadcast_in_dim3A_97 = vector.broadcast %jit3A_94 : f32 to vector<10236x128xf32>
    %select_n3A_98 = arith.select %broadcast_in_dim3A_96, %get3A_84, %broadcast_in_dim3A_97 : vector<10236x128xi1>, vector<10236x128xf32>
    %max3A_99 = arith.maximumf %get3A_87, %select_n3A_98 : vector<10236x128xf32>
    %swap3A_100 = arith.constant 4 : index
    %swap3A_101 = arith.constant 0 : index
    %swap3A_102 = vector.load %arg14[%swap3A_100, %swap3A_101] : memref<10240x128xf32, #tpu.memory_space<vmem>>, vector<10236x128xf32>
    tpu.vector_store %arg14[%swap3A_100, %swap3A_101], %max3A_99 {strides = array<i32>} : memref<10240x128xf32, #tpu.memory_space<vmem>>, vector<10236x128xf32>,
    %get3A_103 = arith.constant 0 : index
    %get3A_104 = arith.constant 0 : index
    %get3A_105 = vector.load %arg14[%get3A_103, %get3A_104] : memref<10240x128xf32, #tpu.memory_space<vmem>>, vector<8x128xf32>
    %swap3A_106 = arith.constant 0 : index
    %swap3A_107 = arith.constant 0 : index
    %swap3A_108 = vector.load %arg15[%swap3A_106, %swap3A_107] : memref<10240x128xf32, #tpu.memory_space<vmem>>, vector<8x128xf32>
    tpu.vector_store %arg15[%swap3A_106, %swap3A_107], %get3A_105 {strides = array<i32>} : memref<10240x128xf32, #tpu.memory_space<vmem>>, vector<8x128xf32>,
    %get3A_109 = arith.constant 0 : index
    %get3A_110 = arith.constant 0 : index
    %get3A_111 = vector.load %arg14[%get3A_109, %get3A_110] : memref<10240x128xf32, #tpu.memory_space<vmem>>, vector<10232x128xf32>
    %get3A_112 = arith.constant 8 : index
    %get3A_113 = arith.constant 0 : index
    %get3A_114 = vector.load %arg14[%get3A_112, %get3A_113] : memref<10240x128xf32, #tpu.memory_space<vmem>>, vector<10232x128xf32>
    %get3A_115 = arith.constant 8 : index
    %get3A_116 = arith.constant 3 : index
    %get3A_117 = vector.load %arg7[%get3A_115, %get3A_116] : memref<10240x16xf32, #tpu.memory_space<vmem>>, vector<10232x1xf32>
    %gt3A_118 = arith.constant 0.000000e+00 : f32
    %gt3A_119 = vector.broadcast %gt3A_118 : f32 to vector<10232x1xf32>
    %gt3A_120 = arith.cmpf ogt, %get3A_117, %gt3A_119 : vector<10232x1xf32>
    %jit3A_121 = arith.constant -1.000000e+30 : f32
    %broadcast_in_dim3A_122 = vector.shape_cast %gt3A_120 : vector<10232x1xi1> to vector<10232x1xi1>
    %broadcast_in_dim3A_123 = vector.broadcast %broadcast_in_dim3A_122 : vector<10232x1xi1> to vector<10232x128xi1>
    %broadcast_in_dim3A_124 = vector.broadcast %jit3A_121 : f32 to vector<10232x128xf32>
    %select_n3A_125 = arith.select %broadcast_in_dim3A_123, %get3A_111, %broadcast_in_dim3A_124 : vector<10232x128xi1>, vector<10232x128xf32>
    %max3A_126 = arith.maximumf %get3A_114, %select_n3A_125 : vector<10232x128xf32>
    %swap3A_127 = arith.constant 8 : index
    %swap3A_128 = arith.constant 0 : index
    %swap3A_129 = vector.load %arg15[%swap3A_127, %swap3A_128] : memref<10240x128xf32, #tpu.memory_space<vmem>>, vector<10232x128xf32>
    tpu.vector_store %arg15[%swap3A_127, %swap3A_128], %max3A_126 {strides = array<i32>} : memref<10240x128xf32, #tpu.memory_space<vmem>>, vector<10232x128xf32>,
    %get3A_130 = arith.constant 0 : index
    %get3A_131 = arith.constant 0 : index
    %get3A_132 = vector.load %arg15[%get3A_130, %get3A_131] : memref<10240x128xf32, #tpu.memory_space<vmem>>, vector<16x128xf32>
    %swap3A_133 = arith.constant 0 : index
    %swap3A_134 = arith.constant 0 : index
    %swap3A_135 = vector.load %arg14[%swap3A_133, %swap3A_134] : memref<10240x128xf32, #tpu.memory_space<vmem>>, vector<16x128xf32>
    tpu.vector_store %arg14[%swap3A_133, %swap3A_134], %get3A_132 {strides = array<i32>} : memref<10240x128xf32, #tpu.memory_space<vmem>>, vector<16x128xf32>,
    %get3A_136 = arith.constant 0 : index
    %get3A_137 = arith.constant 0 : index
    %get3A_138 = vector.load %arg15[%get3A_136, %get3A_137] : memref<10240x128xf32, #tpu.memory_space<vmem>>, vector<10224x128xf32>
    %get3A_139 = arith.constant 16 : index
    %get3A_140 = arith.constant 0 : index
    %get3A_141 = vector.load %arg15[%get3A_139, %get3A_140] : memref<10240x128xf32, #tpu.memory_space<vmem>>, vector<10224x128xf32>
    %get3A_142 = arith.constant 16 : index
    %get3A_143 = arith.constant 4 : index
    %get3A_144 = vector.load %arg7[%get3A_142, %get3A_143] : memref<10240x16xf32, #tpu.memory_space<vmem>>, vector<10224x1xf32>
    %gt3A_145 = arith.constant 0.000000e+00 : f32
    %gt3A_146 = vector.broadcast %gt3A_145 : f32 to vector<10224x1xf32>
    %gt3A_147 = arith.cmpf ogt, %get3A_144, %gt3A_146 : vector<10224x1xf32>
    %jit3A_148 = arith.constant -1.000000e+30 : f32
    %broadcast_in_dim3A_149 = vector.shape_cast %gt3A_147 : vector<10224x1xi1> to vector<10224x1xi1>
    %broadcast_in_dim3A_150 = vector.broadcast %broadcast_in_dim3A_149 : vector<10224x1xi1> to vector<10224x128xi1>
    %broadcast_in_dim3A_151 = vector.broadcast %jit3A_148 : f32 to vector<10224x128xf32>
    %select_n3A_152 = arith.select %broadcast_in_dim3A_150, %get3A_138, %broadcast_in_dim3A_151 : vector<10224x128xi1>, vector<10224x128xf32>
    %max3A_153 = arith.maximumf %get3A_141, %select_n3A_152 : vector<10224x128xf32>
    %swap3A_154 = arith.constant 16 : index
    %swap3A_155 = arith.constant 0 : index
    %swap3A_156 = vector.load %arg14[%swap3A_154, %swap3A_155] : memref<10240x128xf32, #tpu.memory_space<vmem>>, vector<10224x128xf32>
    tpu.vector_store %arg14[%swap3A_154, %swap3A_155], %max3A_153 {strides = array<i32>} : memref<10240x128xf32, #tpu.memory_space<vmem>>, vector<10224x128xf32>,
    %get3A_157 = arith.constant 0 : index
    %get3A_158 = arith.constant 0 : index
    %get3A_159 = vector.load %arg14[%get3A_157, %get3A_158] : memref<10240x128xf32, #tpu.memory_space<vmem>>, vector<32x128xf32>
    %swap3A_160 = arith.constant 0 : index
    %swap3A_161 = arith.constant 0 : index
    %swap3A_162 = vector.load %arg15[%swap3A_160, %swap3A_161] : memref<10240x128xf32, #tpu.memory_space<vmem>>, vector<32x128xf32>
    tpu.vector_store %arg15[%swap3A_160, %swap3A_161], %get3A_159 {strides = array<i32>} : memref<10240x128xf32, #tpu.memory_space<vmem>>, vector<32x128xf32>,
    %get3A_163 = arith.constant 0 : index
    %get3A_164 = arith.constant 0 : index
    %get3A_165 = vector.load %arg14[%get3A_163, %get3A_164] : memref<10240x128xf32, #tpu.memory_space<vmem>>, vector<10208x128xf32>
    %get3A_166 = arith.constant 32 : index
    %get3A_167 = arith.constant 0 : index
    %get3A_168 = vector.load %arg14[%get3A_166, %get3A_167] : memref<10240x128xf32, #tpu.memory_space<vmem>>, vector<10208x128xf32>
    %get3A_169 = arith.constant 32 : index
    %get3A_170 = arith.constant 5 : index
    %get3A_171 = vector.load %arg7[%get3A_169, %get3A_170] : memref<10240x16xf32, #tpu.memory_space<vmem>>, vector<10208x1xf32>
    %gt3A_172 = arith.constant 0.000000e+00 : f32
    %gt3A_173 = vector.broadcast %gt3A_172 : f32 to vector<10208x1xf32>
    %gt3A_174 = arith.cmpf ogt, %get3A_171, %gt3A_173 : vector<10208x1xf32>
    %jit3A_175 = arith.constant -1.000000e+30 : f32
    %broadcast_in_dim3A_176 = vector.shape_cast %gt3A_174 : vector<10208x1xi1> to vector<10208x1xi1>
    %broadcast_in_dim3A_177 = vector.broadcast %broadcast_in_dim3A_176 : vector<10208x1xi1> to vector<10208x128xi1>
    %broadcast_in_dim3A_178 = vector.broadcast %jit3A_175 : f32 to vector<10208x128xf32>
    %select_n3A_179 = arith.select %broadcast_in_dim3A_177, %get3A_165, %broadcast_in_dim3A_178 : vector<10208x128xi1>, vector<10208x128xf32>
    %max3A_180 = arith.maximumf %get3A_168, %select_n3A_179 : vector<10208x128xf32>
    %swap3A_181 = arith.constant 32 : index
    %swap3A_182 = arith.constant 0 : index
    %swap3A_183 = vector.load %arg15[%swap3A_181, %swap3A_182] : memref<10240x128xf32, #tpu.memory_space<vmem>>, vector<10208x128xf32>
    tpu.vector_store %arg15[%swap3A_181, %swap3A_182], %max3A_180 {strides = array<i32>} : memref<10240x128xf32, #tpu.memory_space<vmem>>, vector<10208x128xf32>,
    %get3A_184 = arith.constant 0 : index
    %get3A_185 = arith.constant 0 : index
    %get3A_186 = vector.load %arg15[%get3A_184, %get3A_185] : memref<10240x128xf32, #tpu.memory_space<vmem>>, vector<64x128xf32>
    %swap3A_187 = arith.constant 0 : index
    %swap3A_188 = arith.constant 0 : index
    %swap3A_189 = vector.load %arg14[%swap3A_187, %swap3A_188] : memref<10240x128xf32, #tpu.memory_space<vmem>>, vector<64x128xf32>
    tpu.vector_store %arg14[%swap3A_187, %swap3A_188], %get3A_186 {strides = array<i32>} : memref<10240x128xf32, #tpu.memory_space<vmem>>, vector<64x128xf32>,
    %get3A_190 = arith.constant 0 : index
    %get3A_191 = arith.constant 0 : index
    %get3A_192 = vector.load %arg15[%get3A_190, %get3A_191] : memref<10240x128xf32, #tpu.memory_space<vmem>>, vector<10176x128xf32>
    %get3A_193 = arith.constant 64 : index
    %get3A_194 = arith.constant 0 : index
    %get3A_195 = vector.load %arg15[%get3A_193, %get3A_194] : memref<10240x128xf32, #tpu.memory_space<vmem>>, vector<10176x128xf32>
    %get3A_196 = arith.constant 64 : index
    %get3A_197 = arith.constant 6 : index
    %get3A_198 = vector.load %arg7[%get3A_196, %get3A_197] : memref<10240x16xf32, #tpu.memory_space<vmem>>, vector<10176x1xf32>
    %gt3A_199 = arith.constant 0.000000e+00 : f32
    %gt3A_200 = vector.broadcast %gt3A_199 : f32 to vector<10176x1xf32>
    %gt3A_201 = arith.cmpf ogt, %get3A_198, %gt3A_200 : vector<10176x1xf32>
    %jit3A_202 = arith.constant -1.000000e+30 : f32
    %broadcast_in_dim3A_203 = vector.shape_cast %gt3A_201 : vector<10176x1xi1> to vector<10176x1xi1>
    %broadcast_in_dim3A_204 = vector.broadcast %broadcast_in_dim3A_203 : vector<10176x1xi1> to vector<10176x128xi1>
    %broadcast_in_dim3A_205 = vector.broadcast %jit3A_202 : f32 to vector<10176x128xf32>
    %select_n3A_206 = arith.select %broadcast_in_dim3A_204, %get3A_192, %broadcast_in_dim3A_205 : vector<10176x128xi1>, vector<10176x128xf32>
    %max3A_207 = arith.maximumf %get3A_195, %select_n3A_206 : vector<10176x128xf32>
    %swap3A_208 = arith.constant 64 : index
    %swap3A_209 = arith.constant 0 : index
    %swap3A_210 = vector.load %arg14[%swap3A_208, %swap3A_209] : memref<10240x128xf32, #tpu.memory_space<vmem>>, vector<10176x128xf32>
    tpu.vector_store %arg14[%swap3A_208, %swap3A_209], %max3A_207 {strides = array<i32>} : memref<10240x128xf32, #tpu.memory_space<vmem>>, vector<10176x128xf32>,
    %get3A_211 = arith.constant 0 : index
    %get3A_212 = arith.constant 0 : index
    %get3A_213 = vector.load %arg14[%get3A_211, %get3A_212] : memref<10240x128xf32, #tpu.memory_space<vmem>>, vector<128x128xf32>
    %swap3A_214 = arith.constant 0 : index
    %swap3A_215 = arith.constant 0 : index
    %swap3A_216 = vector.load %arg15[%swap3A_214, %swap3A_215] : memref<10240x128xf32, #tpu.memory_space<vmem>>, vector<128x128xf32>
    tpu.vector_store %arg15[%swap3A_214, %swap3A_215], %get3A_213 {strides = array<i32>} : memref<10240x128xf32, #tpu.memory_space<vmem>>, vector<128x128xf32>,
    %get3A_217 = arith.constant 0 : index
    %get3A_218 = arith.constant 0 : index
    %get3A_219 = vector.load %arg14[%get3A_217, %get3A_218] : memref<10240x128xf32, #tpu.memory_space<vmem>>, vector<10112x128xf32>
    %get3A_220 = arith.constant 128 : index
    %get3A_221 = arith.constant 0 : index
    %get3A_222 = vector.load %arg14[%get3A_220, %get3A_221] : memref<10240x128xf32, #tpu.memory_space<vmem>>, vector<10112x128xf32>
    %get3A_223 = arith.constant 128 : index
    %get3A_224 = arith.constant 7 : index
    %get3A_225 = vector.load %arg7[%get3A_223, %get3A_224] : memref<10240x16xf32, #tpu.memory_space<vmem>>, vector<10112x1xf32>
    %gt3A_226 = arith.constant 0.000000e+00 : f32
    %gt3A_227 = vector.broadcast %gt3A_226 : f32 to vector<10112x1xf32>
    %gt3A_228 = arith.cmpf ogt, %get3A_225, %gt3A_227 : vector<10112x1xf32>
    %jit3A_229 = arith.constant -1.000000e+30 : f32
    %broadcast_in_dim3A_230 = vector.shape_cast %gt3A_228 : vector<10112x1xi1> to vector<10112x1xi1>
    %broadcast_in_dim3A_231 = vector.broadcast %broadcast_in_dim3A_230 : vector<10112x1xi1> to vector<10112x128xi1>
    %broadcast_in_dim3A_232 = vector.broadcast %jit3A_229 : f32 to vector<10112x128xf32>
    %select_n3A_233 = arith.select %broadcast_in_dim3A_231, %get3A_219, %broadcast_in_dim3A_232 : vector<10112x128xi1>, vector<10112x128xf32>
    %max3A_234 = arith.maximumf %get3A_222, %select_n3A_233 : vector<10112x128xf32>
    %swap3A_235 = arith.constant 128 : index
    %swap3A_236 = arith.constant 0 : index
    %swap3A_237 = vector.load %arg15[%swap3A_235, %swap3A_236] : memref<10240x128xf32, #tpu.memory_space<vmem>>, vector<10112x128xf32>
    tpu.vector_store %arg15[%swap3A_235, %swap3A_236], %max3A_234 {strides = array<i32>} : memref<10240x128xf32, #tpu.memory_space<vmem>>, vector<10112x128xf32>,
    %get3A_238 = arith.constant 0 : index
    %get3A_239 = arith.constant 0 : index
    %get3A_240 = vector.load %arg15[%get3A_238, %get3A_239] : memref<10240x128xf32, #tpu.memory_space<vmem>>, vector<256x128xf32>
    %swap3A_241 = arith.constant 0 : index
    %swap3A_242 = arith.constant 0 : index
    %swap3A_243 = vector.load %arg14[%swap3A_241, %swap3A_242] : memref<10240x128xf32, #tpu.memory_space<vmem>>, vector<256x128xf32>
    tpu.vector_store %arg14[%swap3A_241, %swap3A_242], %get3A_240 {strides = array<i32>} : memref<10240x128xf32, #tpu.memory_space<vmem>>, vector<256x128xf32>,
    %get3A_244 = arith.constant 0 : index
    %get3A_245 = arith.constant 0 : index
    %get3A_246 = vector.load %arg15[%get3A_244, %get3A_245] : memref<10240x128xf32, #tpu.memory_space<vmem>>, vector<9984x128xf32>
    %get3A_247 = arith.constant 256 : index
    %get3A_248 = arith.constant 0 : index
    %get3A_249 = vector.load %arg15[%get3A_247, %get3A_248] : memref<10240x128xf32, #tpu.memory_space<vmem>>, vector<9984x128xf32>
    %get3A_250 = arith.constant 256 : index
    %get3A_251 = arith.constant 8 : index
    %get3A_252 = vector.load %arg7[%get3A_250, %get3A_251] : memref<10240x16xf32, #tpu.memory_space<vmem>>, vector<9984x1xf32>
    %gt3A_253 = arith.constant 0.000000e+00 : f32
    %gt3A_254 = vector.broadcast %gt3A_253 : f32 to vector<9984x1xf32>
    %gt3A_255 = arith.cmpf ogt, %get3A_252, %gt3A_254 : vector<9984x1xf32>
    %jit3A_256 = arith.constant -1.000000e+30 : f32
    %broadcast_in_dim3A_257 = vector.shape_cast %gt3A_255 : vector<9984x1xi1> to vector<9984x1xi1>
    %broadcast_in_dim3A_258 = vector.broadcast %broadcast_in_dim3A_257 : vector<9984x1xi1> to vector<9984x128xi1>
    %broadcast_in_dim3A_259 = vector.broadcast %jit3A_256 : f32 to vector<9984x128xf32>
    %select_n3A_260 = arith.select %broadcast_in_dim3A_258, %get3A_246, %broadcast_in_dim3A_259 : vector<9984x128xi1>, vector<9984x128xf32>
    %max3A_261 = arith.maximumf %get3A_249, %select_n3A_260 : vector<9984x128xf32>
    %swap3A_262 = arith.constant 256 : index
    %swap3A_263 = arith.constant 0 : index
    %swap3A_264 = vector.load %arg14[%swap3A_262, %swap3A_263] : memref<10240x128xf32, #tpu.memory_space<vmem>>, vector<9984x128xf32>
    tpu.vector_store %arg14[%swap3A_262, %swap3A_263], %max3A_261 {strides = array<i32>} : memref<10240x128xf32, #tpu.memory_space<vmem>>, vector<9984x128xf32>,
    %get3A_265 = arith.constant 0 : index
    %get3A_266 = arith.constant 0 : index
    %get3A_267 = vector.load %arg14[%get3A_265, %get3A_266] : memref<10240x128xf32, #tpu.memory_space<vmem>>, vector<512x128xf32>
    %swap3A_268 = arith.constant 0 : index
    %swap3A_269 = arith.constant 0 : index
    %swap3A_270 = vector.load %arg15[%swap3A_268, %swap3A_269] : memref<10240x128xf32, #tpu.memory_space<vmem>>, vector<512x128xf32>
    tpu.vector_store %arg15[%swap3A_268, %swap3A_269], %get3A_267 {strides = array<i32>} : memref<10240x128xf32, #tpu.memory_space<vmem>>, vector<512x128xf32>,
    %get3A_271 = arith.constant 0 : index
    %get3A_272 = arith.constant 0 : index
    %get3A_273 = vector.load %arg14[%get3A_271, %get3A_272] : memref<10240x128xf32, #tpu.memory_space<vmem>>, vector<9728x128xf32>
    %get3A_274 = arith.constant 512 : index
    %get3A_275 = arith.constant 0 : index
    %get3A_276 = vector.load %arg14[%get3A_274, %get3A_275] : memref<10240x128xf32, #tpu.memory_space<vmem>>, vector<9728x128xf32>
    %get3A_277 = arith.constant 512 : index
    %get3A_278 = arith.constant 9 : index
    %get3A_279 = vector.load %arg7[%get3A_277, %get3A_278] : memref<10240x16xf32, #tpu.memory_space<vmem>>, vector<9728x1xf32>
    %gt3A_280 = arith.constant 0.000000e+00 : f32
    %gt3A_281 = vector.broadcast %gt3A_280 : f32 to vector<9728x1xf32>
    %gt3A_282 = arith.cmpf ogt, %get3A_279, %gt3A_281 : vector<9728x1xf32>
    %jit3A_283 = arith.constant -1.000000e+30 : f32
    %broadcast_in_dim3A_284 = vector.shape_cast %gt3A_282 : vector<9728x1xi1> to vector<9728x1xi1>
    %broadcast_in_dim3A_285 = vector.broadcast %broadcast_in_dim3A_284 : vector<9728x1xi1> to vector<9728x128xi1>
    %broadcast_in_dim3A_286 = vector.broadcast %jit3A_283 : f32 to vector<9728x128xf32>
    %select_n3A_287 = arith.select %broadcast_in_dim3A_285, %get3A_273, %broadcast_in_dim3A_286 : vector<9728x128xi1>, vector<9728x128xf32>
    %max3A_288 = arith.maximumf %get3A_276, %select_n3A_287 : vector<9728x128xf32>
    %swap3A_289 = arith.constant 512 : index
    %swap3A_290 = arith.constant 0 : index
    %swap3A_291 = vector.load %arg15[%swap3A_289, %swap3A_290] : memref<10240x128xf32, #tpu.memory_space<vmem>>, vector<9728x128xf32>
    tpu.vector_store %arg15[%swap3A_289, %swap3A_290], %max3A_288 {strides = array<i32>} : memref<10240x128xf32, #tpu.memory_space<vmem>>, vector<9728x128xf32>,
    %get3A_292 = arith.constant 0 : index
    %get3A_293 = arith.constant 0 : index
    %get3A_294 = vector.load %arg15[%get3A_292, %get3A_293] : memref<10240x128xf32, #tpu.memory_space<vmem>>, vector<1024x128xf32>
    %swap3A_295 = arith.constant 0 : index
    %swap3A_296 = arith.constant 0 : index
    %swap3A_297 = vector.load %arg14[%swap3A_295, %swap3A_296] : memref<10240x128xf32, #tpu.memory_space<vmem>>, vector<1024x128xf32>
    tpu.vector_store %arg14[%swap3A_295, %swap3A_296], %get3A_294 {strides = array<i32>} : memref<10240x128xf32, #tpu.memory_space<vmem>>, vector<1024x128xf32>,
    %get3A_298 = arith.constant 0 : index
    %get3A_299 = arith.constant 0 : index
    %get3A_300 = vector.load %arg15[%get3A_298, %get3A_299] : memref<10240x128xf32, #tpu.memory_space<vmem>>, vector<9216x128xf32>
    %get3A_301 = arith.constant 1024 : index
    %get3A_302 = arith.constant 0 : index
    %get3A_303 = vector.load %arg15[%get3A_301, %get3A_302] : memref<10240x128xf32, #tpu.memory_space<vmem>>, vector<9216x128xf32>
    %get3A_304 = arith.constant 1024 : index
    %get3A_305 = arith.constant 10 : index
    %get3A_306 = vector.load %arg7[%get3A_304, %get3A_305] : memref<10240x16xf32, #tpu.memory_space<vmem>>, vector<9216x1xf32>
    %gt3A_307 = arith.constant 0.000000e+00 : f32
    %gt3A_308 = vector.broadcast %gt3A_307 : f32 to vector<9216x1xf32>
    %gt3A_309 = arith.cmpf ogt, %get3A_306, %gt3A_308 : vector<9216x1xf32>
    %jit3A_310 = arith.constant -1.000000e+30 : f32
    %broadcast_in_dim3A_311 = vector.shape_cast %gt3A_309 : vector<9216x1xi1> to vector<9216x1xi1>
    %broadcast_in_dim3A_312 = vector.broadcast %broadcast_in_dim3A_311 : vector<9216x1xi1> to vector<9216x128xi1>
    %broadcast_in_dim3A_313 = vector.broadcast %jit3A_310 : f32 to vector<9216x128xf32>
    %select_n3A_314 = arith.select %broadcast_in_dim3A_312, %get3A_300, %broadcast_in_dim3A_313 : vector<9216x128xi1>, vector<9216x128xf32>
    %max3A_315 = arith.maximumf %get3A_303, %select_n3A_314 : vector<9216x128xf32>
    %swap3A_316 = arith.constant 1024 : index
    %swap3A_317 = arith.constant 0 : index
    %swap3A_318 = vector.load %arg14[%swap3A_316, %swap3A_317] : memref<10240x128xf32, #tpu.memory_space<vmem>>, vector<9216x128xf32>
    tpu.vector_store %arg14[%swap3A_316, %swap3A_317], %max3A_315 {strides = array<i32>} : memref<10240x128xf32, #tpu.memory_space<vmem>>, vector<9216x128xf32>,
    %get3A_319 = arith.constant 0 : index
    %get3A_320 = arith.constant 0 : index
    %get3A_321 = vector.load %arg14[%get3A_319, %get3A_320] : memref<10240x128xf32, #tpu.memory_space<vmem>>, vector<2048x128xf32>
    %swap3A_322 = arith.constant 0 : index
    %swap3A_323 = arith.constant 0 : index
    %swap3A_324 = vector.load %arg15[%swap3A_322, %swap3A_323] : memref<10240x128xf32, #tpu.memory_space<vmem>>, vector<2048x128xf32>
    tpu.vector_store %arg15[%swap3A_322, %swap3A_323], %get3A_321 {strides = array<i32>} : memref<10240x128xf32, #tpu.memory_space<vmem>>, vector<2048x128xf32>,
    %get3A_325 = arith.constant 0 : index
    %get3A_326 = arith.constant 0 : index
    %get3A_327 = vector.load %arg14[%get3A_325, %get3A_326] : memref<10240x128xf32, #tpu.memory_space<vmem>>, vector<8192x128xf32>
    %get3A_328 = arith.constant 2048 : index
    %get3A_329 = arith.constant 0 : index
    %get3A_330 = vector.load %arg14[%get3A_328, %get3A_329] : memref<10240x128xf32, #tpu.memory_space<vmem>>, vector<8192x128xf32>
    %get3A_331 = arith.constant 2048 : index
    %get3A_332 = arith.constant 11 : index
    %get3A_333 = vector.load %arg7[%get3A_331, %get3A_332] : memref<10240x16xf32, #tpu.memory_space<vmem>>, vector<8192x1xf32>
    %gt3A_334 = arith.constant 0.000000e+00 : f32
    %gt3A_335 = vector.broadcast %gt3A_334 : f32 to vector<8192x1xf32>
    %gt3A_336 = arith.cmpf ogt, %get3A_333, %gt3A_335 : vector<8192x1xf32>
    %jit3A_337 = arith.constant -1.000000e+30 : f32
    %broadcast_in_dim3A_338 = vector.shape_cast %gt3A_336 : vector<8192x1xi1> to vector<8192x1xi1>
    %broadcast_in_dim3A_339 = vector.broadcast %broadcast_in_dim3A_338 : vector<8192x1xi1> to vector<8192x128xi1>
    %broadcast_in_dim3A_340 = vector.broadcast %jit3A_337 : f32 to vector<8192x128xf32>
    %select_n3A_341 = arith.select %broadcast_in_dim3A_339, %get3A_327, %broadcast_in_dim3A_340 : vector<8192x128xi1>, vector<8192x128xf32>
    %max3A_342 = arith.maximumf %get3A_330, %select_n3A_341 : vector<8192x128xf32>
    %swap3A_343 = arith.constant 2048 : index
    %swap3A_344 = arith.constant 0 : index
    %swap3A_345 = vector.load %arg15[%swap3A_343, %swap3A_344] : memref<10240x128xf32, #tpu.memory_space<vmem>>, vector<8192x128xf32>
    tpu.vector_store %arg15[%swap3A_343, %swap3A_344], %max3A_342 {strides = array<i32>} : memref<10240x128xf32, #tpu.memory_space<vmem>>, vector<8192x128xf32>,
    %get3A_346 = arith.constant 0 : index
    %get3A_347 = arith.constant 0 : index
    %get3A_348 = vector.load %arg15[%get3A_346, %get3A_347] : memref<10240x128xf32, #tpu.memory_space<vmem>>, vector<4096x128xf32>
    %swap3A_349 = arith.constant 0 : index
    %swap3A_350 = arith.constant 0 : index
    %swap3A_351 = vector.load %arg14[%swap3A_349, %swap3A_350] : memref<10240x128xf32, #tpu.memory_space<vmem>>, vector<4096x128xf32>
    tpu.vector_store %arg14[%swap3A_349, %swap3A_350], %get3A_348 {strides = array<i32>} : memref<10240x128xf32, #tpu.memory_space<vmem>>, vector<4096x128xf32>,
    %get3A_352 = arith.constant 0 : index
    %get3A_353 = arith.constant 0 : index
    %get3A_354 = vector.load %arg15[%get3A_352, %get3A_353] : memref<10240x128xf32, #tpu.memory_space<vmem>>, vector<6144x128xf32>
    %get3A_355 = arith.constant 4096 : index
    %get3A_356 = arith.constant 0 : index
    %get3A_357 = vector.load %arg15[%get3A_355, %get3A_356] : memref<10240x128xf32, #tpu.memory_space<vmem>>, vector<6144x128xf32>
    %get3A_358 = arith.constant 4096 : index
    %get3A_359 = arith.constant 12 : index
    %get3A_360 = vector.load %arg7[%get3A_358, %get3A_359] : memref<10240x16xf32, #tpu.memory_space<vmem>>, vector<6144x1xf32>
    %gt3A_361 = arith.constant 0.000000e+00 : f32
    %gt3A_362 = vector.broadcast %gt3A_361 : f32 to vector<6144x1xf32>
    %gt3A_363 = arith.cmpf ogt, %get3A_360, %gt3A_362 : vector<6144x1xf32>
    %jit3A_364 = arith.constant -1.000000e+30 : f32
    %broadcast_in_dim3A_365 = vector.shape_cast %gt3A_363 : vector<6144x1xi1> to vector<6144x1xi1>
    %broadcast_in_dim3A_366 = vector.broadcast %broadcast_in_dim3A_365 : vector<6144x1xi1> to vector<6144x128xi1>
    %broadcast_in_dim3A_367 = vector.broadcast %jit3A_364 : f32 to vector<6144x128xf32>
    %select_n3A_368 = arith.select %broadcast_in_dim3A_366, %get3A_354, %broadcast_in_dim3A_367 : vector<6144x128xi1>, vector<6144x128xf32>
    %max3A_369 = arith.maximumf %get3A_357, %select_n3A_368 : vector<6144x128xf32>
    %swap3A_370 = arith.constant 4096 : index
    %swap3A_371 = arith.constant 0 : index
    %swap3A_372 = vector.load %arg14[%swap3A_370, %swap3A_371] : memref<10240x128xf32, #tpu.memory_space<vmem>>, vector<6144x128xf32>
    tpu.vector_store %arg14[%swap3A_370, %swap3A_371], %max3A_369 {strides = array<i32>} : memref<10240x128xf32, #tpu.memory_space<vmem>>, vector<6144x128xf32>,
    %get3A_373 = arith.constant 0 : index
    %get3A_374 = arith.constant 0 : index
    %get3A_375 = vector.load %arg14[%get3A_373, %get3A_374] : memref<10240x128xf32, #tpu.memory_space<vmem>>, vector<8192x128xf32>
    %swap3A_376 = arith.constant 0 : index
    %swap3A_377 = arith.constant 0 : index
    %swap3A_378 = vector.load %arg15[%swap3A_376, %swap3A_377] : memref<10240x128xf32, #tpu.memory_space<vmem>>, vector<8192x128xf32>
    tpu.vector_store %arg15[%swap3A_376, %swap3A_377], %get3A_375 {strides = array<i32>} : memref<10240x128xf32, #tpu.memory_space<vmem>>, vector<8192x128xf32>,
    %get3A_379 = arith.constant 0 : index
    %get3A_380 = arith.constant 0 : index
    %get3A_381 = vector.load %arg14[%get3A_379, %get3A_380] : memref<10240x128xf32, #tpu.memory_space<vmem>>, vector<2048x128xf32>
    %get3A_382 = arith.constant 8192 : index
    %get3A_383 = arith.constant 0 : index
    %get3A_384 = vector.load %arg14[%get3A_382, %get3A_383] : memref<10240x128xf32, #tpu.memory_space<vmem>>, vector<2048x128xf32>
    %get3A_385 = arith.constant 8192 : index
    %get3A_386 = arith.constant 13 : index
    %get3A_387 = vector.load %arg7[%get3A_385, %get3A_386] : memref<10240x16xf32, #tpu.memory_space<vmem>>, vector<2048x1xf32>
    %gt3A_388 = arith.constant 0.000000e+00 : f32
    %gt3A_389 = vector.broadcast %gt3A_388 : f32 to vector<2048x1xf32>
    %gt3A_390 = arith.cmpf ogt, %get3A_387, %gt3A_389 : vector<2048x1xf32>
    %jit3A_391 = arith.constant -1.000000e+30 : f32
    %broadcast_in_dim3A_392 = vector.shape_cast %gt3A_390 : vector<2048x1xi1> to vector<2048x1xi1>
    %broadcast_in_dim3A_393 = vector.broadcast %broadcast_in_dim3A_392 : vector<2048x1xi1> to vector<2048x128xi1>
    %broadcast_in_dim3A_394 = vector.broadcast %jit3A_391 : f32 to vector<2048x128xf32>
    %select_n3A_395 = arith.select %broadcast_in_dim3A_393, %get3A_381, %broadcast_in_dim3A_394 : vector<2048x128xi1>, vector<2048x128xf32>
    %max3A_396 = arith.maximumf %get3A_384, %select_n3A_395 : vector<2048x128xf32>
    %swap3A_397 = arith.constant 8192 : index
    %swap3A_398 = arith.constant 0 : index
    %swap3A_399 = vector.load %arg15[%swap3A_397, %swap3A_398] : memref<10240x128xf32, #tpu.memory_space<vmem>>, vector<2048x128xf32>
    tpu.vector_store %arg15[%swap3A_397, %swap3A_398], %max3A_396 {strides = array<i32>} : memref<10240x128xf32, #tpu.memory_space<vmem>>, vector<2048x128xf32>,
    %broadcast_in_dim3A_400 = arith.constant 1.000000e+00 : f32
    %broadcast_in_dim3A_401 = vector.broadcast %broadcast_in_dim3A_400 : f32 to vector<128x128xf32>
    %broadcast_in_dim3A_402 = arith.constant 0.000000e+00 : f32
    %broadcast_in_dim3A_403 = vector.broadcast %broadcast_in_dim3A_402 : f32 to vector<64x128xf32>
    %broadcast_in_dim3A_404 = arith.constant 0.000000e+00 : f32
    %broadcast_in_dim3A_405 = vector.broadcast %broadcast_in_dim3A_404 : f32 to vector<64x128xf32>
    %broadcast_in_dim3A_406 = arith.constant 0.000000e+00 : f32
    %broadcast_in_dim3A_407 = vector.broadcast %broadcast_in_dim3A_406 : f32 to vector<64x128xf32>
    %scan3A = arith.constant 0 : i32
    %scan3A_408 = arith.constant 80 : i32
    %scan3A_409 = arith.addi %scan3A, %scan3A_408 : i32
    %scan3A_410 = arith.constant 1 : i32
    %scan3A_411:3 = scf.for %scan3A_440 = %scan3A to %scan3A_409 step %scan3A_410 iter_args(%scan3A_441 = %broadcast_in_dim3A_403, %scan3A_442 = %broadcast_in_dim3A_405, %scan3A_443 = %broadcast_in_dim3A_407) -> (vector<64x128xf32>, vector<64x128xf32>, vector<64x128xf32>)  : i32 {
      %mul3A_444 = arith.constant 128 : i32
      %mul3A_445 = arith.muli %scan3A_440, %mul3A_444 : i32
      %get3A_446 = arith.index_cast %mul3A_445 : i32 to index
      %get3A_447 = arith.constant 0 : index
      %get3A_448 = vector.load %arg13[%get3A_446, %get3A_447] : memref<10240x128xf32, #tpu.memory_space<vmem>>, vector<128x128xf32>
      %mul3A_449 = arith.constant 128 : i32
      %mul3A_450 = arith.muli %scan3A_440, %mul3A_449 : i32
      %get3A_451 = arith.index_cast %mul3A_450 : i32 to index
      %get3A_452 = arith.constant 0 : index
      %get3A_453 = vector.load %arg15[%get3A_451, %get3A_452] : memref<10240x128xf32, #tpu.memory_space<vmem>>, vector<128x128xf32>
      %mul3A_454 = arith.constant 128 : i32
      %mul3A_455 = arith.muli %scan3A_440, %mul3A_454 : i32
      %get3A_456 = arith.constant 0 : index
      %get3A_457 = arith.index_cast %mul3A_455 : i32 to index
      %get3A_458 = vector.load %arg6[%get3A_456, %get3A_457] : memref<1x10240xi32, #tpu.memory_space<vmem>>, vector<1x128xi32>
      %mul3A_459 = arith.constant 128 : i32
      %mul3A_460 = arith.muli %scan3A_440, %mul3A_459 : i32
      %get3A_461 = arith.constant 0 : index
      %get3A_462 = arith.index_cast %mul3A_460 : i32 to index
      %get3A_463 = vector.load %arg8[%get3A_461, %get3A_462] : memref<1x10240xf32, #tpu.memory_space<vmem>>, vector<1x128xf32>
      %iota3A = tpu.iota {dimensions = array<i32: 0>} : vector<64x128xi32>
      %eq3A = vector.broadcast %get3A_458 : vector<1x128xi32> to vector<64x128xi32>
      %eq3A_464 = arith.cmpi eq, %iota3A, %eq3A : vector<64x128xi32>
      %convert_element_type3A = arith.extui %eq3A_464 : vector<64x128xi1> to vector<64x128xi32>
      %convert_element_type3A_465 = arith.sitofp %convert_element_type3A : vector<64x128xi32> to vector<64x128xf32>
      %dot_general3A_466 = arith.constant dense<0.000000e+00> : vector<64x128xf32>
      %dot_general3A_467 = tpu.matmul %convert_element_type3A_465, %get3A_448, %dot_general3A_466 {dimension_numbers = #tpu.dot_dimension_numbers<[1], [0], [0], [1], [0, 0, 1, 1], [], []>, transpose_lhs_hint = false} : vector<64x128xf32>, vector<128x128xf32>, vector<64x128xf32> -> vector<64x128xf32>
      %add3A_468 = arith.addf %scan3A_441, %dot_general3A_467 : vector<64x128xf32>
      %dot_general3A_469 = arith.constant dense<0.000000e+00> : vector<64x128xf32>
      %dot_general3A_470 = tpu.matmul %convert_element_type3A_465, %broadcast_in_dim3A_401, %dot_general3A_469 {dimension_numbers = #tpu.dot_dimension_numbers<[1], [0], [0], [1], [0, 0, 1, 1], [], []>, transpose_lhs_hint = false} : vector<64x128xf32>, vector<128x128xf32>, vector<64x128xf32> -> vector<64x128xf32>
      %add3A_471 = arith.addf %scan3A_443, %dot_general3A_470 : vector<64x128xf32>
      %mul3A_472 = vector.broadcast %get3A_463 : vector<1x128xf32> to vector<64x128xf32>
      %mul3A_473 = arith.mulf %convert_element_type3A_465, %mul3A_472 : vector<64x128xf32>
      %dot_general3A_474 = arith.constant dense<0.000000e+00> : vector<64x128xf32>
      %dot_general3A_475 = tpu.matmul %mul3A_473, %get3A_453, %dot_general3A_474 {dimension_numbers = #tpu.dot_dimension_numbers<[1], [0], [0], [1], [0, 0, 1, 1], [], []>, transpose_lhs_hint = false} : vector<64x128xf32>, vector<128x128xf32>, vector<64x128xf32> -> vector<64x128xf32>
      %add3A_476 = arith.addf %scan3A_442, %dot_general3A_475 : vector<64x128xf32>
      scf.yield %add3A_468, %add3A_476, %add3A_471 : vector<64x128xf32>, vector<64x128xf32>, vector<64x128xf32>
    }
    %scan3A_412 = arith.constant 80 : i32
    %max3A_413 = arith.constant 1.000000e+00 : f32
    %max3A_414 = vector.broadcast %max3A_413 : f32 to vector<64x128xf32>
    %max3A_415 = arith.maximumf %scan3A_411#2, %max3A_414 : vector<64x128xf32>
    %div3A = arith.divf %scan3A_411#0, %max3A_415 : vector<64x128xf32>
    %get3A_416 = arith.constant 0 : index
    %get3A_417 = arith.constant 0 : index
    %get3A_418 = vector.load %arg9[%get3A_416, %get3A_417] : memref<128x2xf32, #tpu.memory_space<vmem>>, vector<128x2xf32>
    %dot_general3A_419 = arith.constant dense<0.000000e+00> : vector<64x2xf32>
    %dot_general3A_420 = tpu.matmul %div3A, %get3A_418, %dot_general3A_419 {dimension_numbers = #tpu.dot_dimension_numbers<[1], [0], [0], [1], [0, 0, 1, 1], [], []>, transpose_lhs_hint = false} : vector<64x128xf32>, vector<128x2xf32>, vector<64x2xf32> -> vector<64x2xf32>
    %get3A_421 = arith.constant 0 : index
    %get3A_422 = arith.constant 0 : index
    %get3A_423 = vector.load %arg10[%get3A_421, %get3A_422] : memref<128x2xf32, #tpu.memory_space<vmem>>, vector<128x2xf32>
    %dot_general3A_424 = arith.constant dense<0.000000e+00> : vector<64x2xf32>
    %dot_general3A_425 = tpu.matmul %scan3A_411#1, %get3A_423, %dot_general3A_424 {dimension_numbers = #tpu.dot_dimension_numbers<[1], [0], [0], [1], [0, 0, 1, 1], [], []>, transpose_lhs_hint = false} : vector<64x128xf32>, vector<128x2xf32>, vector<64x2xf32> -> vector<64x2xf32>
    %add3A_426 = arith.addf %dot_general3A_420, %dot_general3A_425 : vector<64x2xf32>
    %get3A_427 = arith.constant 0 : index
    %get3A_428 = arith.constant 0 : index
    %get3A_429 = vector.load %arg11[%get3A_427, %get3A_428] : memref<1x2xf32, #tpu.memory_space<vmem>>, vector<1x2xf32>
    %add3A_430 = vector.broadcast %get3A_429 : vector<1x2xf32> to vector<64x2xf32>
    %add3A_431 = arith.addf %add3A_426, %add3A_430 : vector<64x2xf32>
    %logistic3A = arith.negf %add3A_431 : vector<64x2xf32>
    %logistic3A_432 = math.exp %logistic3A : vector<64x2xf32>
    %logistic3A_433 = arith.constant 1.000000e+00 : f32
    %logistic3A_434 = vector.broadcast %logistic3A_433 : f32 to vector<64x2xf32>
    %logistic3A_435 = arith.addf %logistic3A_434, %logistic3A_432 : vector<64x2xf32>
    %logistic3A_436 = arith.divf %logistic3A_434, %logistic3A_435 : vector<64x2xf32>
    %swap3A_437 = arith.constant 0 : index
    %swap3A_438 = arith.constant 0 : index
    %swap3A_439 = vector.load %arg12[%swap3A_437, %swap3A_438] : memref<64x2xf32, #tpu.memory_space<vmem>>, vector<64x2xf32>
    tpu.vector_store %arg12[%swap3A_437, %swap3A_438], %logistic3A_436 {strides = array<i32>} : memref<64x2xf32, #tpu.memory_space<vmem>>, vector<64x2xf32>,
    return
  }
}

</mosaic_0001>

<sc_bundles>
// kernel: kernel.10.cloned.1.call-start
scs
__scs_entry_jumppad:
0x0: {  	(pc) =	sbr.rel $0x88, $3  }
0x1: {  	(tag) =	ssettag $0x0;
	lr =	simm.s32 $0x1  }
0x2: {  	[smem:$0x3F96] =	sst lr;
	_ =	strace $0xD0000000  }
0x3: {  	_ = 	snop  }
0x4: {  	_ = 	snop  }
0x5: {  	_ = 	snop  }
0x6: {  	_ = 	snop  }
0x7: {  	_ = 	snop  }
__scs_overlays_trampoline_lowered:
0x8: {  	[smem:$0x3FA5] =	sst s0  }
0x9: {  	[smem:$0x3FA6] =	sst s1  }
0xa: {  	[smem:$0x3FA7] =	sst s2  }
0xb: {  	[smem:$0x3FA8] =	sst s3  }
0xc: {  	[smem:$0x3FA9] =	sst s4  }
0xd: {  	[smem:$0x3FAA] =	sst s5  }
0xe: {  	[smem:$0x3FAB] =	sst s6  }
0xf: {  	[smem:$0x3FAC] =	sst s7  }
0x10: {  	[smem:$0x3FAD] =	sst s8  }
0x11: {  	[smem:$0x3FAE] =	sst s9;
	s0 =	simm.s32 @!p0 $0x0  }
0x12: {  	s1 =	sld [smem:$0x3F94];
	s0 =	simm.s32 @p0 $0x1  }
0x13: {  	[smem:$0x3FAF] =	sst s0;
	s0 =	simm.s32 @!p1 $0x0  }
0x14: {  	s2 =	sld [smem:$0x3F93];
	s0 =	simm.s32 @p1 $0x1  }
0x15: {  	[smem:$0x3FB0] =	sst s0;
	s0 =	simm.s32 @!p2 $0x0  }
0x16: {  	s3 =	sld [smem:$0x3FDB];
	s0 =	simm.s32 @p2 $0x1  }
0x17: {  	s4 =	simm.s32 $0x1BF5;
	[smem:$0x3FB2] =	sst s0  }
0x18: {  	s0 =	sld [smem:$0x3F95];
	_ =	swait.ge [sflag:s4], $0x0  }
0x19: {  	s7 =	sld [smem:$0x3F96]  }
0x1a: {  	s8 =	sadd.s32 $0xFFFFE003, lr  }
0x1b: {  	s9 =	sadd.s32 $0xFFFFFEF7, lr;
	s5 =	simm.s32 $0xFFFFFFFF;
	p2 =	slt.u32 s8, $0xFFFFF086  }
0x1c: {  	p1 =	slt.u32 s9, $0xF7A;
	s5 =	simm.s32 @!p2 $0x0  }
0x1d: {  	s5 =	simm.s32 @p1 $0x1;
	p0 =	seq.s32 s7, s2  }
0x1e: {  	s7 =	smul.u32 @!p0 $0xF7A, s2;
	p2 =	seq.s32 @!p0 s5, $0x0  }
0x1f: {  	s9 =	smul.u32 $0xF7A, s1;
	s8 =	simm.s32 @!p0 $0x1BF5;
	p2 =	por !p2, p0  }
0x20: {  	[sflag:s8] =	ssyncset.s32 @!p0 $0xFFFFF086;
	s6 =	sadd.s32 @!p0 s3, s7;
	s7 =	simm.s32 @!p0 $0x108  }
0x21: {  	s3 =	sadd.s32 s3, s9;
	s6 =	sadd.s32 @!p0 $0x88, s6;
	s7 =	simm.s32 @p2 $0x1082  }
0x22: {  	[simem:s7], [sflag:s8] =	dma.local @!p0 [hbm:s6], $0xF7A  }
0x23: {  	s9 =	sor.u32 $0xD0000000, s2;
	s6 =	simm.s32 $0x108;
	_ =	swait.ge @!p0 [sflag:s8], $0x0  }
0x24: {  	s3 =	sadd.s32 $0x88, s3;
	s6 =	simm.s32 @!p1 $0x1082;
	[sflag:s4] =	ssyncset.s32 $0xFFFFF086  }
0x25: {  	[simem:s6], [sflag:s4] =	dma.local [hbm:s3], $0xF7A  }
0x26: {  	[smem:$0x3F96] =	sst s1;
	(tag) =	ssettag s2;
	_ =	strace s9  }
0x27: {  	s1 =	sld [smem:$0x3FA6]  }
0x28: {  	s2 =	sld [smem:$0x3FA7]  }
0x29: {  	s4 =	sld [smem:$0x3FA9]  }
0x2a: {  	p0 =	seq.s32 s5, $0x0;
	s5 =	sld [smem:$0x3FAA]  }
0x2b: {  	s6 =	sld [smem:$0x3FAB]  }
0x2c: {  	s7 =	sld [smem:$0x3FAC]  }
0x2d: {  	s3 =	simm.s32 $0x108;
	s8 =	sld [smem:$0x3FAD]  }
0x2e: {  	s3 =	simm.s32 @!p0 $0x1082;
	s9 =	sld [smem:$0x3FAE]  }
0x2f: {  	lr =	sadd.s32 s0, s3;
	s0 =	sld [smem:$0x3FA5]  }
0x30: {  	s3 =	sld [smem:$0x3FA8]  }
0x31: {  	[smem:$0x3FB1] =	sst s10  }
0x32: {  	s10 =	sld [smem:$0x3FAF];
	_ =	sdelay $0x3  }
0x33: {  	p0 =	seq.s32 s10, $0x1;
	s10 =	sld [smem:$0x3FB1];
	_ =	sdelay $0x3  }
0x34: {  	[smem:$0x3FB1] =	sst s10  }
0x35: {  	s10 =	sld [smem:$0x3FB0];
	_ =	sdelay $0x3  }
0x36: {  	p1 =	seq.s32 s10, $0x1;
	s10 =	sld [smem:$0x3FB1];
	_ =	sdelay $0x3  }
0x37: {  	[smem:$0x3FB1] =	sst s10  }
0x38: {  	s10 =	sld [smem:$0x3FB2]  }
0x39: {  	_ = 	snop;
	(pc) =	sbr.ind lr, $3  }
0x3a: {  	_ = 	snop  }
0x3b: {  	_ = 	snop  }
0x3c: {  	p2 =	seq.s32 s10, $0x1;
	s10 =	sld [smem:$0x3FB1]  }
0x3d: {  	_ =	shalt  }
0x3e: {  	_ =	shalt  }
0x3f: {  	_ =	shalt  }
0x40: {  	_ =	shalt  }
0x41: {  	_ =	shalt  }
0x42: {  	_ =	shalt  }
0x43: {  	_ =	shalt  }
0x44: {  	_ =	shalt  }
0x45: {  	_ =	shalt  }
0x46: {  	_ =	shalt  }
0x47: {  	_ =	shalt  }
0x48: {  	_ =	shalt  }
0x49: {  	_ =	shalt  }
0x4a: {  	_ =	shalt  }
0x4b: {  	_ =	shalt  }
0x4c: {  	_ =	shalt  }
0x4d: {  	_ =	shalt  }
0x4e: {  	_ =	shalt  }
0x4f: {  	_ =	shalt  }
0x50: {  	_ =	shalt  }
0x51: {  	_ =	shalt  }
0x52: {  	_ =	shalt  }
0x53: {  	_ =	shalt  }
0x54: {  	_ =	shalt  }
0x55: {  	_ =	shalt  }
0x56: {  	_ =	shalt  }
0x57: {  	_ =	shalt  }
0x58: {  	_ =	shalt  }
0x59: {  	_ =	shalt  }
0x5a: {  	_ =	shalt  }
0x5b: {  	_ =	shalt  }
0x5c: {  	_ =	shalt  }
0x5d: {  	_ =	shalt  }
0x5e: {  	_ =	shalt  }
0x5f: {  	_ =	shalt  }
0x60: {  	_ =	shalt  }
0x61: {  	_ =	shalt  }
0x62: {  	_ =	shalt  }
0x63: {  	_ =	shalt  }
0x64: {  	_ =	shalt  }
0x65: {  	_ =	shalt  }
0x66: {  	_ =	shalt  }
0x67: {  	_ =	shalt  }
0x68: {  	_ =	shalt  }
0x69: {  	_ =	shalt  }
0x6a: {  	_ =	shalt  }
0x6b: {  	_ =	shalt  }
0x6c: {  	_ =	shalt  }
0x6d: {  	_ =	shalt  }
0x6e: {  	_ =	shalt  }
0x6f: {  	_ =	shalt  }
0x70: {  	_ =	shalt  }
0x71: {  	_ =	shalt  }
0x72: {  	_ =	shalt  }
0x73: {  	_ =	shalt  }
0x74: {  	_ =	shalt  }
0x75: {  	_ =	shalt  }
0x76: {  	_ =	shalt  }
0x77: {  	_ =	shalt  }
0x78: {  	_ =	shalt  }
0x79: {  	_ =	shalt  }
0x7a: {  	_ =	shalt  }
0x7b: {  	_ =	shalt  }
0x7c: {  	_ =	shalt  }
0x7d: {  	_ =	shalt  }
0x7e: {  	_ =	shalt  }
0x7f: {  	_ =	shalt  }
0x80: {  	_ =	shalt  }
0x81: {  	_ =	shalt  }
0x82: {  	_ =	shalt  }
0x83: {  	_ =	shalt  }
0x84: {  	_ =	shalt  }
0x85: {  	_ =	shalt  }
0x86: {  	_ =	shalt  }
0x87: {  	_ =	shalt  }
.Lfunc_end0:
.L_simem_size_0:
called_computation_lowered:
.L_overlay_start_0:
0x88: {  	s2 =	sld [smem:$0x3FD9]  }
0x89: {  	s3 =	sld [smem:$0x3FFE];
	_ =	sdelay $0x1  }
0x8a: {  	s1 =	srdreg.scid  }
0x8b: {  	s0 =	sand.u32 $0x1, s1  }
0x8c: {  	s16 =	sshll.u32 s0, $0xA;
	s2 =	sadd.s32 s3, s2  }
0x8d: {  	s2 =	sadd.s32 s2, s16  }
0x8e: {  	[smem:$0x3FBD] =	sst s2  }
0x8f: {  	_ = 	snop  }
0x90: {  	(tm) =	ssettm $0x1  }
0x91: {  	s17 =	sld [smem:$0x3FFB];
	_ =	sdelay $0x3  }
0x92: {  	_ =	strace s17  }
0x93: {  	s2 =	sld [smem:$0x3FFC];
	_ =	sdelay $0x3  }
0x94: {  	_ =	strace s2  }
0x95: {  	s2 =	sld [smem:$0x3FFD];
	_ =	sdelay $0x3  }
0x96: {  	_ =	strace s2  }
0x97: {  	_ =	strace $0x8FFFFFFF  }
0x98: {  	s18 =	sld [smem:$0x3FDB];
	_ =	sdelay $0x1  }
0x99: {  	s19 =	simm.s32 $_scs_section_size  }
0x9a: {  	s4 =	simm.s32 $_size__tile_overlayer_lowered;
	s5 =	simm.s32 $_tile_overlayer_lowered  }
0x9b: {  	s22 =	simm.s32 $0x1BFF;
	s21 =	sshll.u32 s5, $0x1;
	s2 =	sadd.s32 s19, s18  }
0x9c: {  	s6 =	simm.s32 $0x0;
	s20 =	sshll.u32 s4, $0x1;
	s4 =	sadd.s32 s21, s2  }
0x9d: {  	[timem:s6], [sflag:s22] =	dma.local [hbm:s4], s20  }
0x9e: {  	_ =	swait.ge [sflag:s22], s20  }
0x9f: {  	s3 =	ssub.s32 $0x0, s20;
	[sflag:s22] =	ssyncset.done $0x0  }
0xa0: {  	[sflag:s22] =	ssyncadd.s32 s3;
	_ =	sdelay $0x1  }
0xa1: {  	s23 =	simm.s32 $0x1B8B  }
0xa2: {  	_ =	swait.ge [sflag:s23], $0x1  }
0xa3: {  	[sflag:s23] =	ssyncset.done $0x0  }
0xa4: {  	s25 =	simm.s32 $0x1B8E;
	s24 =	sld [smem:$0x3FFE];
	[sflag:s23] =	ssyncadd.s32 $0xFFFFFFFF  }
0xa5: {  	s26 =	simm.s32 $execute0_lowered;
	[smem:$0x3FD2] =	sst s25  }
0xa6: {  	s4 =	sshll.u32 s26, $0x1;
	_ =	strace $0x80000046;
	[dreg:$0x1] =	wrdreg $0xFFFFFFFF  }
0xa7: {  	s28 =	simm.s32 $_size_execute0_lowered;
	s2 =	sadd.s32 s2, s4;
	[dreg:$0x0] =	wrdreg $0x0  }
0xa8: {  	s4 =	sshll.u32 s28, $0x1;
	[dreg:$0x2] =	wrdreg s2  }
0xa9: {  	[dreg:$0x3] =	wrdreg s4  }
0xaa: {  	[dreg:$0x4] =	wrdreg $0xC0  }
0xab: {  	_ =	task [dreg:s6], $0x5FFFF  }
0xac: {  	[dreg:$0x1] =	wrdreg $0xFFFFFFFF  }
0xad: {  	[dreg:$0x0] =	wrdreg $0x60  }
0xae: {  	[dreg:$0x2] =	wrdreg s24  }
0xaf: {  	[dreg:$0x3] =	wrdreg $0x68000  }
0xb0: {  	[dreg:$0x4] =	wrdreg $0x9  }
0xb1: {  	_ =	task.clear_ibuf [dreg:s6], $0x5FFFF;
	_ =	strace $0x90000046  }
0xb2: {  	s29 =	simm.s32 $0x9;
	_ =	strace $0x80000048  }
0xb3: {  	_ =	swait.ge [sflag:s29], $0x1  }
0xb4: {  	[sflag:s29] =	ssyncadd.s32 $0xFFFFFFFF  }
0xb5: {  	_ =	strace $0x90000048  }
0xb6: {  	_ =	sfence  }
0xb7: {  	s30 =	sld [smem:$0x0];
	_ =	sdelay $0x2  }
0xb8: {  	s31 =	sshll.u32 s1, $0xD;
	s1 =	sshrl.u32 s1, $0x2  }
0xb9: {  	s3 =	sand.u32 $0x4000, s31;
	s1 =	sadd.s32 s1, s30  }
0xba: {  	s0 =	sor.u32 s3, s0;
	s1 =	sshll.u32 s1, $0x11  }
0xbb: {  	s0 =	sor.u32 s1, s0  }
0xbc: {  	s0 =	sadd.s32 $0x8F2B, s0  }
0xbd: {  	[sflag:s0] =	ssyncadd.remote.s32 $0x1  }
0xbe: {  	_ =	sfence.sel $0xFFFF  }
0xbf: {  	[dreg:$0x0] =	wrdreg $0xFFFFFFFF;
	(pc) =	sbr.abs _section_cstart, $3  }
0xc0: {  	[dreg:$0x1] =	wrdreg $0xFFFFFFFF  }
0xc1: {  	_ =	task.clear_ibuf [dreg:s6], $0x2FFFF;
	_ =	strace $0x9FFFFFFF  }
0xc2: {  	(tm) =	ssettm $0x7FFFFFFF  }
0xc3: {  	_ =	shalt  }
tec
execute0_lowered:
.L_overlay_start_1:
0x0: {  	(tag) =	ssettag $0x1  }
0x1: {  	s1 =	srdreg.scid  }
0x2: {  	s0 =	stileid.u32;
	s7 =	rddreg [dreg:$0x0]  }
0x3: {  	s2 =	rddreg [dreg:$0x1];
	s3 =	simm.s32 $0x0;
	s13 =	simm.s32 $0x80  }
0x4: {  	s14 =	simm.s32 $0x100;
	s15 =	simm.s32 $0x180;
	s16 =	simm.s32 $0x1  }
0x5: {  	s17 =	simm.s32 $0x2;
	s18 =	simm.s32 $0x3;
	s19 =	simm.s32 $0x4  }
0x6: {  	s20 =	simm.s32 $0x0;
	s6 =	sand.u32 $0x1, s1;
	s8 =	smul.u32 $0x14000, s0  }
0x7: {  	s30 =	sshll.u32 s0, $0x1;
	[smem:$0x7FF] =	sst s3;
	s10 =	smul.u32 $0x50000, s0  }
0x8: {  	s11 =	sshll.u32 s0, $0x6;
	s1 =	sor.u32 s6, s30;
	s5 =	smul.u32 $0x140000, s6  }
0x9: {  	s6 =	ssub.s32 $0x2, s6;
	s11 =	sor.u32 $0x1C05, s11;
	s4 =	smul.u32 $0x500, s1  }
0xa: {  	s1 =	rddreg [dreg:$0x2];
	_ =	strace $0x80000047;
	s31 =	sshrl.u32 s6, $0x1  }
0xb: {  	s10 =	sshrl.u32 s10, $0x2;
	s8 =	sadd.s32 s8, s5;
	s5 =	sadd.s32 $0xFA00, s7  }
0xc: {  	s12 =	sadd.s32 s10, s2;
	s10 =	simm.s32 $0x2800;
	s9 =	sadd.s32 s4, s7  }
0xd: {  	s4 =	sadd.s32 $0x12200, s7;
	s8 =	sshrl.u32 s8, $0x3;
	s12 =	sshrl.u32 s12, $0x3  }
0xe: {  	s7 =	sadd.s32 s8, s7;
	s8 =	ssub.s32 s6, s31;
	s6 =	sadd.s32 $0x5A00, s9  }
0xf: {  	s9 =	simm.s32 $0x5;
	s7 =	sadd.s32 $0x12A00, s7;
	s8 =	smax.u32 s8, $0x1  }
.LBB2_1:
0x10: {  	[tilespmem:s3], [sflag:$0x5] =	stream.linear.gather [hbm4b:s6+s3], $0x2800, $0x38;
	[tilespmem:$0x1A800] =	vst v63  }
0x11: {  	_ =	swait.ge [sflag:s9], $0x2800  }
0x12: {  	[sflag:s9] =	ssyncset.done $0x0  }
0x13: {  	[sflag:s9] =	ssyncadd.s32 $0xFFFFD800  }
0x14: {  	[tilespmem:s10], [sflag:$0x5] =	stream.linear.gather [hbm4b:s4+s3], $0x4000, $0x38;
	[tilespmem:$0x1A800] =	vst v63  }
0x15: {  	_ =	swait.ge [sflag:s9], $0x4000  }
0x16: {  	[sflag:s9] =	ssyncset.done $0x0  }
0x17: {  	[sflag:s9] =	ssyncadd.s32 $0xFFFFC000  }
0x18: {  	[spmem:s12], [sflag:s11] =	dma.local [hbm:s5], $0x2800  }
0x19: {  	_ =	swait.ge [sflag:s9], $0x2800  }
0x1a: {  	[sflag:s9] =	ssyncset.done $0x0  }
0x1b: {  	[sflag:s9] =	ssyncadd.s32 $0xFFFFD800  }
0x1c: {  	[bflag:$0x0] =	sbarrier.arrive $0xFFFF  }
0x1d: {  	[spmem:s2] =	stream.indirect.scatter.add.f32 [tilespmem:s10], [sflag:$0x1], $0x80, s3, s13, $0xb8;
	[tilespmem:$0x1A800] =	vst v63  }
0x1e: {  	_ = 	snop  }
0x1f: {  	[spmem:s2] =	stream.indirect.scatter.add.f32 [tilespmem:s10], [sflag:$0x2], $0x80, s13, s13, $0xb8;
	[tilespmem:$0x1A800] =	vst v63  }
0x20: {  	_ = 	snop  }
0x21: {  	[spmem:s2] =	stream.indirect.scatter.add.f32 [tilespmem:s10], [sflag:$0x3], $0x80, s14, s13, $0xb8;
	[tilespmem:$0x1A800] =	vst v63  }
0x22: {  	_ = 	snop  }
0x23: {  	[spmem:s2] =	stream.indirect.scatter.add.f32 [tilespmem:s10], [sflag:$0x4], $0x80, s15, s13, $0xb8;
	[tilespmem:$0x1A800] =	vst v63  }
0x24: {  	_ =	swait.ge [sflag:s16], $0x4000  }
0x25: {  	[sflag:s16] =	ssyncset.done $0x0  }
0x26: {  	s21 =	simm.s32 $0x200;
	[sflag:s16] =	ssyncadd.s32 $0xFFFFC000  }
0x27: {  	[spmem:s2] =	stream.indirect.scatter.add.f32 [tilespmem:s10], [sflag:$0x1], $0x80, s21, s13, $0xb8;
	[tilespmem:$0x1A800] =	vst v63  }
0x28: {  	_ =	swait.ge [sflag:s17], $0x4000  }
0x29: {  	[sflag:s17] =	ssyncset.done $0x0  }
0x2a: {  	s30 =	simm.s32 $0x280;
	[sflag:s17] =	ssyncadd.s32 $0xFFFFC000  }
0x2b: {  	[spmem:s2] =	stream.indirect.scatter.add.f32 [tilespmem:s10], [sflag:$0x2], $0x80, s30, s13, $0xb8;
	[tilespmem:$0x1A800] =	vst v63  }
0x2c: {  	_ =	swait.ge [sflag:s18], $0x4000  }
0x2d: {  	[sflag:s18] =	ssyncset.done $0x0  }
0x2e: {  	s31 =	simm.s32 $0x300;
	[sflag:s18] =	ssyncadd.s32 $0xFFFFC000  }
0x2f: {  	[spmem:s2] =	stream.indirect.scatter.add.f32 [tilespmem:s10], [sflag:$0x3], $0x80, s31, s13, $0xb8;
	[tilespmem:$0x1A800] =	vst v63  }
0x30: {  	_ =	swait.ge [sflag:s19], $0x4000  }
0x31: {  	[sflag:s19] =	ssyncset.done $0x0  }
0x32: {  	s22 =	simm.s32 $0x380;
	s21 =	simm.s32 $0xFFFF7000;
	[sflag:s19] =	ssyncadd.s32 $0xFFFFC000  }
.LBB2_2:
0x33: {  	[spmem:s2] =	stream.indirect.scatter.add.f32 [tilespmem:s10], [sflag:$0x4], $0x80, s22, s13, $0xb8;
	[tilespmem:$0x1A800] =	vst v63  }
0x34: {  	s22 =	smov.u32 s21  }
0x35: {  	p0 =	sne.s32 s21, $0xFFFFF800;
	s21 =	sadd.s32 $0x800, s21;
	_ =	swait.ge [sflag:s16], $0x4000  }
0x36: {  	s22 =	sshra.s32 s22, $0x2;
	[sflag:s16] =	ssyncset.done $0x0  }
0x37: {  	s23 =	sadd.s32 $0x2800, s22;
	[sflag:s16] =	ssyncadd.s32 $0xFFFFC000  }
0x38: {  	[spmem:s2] =	stream.indirect.scatter.add.f32 [tilespmem:s10], [sflag:$0x1], $0x80, s23, s13, $0xb8;
	[tilespmem:$0x1A800] =	vst v63  }
0x39: {  	_ =	swait.ge [sflag:s17], $0x4000  }
0x3a: {  	[sflag:s17] =	ssyncset.done $0x0  }
0x3b: {  	s23 =	sadd.s32 $0x2880, s22;
	[sflag:s17] =	ssyncadd.s32 $0xFFFFC000  }
0x3c: {  	[spmem:s2] =	stream.indirect.scatter.add.f32 [tilespmem:s10], [sflag:$0x2], $0x80, s23, s13, $0xb8;
	[tilespmem:$0x1A800] =	vst v63  }
0x3d: {  	_ =	swait.ge [sflag:s18], $0x4000  }
0x3e: {  	[sflag:s18] =	ssyncset.done $0x0  }
.Ltmp0:
0x3f: {  	s23 =	sadd.s32 $0x2900, s22;
	[sflag:s18] =	ssyncadd.s32 $0xFFFFC000;
	(pc) =	sbr.rel @p0 .LBB2_2-.Ltmp0, $4  }
0x40: {  	[spmem:s2] =	stream.indirect.scatter.add.f32 [tilespmem:s10], [sflag:$0x3], $0x80, s23, s13, $0xb8;
	[tilespmem:$0x1A800] =	vst v63  }
0x41: {  	_ =	swait.ge [sflag:s19], $0x4000  }
0x42: {  	[sflag:s19] =	ssyncset.done $0x0  }
0x43: {  	s22 =	sadd.s32 $0x2980, s22;
	[sflag:s19] =	ssyncadd.s32 $0xFFFFC000  }
0x44: {  	[spmem:s2] =	stream.indirect.scatter.add.f32 [tilespmem:s10], [sflag:$0x4], $0x80, s22, s13, $0xb8;
	[tilespmem:$0x1A800] =	vst v63  }
0x45: {  	_ =	swait.ge [sflag:s16], $0x4000  }
0x46: {  	[sflag:s16] =	ssyncset.done $0x0  }
0x47: {  	[sflag:s16] =	ssyncadd.s32 $0xFFFFC000  }
0x48: {  	_ =	swait.ge [sflag:s17], $0x4000  }
0x49: {  	[sflag:s17] =	ssyncset.done $0x0  }
0x4a: {  	[sflag:s17] =	ssyncadd.s32 $0xFFFFC000  }
0x4b: {  	_ =	swait.ge [sflag:s18], $0x4000  }
0x4c: {  	[sflag:s18] =	ssyncset.done $0x0  }
0x4d: {  	[sflag:s18] =	ssyncadd.s32 $0xFFFFC000  }
0x4e: {  	_ =	swait.ge [sflag:s19], $0x4000  }
0x4f: {  	s20 =	sadd.s32 $0x1, s20;
	[sflag:s19] =	ssyncset.done $0x0  }
0x50: {  	p0 =	sne.s32 s20, s8;
	[sflag:s19] =	ssyncadd.s32 $0xFFFFC000  }
.Ltmp1:
0x51: {  	[bflag:$0x0] =	sbarrier.arrive $0xFFFF;
	(pc) =	sbr.rel @p0 .LBB2_1-.Ltmp1, $4  }
0x52: {  	[hbm:s7], [sflag:s11] =	dma.local [spmem:s12], $0x2800  }
0x53: {  	_ =	swait.ge [sflag:s9], $0x2800  }
0x54: {  	[sflag:s9] =	ssyncset.done $0x0  }
0x55: {  	[sflag:s9] =	ssyncadd.s32 $0xFFFFD800  }
0x56: {  	_ =	sfence.sel $0x180000  }
0x57: {  	[bflag:$0x0] =	sbarrier.arrive $0xFFFF  }
0x58: {  	p0 =	sne.s32 s0, $0x0;
	_ =	strace $0x90000047  }
0x59: {  	s0 =	sadd.s32 @!p0 $0x100000, s1;
	[bflag:$0x2] =	sbarrier.arrive $0xFFFF  }
0x5a: {  	[sflag:s0] =	ssyncadd.tile.s32 @!p0 $0x1;
	_ =	shalt  }
.Lfunc_end2:
_tile_overlayer_lowered:
.L_overlay_start_2:
0x5b: {  	(tag) =	ssettag $0x2  }
0x5c: {  	s0 =	rddreg [dreg:$0x0];
	s2 =	stileid.u32  }
0x5d: {  	s1 =	rddreg [dreg:$0x1];
	p0 =	sne.s32 s2, $0x0  }
0x5e: {  	s3 =	rddreg [dreg:$0x2];
	[bflag:$0x3] =	sbarrier.arrive $0xFFFF;
	s2 =	simm.s32 @!p0 $0x1C05  }
0x5f: {  	[timem:s3], [sflag:s2] =	dma.local @!p0 [hbm:s0], s1  }
0x60: {  	s0 =	simm.s32 @!p0 $0x5  }
0x61: {  	_ =	swait.ge @!p0 [sflag:s0], s1  }
0x62: {  	s1 =	ssub.s32 @!p0 $0x0, s1;
	[sflag:s0] =	ssyncset.done @!p0 $0x0  }
0x63: {  	[sflag:s0] =	ssyncadd.s32 @!p0 s1  }
0x64: {  	[bflag:$0x3] =	sbarrier.arrive $0xFFFF  }
0x65: {  	_ =	shalt  }

// kernel: kernel.13.cloned.1.call-start
scs
__scs_entry_jumppad:
0x0: {  	(pc) =	sbr.rel $0x88, $3  }
0x1: {  	(tag) =	ssettag $0x0;
	lr =	simm.s32 $0x1  }
0x2: {  	[smem:$0x3F96] =	sst lr;
	_ =	strace $0xD0000000  }
0x3: {  	_ = 	snop  }
0x4: {  	_ = 	snop  }
0x5: {  	_ = 	snop  }
0x6: {  	_ = 	snop  }
0x7: {  	_ = 	snop  }
__scs_overlays_trampoline_lowered:
0x8: {  	[smem:$0x3FA5] =	sst s0  }
0x9: {  	[smem:$0x3FA6] =	sst s1  }
0xa: {  	[smem:$0x3FA7] =	sst s2  }
0xb: {  	[smem:$0x3FA8] =	sst s3  }
0xc: {  	[smem:$0x3FA9] =	sst s4  }
0xd: {  	[smem:$0x3FAA] =	sst s5  }
0xe: {  	[smem:$0x3FAB] =	sst s6  }
0xf: {  	[smem:$0x3FAC] =	sst s7  }
0x10: {  	[smem:$0x3FAD] =	sst s8  }
0x11: {  	[smem:$0x3FAE] =	sst s9;
	s0 =	simm.s32 @!p0 $0x0  }
0x12: {  	s1 =	sld [smem:$0x3F94];
	s0 =	simm.s32 @p0 $0x1  }
0x13: {  	[smem:$0x3FAF] =	sst s0;
	s0 =	simm.s32 @!p1 $0x0  }
0x14: {  	s2 =	sld [smem:$0x3F93];
	s0 =	simm.s32 @p1 $0x1  }
0x15: {  	[smem:$0x3FB0] =	sst s0;
	s0 =	simm.s32 @!p2 $0x0  }
0x16: {  	s3 =	sld [smem:$0x3FDB];
	s0 =	simm.s32 @p2 $0x1  }
0x17: {  	s4 =	simm.s32 $0x1BF5;
	[smem:$0x3FB2] =	sst s0  }
0x18: {  	s0 =	sld [smem:$0x3F95];
	_ =	swait.ge [sflag:s4], $0x0  }
0x19: {  	s7 =	sld [smem:$0x3F96]  }
0x1a: {  	s8 =	sadd.s32 $0xFFFFE003, lr  }
0x1b: {  	s9 =	sadd.s32 $0xFFFFFEF7, lr;
	s5 =	simm.s32 $0xFFFFFFFF;
	p2 =	slt.u32 s8, $0xFFFFF086  }
0x1c: {  	p1 =	slt.u32 s9, $0xF7A;
	s5 =	simm.s32 @!p2 $0x0  }
0x1d: {  	s5 =	simm.s32 @p1 $0x1;
	p0 =	seq.s32 s7, s2  }
0x1e: {  	s7 =	smul.u32 @!p0 $0xF7A, s2;
	p2 =	seq.s32 @!p0 s5, $0x0  }
0x1f: {  	s9 =	smul.u32 $0xF7A, s1;
	s8 =	simm.s32 @!p0 $0x1BF5;
	p2 =	por !p2, p0  }
0x20: {  	[sflag:s8] =	ssyncset.s32 @!p0 $0xFFFFF086;
	s6 =	sadd.s32 @!p0 s3, s7;
	s7 =	simm.s32 @!p0 $0x108  }
0x21: {  	s3 =	sadd.s32 s3, s9;
	s6 =	sadd.s32 @!p0 $0x88, s6;
	s7 =	simm.s32 @p2 $0x1082  }
0x22: {  	[simem:s7], [sflag:s8] =	dma.local @!p0 [hbm:s6], $0xF7A  }
0x23: {  	s9 =	sor.u32 $0xD0000000, s2;
	s6 =	simm.s32 $0x108;
	_ =	swait.ge @!p0 [sflag:s8], $0x0  }
0x24: {  	s3 =	sadd.s32 $0x88, s3;
	s6 =	simm.s32 @!p1 $0x1082;
	[sflag:s4] =	ssyncset.s32 $0xFFFFF086  }
0x25: {  	[simem:s6], [sflag:s4] =	dma.local [hbm:s3], $0xF7A  }
0x26: {  	[smem:$0x3F96] =	sst s1;
	(tag) =	ssettag s2;
	_ =	strace s9  }
0x27: {  	s1 =	sld [smem:$0x3FA6]  }
0x28: {  	s2 =	sld [smem:$0x3FA7]  }
0x29: {  	s4 =	sld [smem:$0x3FA9]  }
0x2a: {  	p0 =	seq.s32 s5, $0x0;
	s5 =	sld [smem:$0x3FAA]  }
0x2b: {  	s6 =	sld [smem:$0x3FAB]  }
0x2c: {  	s7 =	sld [smem:$0x3FAC]  }
0x2d: {  	s3 =	simm.s32 $0x108;
	s8 =	sld [smem:$0x3FAD]  }
0x2e: {  	s3 =	simm.s32 @!p0 $0x1082;
	s9 =	sld [smem:$0x3FAE]  }
0x2f: {  	lr =	sadd.s32 s0, s3;
	s0 =	sld [smem:$0x3FA5]  }
0x30: {  	s3 =	sld [smem:$0x3FA8]  }
0x31: {  	[smem:$0x3FB1] =	sst s10  }
0x32: {  	s10 =	sld [smem:$0x3FAF];
	_ =	sdelay $0x3  }
0x33: {  	p0 =	seq.s32 s10, $0x1;
	s10 =	sld [smem:$0x3FB1];
	_ =	sdelay $0x3  }
0x34: {  	[smem:$0x3FB1] =	sst s10  }
0x35: {  	s10 =	sld [smem:$0x3FB0];
	_ =	sdelay $0x3  }
0x36: {  	p1 =	seq.s32 s10, $0x1;
	s10 =	sld [smem:$0x3FB1];
	_ =	sdelay $0x3  }
0x37: {  	[smem:$0x3FB1] =	sst s10  }
0x38: {  	s10 =	sld [smem:$0x3FB2]  }
0x39: {  	_ = 	snop;
	(pc) =	sbr.ind lr, $3  }
0x3a: {  	_ = 	snop  }
0x3b: {  	_ = 	snop  }
0x3c: {  	p2 =	seq.s32 s10, $0x1;
	s10 =	sld [smem:$0x3FB1]  }
0x3d: {  	_ =	shalt  }
0x3e: {  	_ =	shalt  }
0x3f: {  	_ =	shalt  }
0x40: {  	_ =	shalt  }
0x41: {  	_ =	shalt  }
0x42: {  	_ =	shalt  }
0x43: {  	_ =	shalt  }
0x44: {  	_ =	shalt  }
0x45: {  	_ =	shalt  }
0x46: {  	_ =	shalt  }
0x47: {  	_ =	shalt  }
0x48: {  	_ =	shalt  }
0x49: {  	_ =	shalt  }
0x4a: {  	_ =	shalt  }
0x4b: {  	_ =	shalt  }
0x4c: {  	_ =	shalt  }
0x4d: {  	_ =	shalt  }
0x4e: {  	_ =	shalt  }
0x4f: {  	_ =	shalt  }
0x50: {  	_ =	shalt  }
0x51: {  	_ =	shalt  }
0x52: {  	_ =	shalt  }
0x53: {  	_ =	shalt  }
0x54: {  	_ =	shalt  }
0x55: {  	_ =	shalt  }
0x56: {  	_ =	shalt  }
0x57: {  	_ =	shalt  }
0x58: {  	_ =	shalt  }
0x59: {  	_ =	shalt  }
0x5a: {  	_ =	shalt  }
0x5b: {  	_ =	shalt  }
0x5c: {  	_ =	shalt  }
0x5d: {  	_ =	shalt  }
0x5e: {  	_ =	shalt  }
0x5f: {  	_ =	shalt  }
0x60: {  	_ =	shalt  }
0x61: {  	_ =	shalt  }
0x62: {  	_ =	shalt  }
0x63: {  	_ =	shalt  }
0x64: {  	_ =	shalt  }
0x65: {  	_ =	shalt  }
0x66: {  	_ =	shalt  }
0x67: {  	_ =	shalt  }
0x68: {  	_ =	shalt  }
0x69: {  	_ =	shalt  }
0x6a: {  	_ =	shalt  }
0x6b: {  	_ =	shalt  }
0x6c: {  	_ =	shalt  }
0x6d: {  	_ =	shalt  }
0x6e: {  	_ =	shalt  }
0x6f: {  	_ =	shalt  }
0x70: {  	_ =	shalt  }
0x71: {  	_ =	shalt  }
0x72: {  	_ =	shalt  }
0x73: {  	_ =	shalt  }
0x74: {  	_ =	shalt  }
0x75: {  	_ =	shalt  }
0x76: {  	_ =	shalt  }
0x77: {  	_ =	shalt  }
0x78: {  	_ =	shalt  }
0x79: {  	_ =	shalt  }
0x7a: {  	_ =	shalt  }
0x7b: {  	_ =	shalt  }
0x7c: {  	_ =	shalt  }
0x7d: {  	_ =	shalt  }
0x7e: {  	_ =	shalt  }
0x7f: {  	_ =	shalt  }
0x80: {  	_ =	shalt  }
0x81: {  	_ =	shalt  }
0x82: {  	_ =	shalt  }
0x83: {  	_ =	shalt  }
0x84: {  	_ =	shalt  }
0x85: {  	_ =	shalt  }
0x86: {  	_ =	shalt  }
0x87: {  	_ =	shalt  }
.Lfunc_end0:
.L_simem_size_0:
called_computation.1_lowered:
.L_overlay_start_0:
0x88: {  	s2 =	sld [smem:$0x3FD9]  }
0x89: {  	s3 =	sld [smem:$0x3FFE];
	_ =	sdelay $0x1  }
0x8a: {  	s1 =	srdreg.scid  }
0x8b: {  	s0 =	sand.u32 $0x1, s1  }
0x8c: {  	s16 =	sshll.u32 s0, $0xA;
	s2 =	sadd.s32 s3, s2  }
0x8d: {  	s2 =	sadd.s32 s2, s16  }
0x8e: {  	[smem:$0x3FBD] =	sst s2  }
0x8f: {  	_ = 	snop  }
0x90: {  	(tm) =	ssettm $0x1  }
0x91: {  	s17 =	sld [smem:$0x3FFB];
	_ =	sdelay $0x3  }
0x92: {  	_ =	strace s17  }
0x93: {  	s2 =	sld [smem:$0x3FFC];
	_ =	sdelay $0x3  }
0x94: {  	_ =	strace s2  }
0x95: {  	s2 =	sld [smem:$0x3FFD];
	_ =	sdelay $0x3  }
0x96: {  	_ =	strace s2  }
0x97: {  	_ =	strace $0x8FFFFFFF  }
0x98: {  	s18 =	sld [smem:$0x3FDB];
	_ =	sdelay $0x1  }
0x99: {  	s19 =	simm.s32 $_scs_section_size  }
0x9a: {  	s4 =	simm.s32 $_size__tile_overlayer_lowered;
	s5 =	simm.s32 $_tile_overlayer_lowered  }
0x9b: {  	s22 =	simm.s32 $0x1BFF;
	s21 =	sshll.u32 s5, $0x1;
	s2 =	sadd.s32 s19, s18  }
0x9c: {  	s6 =	simm.s32 $0x0;
	s20 =	sshll.u32 s4, $0x1;
	s4 =	sadd.s32 s21, s2  }
0x9d: {  	[timem:s6], [sflag:s22] =	dma.local [hbm:s4], s20  }
0x9e: {  	_ =	swait.ge [sflag:s22], s20  }
0x9f: {  	s3 =	ssub.s32 $0x0, s20;
	[sflag:s22] =	ssyncset.done $0x0  }
0xa0: {  	[sflag:s22] =	ssyncadd.s32 s3;
	_ =	sdelay $0x1  }
0xa1: {  	s23 =	simm.s32 $0x1B8B  }
0xa2: {  	_ =	swait.ge [sflag:s23], $0x1  }
0xa3: {  	[sflag:s23] =	ssyncset.done $0x0  }
0xa4: {  	s25 =	simm.s32 $0x1B8E;
	s24 =	sld [smem:$0x3FFE];
	[sflag:s23] =	ssyncadd.s32 $0xFFFFFFFF  }
0xa5: {  	s26 =	simm.s32 $execute0_lowered;
	[smem:$0x3FD2] =	sst s25  }
0xa6: {  	s4 =	sshll.u32 s26, $0x1;
	_ =	strace $0x80000049;
	[dreg:$0x1] =	wrdreg $0xFFFFFFFF  }
0xa7: {  	s28 =	simm.s32 $_size_execute0_lowered;
	s2 =	sadd.s32 s2, s4;
	[dreg:$0x0] =	wrdreg $0x0  }
0xa8: {  	s4 =	sshll.u32 s28, $0x1;
	[dreg:$0x2] =	wrdreg s2  }
0xa9: {  	[dreg:$0x3] =	wrdreg s4  }
0xaa: {  	[dreg:$0x4] =	wrdreg $0xC0  }
0xab: {  	_ =	task [dreg:s6], $0x5FFFF  }
0xac: {  	[dreg:$0x1] =	wrdreg $0xFFFFFFFF  }
0xad: {  	[dreg:$0x0] =	wrdreg $0x60  }
0xae: {  	[dreg:$0x2] =	wrdreg s24  }
0xaf: {  	[dreg:$0x3] =	wrdreg $0xC0000  }
0xb0: {  	[dreg:$0x4] =	wrdreg $0x9  }
0xb1: {  	_ =	task.clear_ibuf [dreg:s6], $0x5FFFF;
	_ =	strace $0x90000049  }
0xb2: {  	s29 =	simm.s32 $0x9;
	_ =	strace $0x8000004B  }
0xb3: {  	_ =	swait.ge [sflag:s29], $0x1  }
0xb4: {  	[sflag:s29] =	ssyncadd.s32 $0xFFFFFFFF  }
0xb5: {  	_ =	strace $0x9000004B  }
0xb6: {  	_ =	sfence  }
0xb7: {  	s30 =	sld [smem:$0x0];
	_ =	sdelay $0x2  }
0xb8: {  	s31 =	sshll.u32 s1, $0xD;
	s1 =	sshrl.u32 s1, $0x2  }
0xb9: {  	s3 =	sand.u32 $0x4000, s31;
	s1 =	sadd.s32 s1, s30  }
0xba: {  	s0 =	sor.u32 s3, s0;
	s1 =	sshll.u32 s1, $0x11  }
0xbb: {  	s0 =	sor.u32 s1, s0  }
0xbc: {  	s0 =	sadd.s32 $0x8F2B, s0  }
0xbd: {  	[sflag:s0] =	ssyncadd.remote.s32 $0x1  }
0xbe: {  	_ =	sfence.sel $0xFFFF  }
0xbf: {  	[dreg:$0x0] =	wrdreg $0xFFFFFFFF;
	(pc) =	sbr.abs _section_cstart, $3  }
0xc0: {  	[dreg:$0x1] =	wrdreg $0xFFFFFFFF  }
0xc1: {  	_ =	task.clear_ibuf [dreg:s6], $0x2FFFF;
	_ =	strace $0x9FFFFFFF  }
0xc2: {  	(tm) =	ssettm $0x7FFFFFFF  }
0xc3: {  	_ =	shalt  }
tec
execute0_lowered:
.L_overlay_start_1:
0x0: {  	(tag) =	ssettag $0x1  }
0x1: {  	s0 =	rddreg [dreg:$0x0]  }
0x2: {  	s1 =	rddreg [dreg:$0x1];
	s9 =	simm.s32 $0x0;
	s2 =	srdreg.scid  }
0x3: {  	s8 =	stileid.u32;
	s15 =	simm.s32 $0x20;
	s16 =	simm.s32 $0x4000  }
0x4: {  	s29 =	simm.s32 $0xA000;
	s31 =	simm.s32 $0xB000;
	s10 =	simm.s32 $0x4  }
0x5: {  	s11 =	simm.s32 $0x5;
	s12 =	simm.s32 $0x7;
	s14 =	simm.s32 $0x9  }
0x6: {  	s17 =	simm.s32 $0xA;
	s28 =	simm.s32 $0xF;
	s30 =	simm.s32 $0x10  }
0x7: {  	[smem:$0x7FF] =	sst s9;
	s2 =	sand.u32 $0x1, s2;
	s5 =	smul.u32 $0x14000, s8  }
0x8: {  	s4 =	sadd.s32 $0x12200, s0;
	s6 =	sadd.s32 $0xB2A00, s0;
	s18 =	sadd.s32 $0x8AA00, s0  }
0x9: {  	s19 =	sadd.s32 $0xFA00, s0;
	s7 =	smul.u32 $0x50000, s8;
	s23 =	sshll.u32 s8, $0x1  }
0xa: {  	s25 =	sshll.u32 s8, $0x6;
	_ =	strace $0x8000004A;
	[dreg:$0x4] =	wrdreg s6  }
0xb: {  	s8 =	simm.s32 $0x6;
	s3 =	smul.u32 $0x140000, s2;
	[dreg:$0x5] =	wrdreg s18  }
0xc: {  	[dreg:$0x6] =	wrdreg s19;
	s20 =	ssub.s32 $0x2, s2;
	s2 =	sor.u32 s2, s23  }
0xd: {  	s6 =	sor.u32 $0x1C11, s25;
	s18 =	simm.s32 $0x5000;
	s19 =	simm.s32 $0xB  }
0xe: {  	s23 =	simm.s32 $0xD;
	s25 =	simm.s32 $0xE;
	s21 =	sshrl.u32 s20, $0x1  }
0xf: {  	s24 =	sshrl.u32 s7, $0x2;
	s2 =	smul.u32 $0xA000, s2;
	s7 =	simm.s32 $0x3  }
0x10: {  	[dreg:$0x7] =	wrdreg s6;
	s3 =	sadd.s32 s5, s3;
	s22 =	ssub.s32 s20, s21  }
0x11: {  	s5 =	sadd.s32 s24, s1;
	s20 =	simm.s32 $0x6000;
	s24 =	simm.s32 $0x8000  }
0x12: {  	s21 =	simm.s32 $0xC;
	s3 =	sshrl.u32 s3, $0x3;
	[dreg:$0x8] =	wrdreg s2  }
0x13: {  	s26 =	smax.u32 s22, $0x1;
	s13 =	sshrl.u32 s5, $0x3;
	s22 =	simm.s32 $0x7000  }
0x14: {  	s2 =	simm.s32 $0x2;
	s0 =	sadd.s32 s3, s0;
	[dreg:$0xa] =	wrdreg s26  }
0x15: {  	s26 =	simm.s32 $0x9000;
	[dreg:$0xb] =	wrdreg s13;
	s0 =	sadd.s32 $0xDAA00, s0  }
0x16: {  	s3 =	simm.s32 $0x8;
	[dreg:$0x9] =	wrdreg s0;
	s0 =	simm.s32 $0x1  }
.LBB2_1:
0x17: {  	[dreg:$0x3] =	wrdreg s9  }
0x18: {  	s9 =	simm.s32 $0x11;
	s5 =	rddreg [dreg:$0x6]  }
0x19: {  	[spmem:s13], [sflag:s6] =	dma.local [hbm:s5], $0x2800  }
0x1a: {  	_ =	swait.ge [sflag:s9], $0x2800  }
0x1b: {  	[sflag:s9] =	ssyncset.done $0x0  }
0x1c: {  	[sflag:s9] =	ssyncadd.s32 $0xFFFFD800  }
0x1d: {  	s5 =	simm.s32 $0x0;
	[bflag:$0x0] =	sbarrier.arrive $0xFFFF  }
.LBB2_2:
0x1e: {  	s6 =	sshll.u32 s5, $0xD;
	s9 =	rddreg [dreg:$0x8]  }
0x1f: {  	[dreg:$0xc] =	wrdreg s5;
	s6 =	sadd.s32 s9, s6  }
0x20: {  	s5 =	rddreg [dreg:$0x4];
	s6 =	sshrl.u32 s6, $0x3  }
0x21: {  	s13 =	simm.s32 $0x0;
	s9 =	sadd.s32 s5, s6;
	s5 =	simm.s32 $0x11  }
0x22: {  	[tilespmem:s13], [sflag:$0x11] =	stream.linear.gather [hbm4b:s9+s13], $0x2000, $0x38;
	v63 =	vld [tilespmem:$0x0]  }
0x23: {  	_ =	swait.ge [sflag:s5], $0x2000  }
0x24: {  	[sflag:s5] =	ssyncset.done $0x0;
	s9 =	rddreg [dreg:$0x5]  }
0x25: {  	[sflag:s5] =	ssyncadd.s32 $0xFFFFE000;
	s6 =	sadd.s32 s9, s6;
	s9 =	simm.s32 $0x2000  }
0x26: {  	[tilespmem:s9], [sflag:$0x11] =	stream.linear.gather [hbm4b:s6+s13], $0x2000, $0x38;
	v63 =	vld [tilespmem:$0x0]  }
0x27: {  	_ =	swait.ge [sflag:s5], $0x2000  }
0x28: {  	[sflag:s5] =	ssyncset.done $0x0  }
0x29: {  	[sflag:s5] =	ssyncadd.s32 $0xFFFFE000  }
0x2a: {  	[tilespmem:s16], [sflag:$0x1] =	stream.indirect.gather [hbm4b:s4+s15], $0x80, s13, s15, $0xb8;
	v63 =	vld [tilespmem:$0x0]  }
0x2b: {  	s13 =	simm.s32 $0x80  }
0x2c: {  	[tilespmem:s18], [sflag:$0x2] =	stream.indirect.gather [hbm4b:s4+s15], $0x80, s13, s15, $0xb8;
	v63 =	vld [tilespmem:$0x0]  }
0x2d: {  	s6 =	simm.s32 $0x100  }
0x2e: {  	[tilespmem:s20], [sflag:$0x3] =	stream.indirect.gather [hbm4b:s4+s15], $0x80, s6, s15, $0xb8;
	v63 =	vld [tilespmem:$0x0]  }
0x2f: {  	s9 =	simm.s32 $0x180  }
0x30: {  	[tilespmem:s22], [sflag:$0x4] =	stream.indirect.gather [hbm4b:s4+s15], $0x80, s9, s15, $0xb8;
	v63 =	vld [tilespmem:$0x0]  }
0x31: {  	s13 =	simm.s32 $0x200  }
0x32: {  	[tilespmem:s24], [sflag:$0x5] =	stream.indirect.gather [hbm4b:s4+s15], $0x80, s13, s15, $0xb8;
	v63 =	vld [tilespmem:$0x0]  }
0x33: {  	s6 =	simm.s32 $0x280  }
0x34: {  	[tilespmem:s26], [sflag:$0x6] =	stream.indirect.gather [hbm4b:s4+s15], $0x80, s6, s15, $0xb8;
	v63 =	vld [tilespmem:$0x0]  }
0x35: {  	s9 =	simm.s32 $0x300  }
0x36: {  	[tilespmem:s29], [sflag:$0x7] =	stream.indirect.gather [hbm4b:s4+s15], $0x80, s9, s15, $0xb8;
	v63 =	vld [tilespmem:$0x0]  }
0x37: {  	s13 =	simm.s32 $0x380  }
0x38: {  	[tilespmem:s31], [sflag:$0x8] =	stream.indirect.gather [hbm4b:s4+s15], $0x80, s13, s15, $0xb8;
	v63 =	vld [tilespmem:$0x0]  }
0x39: {  	_ =	swait.ge [sflag:s0], $0x1000  }
0x3a: {  	[sflag:s0] =	ssyncset.done $0x0  }
0x3b: {  	s5 =	simm.s32 $0x2000;
	[sflag:s0] =	ssyncadd.s32 $0xFFFFF000  }
0x3c: {  	[spmem:s1] =	stream.indirect.scatter.add.f32 [tilespmem:s16], [sflag:$0x9], $0x80, s5, s15, $0xb8;
	v63 =	vld [tilespmem:$0x0]  }
0x3d: {  	_ =	swait.ge [sflag:s2], $0x1000  }
0x3e: {  	[sflag:s2] =	ssyncset.done $0x0  }
0x3f: {  	s9 =	simm.s32 $0x2080;
	[sflag:s2] =	ssyncadd.s32 $0xFFFFF000  }
0x40: {  	[spmem:s1] =	stream.indirect.scatter.add.f32 [tilespmem:s18], [sflag:$0xA], $0x80, s9, s15, $0xb8;
	v63 =	vld [tilespmem:$0x0]  }
0x41: {  	_ =	swait.ge [sflag:s7], $0x1000  }
0x42: {  	[sflag:s7] =	ssyncset.done $0x0  }
0x43: {  	s13 =	simm.s32 $0x2100;
	[sflag:s7] =	ssyncadd.s32 $0xFFFFF000  }
0x44: {  	[spmem:s1] =	stream.indirect.scatter.add.f32 [tilespmem:s20], [sflag:$0xB], $0x80, s13, s15, $0xb8;
	v63 =	vld [tilespmem:$0x0]  }
0x45: {  	_ =	swait.ge [sflag:s10], $0x1000  }
0x46: {  	[sflag:s10] =	ssyncset.done $0x0  }
0x47: {  	s5 =	simm.s32 $0x2180;
	[sflag:s10] =	ssyncadd.s32 $0xFFFFF000  }
0x48: {  	[spmem:s1] =	stream.indirect.scatter.add.f32 [tilespmem:s22], [sflag:$0xC], $0x80, s5, s15, $0xb8;
	v63 =	vld [tilespmem:$0x0]  }
0x49: {  	_ =	swait.ge [sflag:s11], $0x1000  }
0x4a: {  	[sflag:s11] =	ssyncset.done $0x0  }
0x4b: {  	s9 =	simm.s32 $0x2200;
	[sflag:s11] =	ssyncadd.s32 $0xFFFFF000  }
0x4c: {  	[spmem:s1] =	stream.indirect.scatter.add.f32 [tilespmem:s24], [sflag:$0xD], $0x80, s9, s15, $0xb8;
	v63 =	vld [tilespmem:$0x0]  }
0x4d: {  	_ =	swait.ge [sflag:s8], $0x1000  }
0x4e: {  	[sflag:s8] =	ssyncset.done $0x0  }
0x4f: {  	s13 =	simm.s32 $0x2280;
	[sflag:s8] =	ssyncadd.s32 $0xFFFFF000  }
0x50: {  	[spmem:s1] =	stream.indirect.scatter.add.f32 [tilespmem:s26], [sflag:$0xE], $0x80, s13, s15, $0xb8;
	v63 =	vld [tilespmem:$0x0]  }
0x51: {  	_ =	swait.ge [sflag:s12], $0x1000  }
0x52: {  	[sflag:s12] =	ssyncset.done $0x0  }
0x53: {  	s5 =	simm.s32 $0x2300;
	[sflag:s12] =	ssyncadd.s32 $0xFFFFF000  }
0x54: {  	[spmem:s1] =	stream.indirect.scatter.add.f32 [tilespmem:s29], [sflag:$0xF], $0x80, s5, s15, $0xb8;
	v63 =	vld [tilespmem:$0x0]  }
0x55: {  	_ =	swait.ge [sflag:s3], $0x1000  }
0x56: {  	[sflag:s3] =	ssyncset.done $0x0  }
0x57: {  	s9 =	simm.s32 $0x2380;
	[sflag:s3] =	ssyncadd.s32 $0xFFFFF000  }
0x58: {  	[spmem:s1] =	stream.indirect.scatter.add.f32 [tilespmem:s31], [sflag:$0x10], $0x80, s9, s15, $0xb8;
	v63 =	vld [tilespmem:$0x0]  }
0x59: {  	_ =	swait.ge [sflag:s14], $0x1000  }
0x5a: {  	[sflag:s14] =	ssyncset.done $0x0  }
0x5b: {  	s13 =	simm.s32 $0x400;
	[sflag:s14] =	ssyncadd.s32 $0xFFFFF000  }
0x5c: {  	[tilespmem:s16], [sflag:$0x1] =	stream.indirect.gather [hbm4b:s4+s15], $0x80, s13, s15, $0xb8;
	v63 =	vld [tilespmem:$0x0]  }
0x5d: {  	_ =	swait.ge [sflag:s17], $0x1000  }
0x5e: {  	[sflag:s17] =	ssyncset.done $0x0  }
0x5f: {  	s5 =	simm.s32 $0x480;
	[sflag:s17] =	ssyncadd.s32 $0xFFFFF000  }
0x60: {  	[tilespmem:s18], [sflag:$0x2] =	stream.indirect.gather [hbm4b:s4+s15], $0x80, s5, s15, $0xb8;
	v63 =	vld [tilespmem:$0x0]  }
0x61: {  	_ =	swait.ge [sflag:s19], $0x1000  }
0x62: {  	[sflag:s19] =	ssyncset.done $0x0  }
0x63: {  	s9 =	simm.s32 $0x500;
	[sflag:s19] =	ssyncadd.s32 $0xFFFFF000  }
0x64: {  	[tilespmem:s20], [sflag:$0x3] =	stream.indirect.gather [hbm4b:s4+s15], $0x80, s9, s15, $0xb8;
	v63 =	vld [tilespmem:$0x0]  }
0x65: {  	_ =	swait.ge [sflag:s21], $0x1000  }
0x66: {  	[sflag:s21] =	ssyncset.done $0x0  }
0x67: {  	s13 =	simm.s32 $0x580;
	[sflag:s21] =	ssyncadd.s32 $0xFFFFF000  }
0x68: {  	[tilespmem:s22], [sflag:$0x4] =	stream.indirect.gather [hbm4b:s4+s15], $0x80, s13, s15, $0xb8;
	v63 =	vld [tilespmem:$0x0]  }
0x69: {  	_ =	swait.ge [sflag:s23], $0x1000  }
0x6a: {  	[sflag:s23] =	ssyncset.done $0x0  }
0x6b: {  	s5 =	simm.s32 $0x600;
	[sflag:s23] =	ssyncadd.s32 $0xFFFFF000  }
0x6c: {  	[tilespmem:s24], [sflag:$0x5] =	stream.indirect.gather [hbm4b:s4+s15], $0x80, s5, s15, $0xb8;
	v63 =	vld [tilespmem:$0x0]  }
0x6d: {  	_ =	swait.ge [sflag:s25], $0x1000  }
0x6e: {  	[sflag:s25] =	ssyncset.done $0x0  }
0x6f: {  	s9 =	simm.s32 $0x680;
	[sflag:s25] =	ssyncadd.s32 $0xFFFFF000  }
0x70: {  	[tilespmem:s26], [sflag:$0x6] =	stream.indirect.gather [hbm4b:s4+s15], $0x80, s9, s15, $0xb8;
	v63 =	vld [tilespmem:$0x0]  }
0x71: {  	_ =	swait.ge [sflag:s28], $0x1000  }
0x72: {  	[sflag:s28] =	ssyncset.done $0x0  }
0x73: {  	s13 =	simm.s32 $0x700;
	[sflag:s28] =	ssyncadd.s32 $0xFFFFF000  }
0x74: {  	[tilespmem:s29], [sflag:$0x7] =	stream.indirect.gather [hbm4b:s4+s15], $0x80, s13, s15, $0xb8;
	v63 =	vld [tilespmem:$0x0]  }
0x75: {  	_ =	swait.ge [sflag:s30], $0x1000  }
0x76: {  	[sflag:s30] =	ssyncset.done $0x0  }
0x77: {  	s6 =	simm.s32 $0x1000;
	s9 =	simm.s32 $0x780;
	[sflag:s30] =	ssyncadd.s32 $0xFFFFF000  }
.LBB2_3:
0x78: {  	[tilespmem:s31], [sflag:$0x8] =	stream.indirect.gather [hbm4b:s4+s15], $0x80, s9, s15, $0xb8;
	v63 =	vld [tilespmem:$0x0]  }
0x79: {  	s9 =	smov.u32 s6  }
0x7a: {  	p0 =	sne.s32 s6, $0x6000;
	s6 =	sadd.s32 $0x1000, s6;
	_ =	swait.ge [sflag:s0], $0x1000  }
0x7b: {  	s9 =	sshra.s32 s9, $0x2;
	[sflag:s0] =	ssyncset.done $0x0  }
0x7c: {  	s13 =	sadd.s32 $0x2000, s9;
	[sflag:s0] =	ssyncadd.s32 $0xFFFFF000  }
0x7d: {  	[spmem:s1] =	stream.indirect.scatter.add.f32 [tilespmem:s16], [sflag:$0x9], $0x80, s13, s15, $0xb8;
	v63 =	vld [tilespmem:$0x0]  }
0x7e: {  	_ =	swait.ge [sflag:s2], $0x1000  }
0x7f: {  	[sflag:s2] =	ssyncset.done $0x0  }
0x80: {  	s13 =	sadd.s32 $0x2080, s9;
	[sflag:s2] =	ssyncadd.s32 $0xFFFFF000  }
0x81: {  	[spmem:s1] =	stream.indirect.scatter.add.f32 [tilespmem:s18], [sflag:$0xA], $0x80, s13, s15, $0xb8;
	v63 =	vld [tilespmem:$0x0]  }
0x82: {  	_ =	swait.ge [sflag:s7], $0x1000  }
0x83: {  	[sflag:s7] =	ssyncset.done $0x0  }
0x84: {  	s13 =	sadd.s32 $0x2100, s9;
	[sflag:s7] =	ssyncadd.s32 $0xFFFFF000  }
0x85: {  	[spmem:s1] =	stream.indirect.scatter.add.f32 [tilespmem:s20], [sflag:$0xB], $0x80, s13, s15, $0xb8;
	v63 =	vld [tilespmem:$0x0]  }
0x86: {  	_ =	swait.ge [sflag:s10], $0x1000  }
0x87: {  	[sflag:s10] =	ssyncset.done $0x0  }
0x88: {  	s13 =	sadd.s32 $0x2180, s9;
	[sflag:s10] =	ssyncadd.s32 $0xFFFFF000  }
0x89: {  	[spmem:s1] =	stream.indirect.scatter.add.f32 [tilespmem:s22], [sflag:$0xC], $0x80, s13, s15, $0xb8;
	v63 =	vld [tilespmem:$0x0]  }
0x8a: {  	_ =	swait.ge [sflag:s11], $0x1000  }
0x8b: {  	[sflag:s11] =	ssyncset.done $0x0  }
0x8c: {  	s13 =	sadd.s32 $0x2200, s9;
	[sflag:s11] =	ssyncadd.s32 $0xFFFFF000  }
0x8d: {  	[spmem:s1] =	stream.indirect.scatter.add.f32 [tilespmem:s24], [sflag:$0xD], $0x80, s13, s15, $0xb8;
	v63 =	vld [tilespmem:$0x0]  }
0x8e: {  	_ =	swait.ge [sflag:s8], $0x1000  }
0x8f: {  	[sflag:s8] =	ssyncset.done $0x0  }
0x90: {  	s13 =	sadd.s32 $0x2280, s9;
	[sflag:s8] =	ssyncadd.s32 $0xFFFFF000  }
0x91: {  	[spmem:s1] =	stream.indirect.scatter.add.f32 [tilespmem:s26], [sflag:$0xE], $0x80, s13, s15, $0xb8;
	v63 =	vld [tilespmem:$0x0]  }
0x92: {  	_ =	swait.ge [sflag:s12], $0x1000  }
0x93: {  	[sflag:s12] =	ssyncset.done $0x0  }
0x94: {  	s13 =	sadd.s32 $0x2300, s9;
	[sflag:s12] =	ssyncadd.s32 $0xFFFFF000  }
0x95: {  	[spmem:s1] =	stream.indirect.scatter.add.f32 [tilespmem:s29], [sflag:$0xF], $0x80, s13, s15, $0xb8;
	v63 =	vld [tilespmem:$0x0]  }
0x96: {  	_ =	swait.ge [sflag:s3], $0x1000  }
0x97: {  	[sflag:s3] =	ssyncset.done $0x0  }
0x98: {  	s13 =	sadd.s32 $0x2380, s9;
	[sflag:s3] =	ssyncadd.s32 $0xFFFFF000  }
0x99: {  	[spmem:s1] =	stream.indirect.scatter.add.f32 [tilespmem:s31], [sflag:$0x10], $0x80, s13, s15, $0xb8;
	v63 =	vld [tilespmem:$0x0]  }
0x9a: {  	_ =	swait.ge [sflag:s14], $0x1000  }
0x9b: {  	[sflag:s14] =	ssyncset.done $0x0  }
0x9c: {  	s13 =	sadd.s32 $0x400, s9;
	[sflag:s14] =	ssyncadd.s32 $0xFFFFF000  }
0x9d: {  	[tilespmem:s16], [sflag:$0x1] =	stream.indirect.gather [hbm4b:s4+s15], $0x80, s13, s15, $0xb8;
	v63 =	vld [tilespmem:$0x0]  }
0x9e: {  	_ =	swait.ge [sflag:s17], $0x1000  }
0x9f: {  	[sflag:s17] =	ssyncset.done $0x0  }
0xa0: {  	s13 =	sadd.s32 $0x480, s9;
	[sflag:s17] =	ssyncadd.s32 $0xFFFFF000  }
0xa1: {  	[tilespmem:s18], [sflag:$0x2] =	stream.indirect.gather [hbm4b:s4+s15], $0x80, s13, s15, $0xb8;
	v63 =	vld [tilespmem:$0x0]  }
0xa2: {  	_ =	swait.ge [sflag:s19], $0x1000  }
0xa3: {  	[sflag:s19] =	ssyncset.done $0x0  }
0xa4: {  	s13 =	sadd.s32 $0x500, s9;
	[sflag:s19] =	ssyncadd.s32 $0xFFFFF000  }
0xa5: {  	[tilespmem:s20], [sflag:$0x3] =	stream.indirect.gather [hbm4b:s4+s15], $0x80, s13, s15, $0xb8;
	v63 =	vld [tilespmem:$0x0]  }
0xa6: {  	_ =	swait.ge [sflag:s21], $0x1000  }
0xa7: {  	[sflag:s21] =	ssyncset.done $0x0  }
0xa8: {  	s13 =	sadd.s32 $0x580, s9;
	[sflag:s21] =	ssyncadd.s32 $0xFFFFF000  }
0xa9: {  	[tilespmem:s22], [sflag:$0x4] =	stream.indirect.gather [hbm4b:s4+s15], $0x80, s13, s15, $0xb8;
	v63 =	vld [tilespmem:$0x0]  }
0xaa: {  	_ =	swait.ge [sflag:s23], $0x1000  }
0xab: {  	[sflag:s23] =	ssyncset.done $0x0  }
0xac: {  	s13 =	sadd.s32 $0x600, s9;
	[sflag:s23] =	ssyncadd.s32 $0xFFFFF000  }
0xad: {  	[tilespmem:s24], [sflag:$0x5] =	stream.indirect.gather [hbm4b:s4+s15], $0x80, s13, s15, $0xb8;
	v63 =	vld [tilespmem:$0x0]  }
0xae: {  	_ =	swait.ge [sflag:s25], $0x1000  }
0xaf: {  	[sflag:s25] =	ssyncset.done $0x0  }
0xb0: {  	s13 =	sadd.s32 $0x680, s9;
	[sflag:s25] =	ssyncadd.s32 $0xFFFFF000  }
0xb1: {  	[tilespmem:s26], [sflag:$0x6] =	stream.indirect.gather [hbm4b:s4+s15], $0x80, s13, s15, $0xb8;
	v63 =	vld [tilespmem:$0x0]  }
0xb2: {  	_ =	swait.ge [sflag:s28], $0x1000  }
0xb3: {  	[sflag:s28] =	ssyncset.done $0x0  }
.Ltmp0:
0xb4: {  	s13 =	sadd.s32 $0x700, s9;
	[sflag:s28] =	ssyncadd.s32 $0xFFFFF000;
	(pc) =	sbr.rel @p0 .LBB2_3-.Ltmp0, $4  }
0xb5: {  	[tilespmem:s29], [sflag:$0x7] =	stream.indirect.gather [hbm4b:s4+s15], $0x80, s13, s15, $0xb8;
	v63 =	vld [tilespmem:$0x0]  }
0xb6: {  	_ =	swait.ge [sflag:s30], $0x1000  }
0xb7: {  	[sflag:s30] =	ssyncset.done $0x0  }
0xb8: {  	s9 =	sadd.s32 $0x780, s9;
	[sflag:s30] =	ssyncadd.s32 $0xFFFFF000  }
0xb9: {  	[tilespmem:s31], [sflag:$0x8] =	stream.indirect.gather [hbm4b:s4+s15], $0x80, s9, s15, $0xb8;
	v63 =	vld [tilespmem:$0x0]  }
0xba: {  	_ =	swait.ge [sflag:s0], $0x1000  }
0xbb: {  	[sflag:s0] =	ssyncset.done $0x0  }
0xbc: {  	s5 =	simm.s32 $0x3C00;
	[sflag:s0] =	ssyncadd.s32 $0xFFFFF000  }
0xbd: {  	[spmem:s1] =	stream.indirect.scatter.add.f32 [tilespmem:s16], [sflag:$0x9], $0x80, s5, s15, $0xb8;
	v63 =	vld [tilespmem:$0x0]  }
0xbe: {  	_ =	swait.ge [sflag:s2], $0x1000  }
0xbf: {  	[sflag:s2] =	ssyncset.done $0x0  }
0xc0: {  	s9 =	simm.s32 $0x3C80;
	[sflag:s2] =	ssyncadd.s32 $0xFFFFF000  }
0xc1: {  	[spmem:s1] =	stream.indirect.scatter.add.f32 [tilespmem:s18], [sflag:$0xA], $0x80, s9, s15, $0xb8;
	v63 =	vld [tilespmem:$0x0]  }
0xc2: {  	_ =	swait.ge [sflag:s7], $0x1000  }
0xc3: {  	[sflag:s7] =	ssyncset.done $0x0  }
0xc4: {  	s13 =	simm.s32 $0x3D00;
	[sflag:s7] =	ssyncadd.s32 $0xFFFFF000  }
0xc5: {  	[spmem:s1] =	stream.indirect.scatter.add.f32 [tilespmem:s20], [sflag:$0xB], $0x80, s13, s15, $0xb8;
	v63 =	vld [tilespmem:$0x0]  }
0xc6: {  	_ =	swait.ge [sflag:s10], $0x1000  }
0xc7: {  	[sflag:s10] =	ssyncset.done $0x0  }
0xc8: {  	s6 =	simm.s32 $0x3D80;
	[sflag:s10] =	ssyncadd.s32 $0xFFFFF000  }
0xc9: {  	[spmem:s1] =	stream.indirect.scatter.add.f32 [tilespmem:s22], [sflag:$0xC], $0x80, s6, s15, $0xb8;
	v63 =	vld [tilespmem:$0x0]  }
0xca: {  	_ =	swait.ge [sflag:s11], $0x1000  }
0xcb: {  	[sflag:s11] =	ssyncset.done $0x0  }
0xcc: {  	s9 =	simm.s32 $0x3E00;
	[sflag:s11] =	ssyncadd.s32 $0xFFFFF000  }
0xcd: {  	[spmem:s1] =	stream.indirect.scatter.add.f32 [tilespmem:s24], [sflag:$0xD], $0x80, s9, s15, $0xb8;
	v63 =	vld [tilespmem:$0x0]  }
0xce: {  	_ =	swait.ge [sflag:s8], $0x1000  }
0xcf: {  	[sflag:s8] =	ssyncset.done $0x0  }
0xd0: {  	s13 =	simm.s32 $0x3E80;
	[sflag:s8] =	ssyncadd.s32 $0xFFFFF000  }
0xd1: {  	[spmem:s1] =	stream.indirect.scatter.add.f32 [tilespmem:s26], [sflag:$0xE], $0x80, s13, s15, $0xb8;
	v63 =	vld [tilespmem:$0x0]  }
0xd2: {  	_ =	swait.ge [sflag:s12], $0x1000  }
0xd3: {  	[sflag:s12] =	ssyncset.done $0x0  }
0xd4: {  	s6 =	simm.s32 $0x3F00;
	[sflag:s12] =	ssyncadd.s32 $0xFFFFF000  }
0xd5: {  	[spmem:s1] =	stream.indirect.scatter.add.f32 [tilespmem:s29], [sflag:$0xF], $0x80, s6, s15, $0xb8;
	v63 =	vld [tilespmem:$0x0]  }
0xd6: {  	_ =	swait.ge [sflag:s3], $0x1000  }
0xd7: {  	[sflag:s3] =	ssyncset.done $0x0  }
0xd8: {  	s9 =	simm.s32 $0x3F80;
	[sflag:s3] =	ssyncadd.s32 $0xFFFFF000  }
0xd9: {  	[spmem:s1] =	stream.indirect.scatter.add.f32 [tilespmem:s31], [sflag:$0x10], $0x80, s9, s15, $0xb8;
	v63 =	vld [tilespmem:$0x0]  }
0xda: {  	_ =	swait.ge [sflag:s14], $0x1000  }
0xdb: {  	[sflag:s14] =	ssyncset.done $0x0  }
0xdc: {  	[sflag:s14] =	ssyncadd.s32 $0xFFFFF000  }
0xdd: {  	_ =	swait.ge [sflag:s17], $0x1000  }
0xde: {  	[sflag:s17] =	ssyncset.done $0x0  }
0xdf: {  	[sflag:s17] =	ssyncadd.s32 $0xFFFFF000  }
0xe0: {  	_ =	swait.ge [sflag:s19], $0x1000  }
0xe1: {  	[sflag:s19] =	ssyncset.done $0x0  }
0xe2: {  	[sflag:s19] =	ssyncadd.s32 $0xFFFFF000  }
0xe3: {  	_ =	swait.ge [sflag:s21], $0x1000  }
0xe4: {  	[sflag:s21] =	ssyncset.done $0x0  }
0xe5: {  	[sflag:s21] =	ssyncadd.s32 $0xFFFFF000  }
0xe6: {  	_ =	swait.ge [sflag:s23], $0x1000  }
0xe7: {  	[sflag:s23] =	ssyncset.done $0x0  }
0xe8: {  	[sflag:s23] =	ssyncadd.s32 $0xFFFFF000  }
0xe9: {  	_ =	swait.ge [sflag:s25], $0x1000  }
0xea: {  	[sflag:s25] =	ssyncset.done $0x0  }
0xeb: {  	[sflag:s25] =	ssyncadd.s32 $0xFFFFF000  }
0xec: {  	_ =	swait.ge [sflag:s28], $0x1000  }
0xed: {  	[sflag:s28] =	ssyncset.done $0x0  }
0xee: {  	[sflag:s28] =	ssyncadd.s32 $0xFFFFF000  }
0xef: {  	_ =	swait.ge [sflag:s30], $0x1000  }
0xf0: {  	s13 =	rddreg [dreg:$0xc]  }
0xf1: {  	s5 =	sadd.s32 $0x1, s13  }
0xf2: {  	p0 =	sne.s32 s5, $0x5  }
.Ltmp1:
0xf3: {  	_ = 	snop;
	(pc) =	sbr.rel @p0 .LBB2_2-.Ltmp1, $3  }
0xf4: {  	_ =	sdelay $0x1  }
0xf5: {  	[sflag:s30] =	ssyncset.done $0x0  }
0xf6: {  	[sflag:s30] =	ssyncadd.s32 $0xFFFFF000  }
0xf7: {  	[bflag:$0x0] =	sbarrier.arrive $0xFFFF  }
0xf8: {  	s6 =	rddreg [dreg:$0x7]  }
0xf9: {  	s5 =	rddreg [dreg:$0x9]  }
0xfa: {  	s13 =	rddreg [dreg:$0xb]  }
0xfb: {  	[hbm:s5], [sflag:s6] =	dma.local [spmem:s13], $0x2800  }
0xfc: {  	s5 =	simm.s32 $0x11  }
0xfd: {  	_ =	swait.ge [sflag:s5], $0x2800  }
0xfe: {  	s9 =	rddreg [dreg:$0x3]  }
0xff: {  	[sflag:s5] =	ssyncset.done $0x0;
	s5 =	rddreg [dreg:$0xa];
	s9 =	sadd.s32 $0x1, s9  }
0x100: {  	p0 =	sne.s32 s9, s5  }
.Ltmp2:
0x101: {  	_ = 	snop;
	(pc) =	sbr.rel @p0 .LBB2_1-.Ltmp2, $3  }
0x102: {  	_ =	sdelay $0x1  }
0x103: {  	s5 =	simm.s32 $0x11  }
0x104: {  	[sflag:s5] =	ssyncadd.s32 $0xFFFFD800  }
0x105: {  	_ =	sfence.sel $0x180000  }
0x106: {  	[bflag:$0x0] =	sbarrier.arrive $0xFFFF  }
0x107: {  	_ =	strace $0x9000004A  }
0x108: {  	s0 =	stileid.u32;
	[bflag:$0x2] =	sbarrier.arrive $0xFFFF  }
0x109: {  	p0 =	sne.s32 s0, $0x0;
	s0 =	rddreg [dreg:$0x2]  }
0x10a: {  	s0 =	sadd.s32 @!p0 $0x100000, s0  }
0x10b: {  	[sflag:s0] =	ssyncadd.tile.s32 @!p0 $0x1;
	_ =	shalt  }
.Lfunc_end2:
_tile_overlayer_lowered:
.L_overlay_start_2:
0x10c: {  	(tag) =	ssettag $0x2  }
0x10d: {  	s0 =	rddreg [dreg:$0x0];
	s2 =	stileid.u32  }
0x10e: {  	s1 =	rddreg [dreg:$0x1];
	p0 =	sne.s32 s2, $0x0  }
0x10f: {  	s3 =	rddreg [dreg:$0x2];
	[bflag:$0x3] =	sbarrier.arrive $0xFFFF;
	s2 =	simm.s32 @!p0 $0x1C11  }
0x110: {  	[timem:s3], [sflag:s2] =	dma.local @!p0 [hbm:s0], s1  }
0x111: {  	s0 =	simm.s32 @!p0 $0x11  }
0x112: {  	_ =	swait.ge @!p0 [sflag:s0], s1  }
0x113: {  	s1 =	ssub.s32 @!p0 $0x0, s1;
	[sflag:s0] =	ssyncset.done @!p0 $0x0  }
0x114: {  	[sflag:s0] =	ssyncadd.s32 @!p0 s1  }
0x115: {  	[bflag:$0x3] =	sbarrier.arrive $0xFFFF  }
0x116: {  	_ =	shalt  }

// kernel: kernel.16.cloned.1.call-start
scs
__scs_entry_jumppad:
0x0: {  	(pc) =	sbr.rel $0x88, $3  }
0x1: {  	(tag) =	ssettag $0x0;
	lr =	simm.s32 $0x1  }
0x2: {  	[smem:$0x3F96] =	sst lr;
	_ =	strace $0xD0000000  }
0x3: {  	_ = 	snop  }
0x4: {  	_ = 	snop  }
0x5: {  	_ = 	snop  }
0x6: {  	_ = 	snop  }
0x7: {  	_ = 	snop  }
__scs_overlays_trampoline_lowered:
0x8: {  	[smem:$0x3FA5] =	sst s0  }
0x9: {  	[smem:$0x3FA6] =	sst s1  }
0xa: {  	[smem:$0x3FA7] =	sst s2  }
0xb: {  	[smem:$0x3FA8] =	sst s3  }
0xc: {  	[smem:$0x3FA9] =	sst s4  }
0xd: {  	[smem:$0x3FAA] =	sst s5  }
0xe: {  	[smem:$0x3FAB] =	sst s6  }
0xf: {  	[smem:$0x3FAC] =	sst s7  }
0x10: {  	[smem:$0x3FAD] =	sst s8  }
0x11: {  	[smem:$0x3FAE] =	sst s9;
	s0 =	simm.s32 @!p0 $0x0  }
0x12: {  	s1 =	sld [smem:$0x3F94];
	s0 =	simm.s32 @p0 $0x1  }
0x13: {  	[smem:$0x3FAF] =	sst s0;
	s0 =	simm.s32 @!p1 $0x0  }
0x14: {  	s2 =	sld [smem:$0x3F93];
	s0 =	simm.s32 @p1 $0x1  }
0x15: {  	[smem:$0x3FB0] =	sst s0;
	s0 =	simm.s32 @!p2 $0x0  }
0x16: {  	s3 =	sld [smem:$0x3FDB];
	s0 =	simm.s32 @p2 $0x1  }
0x17: {  	s4 =	simm.s32 $0x1BF5;
	[smem:$0x3FB2] =	sst s0  }
0x18: {  	s0 =	sld [smem:$0x3F95];
	_ =	swait.ge [sflag:s4], $0x0  }
0x19: {  	s7 =	sld [smem:$0x3F96]  }
0x1a: {  	s8 =	sadd.s32 $0xFFFFE003, lr  }
0x1b: {  	s9 =	sadd.s32 $0xFFFFFEF7, lr;
	s5 =	simm.s32 $0xFFFFFFFF;
	p2 =	slt.u32 s8, $0xFFFFF086  }
0x1c: {  	p1 =	slt.u32 s9, $0xF7A;
	s5 =	simm.s32 @!p2 $0x0  }
0x1d: {  	s5 =	simm.s32 @p1 $0x1;
	p0 =	seq.s32 s7, s2  }
0x1e: {  	s7 =	smul.u32 @!p0 $0xF7A, s2;
	p2 =	seq.s32 @!p0 s5, $0x0  }
0x1f: {  	s9 =	smul.u32 $0xF7A, s1;
	s8 =	simm.s32 @!p0 $0x1BF5;
	p2 =	por !p2, p0  }
0x20: {  	[sflag:s8] =	ssyncset.s32 @!p0 $0xFFFFF086;
	s6 =	sadd.s32 @!p0 s3, s7;
	s7 =	simm.s32 @!p0 $0x108  }
0x21: {  	s3 =	sadd.s32 s3, s9;
	s6 =	sadd.s32 @!p0 $0x88, s6;
	s7 =	simm.s32 @p2 $0x1082  }
0x22: {  	[simem:s7], [sflag:s8] =	dma.local @!p0 [hbm:s6], $0xF7A  }
0x23: {  	s9 =	sor.u32 $0xD0000000, s2;
	s6 =	simm.s32 $0x108;
	_ =	swait.ge @!p0 [sflag:s8], $0x0  }
0x24: {  	s3 =	sadd.s32 $0x88, s3;
	s6 =	simm.s32 @!p1 $0x1082;
	[sflag:s4] =	ssyncset.s32 $0xFFFFF086  }
0x25: {  	[simem:s6], [sflag:s4] =	dma.local [hbm:s3], $0xF7A  }
0x26: {  	[smem:$0x3F96] =	sst s1;
	(tag) =	ssettag s2;
	_ =	strace s9  }
0x27: {  	s1 =	sld [smem:$0x3FA6]  }
0x28: {  	s2 =	sld [smem:$0x3FA7]  }
0x29: {  	s4 =	sld [smem:$0x3FA9]  }
0x2a: {  	p0 =	seq.s32 s5, $0x0;
	s5 =	sld [smem:$0x3FAA]  }
0x2b: {  	s6 =	sld [smem:$0x3FAB]  }
0x2c: {  	s7 =	sld [smem:$0x3FAC]  }
0x2d: {  	s3 =	simm.s32 $0x108;
	s8 =	sld [smem:$0x3FAD]  }
0x2e: {  	s3 =	simm.s32 @!p0 $0x1082;
	s9 =	sld [smem:$0x3FAE]  }
0x2f: {  	lr =	sadd.s32 s0, s3;
	s0 =	sld [smem:$0x3FA5]  }
0x30: {  	s3 =	sld [smem:$0x3FA8]  }
0x31: {  	[smem:$0x3FB1] =	sst s10  }
0x32: {  	s10 =	sld [smem:$0x3FAF];
	_ =	sdelay $0x3  }
0x33: {  	p0 =	seq.s32 s10, $0x1;
	s10 =	sld [smem:$0x3FB1];
	_ =	sdelay $0x3  }
0x34: {  	[smem:$0x3FB1] =	sst s10  }
0x35: {  	s10 =	sld [smem:$0x3FB0];
	_ =	sdelay $0x3  }
0x36: {  	p1 =	seq.s32 s10, $0x1;
	s10 =	sld [smem:$0x3FB1];
	_ =	sdelay $0x3  }
0x37: {  	[smem:$0x3FB1] =	sst s10  }
0x38: {  	s10 =	sld [smem:$0x3FB2]  }
0x39: {  	_ = 	snop;
	(pc) =	sbr.ind lr, $3  }
0x3a: {  	_ = 	snop  }
0x3b: {  	_ = 	snop  }
0x3c: {  	p2 =	seq.s32 s10, $0x1;
	s10 =	sld [smem:$0x3FB1]  }
0x3d: {  	_ =	shalt  }
0x3e: {  	_ =	shalt  }
0x3f: {  	_ =	shalt  }
0x40: {  	_ =	shalt  }
0x41: {  	_ =	shalt  }
0x42: {  	_ =	shalt  }
0x43: {  	_ =	shalt  }
0x44: {  	_ =	shalt  }
0x45: {  	_ =	shalt  }
0x46: {  	_ =	shalt  }
0x47: {  	_ =	shalt  }
0x48: {  	_ =	shalt  }
0x49: {  	_ =	shalt  }
0x4a: {  	_ =	shalt  }
0x4b: {  	_ =	shalt  }
0x4c: {  	_ =	shalt  }
0x4d: {  	_ =	shalt  }
0x4e: {  	_ =	shalt  }
0x4f: {  	_ =	shalt  }
0x50: {  	_ =	shalt  }
0x51: {  	_ =	shalt  }
0x52: {  	_ =	shalt  }
0x53: {  	_ =	shalt  }
0x54: {  	_ =	shalt  }
0x55: {  	_ =	shalt  }
0x56: {  	_ =	shalt  }
0x57: {  	_ =	shalt  }
0x58: {  	_ =	shalt  }
0x59: {  	_ =	shalt  }
0x5a: {  	_ =	shalt  }
0x5b: {  	_ =	shalt  }
0x5c: {  	_ =	shalt  }
0x5d: {  	_ =	shalt  }
0x5e: {  	_ =	shalt  }
0x5f: {  	_ =	shalt  }
0x60: {  	_ =	shalt  }
0x61: {  	_ =	shalt  }
0x62: {  	_ =	shalt  }
0x63: {  	_ =	shalt  }
0x64: {  	_ =	shalt  }
0x65: {  	_ =	shalt  }
0x66: {  	_ =	shalt  }
0x67: {  	_ =	shalt  }
0x68: {  	_ =	shalt  }
0x69: {  	_ =	shalt  }
0x6a: {  	_ =	shalt  }
0x6b: {  	_ =	shalt  }
0x6c: {  	_ =	shalt  }
0x6d: {  	_ =	shalt  }
0x6e: {  	_ =	shalt  }
0x6f: {  	_ =	shalt  }
0x70: {  	_ =	shalt  }
0x71: {  	_ =	shalt  }
0x72: {  	_ =	shalt  }
0x73: {  	_ =	shalt  }
0x74: {  	_ =	shalt  }
0x75: {  	_ =	shalt  }
0x76: {  	_ =	shalt  }
0x77: {  	_ =	shalt  }
0x78: {  	_ =	shalt  }
0x79: {  	_ =	shalt  }
0x7a: {  	_ =	shalt  }
0x7b: {  	_ =	shalt  }
0x7c: {  	_ =	shalt  }
0x7d: {  	_ =	shalt  }
0x7e: {  	_ =	shalt  }
0x7f: {  	_ =	shalt  }
0x80: {  	_ =	shalt  }
0x81: {  	_ =	shalt  }
0x82: {  	_ =	shalt  }
0x83: {  	_ =	shalt  }
0x84: {  	_ =	shalt  }
0x85: {  	_ =	shalt  }
0x86: {  	_ =	shalt  }
0x87: {  	_ =	shalt  }
.Lfunc_end0:
.L_simem_size_0:
called_computation.2_lowered:
.L_overlay_start_0:
0x88: {  	s2 =	sld [smem:$0x3FD9]  }
0x89: {  	s3 =	sld [smem:$0x3FFE];
	_ =	sdelay $0x1  }
0x8a: {  	s1 =	srdreg.scid  }
0x8b: {  	s0 =	sand.u32 $0x1, s1  }
0x8c: {  	s16 =	sshll.u32 s0, $0xA;
	s2 =	sadd.s32 s3, s2  }
0x8d: {  	s2 =	sadd.s32 s2, s16  }
0x8e: {  	[smem:$0x3FBD] =	sst s2  }
0x8f: {  	_ = 	snop  }
0x90: {  	(tm) =	ssettm $0x1  }
0x91: {  	s17 =	sld [smem:$0x3FFB];
	_ =	sdelay $0x3  }
0x92: {  	_ =	strace s17  }
0x93: {  	s2 =	sld [smem:$0x3FFC];
	_ =	sdelay $0x3  }
0x94: {  	_ =	strace s2  }
0x95: {  	s2 =	sld [smem:$0x3FFD];
	_ =	sdelay $0x3  }
0x96: {  	_ =	strace s2  }
0x97: {  	_ =	strace $0x8FFFFFFF  }
0x98: {  	s18 =	sld [smem:$0x3FDB];
	_ =	sdelay $0x1  }
0x99: {  	s19 =	simm.s32 $_scs_section_size  }
0x9a: {  	s4 =	simm.s32 $_size__tile_overlayer_lowered;
	s5 =	simm.s32 $_tile_overlayer_lowered  }
0x9b: {  	s22 =	simm.s32 $0x1BFF;
	s21 =	sshll.u32 s5, $0x1;
	s2 =	sadd.s32 s19, s18  }
0x9c: {  	s6 =	simm.s32 $0x0;
	s20 =	sshll.u32 s4, $0x1;
	s4 =	sadd.s32 s21, s2  }
0x9d: {  	[timem:s6], [sflag:s22] =	dma.local [hbm:s4], s20  }
0x9e: {  	_ =	swait.ge [sflag:s22], s20  }
0x9f: {  	s3 =	ssub.s32 $0x0, s20;
	[sflag:s22] =	ssyncset.done $0x0  }
0xa0: {  	[sflag:s22] =	ssyncadd.s32 s3;
	_ =	sdelay $0x1  }
0xa1: {  	s23 =	simm.s32 $0x1B8B  }
0xa2: {  	_ =	swait.ge [sflag:s23], $0x1  }
0xa3: {  	[sflag:s23] =	ssyncset.done $0x0  }
0xa4: {  	s25 =	simm.s32 $0x1B8E;
	s24 =	sld [smem:$0x3FFE];
	[sflag:s23] =	ssyncadd.s32 $0xFFFFFFFF  }
0xa5: {  	s26 =	simm.s32 $execute0_lowered;
	[smem:$0x3FD2] =	sst s25  }
0xa6: {  	s4 =	sshll.u32 s26, $0x1;
	_ =	strace $0x8000004C;
	[dreg:$0x1] =	wrdreg $0xFFFFFFFF  }
0xa7: {  	s28 =	simm.s32 $_size_execute0_lowered;
	s2 =	sadd.s32 s2, s4;
	[dreg:$0x0] =	wrdreg $0x0  }
0xa8: {  	s4 =	sshll.u32 s28, $0x1;
	[dreg:$0x2] =	wrdreg s2  }
0xa9: {  	[dreg:$0x3] =	wrdreg s4  }
0xaa: {  	[dreg:$0x4] =	wrdreg $0xC0  }
0xab: {  	_ =	task [dreg:s6], $0x5FFFF  }
0xac: {  	[dreg:$0x1] =	wrdreg $0xFFFFFFFF  }
0xad: {  	[dreg:$0x0] =	wrdreg $0x60  }
0xae: {  	[dreg:$0x2] =	wrdreg s24  }
0xaf: {  	[dreg:$0x3] =	wrdreg $0xC0000  }
0xb0: {  	[dreg:$0x4] =	wrdreg $0x9  }
0xb1: {  	_ =	task.clear_ibuf [dreg:s6], $0x5FFFF;
	_ =	strace $0x9000004C  }
0xb2: {  	s29 =	simm.s32 $0x9;
	_ =	strace $0x8000004E  }
0xb3: {  	_ =	swait.ge [sflag:s29], $0x1  }
0xb4: {  	[sflag:s29] =	ssyncadd.s32 $0xFFFFFFFF  }
0xb5: {  	_ =	strace $0x9000004E  }
0xb6: {  	_ =	sfence  }
0xb7: {  	s30 =	sld [smem:$0x0];
	_ =	sdelay $0x2  }
0xb8: {  	s31 =	sshll.u32 s1, $0xD;
	s1 =	sshrl.u32 s1, $0x2  }
0xb9: {  	s3 =	sand.u32 $0x4000, s31;
	s1 =	sadd.s32 s1, s30  }
0xba: {  	s0 =	sor.u32 s3, s0;
	s1 =	sshll.u32 s1, $0x11  }
0xbb: {  	s0 =	sor.u32 s1, s0  }
0xbc: {  	s0 =	sadd.s32 $0x8F2B, s0  }
0xbd: {  	[sflag:s0] =	ssyncadd.remote.s32 $0x1  }
0xbe: {  	_ =	sfence.sel $0xFFFF  }
0xbf: {  	[dreg:$0x0] =	wrdreg $0xFFFFFFFF;
	(pc) =	sbr.abs _section_cstart, $3  }
0xc0: {  	[dreg:$0x1] =	wrdreg $0xFFFFFFFF  }
0xc1: {  	_ =	task.clear_ibuf [dreg:s6], $0x2FFFF;
	_ =	strace $0x9FFFFFFF  }
0xc2: {  	(tm) =	ssettm $0x7FFFFFFF  }
0xc3: {  	_ =	shalt  }
tec
execute0_lowered:
.L_overlay_start_1:
0x0: {  	(tag) =	ssettag $0x1  }
0x1: {  	s0 =	rddreg [dreg:$0x0]  }
0x2: {  	s1 =	rddreg [dreg:$0x1];
	s9 =	simm.s32 $0x0;
	s2 =	srdreg.scid  }
0x3: {  	s8 =	stileid.u32;
	s15 =	simm.s32 $0x20;
	s16 =	simm.s32 $0x4000  }
0x4: {  	s29 =	simm.s32 $0xA000;
	s31 =	simm.s32 $0xB000;
	s10 =	simm.s32 $0x4  }
0x5: {  	s11 =	simm.s32 $0x5;
	s12 =	simm.s32 $0x7;
	s14 =	simm.s32 $0x9  }
0x6: {  	s17 =	simm.s32 $0xA;
	s28 =	simm.s32 $0xF;
	s30 =	simm.s32 $0x10  }
0x7: {  	[smem:$0x7FF] =	sst s9;
	s2 =	sand.u32 $0x1, s2;
	s5 =	smul.u32 $0x14000, s8  }
0x8: {  	s4 =	sadd.s32 $0x12200, s0;
	s6 =	sadd.s32 $0xB2A00, s0;
	s18 =	sadd.s32 $0x8AA00, s0  }
0x9: {  	s19 =	sadd.s32 $0xFA00, s0;
	s7 =	smul.u32 $0x50000, s8;
	s23 =	sshll.u32 s8, $0x1  }
0xa: {  	s25 =	sshll.u32 s8, $0x6;
	_ =	strace $0x8000004D;
	[dreg:$0x4] =	wrdreg s6  }
0xb: {  	s8 =	simm.s32 $0x6;
	s3 =	smul.u32 $0x140000, s2;
	[dreg:$0x5] =	wrdreg s18  }
0xc: {  	[dreg:$0x6] =	wrdreg s19;
	s20 =	ssub.s32 $0x2, s2;
	s2 =	sor.u32 s2, s23  }
0xd: {  	s6 =	sor.u32 $0x1C11, s25;
	s18 =	simm.s32 $0x5000;
	s19 =	simm.s32 $0xB  }
0xe: {  	s23 =	simm.s32 $0xD;
	s25 =	simm.s32 $0xE;
	s21 =	sshrl.u32 s20, $0x1  }
0xf: {  	s24 =	sshrl.u32 s7, $0x2;
	s2 =	smul.u32 $0xA000, s2;
	s7 =	simm.s32 $0x3  }
0x10: {  	[dreg:$0x7] =	wrdreg s6;
	s3 =	sadd.s32 s5, s3;
	s22 =	ssub.s32 s20, s21  }
0x11: {  	s5 =	sadd.s32 s24, s1;
	s20 =	simm.s32 $0x6000;
	s24 =	simm.s32 $0x8000  }
0x12: {  	s21 =	simm.s32 $0xC;
	s3 =	sshrl.u32 s3, $0x3;
	[dreg:$0x8] =	wrdreg s2  }
0x13: {  	s26 =	smax.u32 s22, $0x1;
	s13 =	sshrl.u32 s5, $0x3;
	s22 =	simm.s32 $0x7000  }
0x14: {  	s2 =	simm.s32 $0x2;
	s0 =	sadd.s32 s3, s0;
	[dreg:$0xa] =	wrdreg s26  }
0x15: {  	s26 =	simm.s32 $0x9000;
	[dreg:$0xb] =	wrdreg s13;
	s0 =	sadd.s32 $0xDAA00, s0  }
0x16: {  	s3 =	simm.s32 $0x8;
	[dreg:$0x9] =	wrdreg s0;
	s0 =	simm.s32 $0x1  }
.LBB2_1:
0x17: {  	[dreg:$0x3] =	wrdreg s9  }
0x18: {  	s9 =	simm.s32 $0x11;
	s5 =	rddreg [dreg:$0x6]  }
0x19: {  	[spmem:s13], [sflag:s6] =	dma.local [hbm:s5], $0x2800  }
0x1a: {  	_ =	swait.ge [sflag:s9], $0x2800  }
0x1b: {  	[sflag:s9] =	ssyncset.done $0x0  }
0x1c: {  	[sflag:s9] =	ssyncadd.s32 $0xFFFFD800  }
0x1d: {  	s5 =	simm.s32 $0x0;
	[bflag:$0x0] =	sbarrier.arrive $0xFFFF  }
.LBB2_2:
0x1e: {  	s6 =	sshll.u32 s5, $0xD;
	s9 =	rddreg [dreg:$0x8]  }
0x1f: {  	[dreg:$0xc] =	wrdreg s5;
	s6 =	sadd.s32 s9, s6  }
0x20: {  	s5 =	rddreg [dreg:$0x4];
	s6 =	sshrl.u32 s6, $0x3  }
0x21: {  	s13 =	simm.s32 $0x0;
	s9 =	sadd.s32 s5, s6;
	s5 =	simm.s32 $0x11  }
0x22: {  	[tilespmem:s13], [sflag:$0x11] =	stream.linear.gather [hbm4b:s9+s13], $0x2000, $0x38;
	v63 =	vld [tilespmem:$0x0]  }
0x23: {  	_ =	swait.ge [sflag:s5], $0x2000  }
0x24: {  	[sflag:s5] =	ssyncset.done $0x0;
	s9 =	rddreg [dreg:$0x5]  }
0x25: {  	[sflag:s5] =	ssyncadd.s32 $0xFFFFE000;
	s6 =	sadd.s32 s9, s6;
	s9 =	simm.s32 $0x2000  }
0x26: {  	[tilespmem:s9], [sflag:$0x11] =	stream.linear.gather [hbm4b:s6+s13], $0x2000, $0x38;
	v63 =	vld [tilespmem:$0x0]  }
0x27: {  	_ =	swait.ge [sflag:s5], $0x2000  }
0x28: {  	[sflag:s5] =	ssyncset.done $0x0  }
0x29: {  	[sflag:s5] =	ssyncadd.s32 $0xFFFFE000  }
0x2a: {  	[tilespmem:s16], [sflag:$0x1] =	stream.indirect.gather [hbm4b:s4+s15], $0x80, s13, s15, $0xb8;
	v63 =	vld [tilespmem:$0x0]  }
0x2b: {  	s13 =	simm.s32 $0x80  }
0x2c: {  	[tilespmem:s18], [sflag:$0x2] =	stream.indirect.gather [hbm4b:s4+s15], $0x80, s13, s15, $0xb8;
	v63 =	vld [tilespmem:$0x0]  }
0x2d: {  	s6 =	simm.s32 $0x100  }
0x2e: {  	[tilespmem:s20], [sflag:$0x3] =	stream.indirect.gather [hbm4b:s4+s15], $0x80, s6, s15, $0xb8;
	v63 =	vld [tilespmem:$0x0]  }
0x2f: {  	s9 =	simm.s32 $0x180  }
0x30: {  	[tilespmem:s22], [sflag:$0x4] =	stream.indirect.gather [hbm4b:s4+s15], $0x80, s9, s15, $0xb8;
	v63 =	vld [tilespmem:$0x0]  }
0x31: {  	s13 =	simm.s32 $0x200  }
0x32: {  	[tilespmem:s24], [sflag:$0x5] =	stream.indirect.gather [hbm4b:s4+s15], $0x80, s13, s15, $0xb8;
	v63 =	vld [tilespmem:$0x0]  }
0x33: {  	s6 =	simm.s32 $0x280  }
0x34: {  	[tilespmem:s26], [sflag:$0x6] =	stream.indirect.gather [hbm4b:s4+s15], $0x80, s6, s15, $0xb8;
	v63 =	vld [tilespmem:$0x0]  }
0x35: {  	s9 =	simm.s32 $0x300  }
0x36: {  	[tilespmem:s29], [sflag:$0x7] =	stream.indirect.gather [hbm4b:s4+s15], $0x80, s9, s15, $0xb8;
	v63 =	vld [tilespmem:$0x0]  }
0x37: {  	s13 =	simm.s32 $0x380  }
0x38: {  	[tilespmem:s31], [sflag:$0x8] =	stream.indirect.gather [hbm4b:s4+s15], $0x80, s13, s15, $0xb8;
	v63 =	vld [tilespmem:$0x0]  }
0x39: {  	_ =	swait.ge [sflag:s0], $0x1000  }
0x3a: {  	[sflag:s0] =	ssyncset.done $0x0  }
0x3b: {  	s5 =	simm.s32 $0x2000;
	[sflag:s0] =	ssyncadd.s32 $0xFFFFF000  }
0x3c: {  	[spmem:s1] =	stream.indirect.scatter.add.f32 [tilespmem:s16], [sflag:$0x9], $0x80, s5, s15, $0xb8;
	v63 =	vld [tilespmem:$0x0]  }
0x3d: {  	_ =	swait.ge [sflag:s2], $0x1000  }
0x3e: {  	[sflag:s2] =	ssyncset.done $0x0  }
0x3f: {  	s9 =	simm.s32 $0x2080;
	[sflag:s2] =	ssyncadd.s32 $0xFFFFF000  }
0x40: {  	[spmem:s1] =	stream.indirect.scatter.add.f32 [tilespmem:s18], [sflag:$0xA], $0x80, s9, s15, $0xb8;
	v63 =	vld [tilespmem:$0x0]  }
0x41: {  	_ =	swait.ge [sflag:s7], $0x1000  }
0x42: {  	[sflag:s7] =	ssyncset.done $0x0  }
0x43: {  	s13 =	simm.s32 $0x2100;
	[sflag:s7] =	ssyncadd.s32 $0xFFFFF000  }
0x44: {  	[spmem:s1] =	stream.indirect.scatter.add.f32 [tilespmem:s20], [sflag:$0xB], $0x80, s13, s15, $0xb8;
	v63 =	vld [tilespmem:$0x0]  }
0x45: {  	_ =	swait.ge [sflag:s10], $0x1000  }
0x46: {  	[sflag:s10] =	ssyncset.done $0x0  }
0x47: {  	s5 =	simm.s32 $0x2180;
	[sflag:s10] =	ssyncadd.s32 $0xFFFFF000  }
0x48: {  	[spmem:s1] =	stream.indirect.scatter.add.f32 [tilespmem:s22], [sflag:$0xC], $0x80, s5, s15, $0xb8;
	v63 =	vld [tilespmem:$0x0]  }
0x49: {  	_ =	swait.ge [sflag:s11], $0x1000  }
0x4a: {  	[sflag:s11] =	ssyncset.done $0x0  }
0x4b: {  	s9 =	simm.s32 $0x2200;
	[sflag:s11] =	ssyncadd.s32 $0xFFFFF000  }
0x4c: {  	[spmem:s1] =	stream.indirect.scatter.add.f32 [tilespmem:s24], [sflag:$0xD], $0x80, s9, s15, $0xb8;
	v63 =	vld [tilespmem:$0x0]  }
0x4d: {  	_ =	swait.ge [sflag:s8], $0x1000  }
0x4e: {  	[sflag:s8] =	ssyncset.done $0x0  }
0x4f: {  	s13 =	simm.s32 $0x2280;
	[sflag:s8] =	ssyncadd.s32 $0xFFFFF000  }
0x50: {  	[spmem:s1] =	stream.indirect.scatter.add.f32 [tilespmem:s26], [sflag:$0xE], $0x80, s13, s15, $0xb8;
	v63 =	vld [tilespmem:$0x0]  }
0x51: {  	_ =	swait.ge [sflag:s12], $0x1000  }
0x52: {  	[sflag:s12] =	ssyncset.done $0x0  }
0x53: {  	s5 =	simm.s32 $0x2300;
	[sflag:s12] =	ssyncadd.s32 $0xFFFFF000  }
0x54: {  	[spmem:s1] =	stream.indirect.scatter.add.f32 [tilespmem:s29], [sflag:$0xF], $0x80, s5, s15, $0xb8;
	v63 =	vld [tilespmem:$0x0]  }
0x55: {  	_ =	swait.ge [sflag:s3], $0x1000  }
0x56: {  	[sflag:s3] =	ssyncset.done $0x0  }
0x57: {  	s9 =	simm.s32 $0x2380;
	[sflag:s3] =	ssyncadd.s32 $0xFFFFF000  }
0x58: {  	[spmem:s1] =	stream.indirect.scatter.add.f32 [tilespmem:s31], [sflag:$0x10], $0x80, s9, s15, $0xb8;
	v63 =	vld [tilespmem:$0x0]  }
0x59: {  	_ =	swait.ge [sflag:s14], $0x1000  }
0x5a: {  	[sflag:s14] =	ssyncset.done $0x0  }
0x5b: {  	s13 =	simm.s32 $0x400;
	[sflag:s14] =	ssyncadd.s32 $0xFFFFF000  }
0x5c: {  	[tilespmem:s16], [sflag:$0x1] =	stream.indirect.gather [hbm4b:s4+s15], $0x80, s13, s15, $0xb8;
	v63 =	vld [tilespmem:$0x0]  }
0x5d: {  	_ =	swait.ge [sflag:s17], $0x1000  }
0x5e: {  	[sflag:s17] =	ssyncset.done $0x0  }
0x5f: {  	s5 =	simm.s32 $0x480;
	[sflag:s17] =	ssyncadd.s32 $0xFFFFF000  }
0x60: {  	[tilespmem:s18], [sflag:$0x2] =	stream.indirect.gather [hbm4b:s4+s15], $0x80, s5, s15, $0xb8;
	v63 =	vld [tilespmem:$0x0]  }
0x61: {  	_ =	swait.ge [sflag:s19], $0x1000  }
0x62: {  	[sflag:s19] =	ssyncset.done $0x0  }
0x63: {  	s9 =	simm.s32 $0x500;
	[sflag:s19] =	ssyncadd.s32 $0xFFFFF000  }
0x64: {  	[tilespmem:s20], [sflag:$0x3] =	stream.indirect.gather [hbm4b:s4+s15], $0x80, s9, s15, $0xb8;
	v63 =	vld [tilespmem:$0x0]  }
0x65: {  	_ =	swait.ge [sflag:s21], $0x1000  }
0x66: {  	[sflag:s21] =	ssyncset.done $0x0  }
0x67: {  	s13 =	simm.s32 $0x580;
	[sflag:s21] =	ssyncadd.s32 $0xFFFFF000  }
0x68: {  	[tilespmem:s22], [sflag:$0x4] =	stream.indirect.gather [hbm4b:s4+s15], $0x80, s13, s15, $0xb8;
	v63 =	vld [tilespmem:$0x0]  }
0x69: {  	_ =	swait.ge [sflag:s23], $0x1000  }
0x6a: {  	[sflag:s23] =	ssyncset.done $0x0  }
0x6b: {  	s5 =	simm.s32 $0x600;
	[sflag:s23] =	ssyncadd.s32 $0xFFFFF000  }
0x6c: {  	[tilespmem:s24], [sflag:$0x5] =	stream.indirect.gather [hbm4b:s4+s15], $0x80, s5, s15, $0xb8;
	v63 =	vld [tilespmem:$0x0]  }
0x6d: {  	_ =	swait.ge [sflag:s25], $0x1000  }
0x6e: {  	[sflag:s25] =	ssyncset.done $0x0  }
0x6f: {  	s9 =	simm.s32 $0x680;
	[sflag:s25] =	ssyncadd.s32 $0xFFFFF000  }
0x70: {  	[tilespmem:s26], [sflag:$0x6] =	stream.indirect.gather [hbm4b:s4+s15], $0x80, s9, s15, $0xb8;
	v63 =	vld [tilespmem:$0x0]  }
0x71: {  	_ =	swait.ge [sflag:s28], $0x1000  }
0x72: {  	[sflag:s28] =	ssyncset.done $0x0  }
0x73: {  	s13 =	simm.s32 $0x700;
	[sflag:s28] =	ssyncadd.s32 $0xFFFFF000  }
0x74: {  	[tilespmem:s29], [sflag:$0x7] =	stream.indirect.gather [hbm4b:s4+s15], $0x80, s13, s15, $0xb8;
	v63 =	vld [tilespmem:$0x0]  }
0x75: {  	_ =	swait.ge [sflag:s30], $0x1000  }
0x76: {  	[sflag:s30] =	ssyncset.done $0x0  }
0x77: {  	s6 =	simm.s32 $0x1000;
	s9 =	simm.s32 $0x780;
	[sflag:s30] =	ssyncadd.s32 $0xFFFFF000  }
.LBB2_3:
0x78: {  	[tilespmem:s31], [sflag:$0x8] =	stream.indirect.gather [hbm4b:s4+s15], $0x80, s9, s15, $0xb8;
	v63 =	vld [tilespmem:$0x0]  }
0x79: {  	s9 =	smov.u32 s6  }
0x7a: {  	p0 =	sne.s32 s6, $0x6000;
	s6 =	sadd.s32 $0x1000, s6;
	_ =	swait.ge [sflag:s0], $0x1000  }
0x7b: {  	s9 =	sshra.s32 s9, $0x2;
	[sflag:s0] =	ssyncset.done $0x0  }
0x7c: {  	s13 =	sadd.s32 $0x2000, s9;
	[sflag:s0] =	ssyncadd.s32 $0xFFFFF000  }
0x7d: {  	[spmem:s1] =	stream.indirect.scatter.add.f32 [tilespmem:s16], [sflag:$0x9], $0x80, s13, s15, $0xb8;
	v63 =	vld [tilespmem:$0x0]  }
0x7e: {  	_ =	swait.ge [sflag:s2], $0x1000  }
0x7f: {  	[sflag:s2] =	ssyncset.done $0x0  }
0x80: {  	s13 =	sadd.s32 $0x2080, s9;
	[sflag:s2] =	ssyncadd.s32 $0xFFFFF000  }
0x81: {  	[spmem:s1] =	stream.indirect.scatter.add.f32 [tilespmem:s18], [sflag:$0xA], $0x80, s13, s15, $0xb8;
	v63 =	vld [tilespmem:$0x0]  }
0x82: {  	_ =	swait.ge [sflag:s7], $0x1000  }
0x83: {  	[sflag:s7] =	ssyncset.done $0x0  }
0x84: {  	s13 =	sadd.s32 $0x2100, s9;
	[sflag:s7] =	ssyncadd.s32 $0xFFFFF000  }
0x85: {  	[spmem:s1] =	stream.indirect.scatter.add.f32 [tilespmem:s20], [sflag:$0xB], $0x80, s13, s15, $0xb8;
	v63 =	vld [tilespmem:$0x0]  }
0x86: {  	_ =	swait.ge [sflag:s10], $0x1000  }
0x87: {  	[sflag:s10] =	ssyncset.done $0x0  }
0x88: {  	s13 =	sadd.s32 $0x2180, s9;
	[sflag:s10] =	ssyncadd.s32 $0xFFFFF000  }
0x89: {  	[spmem:s1] =	stream.indirect.scatter.add.f32 [tilespmem:s22], [sflag:$0xC], $0x80, s13, s15, $0xb8;
	v63 =	vld [tilespmem:$0x0]  }
0x8a: {  	_ =	swait.ge [sflag:s11], $0x1000  }
0x8b: {  	[sflag:s11] =	ssyncset.done $0x0  }
0x8c: {  	s13 =	sadd.s32 $0x2200, s9;
	[sflag:s11] =	ssyncadd.s32 $0xFFFFF000  }
0x8d: {  	[spmem:s1] =	stream.indirect.scatter.add.f32 [tilespmem:s24], [sflag:$0xD], $0x80, s13, s15, $0xb8;
	v63 =	vld [tilespmem:$0x0]  }
0x8e: {  	_ =	swait.ge [sflag:s8], $0x1000  }
0x8f: {  	[sflag:s8] =	ssyncset.done $0x0  }
0x90: {  	s13 =	sadd.s32 $0x2280, s9;
	[sflag:s8] =	ssyncadd.s32 $0xFFFFF000  }
0x91: {  	[spmem:s1] =	stream.indirect.scatter.add.f32 [tilespmem:s26], [sflag:$0xE], $0x80, s13, s15, $0xb8;
	v63 =	vld [tilespmem:$0x0]  }
0x92: {  	_ =	swait.ge [sflag:s12], $0x1000  }
0x93: {  	[sflag:s12] =	ssyncset.done $0x0  }
0x94: {  	s13 =	sadd.s32 $0x2300, s9;
	[sflag:s12] =	ssyncadd.s32 $0xFFFFF000  }
0x95: {  	[spmem:s1] =	stream.indirect.scatter.add.f32 [tilespmem:s29], [sflag:$0xF], $0x80, s13, s15, $0xb8;
	v63 =	vld [tilespmem:$0x0]  }
0x96: {  	_ =	swait.ge [sflag:s3], $0x1000  }
0x97: {  	[sflag:s3] =	ssyncset.done $0x0  }
0x98: {  	s13 =	sadd.s32 $0x2380, s9;
	[sflag:s3] =	ssyncadd.s32 $0xFFFFF000  }
0x99: {  	[spmem:s1] =	stream.indirect.scatter.add.f32 [tilespmem:s31], [sflag:$0x10], $0x80, s13, s15, $0xb8;
	v63 =	vld [tilespmem:$0x0]  }
0x9a: {  	_ =	swait.ge [sflag:s14], $0x1000  }
0x9b: {  	[sflag:s14] =	ssyncset.done $0x0  }
0x9c: {  	s13 =	sadd.s32 $0x400, s9;
	[sflag:s14] =	ssyncadd.s32 $0xFFFFF000  }
0x9d: {  	[tilespmem:s16], [sflag:$0x1] =	stream.indirect.gather [hbm4b:s4+s15], $0x80, s13, s15, $0xb8;
	v63 =	vld [tilespmem:$0x0]  }
0x9e: {  	_ =	swait.ge [sflag:s17], $0x1000  }
0x9f: {  	[sflag:s17] =	ssyncset.done $0x0  }
0xa0: {  	s13 =	sadd.s32 $0x480, s9;
	[sflag:s17] =	ssyncadd.s32 $0xFFFFF000  }
0xa1: {  	[tilespmem:s18], [sflag:$0x2] =	stream.indirect.gather [hbm4b:s4+s15], $0x80, s13, s15, $0xb8;
	v63 =	vld [tilespmem:$0x0]  }
0xa2: {  	_ =	swait.ge [sflag:s19], $0x1000  }
0xa3: {  	[sflag:s19] =	ssyncset.done $0x0  }
0xa4: {  	s13 =	sadd.s32 $0x500, s9;
	[sflag:s19] =	ssyncadd.s32 $0xFFFFF000  }
0xa5: {  	[tilespmem:s20], [sflag:$0x3] =	stream.indirect.gather [hbm4b:s4+s15], $0x80, s13, s15, $0xb8;
	v63 =	vld [tilespmem:$0x0]  }
0xa6: {  	_ =	swait.ge [sflag:s21], $0x1000  }
0xa7: {  	[sflag:s21] =	ssyncset.done $0x0  }
0xa8: {  	s13 =	sadd.s32 $0x580, s9;
	[sflag:s21] =	ssyncadd.s32 $0xFFFFF000  }
0xa9: {  	[tilespmem:s22], [sflag:$0x4] =	stream.indirect.gather [hbm4b:s4+s15], $0x80, s13, s15, $0xb8;
	v63 =	vld [tilespmem:$0x0]  }
0xaa: {  	_ =	swait.ge [sflag:s23], $0x1000  }
0xab: {  	[sflag:s23] =	ssyncset.done $0x0  }
0xac: {  	s13 =	sadd.s32 $0x600, s9;
	[sflag:s23] =	ssyncadd.s32 $0xFFFFF000  }
0xad: {  	[tilespmem:s24], [sflag:$0x5] =	stream.indirect.gather [hbm4b:s4+s15], $0x80, s13, s15, $0xb8;
	v63 =	vld [tilespmem:$0x0]  }
0xae: {  	_ =	swait.ge [sflag:s25], $0x1000  }
0xaf: {  	[sflag:s25] =	ssyncset.done $0x0  }
0xb0: {  	s13 =	sadd.s32 $0x680, s9;
	[sflag:s25] =	ssyncadd.s32 $0xFFFFF000  }
0xb1: {  	[tilespmem:s26], [sflag:$0x6] =	stream.indirect.gather [hbm4b:s4+s15], $0x80, s13, s15, $0xb8;
	v63 =	vld [tilespmem:$0x0]  }
0xb2: {  	_ =	swait.ge [sflag:s28], $0x1000  }
0xb3: {  	[sflag:s28] =	ssyncset.done $0x0  }
.Ltmp0:
0xb4: {  	s13 =	sadd.s32 $0x700, s9;
	[sflag:s28] =	ssyncadd.s32 $0xFFFFF000;
	(pc) =	sbr.rel @p0 .LBB2_3-.Ltmp0, $4  }
0xb5: {  	[tilespmem:s29], [sflag:$0x7] =	stream.indirect.gather [hbm4b:s4+s15], $0x80, s13, s15, $0xb8;
	v63 =	vld [tilespmem:$0x0]  }
0xb6: {  	_ =	swait.ge [sflag:s30], $0x1000  }
0xb7: {  	[sflag:s30] =	ssyncset.done $0x0  }
0xb8: {  	s9 =	sadd.s32 $0x780, s9;
	[sflag:s30] =	ssyncadd.s32 $0xFFFFF000  }
0xb9: {  	[tilespmem:s31], [sflag:$0x8] =	stream.indirect.gather [hbm4b:s4+s15], $0x80, s9, s15, $0xb8;
	v63 =	vld [tilespmem:$0x0]  }
0xba: {  	_ =	swait.ge [sflag:s0], $0x1000  }
0xbb: {  	[sflag:s0] =	ssyncset.done $0x0  }
0xbc: {  	s5 =	simm.s32 $0x3C00;
	[sflag:s0] =	ssyncadd.s32 $0xFFFFF000  }
0xbd: {  	[spmem:s1] =	stream.indirect.scatter.add.f32 [tilespmem:s16], [sflag:$0x9], $0x80, s5, s15, $0xb8;
	v63 =	vld [tilespmem:$0x0]  }
0xbe: {  	_ =	swait.ge [sflag:s2], $0x1000  }
0xbf: {  	[sflag:s2] =	ssyncset.done $0x0  }
0xc0: {  	s9 =	simm.s32 $0x3C80;
	[sflag:s2] =	ssyncadd.s32 $0xFFFFF000  }
0xc1: {  	[spmem:s1] =	stream.indirect.scatter.add.f32 [tilespmem:s18], [sflag:$0xA], $0x80, s9, s15, $0xb8;
	v63 =	vld [tilespmem:$0x0]  }
0xc2: {  	_ =	swait.ge [sflag:s7], $0x1000  }
0xc3: {  	[sflag:s7] =	ssyncset.done $0x0  }
0xc4: {  	s13 =	simm.s32 $0x3D00;
	[sflag:s7] =	ssyncadd.s32 $0xFFFFF000  }
0xc5: {  	[spmem:s1] =	stream.indirect.scatter.add.f32 [tilespmem:s20], [sflag:$0xB], $0x80, s13, s15, $0xb8;
	v63 =	vld [tilespmem:$0x0]  }
0xc6: {  	_ =	swait.ge [sflag:s10], $0x1000  }
0xc7: {  	[sflag:s10] =	ssyncset.done $0x0  }
0xc8: {  	s6 =	simm.s32 $0x3D80;
	[sflag:s10] =	ssyncadd.s32 $0xFFFFF000  }
0xc9: {  	[spmem:s1] =	stream.indirect.scatter.add.f32 [tilespmem:s22], [sflag:$0xC], $0x80, s6, s15, $0xb8;
	v63 =	vld [tilespmem:$0x0]  }
0xca: {  	_ =	swait.ge [sflag:s11], $0x1000  }
0xcb: {  	[sflag:s11] =	ssyncset.done $0x0  }
0xcc: {  	s9 =	simm.s32 $0x3E00;
	[sflag:s11] =	ssyncadd.s32 $0xFFFFF000  }
0xcd: {  	[spmem:s1] =	stream.indirect.scatter.add.f32 [tilespmem:s24], [sflag:$0xD], $0x80, s9, s15, $0xb8;
	v63 =	vld [tilespmem:$0x0]  }
0xce: {  	_ =	swait.ge [sflag:s8], $0x1000  }
0xcf: {  	[sflag:s8] =	ssyncset.done $0x0  }
0xd0: {  	s13 =	simm.s32 $0x3E80;
	[sflag:s8] =	ssyncadd.s32 $0xFFFFF000  }
0xd1: {  	[spmem:s1] =	stream.indirect.scatter.add.f32 [tilespmem:s26], [sflag:$0xE], $0x80, s13, s15, $0xb8;
	v63 =	vld [tilespmem:$0x0]  }
0xd2: {  	_ =	swait.ge [sflag:s12], $0x1000  }
0xd3: {  	[sflag:s12] =	ssyncset.done $0x0  }
0xd4: {  	s6 =	simm.s32 $0x3F00;
	[sflag:s12] =	ssyncadd.s32 $0xFFFFF000  }
0xd5: {  	[spmem:s1] =	stream.indirect.scatter.add.f32 [tilespmem:s29], [sflag:$0xF], $0x80, s6, s15, $0xb8;
	v63 =	vld [tilespmem:$0x0]  }
0xd6: {  	_ =	swait.ge [sflag:s3], $0x1000  }
0xd7: {  	[sflag:s3] =	ssyncset.done $0x0  }
0xd8: {  	s9 =	simm.s32 $0x3F80;
	[sflag:s3] =	ssyncadd.s32 $0xFFFFF000  }
0xd9: {  	[spmem:s1] =	stream.indirect.scatter.add.f32 [tilespmem:s31], [sflag:$0x10], $0x80, s9, s15, $0xb8;
	v63 =	vld [tilespmem:$0x0]  }
0xda: {  	_ =	swait.ge [sflag:s14], $0x1000  }
0xdb: {  	[sflag:s14] =	ssyncset.done $0x0  }
0xdc: {  	[sflag:s14] =	ssyncadd.s32 $0xFFFFF000  }
0xdd: {  	_ =	swait.ge [sflag:s17], $0x1000  }
0xde: {  	[sflag:s17] =	ssyncset.done $0x0  }
0xdf: {  	[sflag:s17] =	ssyncadd.s32 $0xFFFFF000  }
0xe0: {  	_ =	swait.ge [sflag:s19], $0x1000  }
0xe1: {  	[sflag:s19] =	ssyncset.done $0x0  }
0xe2: {  	[sflag:s19] =	ssyncadd.s32 $0xFFFFF000  }
0xe3: {  	_ =	swait.ge [sflag:s21], $0x1000  }
0xe4: {  	[sflag:s21] =	ssyncset.done $0x0  }
0xe5: {  	[sflag:s21] =	ssyncadd.s32 $0xFFFFF000  }
0xe6: {  	_ =	swait.ge [sflag:s23], $0x1000  }
0xe7: {  	[sflag:s23] =	ssyncset.done $0x0  }
0xe8: {  	[sflag:s23] =	ssyncadd.s32 $0xFFFFF000  }
0xe9: {  	_ =	swait.ge [sflag:s25], $0x1000  }
0xea: {  	[sflag:s25] =	ssyncset.done $0x0  }
0xeb: {  	[sflag:s25] =	ssyncadd.s32 $0xFFFFF000  }
0xec: {  	_ =	swait.ge [sflag:s28], $0x1000  }
0xed: {  	[sflag:s28] =	ssyncset.done $0x0  }
0xee: {  	[sflag:s28] =	ssyncadd.s32 $0xFFFFF000  }
0xef: {  	_ =	swait.ge [sflag:s30], $0x1000  }
0xf0: {  	s13 =	rddreg [dreg:$0xc]  }
0xf1: {  	s5 =	sadd.s32 $0x1, s13  }
0xf2: {  	p0 =	sne.s32 s5, $0x5  }
.Ltmp1:
0xf3: {  	_ = 	snop;
	(pc) =	sbr.rel @p0 .LBB2_2-.Ltmp1, $3  }
0xf4: {  	_ =	sdelay $0x1  }
0xf5: {  	[sflag:s30] =	ssyncset.done $0x0  }
0xf6: {  	[sflag:s30] =	ssyncadd.s32 $0xFFFFF000  }
0xf7: {  	[bflag:$0x0] =	sbarrier.arrive $0xFFFF  }
0xf8: {  	s6 =	rddreg [dreg:$0x7]  }
0xf9: {  	s5 =	rddreg [dreg:$0x9]  }
0xfa: {  	s13 =	rddreg [dreg:$0xb]  }
0xfb: {  	[hbm:s5], [sflag:s6] =	dma.local [spmem:s13], $0x2800  }
0xfc: {  	s5 =	simm.s32 $0x11  }
0xfd: {  	_ =	swait.ge [sflag:s5], $0x2800  }
0xfe: {  	s9 =	rddreg [dreg:$0x3]  }
0xff: {  	[sflag:s5] =	ssyncset.done $0x0;
	s5 =	rddreg [dreg:$0xa];
	s9 =	sadd.s32 $0x1, s9  }
0x100: {  	p0 =	sne.s32 s9, s5  }
.Ltmp2:
0x101: {  	_ = 	snop;
	(pc) =	sbr.rel @p0 .LBB2_1-.Ltmp2, $3  }
0x102: {  	_ =	sdelay $0x1  }
0x103: {  	s5 =	simm.s32 $0x11  }
0x104: {  	[sflag:s5] =	ssyncadd.s32 $0xFFFFD800  }
0x105: {  	_ =	sfence.sel $0x180000  }
0x106: {  	[bflag:$0x0] =	sbarrier.arrive $0xFFFF  }
0x107: {  	_ =	strace $0x9000004D  }
0x108: {  	s0 =	stileid.u32;
	[bflag:$0x2] =	sbarrier.arrive $0xFFFF  }
0x109: {  	p0 =	sne.s32 s0, $0x0;
	s0 =	rddreg [dreg:$0x2]  }
0x10a: {  	s0 =	sadd.s32 @!p0 $0x100000, s0  }
0x10b: {  	[sflag:s0] =	ssyncadd.tile.s32 @!p0 $0x1;
	_ =	shalt  }
.Lfunc_end2:
_tile_overlayer_lowered:
.L_overlay_start_2:
0x10c: {  	(tag) =	ssettag $0x2  }
0x10d: {  	s0 =	rddreg [dreg:$0x0];
	s2 =	stileid.u32  }
0x10e: {  	s1 =	rddreg [dreg:$0x1];
	p0 =	sne.s32 s2, $0x0  }
0x10f: {  	s3 =	rddreg [dreg:$0x2];
	[bflag:$0x3] =	sbarrier.arrive $0xFFFF;
	s2 =	simm.s32 @!p0 $0x1C11  }
0x110: {  	[timem:s3], [sflag:s2] =	dma.local @!p0 [hbm:s0], s1  }
0x111: {  	s0 =	simm.s32 @!p0 $0x11  }
0x112: {  	_ =	swait.ge @!p0 [sflag:s0], s1  }
0x113: {  	s1 =	ssub.s32 @!p0 $0x0, s1;
	[sflag:s0] =	ssyncset.done @!p0 $0x0  }
0x114: {  	[sflag:s0] =	ssyncadd.s32 @!p0 s1  }
0x115: {  	[bflag:$0x3] =	sbarrier.arrive $0xFFFF  }
0x116: {  	_ =	shalt  }

// kernel: kernel.19.cloned.1.call-start
scs
__scs_entry_jumppad:
0x0: {  	(pc) =	sbr.rel $0x88, $3  }
0x1: {  	(tag) =	ssettag $0x0;
	lr =	simm.s32 $0x1  }
0x2: {  	[smem:$0x3F96] =	sst lr;
	_ =	strace $0xD0000000  }
0x3: {  	_ = 	snop  }
0x4: {  	_ = 	snop  }
0x5: {  	_ = 	snop  }
0x6: {  	_ = 	snop  }
0x7: {  	_ = 	snop  }
__scs_overlays_trampoline_lowered:
0x8: {  	[smem:$0x3FA5] =	sst s0  }
0x9: {  	[smem:$0x3FA6] =	sst s1  }
0xa: {  	[smem:$0x3FA7] =	sst s2  }
0xb: {  	[smem:$0x3FA8] =	sst s3  }
0xc: {  	[smem:$0x3FA9] =	sst s4  }
0xd: {  	[smem:$0x3FAA] =	sst s5  }
0xe: {  	[smem:$0x3FAB] =	sst s6  }
0xf: {  	[smem:$0x3FAC] =	sst s7  }
0x10: {  	[smem:$0x3FAD] =	sst s8  }
0x11: {  	[smem:$0x3FAE] =	sst s9;
	s0 =	simm.s32 @!p0 $0x0  }
0x12: {  	s1 =	sld [smem:$0x3F94];
	s0 =	simm.s32 @p0 $0x1  }
0x13: {  	[smem:$0x3FAF] =	sst s0;
	s0 =	simm.s32 @!p1 $0x0  }
0x14: {  	s2 =	sld [smem:$0x3F93];
	s0 =	simm.s32 @p1 $0x1  }
0x15: {  	[smem:$0x3FB0] =	sst s0;
	s0 =	simm.s32 @!p2 $0x0  }
0x16: {  	s3 =	sld [smem:$0x3FDB];
	s0 =	simm.s32 @p2 $0x1  }
0x17: {  	s4 =	simm.s32 $0x1BF5;
	[smem:$0x3FB2] =	sst s0  }
0x18: {  	s0 =	sld [smem:$0x3F95];
	_ =	swait.ge [sflag:s4], $0x0  }
0x19: {  	s7 =	sld [smem:$0x3F96]  }
0x1a: {  	s8 =	sadd.s32 $0xFFFFE003, lr  }
0x1b: {  	s9 =	sadd.s32 $0xFFFFFEF7, lr;
	s5 =	simm.s32 $0xFFFFFFFF;
	p2 =	slt.u32 s8, $0xFFFFF086  }
0x1c: {  	p1 =	slt.u32 s9, $0xF7A;
	s5 =	simm.s32 @!p2 $0x0  }
0x1d: {  	s5 =	simm.s32 @p1 $0x1;
	p0 =	seq.s32 s7, s2  }
0x1e: {  	s7 =	smul.u32 @!p0 $0xF7A, s2;
	p2 =	seq.s32 @!p0 s5, $0x0  }
0x1f: {  	s9 =	smul.u32 $0xF7A, s1;
	s8 =	simm.s32 @!p0 $0x1BF5;
	p2 =	por !p2, p0  }
0x20: {  	[sflag:s8] =	ssyncset.s32 @!p0 $0xFFFFF086;
	s6 =	sadd.s32 @!p0 s3, s7;
	s7 =	simm.s32 @!p0 $0x108  }
0x21: {  	s3 =	sadd.s32 s3, s9;
	s6 =	sadd.s32 @!p0 $0x88, s6;
	s7 =	simm.s32 @p2 $0x1082  }
0x22: {  	[simem:s7], [sflag:s8] =	dma.local @!p0 [hbm:s6], $0xF7A  }
0x23: {  	s9 =	sor.u32 $0xD0000000, s2;
	s6 =	simm.s32 $0x108;
	_ =	swait.ge @!p0 [sflag:s8], $0x0  }
0x24: {  	s3 =	sadd.s32 $0x88, s3;
	s6 =	simm.s32 @!p1 $0x1082;
	[sflag:s4] =	ssyncset.s32 $0xFFFFF086  }
0x25: {  	[simem:s6], [sflag:s4] =	dma.local [hbm:s3], $0xF7A  }
0x26: {  	[smem:$0x3F96] =	sst s1;
	(tag) =	ssettag s2;
	_ =	strace s9  }
0x27: {  	s1 =	sld [smem:$0x3FA6]  }
0x28: {  	s2 =	sld [smem:$0x3FA7]  }
0x29: {  	s4 =	sld [smem:$0x3FA9]  }
0x2a: {  	p0 =	seq.s32 s5, $0x0;
	s5 =	sld [smem:$0x3FAA]  }
0x2b: {  	s6 =	sld [smem:$0x3FAB]  }
0x2c: {  	s7 =	sld [smem:$0x3FAC]  }
0x2d: {  	s3 =	simm.s32 $0x108;
	s8 =	sld [smem:$0x3FAD]  }
0x2e: {  	s3 =	simm.s32 @!p0 $0x1082;
	s9 =	sld [smem:$0x3FAE]  }
0x2f: {  	lr =	sadd.s32 s0, s3;
	s0 =	sld [smem:$0x3FA5]  }
0x30: {  	s3 =	sld [smem:$0x3FA8]  }
0x31: {  	[smem:$0x3FB1] =	sst s10  }
0x32: {  	s10 =	sld [smem:$0x3FAF];
	_ =	sdelay $0x3  }
0x33: {  	p0 =	seq.s32 s10, $0x1;
	s10 =	sld [smem:$0x3FB1];
	_ =	sdelay $0x3  }
0x34: {  	[smem:$0x3FB1] =	sst s10  }
0x35: {  	s10 =	sld [smem:$0x3FB0];
	_ =	sdelay $0x3  }
0x36: {  	p1 =	seq.s32 s10, $0x1;
	s10 =	sld [smem:$0x3FB1];
	_ =	sdelay $0x3  }
0x37: {  	[smem:$0x3FB1] =	sst s10  }
0x38: {  	s10 =	sld [smem:$0x3FB2]  }
0x39: {  	_ = 	snop;
	(pc) =	sbr.ind lr, $3  }
0x3a: {  	_ = 	snop  }
0x3b: {  	_ = 	snop  }
0x3c: {  	p2 =	seq.s32 s10, $0x1;
	s10 =	sld [smem:$0x3FB1]  }
0x3d: {  	_ =	shalt  }
0x3e: {  	_ =	shalt  }
0x3f: {  	_ =	shalt  }
0x40: {  	_ =	shalt  }
0x41: {  	_ =	shalt  }
0x42: {  	_ =	shalt  }
0x43: {  	_ =	shalt  }
0x44: {  	_ =	shalt  }
0x45: {  	_ =	shalt  }
0x46: {  	_ =	shalt  }
0x47: {  	_ =	shalt  }
0x48: {  	_ =	shalt  }
0x49: {  	_ =	shalt  }
0x4a: {  	_ =	shalt  }
0x4b: {  	_ =	shalt  }
0x4c: {  	_ =	shalt  }
0x4d: {  	_ =	shalt  }
0x4e: {  	_ =	shalt  }
0x4f: {  	_ =	shalt  }
0x50: {  	_ =	shalt  }
0x51: {  	_ =	shalt  }
0x52: {  	_ =	shalt  }
0x53: {  	_ =	shalt  }
0x54: {  	_ =	shalt  }
0x55: {  	_ =	shalt  }
0x56: {  	_ =	shalt  }
0x57: {  	_ =	shalt  }
0x58: {  	_ =	shalt  }
0x59: {  	_ =	shalt  }
0x5a: {  	_ =	shalt  }
0x5b: {  	_ =	shalt  }
0x5c: {  	_ =	shalt  }
0x5d: {  	_ =	shalt  }
0x5e: {  	_ =	shalt  }
0x5f: {  	_ =	shalt  }
0x60: {  	_ =	shalt  }
0x61: {  	_ =	shalt  }
0x62: {  	_ =	shalt  }
0x63: {  	_ =	shalt  }
0x64: {  	_ =	shalt  }
0x65: {  	_ =	shalt  }
0x66: {  	_ =	shalt  }
0x67: {  	_ =	shalt  }
0x68: {  	_ =	shalt  }
0x69: {  	_ =	shalt  }
0x6a: {  	_ =	shalt  }
0x6b: {  	_ =	shalt  }
0x6c: {  	_ =	shalt  }
0x6d: {  	_ =	shalt  }
0x6e: {  	_ =	shalt  }
0x6f: {  	_ =	shalt  }
0x70: {  	_ =	shalt  }
0x71: {  	_ =	shalt  }
0x72: {  	_ =	shalt  }
0x73: {  	_ =	shalt  }
0x74: {  	_ =	shalt  }
0x75: {  	_ =	shalt  }
0x76: {  	_ =	shalt  }
0x77: {  	_ =	shalt  }
0x78: {  	_ =	shalt  }
0x79: {  	_ =	shalt  }
0x7a: {  	_ =	shalt  }
0x7b: {  	_ =	shalt  }
0x7c: {  	_ =	shalt  }
0x7d: {  	_ =	shalt  }
0x7e: {  	_ =	shalt  }
0x7f: {  	_ =	shalt  }
0x80: {  	_ =	shalt  }
0x81: {  	_ =	shalt  }
0x82: {  	_ =	shalt  }
0x83: {  	_ =	shalt  }
0x84: {  	_ =	shalt  }
0x85: {  	_ =	shalt  }
0x86: {  	_ =	shalt  }
0x87: {  	_ =	shalt  }
.Lfunc_end0:
.L_simem_size_0:
called_computation.3_lowered:
.L_overlay_start_0:
0x88: {  	s2 =	sld [smem:$0x3FD9]  }
0x89: {  	s3 =	sld [smem:$0x3FFE];
	_ =	sdelay $0x1  }
0x8a: {  	s1 =	srdreg.scid  }
0x8b: {  	s0 =	sand.u32 $0x1, s1  }
0x8c: {  	s16 =	sshll.u32 s0, $0xA;
	s2 =	sadd.s32 s3, s2  }
0x8d: {  	s2 =	sadd.s32 s2, s16  }
0x8e: {  	[smem:$0x3FBD] =	sst s2  }
0x8f: {  	_ = 	snop  }
0x90: {  	(tm) =	ssettm $0x1  }
0x91: {  	s17 =	sld [smem:$0x3FFB];
	_ =	sdelay $0x3  }
0x92: {  	_ =	strace s17  }
0x93: {  	s2 =	sld [smem:$0x3FFC];
	_ =	sdelay $0x3  }
0x94: {  	_ =	strace s2  }
0x95: {  	s2 =	sld [smem:$0x3FFD];
	_ =	sdelay $0x3  }
0x96: {  	_ =	strace s2  }
0x97: {  	_ =	strace $0x8FFFFFFF  }
0x98: {  	s18 =	sld [smem:$0x3FDB];
	_ =	sdelay $0x1  }
0x99: {  	s19 =	simm.s32 $_scs_section_size  }
0x9a: {  	s4 =	simm.s32 $_size__tile_overlayer_lowered;
	s5 =	simm.s32 $_tile_overlayer_lowered  }
0x9b: {  	s22 =	simm.s32 $0x1BFF;
	s21 =	sshll.u32 s5, $0x1;
	s2 =	sadd.s32 s19, s18  }
0x9c: {  	s6 =	simm.s32 $0x0;
	s20 =	sshll.u32 s4, $0x1;
	s4 =	sadd.s32 s21, s2  }
0x9d: {  	[timem:s6], [sflag:s22] =	dma.local [hbm:s4], s20  }
0x9e: {  	_ =	swait.ge [sflag:s22], s20  }
0x9f: {  	s3 =	ssub.s32 $0x0, s20;
	[sflag:s22] =	ssyncset.done $0x0  }
0xa0: {  	[sflag:s22] =	ssyncadd.s32 s3;
	_ =	sdelay $0x1  }
0xa1: {  	s23 =	simm.s32 $0x1B8B  }
0xa2: {  	_ =	swait.ge [sflag:s23], $0x1  }
0xa3: {  	[sflag:s23] =	ssyncset.done $0x0  }
0xa4: {  	s25 =	simm.s32 $0x1B8E;
	s24 =	sld [smem:$0x3FFE];
	[sflag:s23] =	ssyncadd.s32 $0xFFFFFFFF  }
0xa5: {  	s26 =	simm.s32 $execute0_lowered;
	[smem:$0x3FD2] =	sst s25  }
0xa6: {  	s4 =	sshll.u32 s26, $0x1;
	_ =	strace $0x8000004F;
	[dreg:$0x1] =	wrdreg $0xFFFFFFFF  }
0xa7: {  	s28 =	simm.s32 $_size_execute0_lowered;
	s2 =	sadd.s32 s2, s4;
	[dreg:$0x0] =	wrdreg $0x0  }
0xa8: {  	s4 =	sshll.u32 s28, $0x1;
	[dreg:$0x2] =	wrdreg s2  }
0xa9: {  	[dreg:$0x3] =	wrdreg s4  }
0xaa: {  	[dreg:$0x4] =	wrdreg $0xC0  }
0xab: {  	_ =	task [dreg:s6], $0x5FFFF  }
0xac: {  	[dreg:$0x1] =	wrdreg $0xFFFFFFFF  }
0xad: {  	[dreg:$0x0] =	wrdreg $0x60  }
0xae: {  	[dreg:$0x2] =	wrdreg s24  }
0xaf: {  	[dreg:$0x3] =	wrdreg $0xC0000  }
0xb0: {  	[dreg:$0x4] =	wrdreg $0x9  }
0xb1: {  	_ =	task.clear_ibuf [dreg:s6], $0x5FFFF;
	_ =	strace $0x9000004F  }
0xb2: {  	s29 =	simm.s32 $0x9;
	_ =	strace $0x80000051  }
0xb3: {  	_ =	swait.ge [sflag:s29], $0x1  }
0xb4: {  	[sflag:s29] =	ssyncadd.s32 $0xFFFFFFFF  }
0xb5: {  	_ =	strace $0x90000051  }
0xb6: {  	_ =	sfence  }
0xb7: {  	s30 =	sld [smem:$0x0];
	_ =	sdelay $0x2  }
0xb8: {  	s31 =	sshll.u32 s1, $0xD;
	s1 =	sshrl.u32 s1, $0x2  }
0xb9: {  	s3 =	sand.u32 $0x4000, s31;
	s1 =	sadd.s32 s1, s30  }
0xba: {  	s0 =	sor.u32 s3, s0;
	s1 =	sshll.u32 s1, $0x11  }
0xbb: {  	s0 =	sor.u32 s1, s0  }
0xbc: {  	s0 =	sadd.s32 $0x8F2B, s0  }
0xbd: {  	[sflag:s0] =	ssyncadd.remote.s32 $0x1  }
0xbe: {  	_ =	sfence.sel $0xFFFF  }
0xbf: {  	[dreg:$0x0] =	wrdreg $0xFFFFFFFF;
	(pc) =	sbr.abs _section_cstart, $3  }
0xc0: {  	[dreg:$0x1] =	wrdreg $0xFFFFFFFF  }
0xc1: {  	_ =	task.clear_ibuf [dreg:s6], $0x2FFFF;
	_ =	strace $0x9FFFFFFF  }
0xc2: {  	(tm) =	ssettm $0x7FFFFFFF  }
0xc3: {  	_ =	shalt  }
tec
execute0_lowered:
.L_overlay_start_1:
0x0: {  	(tag) =	ssettag $0x1  }
0x1: {  	s0 =	rddreg [dreg:$0x0]  }
0x2: {  	s1 =	rddreg [dreg:$0x1];
	s9 =	simm.s32 $0x0;
	s2 =	srdreg.scid  }
0x3: {  	s8 =	stileid.u32;
	s15 =	simm.s32 $0x20;
	s16 =	simm.s32 $0x4000  }
0x4: {  	s29 =	simm.s32 $0xA000;
	s31 =	simm.s32 $0xB000;
	s10 =	simm.s32 $0x4  }
0x5: {  	s11 =	simm.s32 $0x5;
	s12 =	simm.s32 $0x7;
	s14 =	simm.s32 $0x9  }
0x6: {  	s17 =	simm.s32 $0xA;
	s28 =	simm.s32 $0xF;
	s30 =	simm.s32 $0x10  }
0x7: {  	[smem:$0x7FF] =	sst s9;
	s2 =	sand.u32 $0x1, s2;
	s5 =	smul.u32 $0x14000, s8  }
0x8: {  	s4 =	sadd.s32 $0x12200, s0;
	s6 =	sadd.s32 $0xB2A00, s0;
	s18 =	sadd.s32 $0x8AA00, s0  }
0x9: {  	s19 =	sadd.s32 $0xFA00, s0;
	s7 =	smul.u32 $0x50000, s8;
	s23 =	sshll.u32 s8, $0x1  }
0xa: {  	s25 =	sshll.u32 s8, $0x6;
	_ =	strace $0x80000050;
	[dreg:$0x4] =	wrdreg s6  }
0xb: {  	s8 =	simm.s32 $0x6;
	s3 =	smul.u32 $0x140000, s2;
	[dreg:$0x5] =	wrdreg s18  }
0xc: {  	[dreg:$0x6] =	wrdreg s19;
	s20 =	ssub.s32 $0x2, s2;
	s2 =	sor.u32 s2, s23  }
0xd: {  	s6 =	sor.u32 $0x1C11, s25;
	s18 =	simm.s32 $0x5000;
	s19 =	simm.s32 $0xB  }
0xe: {  	s23 =	simm.s32 $0xD;
	s25 =	simm.s32 $0xE;
	s21 =	sshrl.u32 s20, $0x1  }
0xf: {  	s24 =	sshrl.u32 s7, $0x2;
	s2 =	smul.u32 $0xA000, s2;
	s7 =	simm.s32 $0x3  }
0x10: {  	[dreg:$0x7] =	wrdreg s6;
	s3 =	sadd.s32 s5, s3;
	s22 =	ssub.s32 s20, s21  }
0x11: {  	s5 =	sadd.s32 s24, s1;
	s20 =	simm.s32 $0x6000;
	s24 =	simm.s32 $0x8000  }
0x12: {  	s21 =	simm.s32 $0xC;
	s3 =	sshrl.u32 s3, $0x3;
	[dreg:$0x8] =	wrdreg s2  }
0x13: {  	s26 =	smax.u32 s22, $0x1;
	s13 =	sshrl.u32 s5, $0x3;
	s22 =	simm.s32 $0x7000  }
0x14: {  	s2 =	simm.s32 $0x2;
	s0 =	sadd.s32 s3, s0;
	[dreg:$0xa] =	wrdreg s26  }
0x15: {  	s26 =	simm.s32 $0x9000;
	[dreg:$0xb] =	wrdreg s13;
	s0 =	sadd.s32 $0xDAA00, s0  }
0x16: {  	s3 =	simm.s32 $0x8;
	[dreg:$0x9] =	wrdreg s0;
	s0 =	simm.s32 $0x1  }
.LBB2_1:
0x17: {  	[dreg:$0x3] =	wrdreg s9  }
0x18: {  	s9 =	simm.s32 $0x11;
	s5 =	rddreg [dreg:$0x6]  }
0x19: {  	[spmem:s13], [sflag:s6] =	dma.local [hbm:s5], $0x2800  }
0x1a: {  	_ =	swait.ge [sflag:s9], $0x2800  }
0x1b: {  	[sflag:s9] =	ssyncset.done $0x0  }
0x1c: {  	[sflag:s9] =	ssyncadd.s32 $0xFFFFD800  }
0x1d: {  	s5 =	simm.s32 $0x0;
	[bflag:$0x0] =	sbarrier.arrive $0xFFFF  }
.LBB2_2:
0x1e: {  	s6 =	sshll.u32 s5, $0xD;
	s9 =	rddreg [dreg:$0x8]  }
0x1f: {  	[dreg:$0xc] =	wrdreg s5;
	s6 =	sadd.s32 s9, s6  }
0x20: {  	s5 =	rddreg [dreg:$0x4];
	s6 =	sshrl.u32 s6, $0x3  }
0x21: {  	s13 =	simm.s32 $0x0;
	s9 =	sadd.s32 s5, s6;
	s5 =	simm.s32 $0x11  }
0x22: {  	[tilespmem:s13], [sflag:$0x11] =	stream.linear.gather [hbm4b:s9+s13], $0x2000, $0x38;
	v63 =	vld [tilespmem:$0x0]  }
0x23: {  	_ =	swait.ge [sflag:s5], $0x2000  }
0x24: {  	[sflag:s5] =	ssyncset.done $0x0;
	s9 =	rddreg [dreg:$0x5]  }
0x25: {  	[sflag:s5] =	ssyncadd.s32 $0xFFFFE000;
	s6 =	sadd.s32 s9, s6;
	s9 =	simm.s32 $0x2000  }
0x26: {  	[tilespmem:s9], [sflag:$0x11] =	stream.linear.gather [hbm4b:s6+s13], $0x2000, $0x38;
	v63 =	vld [tilespmem:$0x0]  }
0x27: {  	_ =	swait.ge [sflag:s5], $0x2000  }
0x28: {  	[sflag:s5] =	ssyncset.done $0x0  }
0x29: {  	[sflag:s5] =	ssyncadd.s32 $0xFFFFE000  }
0x2a: {  	[tilespmem:s16], [sflag:$0x1] =	stream.indirect.gather [hbm4b:s4+s15], $0x80, s13, s15, $0xb8;
	v63 =	vld [tilespmem:$0x0]  }
0x2b: {  	s13 =	simm.s32 $0x80  }
0x2c: {  	[tilespmem:s18], [sflag:$0x2] =	stream.indirect.gather [hbm4b:s4+s15], $0x80, s13, s15, $0xb8;
	v63 =	vld [tilespmem:$0x0]  }
0x2d: {  	s6 =	simm.s32 $0x100  }
0x2e: {  	[tilespmem:s20], [sflag:$0x3] =	stream.indirect.gather [hbm4b:s4+s15], $0x80, s6, s15, $0xb8;
	v63 =	vld [tilespmem:$0x0]  }
0x2f: {  	s9 =	simm.s32 $0x180  }
0x30: {  	[tilespmem:s22], [sflag:$0x4] =	stream.indirect.gather [hbm4b:s4+s15], $0x80, s9, s15, $0xb8;
	v63 =	vld [tilespmem:$0x0]  }
0x31: {  	s13 =	simm.s32 $0x200  }
0x32: {  	[tilespmem:s24], [sflag:$0x5] =	stream.indirect.gather [hbm4b:s4+s15], $0x80, s13, s15, $0xb8;
	v63 =	vld [tilespmem:$0x0]  }
0x33: {  	s6 =	simm.s32 $0x280  }
0x34: {  	[tilespmem:s26], [sflag:$0x6] =	stream.indirect.gather [hbm4b:s4+s15], $0x80, s6, s15, $0xb8;
	v63 =	vld [tilespmem:$0x0]  }
0x35: {  	s9 =	simm.s32 $0x300  }
0x36: {  	[tilespmem:s29], [sflag:$0x7] =	stream.indirect.gather [hbm4b:s4+s15], $0x80, s9, s15, $0xb8;
	v63 =	vld [tilespmem:$0x0]  }
0x37: {  	s13 =	simm.s32 $0x380  }
0x38: {  	[tilespmem:s31], [sflag:$0x8] =	stream.indirect.gather [hbm4b:s4+s15], $0x80, s13, s15, $0xb8;
	v63 =	vld [tilespmem:$0x0]  }
0x39: {  	_ =	swait.ge [sflag:s0], $0x1000  }
0x3a: {  	[sflag:s0] =	ssyncset.done $0x0  }
0x3b: {  	s5 =	simm.s32 $0x2000;
	[sflag:s0] =	ssyncadd.s32 $0xFFFFF000  }
0x3c: {  	[spmem:s1] =	stream.indirect.scatter.add.f32 [tilespmem:s16], [sflag:$0x9], $0x80, s5, s15, $0xb8;
	v63 =	vld [tilespmem:$0x0]  }
0x3d: {  	_ =	swait.ge [sflag:s2], $0x1000  }
0x3e: {  	[sflag:s2] =	ssyncset.done $0x0  }
0x3f: {  	s9 =	simm.s32 $0x2080;
	[sflag:s2] =	ssyncadd.s32 $0xFFFFF000  }
0x40: {  	[spmem:s1] =	stream.indirect.scatter.add.f32 [tilespmem:s18], [sflag:$0xA], $0x80, s9, s15, $0xb8;
	v63 =	vld [tilespmem:$0x0]  }
0x41: {  	_ =	swait.ge [sflag:s7], $0x1000  }
0x42: {  	[sflag:s7] =	ssyncset.done $0x0  }
0x43: {  	s13 =	simm.s32 $0x2100;
	[sflag:s7] =	ssyncadd.s32 $0xFFFFF000  }
0x44: {  	[spmem:s1] =	stream.indirect.scatter.add.f32 [tilespmem:s20], [sflag:$0xB], $0x80, s13, s15, $0xb8;
	v63 =	vld [tilespmem:$0x0]  }
0x45: {  	_ =	swait.ge [sflag:s10], $0x1000  }
0x46: {  	[sflag:s10] =	ssyncset.done $0x0  }
0x47: {  	s5 =	simm.s32 $0x2180;
	[sflag:s10] =	ssyncadd.s32 $0xFFFFF000  }
0x48: {  	[spmem:s1] =	stream.indirect.scatter.add.f32 [tilespmem:s22], [sflag:$0xC], $0x80, s5, s15, $0xb8;
	v63 =	vld [tilespmem:$0x0]  }
0x49: {  	_ =	swait.ge [sflag:s11], $0x1000  }
0x4a: {  	[sflag:s11] =	ssyncset.done $0x0  }
0x4b: {  	s9 =	simm.s32 $0x2200;
	[sflag:s11] =	ssyncadd.s32 $0xFFFFF000  }
0x4c: {  	[spmem:s1] =	stream.indirect.scatter.add.f32 [tilespmem:s24], [sflag:$0xD], $0x80, s9, s15, $0xb8;
	v63 =	vld [tilespmem:$0x0]  }
0x4d: {  	_ =	swait.ge [sflag:s8], $0x1000  }
0x4e: {  	[sflag:s8] =	ssyncset.done $0x0  }
0x4f: {  	s13 =	simm.s32 $0x2280;
	[sflag:s8] =	ssyncadd.s32 $0xFFFFF000  }
0x50: {  	[spmem:s1] =	stream.indirect.scatter.add.f32 [tilespmem:s26], [sflag:$0xE], $0x80, s13, s15, $0xb8;
	v63 =	vld [tilespmem:$0x0]  }
0x51: {  	_ =	swait.ge [sflag:s12], $0x1000  }
0x52: {  	[sflag:s12] =	ssyncset.done $0x0  }
0x53: {  	s5 =	simm.s32 $0x2300;
	[sflag:s12] =	ssyncadd.s32 $0xFFFFF000  }
0x54: {  	[spmem:s1] =	stream.indirect.scatter.add.f32 [tilespmem:s29], [sflag:$0xF], $0x80, s5, s15, $0xb8;
	v63 =	vld [tilespmem:$0x0]  }
0x55: {  	_ =	swait.ge [sflag:s3], $0x1000  }
0x56: {  	[sflag:s3] =	ssyncset.done $0x0  }
0x57: {  	s9 =	simm.s32 $0x2380;
	[sflag:s3] =	ssyncadd.s32 $0xFFFFF000  }
0x58: {  	[spmem:s1] =	stream.indirect.scatter.add.f32 [tilespmem:s31], [sflag:$0x10], $0x80, s9, s15, $0xb8;
	v63 =	vld [tilespmem:$0x0]  }
0x59: {  	_ =	swait.ge [sflag:s14], $0x1000  }
0x5a: {  	[sflag:s14] =	ssyncset.done $0x0  }
0x5b: {  	s13 =	simm.s32 $0x400;
	[sflag:s14] =	ssyncadd.s32 $0xFFFFF000  }
0x5c: {  	[tilespmem:s16], [sflag:$0x1] =	stream.indirect.gather [hbm4b:s4+s15], $0x80, s13, s15, $0xb8;
	v63 =	vld [tilespmem:$0x0]  }
0x5d: {  	_ =	swait.ge [sflag:s17], $0x1000  }
0x5e: {  	[sflag:s17] =	ssyncset.done $0x0  }
0x5f: {  	s5 =	simm.s32 $0x480;
	[sflag:s17] =	ssyncadd.s32 $0xFFFFF000  }
0x60: {  	[tilespmem:s18], [sflag:$0x2] =	stream.indirect.gather [hbm4b:s4+s15], $0x80, s5, s15, $0xb8;
	v63 =	vld [tilespmem:$0x0]  }
0x61: {  	_ =	swait.ge [sflag:s19], $0x1000  }
0x62: {  	[sflag:s19] =	ssyncset.done $0x0  }
0x63: {  	s9 =	simm.s32 $0x500;
	[sflag:s19] =	ssyncadd.s32 $0xFFFFF000  }
0x64: {  	[tilespmem:s20], [sflag:$0x3] =	stream.indirect.gather [hbm4b:s4+s15], $0x80, s9, s15, $0xb8;
	v63 =	vld [tilespmem:$0x0]  }
0x65: {  	_ =	swait.ge [sflag:s21], $0x1000  }
0x66: {  	[sflag:s21] =	ssyncset.done $0x0  }
0x67: {  	s13 =	simm.s32 $0x580;
	[sflag:s21] =	ssyncadd.s32 $0xFFFFF000  }
0x68: {  	[tilespmem:s22], [sflag:$0x4] =	stream.indirect.gather [hbm4b:s4+s15], $0x80, s13, s15, $0xb8;
	v63 =	vld [tilespmem:$0x0]  }
0x69: {  	_ =	swait.ge [sflag:s23], $0x1000  }
0x6a: {  	[sflag:s23] =	ssyncset.done $0x0  }
0x6b: {  	s5 =	simm.s32 $0x600;
	[sflag:s23] =	ssyncadd.s32 $0xFFFFF000  }
0x6c: {  	[tilespmem:s24], [sflag:$0x5] =	stream.indirect.gather [hbm4b:s4+s15], $0x80, s5, s15, $0xb8;
	v63 =	vld [tilespmem:$0x0]  }
0x6d: {  	_ =	swait.ge [sflag:s25], $0x1000  }
0x6e: {  	[sflag:s25] =	ssyncset.done $0x0  }
0x6f: {  	s9 =	simm.s32 $0x680;
	[sflag:s25] =	ssyncadd.s32 $0xFFFFF000  }
0x70: {  	[tilespmem:s26], [sflag:$0x6] =	stream.indirect.gather [hbm4b:s4+s15], $0x80, s9, s15, $0xb8;
	v63 =	vld [tilespmem:$0x0]  }
0x71: {  	_ =	swait.ge [sflag:s28], $0x1000  }
0x72: {  	[sflag:s28] =	ssyncset.done $0x0  }
0x73: {  	s13 =	simm.s32 $0x700;
	[sflag:s28] =	ssyncadd.s32 $0xFFFFF000  }
0x74: {  	[tilespmem:s29], [sflag:$0x7] =	stream.indirect.gather [hbm4b:s4+s15], $0x80, s13, s15, $0xb8;
	v63 =	vld [tilespmem:$0x0]  }
0x75: {  	_ =	swait.ge [sflag:s30], $0x1000  }
0x76: {  	[sflag:s30] =	ssyncset.done $0x0  }
0x77: {  	s6 =	simm.s32 $0x1000;
	s9 =	simm.s32 $0x780;
	[sflag:s30] =	ssyncadd.s32 $0xFFFFF000  }
.LBB2_3:
0x78: {  	[tilespmem:s31], [sflag:$0x8] =	stream.indirect.gather [hbm4b:s4+s15], $0x80, s9, s15, $0xb8;
	v63 =	vld [tilespmem:$0x0]  }
0x79: {  	s9 =	smov.u32 s6  }
0x7a: {  	p0 =	sne.s32 s6, $0x6000;
	s6 =	sadd.s32 $0x1000, s6;
	_ =	swait.ge [sflag:s0], $0x1000  }
0x7b: {  	s9 =	sshra.s32 s9, $0x2;
	[sflag:s0] =	ssyncset.done $0x0  }
0x7c: {  	s13 =	sadd.s32 $0x2000, s9;
	[sflag:s0] =	ssyncadd.s32 $0xFFFFF000  }
0x7d: {  	[spmem:s1] =	stream.indirect.scatter.add.f32 [tilespmem:s16], [sflag:$0x9], $0x80, s13, s15, $0xb8;
	v63 =	vld [tilespmem:$0x0]  }
0x7e: {  	_ =	swait.ge [sflag:s2], $0x1000  }
0x7f: {  	[sflag:s2] =	ssyncset.done $0x0  }
0x80: {  	s13 =	sadd.s32 $0x2080, s9;
	[sflag:s2] =	ssyncadd.s32 $0xFFFFF000  }
0x81: {  	[spmem:s1] =	stream.indirect.scatter.add.f32 [tilespmem:s18], [sflag:$0xA], $0x80, s13, s15, $0xb8;
	v63 =	vld [tilespmem:$0x0]  }
0x82: {  	_ =	swait.ge [sflag:s7], $0x1000  }
0x83: {  	[sflag:s7] =	ssyncset.done $0x0  }
0x84: {  	s13 =	sadd.s32 $0x2100, s9;
	[sflag:s7] =	ssyncadd.s32 $0xFFFFF000  }
0x85: {  	[spmem:s1] =	stream.indirect.scatter.add.f32 [tilespmem:s20], [sflag:$0xB], $0x80, s13, s15, $0xb8;
	v63 =	vld [tilespmem:$0x0]  }
0x86: {  	_ =	swait.ge [sflag:s10], $0x1000  }
0x87: {  	[sflag:s10] =	ssyncset.done $0x0  }
0x88: {  	s13 =	sadd.s32 $0x2180, s9;
	[sflag:s10] =	ssyncadd.s32 $0xFFFFF000  }
0x89: {  	[spmem:s1] =	stream.indirect.scatter.add.f32 [tilespmem:s22], [sflag:$0xC], $0x80, s13, s15, $0xb8;
	v63 =	vld [tilespmem:$0x0]  }
0x8a: {  	_ =	swait.ge [sflag:s11], $0x1000  }
0x8b: {  	[sflag:s11] =	ssyncset.done $0x0  }
0x8c: {  	s13 =	sadd.s32 $0x2200, s9;
	[sflag:s11] =	ssyncadd.s32 $0xFFFFF000  }
0x8d: {  	[spmem:s1] =	stream.indirect.scatter.add.f32 [tilespmem:s24], [sflag:$0xD], $0x80, s13, s15, $0xb8;
	v63 =	vld [tilespmem:$0x0]  }
0x8e: {  	_ =	swait.ge [sflag:s8], $0x1000  }
0x8f: {  	[sflag:s8] =	ssyncset.done $0x0  }
0x90: {  	s13 =	sadd.s32 $0x2280, s9;
	[sflag:s8] =	ssyncadd.s32 $0xFFFFF000  }
0x91: {  	[spmem:s1] =	stream.indirect.scatter.add.f32 [tilespmem:s26], [sflag:$0xE], $0x80, s13, s15, $0xb8;
	v63 =	vld [tilespmem:$0x0]  }
0x92: {  	_ =	swait.ge [sflag:s12], $0x1000  }
0x93: {  	[sflag:s12] =	ssyncset.done $0x0  }
0x94: {  	s13 =	sadd.s32 $0x2300, s9;
	[sflag:s12] =	ssyncadd.s32 $0xFFFFF000  }
0x95: {  	[spmem:s1] =	stream.indirect.scatter.add.f32 [tilespmem:s29], [sflag:$0xF], $0x80, s13, s15, $0xb8;
	v63 =	vld [tilespmem:$0x0]  }
0x96: {  	_ =	swait.ge [sflag:s3], $0x1000  }
0x97: {  	[sflag:s3] =	ssyncset.done $0x0  }
0x98: {  	s13 =	sadd.s32 $0x2380, s9;
	[sflag:s3] =	ssyncadd.s32 $0xFFFFF000  }
0x99: {  	[spmem:s1] =	stream.indirect.scatter.add.f32 [tilespmem:s31], [sflag:$0x10], $0x80, s13, s15, $0xb8;
	v63 =	vld [tilespmem:$0x0]  }
0x9a: {  	_ =	swait.ge [sflag:s14], $0x1000  }
0x9b: {  	[sflag:s14] =	ssyncset.done $0x0  }
0x9c: {  	s13 =	sadd.s32 $0x400, s9;
	[sflag:s14] =	ssyncadd.s32 $0xFFFFF000  }
0x9d: {  	[tilespmem:s16], [sflag:$0x1] =	stream.indirect.gather [hbm4b:s4+s15], $0x80, s13, s15, $0xb8;
	v63 =	vld [tilespmem:$0x0]  }
0x9e: {  	_ =	swait.ge [sflag:s17], $0x1000  }
0x9f: {  	[sflag:s17] =	ssyncset.done $0x0  }
0xa0: {  	s13 =	sadd.s32 $0x480, s9;
	[sflag:s17] =	ssyncadd.s32 $0xFFFFF000  }
0xa1: {  	[tilespmem:s18], [sflag:$0x2] =	stream.indirect.gather [hbm4b:s4+s15], $0x80, s13, s15, $0xb8;
	v63 =	vld [tilespmem:$0x0]  }
0xa2: {  	_ =	swait.ge [sflag:s19], $0x1000  }
0xa3: {  	[sflag:s19] =	ssyncset.done $0x0  }
0xa4: {  	s13 =	sadd.s32 $0x500, s9;
	[sflag:s19] =	ssyncadd.s32 $0xFFFFF000  }
0xa5: {  	[tilespmem:s20], [sflag:$0x3] =	stream.indirect.gather [hbm4b:s4+s15], $0x80, s13, s15, $0xb8;
	v63 =	vld [tilespmem:$0x0]  }
0xa6: {  	_ =	swait.ge [sflag:s21], $0x1000  }
0xa7: {  	[sflag:s21] =	ssyncset.done $0x0  }
0xa8: {  	s13 =	sadd.s32 $0x580, s9;
	[sflag:s21] =	ssyncadd.s32 $0xFFFFF000  }
0xa9: {  	[tilespmem:s22], [sflag:$0x4] =	stream.indirect.gather [hbm4b:s4+s15], $0x80, s13, s15, $0xb8;
	v63 =	vld [tilespmem:$0x0]  }
0xaa: {  	_ =	swait.ge [sflag:s23], $0x1000  }
0xab: {  	[sflag:s23] =	ssyncset.done $0x0  }
0xac: {  	s13 =	sadd.s32 $0x600, s9;
	[sflag:s23] =	ssyncadd.s32 $0xFFFFF000  }
0xad: {  	[tilespmem:s24], [sflag:$0x5] =	stream.indirect.gather [hbm4b:s4+s15], $0x80, s13, s15, $0xb8;
	v63 =	vld [tilespmem:$0x0]  }
0xae: {  	_ =	swait.ge [sflag:s25], $0x1000  }
0xaf: {  	[sflag:s25] =	ssyncset.done $0x0  }
0xb0: {  	s13 =	sadd.s32 $0x680, s9;
	[sflag:s25] =	ssyncadd.s32 $0xFFFFF000  }
0xb1: {  	[tilespmem:s26], [sflag:$0x6] =	stream.indirect.gather [hbm4b:s4+s15], $0x80, s13, s15, $0xb8;
	v63 =	vld [tilespmem:$0x0]  }
0xb2: {  	_ =	swait.ge [sflag:s28], $0x1000  }
0xb3: {  	[sflag:s28] =	ssyncset.done $0x0  }
.Ltmp0:
0xb4: {  	s13 =	sadd.s32 $0x700, s9;
	[sflag:s28] =	ssyncadd.s32 $0xFFFFF000;
	(pc) =	sbr.rel @p0 .LBB2_3-.Ltmp0, $4  }
0xb5: {  	[tilespmem:s29], [sflag:$0x7] =	stream.indirect.gather [hbm4b:s4+s15], $0x80, s13, s15, $0xb8;
	v63 =	vld [tilespmem:$0x0]  }
0xb6: {  	_ =	swait.ge [sflag:s30], $0x1000  }
0xb7: {  	[sflag:s30] =	ssyncset.done $0x0  }
0xb8: {  	s9 =	sadd.s32 $0x780, s9;
	[sflag:s30] =	ssyncadd.s32 $0xFFFFF000  }
0xb9: {  	[tilespmem:s31], [sflag:$0x8] =	stream.indirect.gather [hbm4b:s4+s15], $0x80, s9, s15, $0xb8;
	v63 =	vld [tilespmem:$0x0]  }
0xba: {  	_ =	swait.ge [sflag:s0], $0x1000  }
0xbb: {  	[sflag:s0] =	ssyncset.done $0x0  }
0xbc: {  	s5 =	simm.s32 $0x3C00;
	[sflag:s0] =	ssyncadd.s32 $0xFFFFF000  }
0xbd: {  	[spmem:s1] =	stream.indirect.scatter.add.f32 [tilespmem:s16], [sflag:$0x9], $0x80, s5, s15, $0xb8;
	v63 =	vld [tilespmem:$0x0]  }
0xbe: {  	_ =	swait.ge [sflag:s2], $0x1000  }
0xbf: {  	[sflag:s2] =	ssyncset.done $0x0  }
0xc0: {  	s9 =	simm.s32 $0x3C80;
	[sflag:s2] =	ssyncadd.s32 $0xFFFFF000  }
0xc1: {  	[spmem:s1] =	stream.indirect.scatter.add.f32 [tilespmem:s18], [sflag:$0xA], $0x80, s9, s15, $0xb8;
	v63 =	vld [tilespmem:$0x0]  }
0xc2: {  	_ =	swait.ge [sflag:s7], $0x1000  }
0xc3: {  	[sflag:s7] =	ssyncset.done $0x0  }
0xc4: {  	s13 =	simm.s32 $0x3D00;
	[sflag:s7] =	ssyncadd.s32 $0xFFFFF000  }
0xc5: {  	[spmem:s1] =	stream.indirect.scatter.add.f32 [tilespmem:s20], [sflag:$0xB], $0x80, s13, s15, $0xb8;
	v63 =	vld [tilespmem:$0x0]  }
0xc6: {  	_ =	swait.ge [sflag:s10], $0x1000  }
0xc7: {  	[sflag:s10] =	ssyncset.done $0x0  }
0xc8: {  	s6 =	simm.s32 $0x3D80;
	[sflag:s10] =	ssyncadd.s32 $0xFFFFF000  }
0xc9: {  	[spmem:s1] =	stream.indirect.scatter.add.f32 [tilespmem:s22], [sflag:$0xC], $0x80, s6, s15, $0xb8;
	v63 =	vld [tilespmem:$0x0]  }
0xca: {  	_ =	swait.ge [sflag:s11], $0x1000  }
0xcb: {  	[sflag:s11] =	ssyncset.done $0x0  }
0xcc: {  	s9 =	simm.s32 $0x3E00;
	[sflag:s11] =	ssyncadd.s32 $0xFFFFF000  }
0xcd: {  	[spmem:s1] =	stream.indirect.scatter.add.f32 [tilespmem:s24], [sflag:$0xD], $0x80, s9, s15, $0xb8;
	v63 =	vld [tilespmem:$0x0]  }
0xce: {  	_ =	swait.ge [sflag:s8], $0x1000  }
0xcf: {  	[sflag:s8] =	ssyncset.done $0x0  }
0xd0: {  	s13 =	simm.s32 $0x3E80;
	[sflag:s8] =	ssyncadd.s32 $0xFFFFF000  }
0xd1: {  	[spmem:s1] =	stream.indirect.scatter.add.f32 [tilespmem:s26], [sflag:$0xE], $0x80, s13, s15, $0xb8;
	v63 =	vld [tilespmem:$0x0]  }
0xd2: {  	_ =	swait.ge [sflag:s12], $0x1000  }
0xd3: {  	[sflag:s12] =	ssyncset.done $0x0  }
0xd4: {  	s6 =	simm.s32 $0x3F00;
	[sflag:s12] =	ssyncadd.s32 $0xFFFFF000  }
0xd5: {  	[spmem:s1] =	stream.indirect.scatter.add.f32 [tilespmem:s29], [sflag:$0xF], $0x80, s6, s15, $0xb8;
	v63 =	vld [tilespmem:$0x0]  }
0xd6: {  	_ =	swait.ge [sflag:s3], $0x1000  }
0xd7: {  	[sflag:s3] =	ssyncset.done $0x0  }
0xd8: {  	s9 =	simm.s32 $0x3F80;
	[sflag:s3] =	ssyncadd.s32 $0xFFFFF000  }
0xd9: {  	[spmem:s1] =	stream.indirect.scatter.add.f32 [tilespmem:s31], [sflag:$0x10], $0x80, s9, s15, $0xb8;
	v63 =	vld [tilespmem:$0x0]  }
0xda: {  	_ =	swait.ge [sflag:s14], $0x1000  }
0xdb: {  	[sflag:s14] =	ssyncset.done $0x0  }
0xdc: {  	[sflag:s14] =	ssyncadd.s32 $0xFFFFF000  }
0xdd: {  	_ =	swait.ge [sflag:s17], $0x1000  }
0xde: {  	[sflag:s17] =	ssyncset.done $0x0  }
0xdf: {  	[sflag:s17] =	ssyncadd.s32 $0xFFFFF000  }
0xe0: {  	_ =	swait.ge [sflag:s19], $0x1000  }
0xe1: {  	[sflag:s19] =	ssyncset.done $0x0  }
0xe2: {  	[sflag:s19] =	ssyncadd.s32 $0xFFFFF000  }
0xe3: {  	_ =	swait.ge [sflag:s21], $0x1000  }
0xe4: {  	[sflag:s21] =	ssyncset.done $0x0  }
0xe5: {  	[sflag:s21] =	ssyncadd.s32 $0xFFFFF000  }
0xe6: {  	_ =	swait.ge [sflag:s23], $0x1000  }
0xe7: {  	[sflag:s23] =	ssyncset.done $0x0  }
0xe8: {  	[sflag:s23] =	ssyncadd.s32 $0xFFFFF000  }
0xe9: {  	_ =	swait.ge [sflag:s25], $0x1000  }
0xea: {  	[sflag:s25] =	ssyncset.done $0x0  }
0xeb: {  	[sflag:s25] =	ssyncadd.s32 $0xFFFFF000  }
0xec: {  	_ =	swait.ge [sflag:s28], $0x1000  }
0xed: {  	[sflag:s28] =	ssyncset.done $0x0  }
0xee: {  	[sflag:s28] =	ssyncadd.s32 $0xFFFFF000  }
0xef: {  	_ =	swait.ge [sflag:s30], $0x1000  }
0xf0: {  	s13 =	rddreg [dreg:$0xc]  }
0xf1: {  	s5 =	sadd.s32 $0x1, s13  }
0xf2: {  	p0 =	sne.s32 s5, $0x5  }
.Ltmp1:
0xf3: {  	_ = 	snop;
	(pc) =	sbr.rel @p0 .LBB2_2-.Ltmp1, $3  }
0xf4: {  	_ =	sdelay $0x1  }
0xf5: {  	[sflag:s30] =	ssyncset.done $0x0  }
0xf6: {  	[sflag:s30] =	ssyncadd.s32 $0xFFFFF000  }
0xf7: {  	[bflag:$0x0] =	sbarrier.arrive $0xFFFF  }
0xf8: {  	s6 =	rddreg [dreg:$0x7]  }
0xf9: {  	s5 =	rddreg [dreg:$0x9]  }
0xfa: {  	s13 =	rddreg [dreg:$0xb]  }
0xfb: {  	[hbm:s5], [sflag:s6] =	dma.local [spmem:s13], $0x2800  }
0xfc: {  	s5 =	simm.s32 $0x11  }
0xfd: {  	_ =	swait.ge [sflag:s5], $0x2800  }
0xfe: {  	s9 =	rddreg [dreg:$0x3]  }
0xff: {  	[sflag:s5] =	ssyncset.done $0x0;
	s5 =	rddreg [dreg:$0xa];
	s9 =	sadd.s32 $0x1, s9  }
0x100: {  	p0 =	sne.s32 s9, s5  }
.Ltmp2:
0x101: {  	_ = 	snop;
	(pc) =	sbr.rel @p0 .LBB2_1-.Ltmp2, $3  }
0x102: {  	_ =	sdelay $0x1  }
0x103: {  	s5 =	simm.s32 $0x11  }
0x104: {  	[sflag:s5] =	ssyncadd.s32 $0xFFFFD800  }
0x105: {  	_ =	sfence.sel $0x180000  }
0x106: {  	[bflag:$0x0] =	sbarrier.arrive $0xFFFF  }
0x107: {  	_ =	strace $0x90000050  }
0x108: {  	s0 =	stileid.u32;
	[bflag:$0x2] =	sbarrier.arrive $0xFFFF  }
0x109: {  	p0 =	sne.s32 s0, $0x0;
	s0 =	rddreg [dreg:$0x2]  }
0x10a: {  	s0 =	sadd.s32 @!p0 $0x100000, s0  }
0x10b: {  	[sflag:s0] =	ssyncadd.tile.s32 @!p0 $0x1;
	_ =	shalt  }
.Lfunc_end2:
_tile_overlayer_lowered:
.L_overlay_start_2:
0x10c: {  	(tag) =	ssettag $0x2  }
0x10d: {  	s0 =	rddreg [dreg:$0x0];
	s2 =	stileid.u32  }
0x10e: {  	s1 =	rddreg [dreg:$0x1];
	p0 =	sne.s32 s2, $0x0  }
0x10f: {  	s3 =	rddreg [dreg:$0x2];
	[bflag:$0x3] =	sbarrier.arrive $0xFFFF;
	s2 =	simm.s32 @!p0 $0x1C11  }
0x110: {  	[timem:s3], [sflag:s2] =	dma.local @!p0 [hbm:s0], s1  }
0x111: {  	s0 =	simm.s32 @!p0 $0x11  }
0x112: {  	_ =	swait.ge @!p0 [sflag:s0], s1  }
0x113: {  	s1 =	ssub.s32 @!p0 $0x0, s1;
	[sflag:s0] =	ssyncset.done @!p0 $0x0  }
0x114: {  	[sflag:s0] =	ssyncadd.s32 @!p0 s1  }
0x115: {  	[bflag:$0x3] =	sbarrier.arrive $0xFFFF  }
0x116: {  	_ =	shalt  }

</sc_bundles>
